<compile_context>
chip_gen: v7x
topology: tpu7x:2x2x1
jax: 0.10.2.dev20260603
libtpu: 0.0.44.dev20260713+nightly
codegen_flags: <defaults>
</compile_context>

<pallas_src>
import functools

import jax
import jax.numpy as jnp
from jax import lax
from jax.experimental import pallas as pl
from jax.experimental.pallas import tpu as pltpu
from jax.experimental.pallas import tpu_sc as plsc

N = 100000
E = 1600000
G = 256
HID = 32
NEXP = 8

NPAD = 100352
PR = NPAD // 8
PBLK = 784
PNB = PR // PBLK
CHK = NPAD // 16

EPAD = 1605632
EROWS = EPAD // 128

RPT = EROWS // 16
ECH = 8
ENOUT = RPT // ECH

RPW = EROWS // 32
DCH = 8
DNOUT = RPW // DCH

QBLK = 128
QNB = PR // QBLK

_MESH = plsc.VectorSubcoreMesh(
    core_axis_name="c", subcore_axis_name="s", num_cores=2, num_subcores=16)

_SC_PARAMS = pltpu.CompilerParams(use_tc_tiling_on_sc=False)


@functools.partial(
    pl.kernel,
    out_type=jax.ShapeDtypeStruct((2 * NPAD,), jnp.float32),
    mesh=_MESH,
    scratch_types=[
        pltpu.VMEM((DCH, 128), jnp.int32),
        pltpu.VMEM((128,), jnp.float32),
        pltpu.VMEM_SHARED((NPAD,), jnp.float32),
    ],
    compiler_params=_SC_PARAMS,
)
def _sc_deg(dst_hbm, zeros_hbm, deg_out, idx_v, ones_v, deg_sp):
    c = lax.axis_index("c")
    s = lax.axis_index("s")

    def _ones(k, carry):
        ones_v[pl.ds(k * 16, 16)] = jnp.full((16,), 1.0, jnp.float32)
        return carry

    lax.fori_loop(0, 8, _ones, 0)
    pltpu.sync_copy(zeros_hbm, deg_sp.at[pl.ds(s * CHK, CHK)])
    plsc.subcore_barrier()

    base = (c * 16 + s) * RPW

    def _outer(q, carry):
        pltpu.sync_copy(dst_hbm.at[pl.ds(base + q * DCH, DCH)], idx_v)

        def _inner(j, carry2):
            pltpu.sync_copy(ones_v, deg_sp.at[idx_v.at[j]], add=True)
            return carry2

        return lax.fori_loop(0, DCH, _inner, carry)

    lax.fori_loop(0, DNOUT, _outer, 0)
    plsc.subcore_barrier()
    pltpu.sync_copy(deg_sp.at[pl.ds(s * CHK, CHK)],
                    deg_out.at[pl.ds(c * NPAD + s * CHK, CHK)])


@functools.partial(
    pl.kernel,
    out_type=jax.ShapeDtypeStruct((2 * NPAD, 16), jnp.float32),
    mesh=_MESH,
    scratch_types=[
        pltpu.VMEM((24, 128), jnp.int32),
        pltpu.VMEM((24, 128), jnp.int32),
        pltpu.VMEM((8, 128, 16), jnp.float32),
        pltpu.VMEM_SHARED((NPAD, 16), jnp.float32),
        pltpu.SemaphoreType.DMA,
        pltpu.SemaphoreType.DMA,
        pltpu.SemaphoreType.DMA,
    ],
    compiler_params=_SC_PARAMS,
)
def _sc_edge(xws_hbm, src2_hbm, dst_hbm, acc_out,
             src_v, dst_v, rows_v, acc_sp, gsem, isem, ssem):
    c = lax.axis_index("c")
    s = lax.axis_index("s")

    pltpu.sync_copy(xws_hbm.at[pl.ds(c * NPAD + s * CHK, CHK)],
                    acc_sp.at[pl.ds(s * CHK, CHK)])
    plsc.subcore_barrier()

    base = s * RPT

    def _fire4(islot, half, rslot):
        def _f(j, carry):
            ridx = islot * ECH + half * 4 + j
            pltpu.async_copy(xws_hbm.at[src_v.at[ridx]],
                             rows_v.at[rslot * 4 + j], gsem)
            return carry
        lax.fori_loop(0, 4, _f, 0)

    def _drain_g4():
        def _d(j, carry):
            pltpu.make_async_copy(
                xws_hbm.at[src_v.at[j]], rows_v.at[j], gsem).wait()
            return carry
        lax.fori_loop(0, 4, _d, 0)

    def _scat4(islot, half, rslot):
        def _g(j, carry):
            ridx = islot * ECH + half * 4 + j
            pltpu.async_copy(rows_v.at[rslot * 4 + j],
                             acc_sp.at[dst_v.at[ridx]], ssem, add=True)
            return carry
        lax.fori_loop(0, 4, _g, 0)

    def _wait_s4():
        def _d(j, carry):
            pltpu.make_async_copy(
                rows_v.at[j], acc_sp.at[dst_v.at[0]], ssem).wait()
            return carry
        lax.fori_loop(0, 4, _d, 0)

    pltpu.sync_copy(src2_hbm.at[c, pl.ds(base, ECH)], src_v.at[pl.ds(0, ECH)])
    pltpu.sync_copy(dst_hbm.at[pl.ds(base, ECH)], dst_v.at[pl.ds(0, ECH)])

    def _outer(q, carry):
        i_cur = lax.rem(q, 3)
        i_prv = lax.rem(q + 2, 3)
        i_nxt = lax.rem(q + 1, 3)

        @pl.when(q > 0)
        def _():
            _wait_s4()
        _fire4(i_cur, 0, 0)

        @pl.when(q > 0)
        def _():
            _drain_g4()
            _scat4(i_prv, 1, 1)

        @pl.when(q < ENOUT - 1)
        def _():
            r1 = base + (q + 1) * ECH
            pltpu.async_copy(src2_hbm.at[c, pl.ds(r1, ECH)],
                             src_v.at[pl.ds(i_nxt * ECH, ECH)], isem)
            pltpu.async_copy(dst_hbm.at[pl.ds(r1, ECH)],
                             dst_v.at[pl.ds(i_nxt * ECH, ECH)], isem)

        @pl.when(q > 0)
        def _():
            _wait_s4()
        _fire4(i_cur, 1, 1)
        _drain_g4()
        _scat4(i_cur, 0, 0)

        @pl.when(q < ENOUT - 1)
        def _():
            pltpu.make_async_copy(
                src2_hbm.at[c, pl.ds(base, ECH)],
                src_v.at[pl.ds(0, ECH)], isem).wait()
            pltpu.make_async_copy(
                dst_hbm.at[pl.ds(base, ECH)],
                dst_v.at[pl.ds(0, ECH)], isem).wait()

        return carry

    lax.fori_loop(0, ENOUT, _outer, 0)
    _drain_g4()
    _scat4((ENOUT - 1) % 3, 1, 1)
    _wait_s4()
    _wait_s4()

    plsc.subcore_barrier()
    pltpu.sync_copy(acc_sp.at[pl.ds(s * CHK, CHK)],
                    acc_out.at[pl.ds(c * NPAD + s * CHK, CHK)])


def _first_body(x0_ref, dg_ref, w_ref, dinv_ref, xws_ref):
    dv = lax.rsqrt(1.0 + dg_ref[...])
    dinv_ref[...] = dv
    t = x0_ref[...]
    xws_ref[0] = jnp.dot(t, w_ref[0],
                         preferred_element_type=jnp.float32) * dv
    xws_ref[1] = jnp.dot(t, w_ref[1],
                         preferred_element_type=jnp.float32) * dv


_tc_first = pl.pallas_call(
    _first_body,
    grid=(PNB,),
    in_specs=[
        pl.BlockSpec((PBLK, 128), lambda i: (i, 0)),
        pl.BlockSpec((PBLK, 128), lambda i: (i, 0)),
        pl.BlockSpec((2, 128, 128), lambda i: (0, 0, 0)),
    ],
    out_specs=[
        pl.BlockSpec((PBLK, 128), lambda i: (i, 0)),
        pl.BlockSpec((2, PBLK, 128), lambda i: (0, i, 0)),
    ],
    out_shape=[
        jax.ShapeDtypeStruct((PR, 128), jnp.float32),
        jax.ShapeDtypeStruct((2, PR, 128), jnp.float32),
    ],
)


def _mid_body(acc_ref, dinv_ref, w_ref, b_ref, xws_ref):
    dv = dinv_ref[...]
    t0 = jnp.maximum(acc_ref[0] * dv + b_ref[0, 0][None, :], 0.0)
    t1 = jnp.maximum(acc_ref[1] * dv + b_ref[0, 1][None, :], 0.0)
    y0 = (jnp.dot(t0, w_ref[0, 0], preferred_element_type=jnp.float32)
          + jnp.dot(t1, w_ref[1, 0], preferred_element_type=jnp.float32))
    y1 = (jnp.dot(t0, w_ref[0, 1], preferred_element_type=jnp.float32)
          + jnp.dot(t1, w_ref[1, 1], preferred_element_type=jnp.float32))
    xws_ref[0] = y0 * dv
    xws_ref[1] = y1 * dv


_tc_mid = pl.pallas_call(
    _mid_body,
    grid=(PNB,),
    in_specs=[
        pl.BlockSpec((2, PBLK, 128), lambda i: (0, i, 0)),
        pl.BlockSpec((PBLK, 128), lambda i: (i, 0)),
        pl.BlockSpec((2, 2, 128, 128), lambda i: (0, 0, 0, 0)),
        pl.BlockSpec((1, 2, 128), lambda i: (0, 0, 0)),
    ],
    out_specs=pl.BlockSpec((2, PBLK, 128), lambda i: (0, i, 0)),
    out_shape=jax.ShapeDtypeStruct((2, PR, 128), jnp.float32),
)


GP = G + 8


def _x3_body(acc_ref, dinv_ref, b_ref, x3_ref):
    dv = dinv_ref[...]
    x3_ref[0] = jnp.maximum(acc_ref[0] * dv + b_ref[0, 0][None, :], 0.0)
    x3_ref[1] = jnp.maximum(acc_ref[1] * dv + b_ref[0, 1][None, :], 0.0)


_tc_x3 = pl.pallas_call(
    _x3_body,
    grid=(PNB,),
    in_specs=[
        pl.BlockSpec((2, PBLK, 128), lambda i: (0, i, 0)),
        pl.BlockSpec((PBLK, 128), lambda i: (i, 0)),
        pl.BlockSpec((1, 2, 128), lambda i: (0, 0, 0)),
    ],
    out_specs=pl.BlockSpec((2, PBLK, 128), lambda i: (0, i, 0)),
    out_shape=jax.ShapeDtypeStruct((2, PR, 128), jnp.float32),
)


@functools.partial(
    pl.kernel,
    out_type=[
        jax.ShapeDtypeStruct((2 * GP, 16), jnp.float32),
        jax.ShapeDtypeStruct((2 * GP,), jnp.float32),
    ],
    mesh=_MESH,
    scratch_types=[
        pltpu.VMEM((8, 128), jnp.int32),
        pltpu.VMEM((1024, 16), jnp.float32),
        pltpu.VMEM((128,), jnp.float32),
        pltpu.VMEM_SHARED((GP, 16), jnp.float32),
        pltpu.VMEM_SHARED((GP,), jnp.float32),
    ],
    compiler_params=_SC_PARAMS,
)
def _sc_pool(x3_hbm, batch_hbm, zeros_gp, zeros_g, sums_out, cnt_out,
             bt_v, row_v, ones_v, pool_sp, cnt_sp):
    c = lax.axis_index("c")
    s = lax.axis_index("s")

    def _ones(k, carry):
        ones_v[pl.ds(k * 16, 16)] = jnp.full((16,), 1.0, jnp.float32)
        return carry

    lax.fori_loop(0, 8, _ones, 0)

    @pl.when(s == 0)
    def _():
        pltpu.sync_copy(zeros_gp, pool_sp)
        pltpu.sync_copy(zeros_g, cnt_sp)

    plsc.subcore_barrier()

    n_g = jnp.where(s < 14, 6, 7)
    base_g = jnp.where(s < 14, 6 * s, 84 + 7 * (s - 14))

    def _grp(g9, carry):
        g = base_g + g9
        pltpu.sync_copy(batch_hbm.at[pl.ds(g * 8, 8)], bt_v)
        pltpu.sync_copy(x3_hbm.at[pl.ds(c * NPAD + g * 1024, 1024)], row_v)

        def _sub(j, carry2):
            pltpu.sync_copy(row_v.at[pl.ds(j * 128, 128)],
                            pool_sp.at[bt_v.at[j]], add=True)
            pltpu.sync_copy(ones_v, cnt_sp.at[bt_v.at[j]], add=True)
            return carry2

        return lax.fori_loop(0, 8, _sub, carry)

    lax.fori_loop(0, n_g, _grp, 0)
    plsc.subcore_barrier()

    @pl.when(s == 0)
    def _():
        pltpu.sync_copy(pool_sp, sums_out.at[pl.ds(c * GP, GP)])
        pltpu.sync_copy(cnt_sp, cnt_out.at[pl.ds(c * GP, GP)])


def _pool_body(acc_ref, dinv_ref, b_ref, batch_ref, o_ref):
    i = pl.program_id(0)
    a = jnp.concatenate([acc_ref[0], acc_ref[1]], axis=1)
    dv = dinv_ref[0, :][:, None]
    x3 = jnp.maximum(a * dv + b_ref[0][None, :], 0.0)
    bt = batch_ref[0, :]
    valid2 = bt[:, None] < G
    x3m = jnp.where(valid2, x3, 0.0)
    ones = jnp.where(valid2, 1.0, 0.0)
    xext = jnp.concatenate(
        [x3m, ones, jnp.zeros((QBLK * 8, 31), jnp.float32)], axis=1)
    onehot = (lax.broadcasted_iota(jnp.int32, (G, QBLK * 8), 0)
              == bt[None, :]).astype(jnp.float32)
    contrib = jnp.dot(onehot, xext, preferred_element_type=jnp.float32)

    @pl.when(i == 0)
    def _():
        o_ref[...] = jnp.zeros_like(o_ref)

    o_ref[...] += contrib


_tc_pool = pl.pallas_call(
    _pool_body,
    grid=(QNB,),
    in_specs=[
        pl.BlockSpec((2, QBLK * 8, 16), lambda i: (0, i, 0)),
        pl.BlockSpec((1, QBLK * 8), lambda i: (0, i)),
        pl.BlockSpec((1, HID), lambda i: (0, 0)),
        pl.BlockSpec((1, QBLK * 8), lambda i: (0, i)),
    ],
    out_specs=pl.BlockSpec((G, 64), lambda i: (0, 0)),
    out_shape=jax.ShapeDtypeStruct((G, 64), jnp.float32),
)


def _final_body(p_ref, c_ref, wl_ref, bl_ref, o_ref):
    sums = jnp.concatenate([p_ref[0:G, :], p_ref[GP:GP + G, :]], axis=1)
    cnt = c_ref[0, 0:G][:, None]
    mean = sums / jnp.maximum(cnt, 1.0)
    lg = jnp.dot(mean, wl_ref[...],
                 preferred_element_type=jnp.float32) + bl_ref[0][None, :]
    m = jnp.max(lg, axis=1, keepdims=True)
    e = jnp.exp(lg - m)
    o_ref[...] = e / jnp.sum(e, axis=1, keepdims=True)


_tc_final = pl.pallas_call(
    _final_body,
    out_shape=jax.ShapeDtypeStruct((G, NEXP), jnp.float32),
)


def _expand_w(W):
    eye8 = jnp.eye(8, dtype=jnp.float32)
    blocks = []
    for h in (0, 1):
        row = []
        for hp in (0, 1):
            row.append(jnp.kron(eye8, W[16 * h:16 * h + 16,
                                        16 * hp:16 * hp + 16]))
        blocks.append(jnp.stack(row))
    return jnp.stack(blocks)


@jax.jit
def _run(atomic_numbers, pos, edge_index, batch,
         W1, b1, W2, b2, W3, b3, Wl, bl):
    f32 = jnp.float32
    x0 = jnp.concatenate([atomic_numbers[:, None], pos], axis=1)
    x0p = jnp.pad(x0, ((0, NPAD - N), (0, 12))).reshape(PR, 128)
    er = edge_index.astype(jnp.int32).reshape(2, E // 128, 128).transpose(
        1, 0, 2)
    srcp = jnp.pad(er[:, 0, :], ((0, EROWS - E // 128), (0, 0)))
    dstp = jnp.pad(er[:, 1, :], ((0, EROWS - E // 128), (0, 0)),
                   constant_values=N)
    src2 = (srcp[None, :, :]
            + (jnp.arange(2, dtype=jnp.int32) * NPAD)[:, None, None])
    dst_r = dstp
    batch_p = jnp.pad(batch.astype(jnp.int32), (0, NPAD - N),
                      constant_values=G)[None, :]
    zeros_chk = jnp.zeros((CHK,), f32)

    w1e = _expand_w(jnp.pad(W1, ((0, 28), (0, 0))))[0]
    w2e = _expand_w(W2)
    w3e = _expand_w(W3)
    b1p = jnp.tile(b1.reshape(2, 16), (1, 8)).reshape(1, 2, 128)
    b2p = jnp.tile(b2.reshape(2, 16), (1, 8)).reshape(1, 2, 128)
    b3p = jnp.tile(b3.reshape(2, 16), (1, 8)).reshape(1, 2, 128)

    degs = _sc_deg(dst_r, zeros_chk)
    dg16 = jnp.repeat(degs[:NPAD] + degs[NPAD:], 16).reshape(PR, 128)
    dinv16, xws1 = _tc_first(x0p, dg16, w1e)
    acc1 = _sc_edge(xws1.reshape(2 * NPAD, 16), src2, dst_r)
    xws2 = _tc_mid(acc1.reshape(2, PR, 128), dinv16, w2e, b1p)
    acc2 = _sc_edge(xws2.reshape(2 * NPAD, 16), src2, dst_r)
    xws3 = _tc_mid(acc2.reshape(2, PR, 128), dinv16, w3e, b2p)
    acc3 = _sc_edge(xws3.reshape(2 * NPAD, 16), src2, dst_r)
    x3 = _tc_x3(acc3.reshape(2, PR, 128), dinv16, b3p)
    batch_pr = jnp.pad(batch.astype(jnp.int32), (0, NPAD - N),
                       constant_values=G).reshape(PR // 16, 128)
    sums, cnt = _sc_pool(x3.reshape(2 * NPAD, 16), batch_pr,
                         jnp.zeros((GP, 16), f32), jnp.zeros((GP,), f32))
    return _tc_final(sums, cnt.reshape(1, 2 * GP), Wl, bl.reshape(1, NEXP))


def kernel(atomic_numbers, pos, edge_index, batch,
           W1, b1, W2, b2, W3, b3, Wl, bl):
    return _run(atomic_numbers, pos, edge_index, batch,
                W1, b1, W2, b2, W3, b3, Wl, bl)

# --- scband reference (transcript-rebuilt; emitter-appended) ---
"""Pipeline reference for scband-gating-gcn-15556371546206 (READ-ONLY COPY).

The authoritative reference and input builder live on the scoring server;
editing this copy changes nothing except your own understanding.
"""

import jax, jax.numpy as jnp
import numpy as np

N = 100000
E = 1600000
G = 256
HID = 32
NUM_EXPERTS = 8


def setup_inputs(seed: int = 0) -> dict:
    key = jax.random.key(seed)
    ks = jax.random.split(key, 12)
    atomic_numbers = jax.random.uniform(ks[0], (N,), dtype=jnp.float32) * 100.0
    pos = jax.random.normal(ks[1], (N, 3), dtype=jnp.float32)
    edge_index = jax.random.randint(ks[2], (2, E), 0, N)
    batch = jnp.sort(jax.random.randint(ks[3], (N,), 0, G))
    W1 = jax.random.normal(ks[4], (4, HID), dtype=jnp.float32) * 0.1
    b1 = jnp.zeros((HID,), dtype=jnp.float32)
    W2 = jax.random.normal(ks[5], (HID, HID), dtype=jnp.float32) * 0.1
    b2 = jnp.zeros((HID,), dtype=jnp.float32)
    W3 = jax.random.normal(ks[6], (HID, HID), dtype=jnp.float32) * 0.1
    b3 = jnp.zeros((HID,), dtype=jnp.float32)
    Wl = jax.random.normal(ks[7], (HID, NUM_EXPERTS), dtype=jnp.float32) * 0.1
    bl = jnp.zeros((NUM_EXPERTS,), dtype=jnp.float32)
    return {
        "atomic_numbers": atomic_numbers,
        "pos": pos,
        "edge_index": edge_index,
        "batch": batch,
        "W1": W1, "b1": b1,
        "W2": W2, "b2": b2,
        "W3": W3, "b3": b3,
        "Wl": Wl, "bl": bl,
    }


def gcn_conv(x, edge_index, W, b):
    # PyG GCNConv: x' = D^{-1/2} (A + I) D^{-1/2} X W + b
    n = x.shape[0]
    loop = jnp.arange(n)
    src = jnp.concatenate([edge_index[0], loop])
    dst = jnp.concatenate([edge_index[1], loop])
    xw = x @ W
    deg = jnp.zeros((n,), x.dtype).at[dst].add(1.0)
    dinv = jnp.where(deg > 0, jax.lax.rsqrt(jnp.maximum(deg, 1e-12)), 0.0)
    norm = dinv[src] * dinv[dst]
    msg = xw[src] * norm[:, None]
    out = jnp.zeros((n, W.shape[1]), x.dtype).at[dst].add(msg)
    return out + b


def global_mean_pool(x, batch, num_segments):
    sums = jax.ops.segment_sum(x, batch, num_segments=num_segments)
    counts = jax.ops.segment_sum(jnp.ones((x.shape[0], 1), x.dtype), batch, num_segments=num_segments)
    return sums / jnp.maximum(counts, 1.0)


def reference(atomic_numbers, pos, edge_index, batch, W1, b1, W2, b2, W3, b3, Wl, bl):
    x = jnp.concatenate([atomic_numbers[:, None], pos], axis=-1)
    x = jax.nn.relu(gcn_conv(x, edge_index, W1, b1))
    x = jax.nn.relu(gcn_conv(x, edge_index, W2, b2))
    x = jax.nn.relu(gcn_conv(x, edge_index, W3, b3))
    x = global_mean_pool(x, batch, G)
    logits = x @ Wl + bl
    return jax.nn.softmax(logits, axis=1)

if __name__ == "__main__":
    import jax
    _d = setup_inputs()
    print(jax.jit(kernel)(*tuple(_d.values())))

</pallas_src>

<mosaic_0001>
#map = affine_map<(d0, d1) -> (0, 0)>
#map1 = affine_map<(d0, d1) -> (0)>
module attributes {stable_mosaic.version = 14 : i64} {
  func.func @_sc_deg(%arg0: i32, %arg1: i32, %arg2: memref<12544x128xi32, #tpu.memory_space<hbm>>, %arg3: memref<6272xf32, #tpu.memory_space<hbm>>, %arg4: memref<200704xf32, #tpu.memory_space<hbm>>, %arg5: memref<8x128xi32, #tpu.memory_space<vmem>>, %arg6: memref<128xf32, #tpu.memory_space<vmem>>, %arg7: memref<100352xf32, #tpu.memory_space<vmem_shared>>) attributes {dimension_semantics = [#tpu.dimension_semantics<core_parallel>, #tpu.dimension_semantics<subcore_parallel>], iteration_bounds = array<i64: 2, 16>, scalar_prefetch = 0 : i64, scratch_operands = 3 : i64, tpu.core_type = #tpu.core_type<sc_vector_subcore>, window_params = [{transform_indices = #map}, {transform_indices = #map1}, {transform_indices = #map1}]} {
    %scan3A = arith.constant 0 : i32
    %scan3A_0 = arith.constant 0 : i32
    %scan3A_1 = arith.constant 8 : i32
    %scan3A_2 = arith.addi %scan3A_0, %scan3A_1 : i32
    %scan3A_3 = arith.constant 1 : i32
    scf.for %scan3A_24 = %scan3A_0 to %scan3A_2 step %scan3A_3  : i32 {
      %broadcast_in_dim3A = arith.constant 1.000000e+00 : f32
      %broadcast_in_dim3A_25 = vector.broadcast %broadcast_in_dim3A : f32 to vector<16xf32>
      %mul3A_26 = arith.constant 16 : i32
      %mul3A_27 = arith.muli %scan3A_24, %mul3A_26 : i32
      %swap3A = arith.index_cast %mul3A_27 : i32 to index
      %swap3A_28 = tpu.vector_load %arg6[%swap3A] {strides = array<i32>} : memref<128xf32, #tpu.memory_space<vmem>>, vector<16xf32>,
      %swap3A_29 = vector.shape_cast %swap3A_28 : vector<16xf32> to vector<16xf32>
      %swap3A_30 = vector.shape_cast %broadcast_in_dim3A_25 : vector<16xf32> to vector<16xf32>
      tpu.vector_store %arg6[%swap3A], %swap3A_30 {strides = array<i32>} : memref<128xf32, #tpu.memory_space<vmem>>, vector<16xf32>,
    }
    %scan3A_4 = arith.constant 8 : i32
    %mul3A = arith.constant 6272 : i32
    %mul3A_5 = arith.muli %arg1, %mul3A : i32
    "tpu.region"() ({
      %run_scoped3A = tpu.sem_alloc : memref<!tpu.dma_semaphore, #tpu.memory_space<semaphore_mem>>
      %dma_start3A = tpu.memref_slice %arg7[%mul3A_5] : memref<100352xf32, #tpu.memory_space<vmem_shared>> -> memref<6272xf32, #tpu.memory_space<vmem_shared>>
      tpu.enqueue_dma source(%arg3 : memref<6272xf32, #tpu.memory_space<hbm>>) target(%dma_start3A : memref<6272xf32, #tpu.memory_space<vmem_shared>>) target_semaphore(%run_scoped3A : memref<!tpu.dma_semaphore, #tpu.memory_space<semaphore_mem>>)
      %dma_wait3A = tpu.memref_slice %arg7[%mul3A_5] : memref<100352xf32, #tpu.memory_space<vmem_shared>> -> memref<6272xf32, #tpu.memory_space<vmem_shared>>
      tpu.wait_dma2 semaphore(%run_scoped3A : memref<!tpu.dma_semaphore, #tpu.memory_space<semaphore_mem>>) src(%arg3 : memref<6272xf32, #tpu.memory_space<hbm>>) dst(%dma_wait3A : memref<6272xf32, #tpu.memory_space<vmem_shared>>)
      tpu.yield
    }) : () -> ()
    %barrier3A = arith.constant 0 : index
    tpu.barrier barrier_id(%barrier3A)
    %mul3A_6 = arith.constant 16 : i32
    %mul3A_7 = arith.muli %arg0, %mul3A_6 : i32
    %add3A = arith.addi %mul3A_7, %arg1 : i32
    %mul3A_8 = arith.constant 392 : i32
    %mul3A_9 = arith.muli %add3A, %mul3A_8 : i32
    %scan3A_10 = arith.constant 0 : i32
    %scan3A_11 = arith.constant 0 : i32
    %scan3A_12 = arith.constant 49 : i32
    %scan3A_13 = arith.addi %scan3A_11, %scan3A_12 : i32
    %scan3A_14 = arith.constant 1 : i32
    scf.for %scan3A_24 = %scan3A_11 to %scan3A_13 step %scan3A_14  : i32 {
      %mul3A_25 = arith.constant 8 : i32
      %mul3A_26 = arith.muli %scan3A_24, %mul3A_25 : i32
      %add3A_27 = arith.addi %mul3A_9, %mul3A_26 : i32
      "tpu.region"() ({
        %run_scoped3A = tpu.sem_alloc : memref<!tpu.dma_semaphore, #tpu.memory_space<semaphore_mem>>
        %dma_start3A = arith.constant 0 : i32
        %dma_start3A_33 = tpu.memref_slice %arg2[%add3A_27, %dma_start3A] : memref<12544x128xi32, #tpu.memory_space<hbm>> -> memref<8x128xi32, #tpu.memory_space<hbm>>
        %dma_start3A_34 = arith.constant 0 : i32
        %dma_start3A_35 = tpu.memref_slice %arg2[%add3A_27, %dma_start3A_34] : memref<12544x128xi32, #tpu.memory_space<hbm>> -> memref<8x128xi32, #tpu.memory_space<hbm>>
        tpu.enqueue_dma source(%dma_start3A_35 : memref<8x128xi32, #tpu.memory_space<hbm>>) target(%arg5 : memref<8x128xi32, #tpu.memory_space<vmem>>) target_semaphore(%run_scoped3A : memref<!tpu.dma_semaphore, #tpu.memory_space<semaphore_mem>>)
        %dma_wait3A = arith.constant 0 : i32
        %dma_wait3A_36 = tpu.memref_slice %arg2[%add3A_27, %dma_wait3A] : memref<12544x128xi32, #tpu.memory_space<hbm>> -> memref<8x128xi32, #tpu.memory_space<hbm>>
        %dma_wait3A_37 = arith.constant 0 : i32
        %dma_wait3A_38 = tpu.memref_slice %arg2[%add3A_27, %dma_wait3A_37] : memref<12544x128xi32, #tpu.memory_space<hbm>> -> memref<8x128xi32, #tpu.memory_space<hbm>>
        tpu.wait_dma2 semaphore(%run_scoped3A : memref<!tpu.dma_semaphore, #tpu.memory_space<semaphore_mem>>) src(%dma_wait3A_38 : memref<8x128xi32, #tpu.memory_space<hbm>>) dst(%arg5 : memref<8x128xi32, #tpu.memory_space<vmem>>)
        tpu.yield
      }) : () -> ()
      %scan3A_28 = arith.constant 0 : i32
      %scan3A_29 = arith.constant 8 : i32
      %scan3A_30 = arith.addi %scan3A_28, %scan3A_29 : i32
      %scan3A_31 = arith.constant 1 : i32
      scf.for %scan3A_33 = %scan3A_28 to %scan3A_30 step %scan3A_31  : i32 {
        "tpu.region"() ({
          %run_scoped3A = tpu.sem_alloc : memref<!tpu.dma_semaphore, #tpu.memory_space<semaphore_mem>>
          %dma_start3A = arith.constant 0 : i32
          %dma_start3A_34 = tpu.memref_slice %arg5[%scan3A_33, %dma_start3A] : memref<8x128xi32, #tpu.memory_space<vmem>> -> memref<1x128xi32, #tpu.memory_space<vmem>>
          %dma_start3A_35 = tpu.memref_squeeze %dma_start3A_34 : memref<1x128xi32, #tpu.memory_space<vmem>> -> memref<128xi32, #tpu.memory_space<vmem>>
          %dma_start3A_36 = arith.constant 0 : i32
          %dma_start3A_37 = tpu.memref_slice %arg7[%dma_start3A_36] : memref<100352xf32, #tpu.memory_space<vmem_shared>> -> memref<100352xf32, #tpu.memory_space<vmem_shared>>
          tpu.enqueue_indirect_dma source(%arg6 : memref<128xf32, #tpu.memory_space<vmem>>) target(%dma_start3A_37 : memref<100352xf32, #tpu.memory_space<vmem_shared>>) offsets(%dma_start3A_35 : memref<128xi32, #tpu.memory_space<vmem>>) semaphore(%run_scoped3A : memref<!tpu.dma_semaphore, #tpu.memory_space<semaphore_mem>>) {add = true}
          %dma_wait3A = arith.constant 0 : i32
          %dma_wait3A_38 = tpu.memref_slice %arg5[%scan3A_33, %dma_wait3A] : memref<8x128xi32, #tpu.memory_space<vmem>> -> memref<1x128xi32, #tpu.memory_space<vmem>>
          %dma_wait3A_39 = tpu.memref_squeeze %dma_wait3A_38 : memref<1x128xi32, #tpu.memory_space<vmem>> -> memref<128xi32, #tpu.memory_space<vmem>>
          %dma_wait3A_40 = arith.constant 0 : i32
          %dma_wait3A_41 = tpu.memref_slice %arg7[%dma_wait3A_40] : memref<100352xf32, #tpu.memory_space<vmem_shared>> -> memref<100352xf32, #tpu.memory_space<vmem_shared>>
          tpu.wait_indirect_dma semaphore(%run_scoped3A : memref<!tpu.dma_semaphore, #tpu.memory_space<semaphore_mem>>) src(%arg6 : memref<128xf32, #tpu.memory_space<vmem>>) dst(%dma_wait3A_41 : memref<100352xf32, #tpu.memory_space<vmem_shared>>)
          tpu.yield
        }) : () -> ()
      }
      %scan3A_32 = arith.constant 8 : i32
    }
    %scan3A_15 = arith.constant 49 : i32
    %barrier3A_16 = arith.constant 0 : index
    tpu.barrier barrier_id(%barrier3A_16)
    %mul3A_17 = arith.constant 6272 : i32
    %mul3A_18 = arith.muli %arg1, %mul3A_17 : i32
    %mul3A_19 = arith.constant 100352 : i32
    %mul3A_20 = arith.muli %arg0, %mul3A_19 : i32
    %mul3A_21 = arith.constant 6272 : i32
    %mul3A_22 = arith.muli %arg1, %mul3A_21 : i32
    %add3A_23 = arith.addi %mul3A_20, %mul3A_22 : i32
    "tpu.region"() ({
      %run_scoped3A = tpu.sem_alloc : memref<!tpu.dma_semaphore, #tpu.memory_space<semaphore_mem>>
      %dma_start3A = tpu.memref_slice %arg4[%add3A_23] : memref<200704xf32, #tpu.memory_space<hbm>> -> memref<6272xf32, #tpu.memory_space<hbm>>
      %dma_start3A_24 = tpu.memref_slice %arg7[%mul3A_18] : memref<100352xf32, #tpu.memory_space<vmem_shared>> -> memref<6272xf32, #tpu.memory_space<vmem_shared>>
      tpu.enqueue_dma source(%dma_start3A_24 : memref<6272xf32, #tpu.memory_space<vmem_shared>>) target(%dma_start3A : memref<6272xf32, #tpu.memory_space<hbm>>) target_semaphore(%run_scoped3A : memref<!tpu.dma_semaphore, #tpu.memory_space<semaphore_mem>>)
      %dma_wait3A = tpu.memref_slice %arg4[%add3A_23] : memref<200704xf32, #tpu.memory_space<hbm>> -> memref<6272xf32, #tpu.memory_space<hbm>>
      %dma_wait3A_25 = tpu.memref_slice %arg7[%mul3A_18] : memref<100352xf32, #tpu.memory_space<vmem_shared>> -> memref<6272xf32, #tpu.memory_space<vmem_shared>>
      tpu.wait_dma2 semaphore(%run_scoped3A : memref<!tpu.dma_semaphore, #tpu.memory_space<semaphore_mem>>) src(%dma_wait3A_25 : memref<6272xf32, #tpu.memory_space<vmem_shared>>) dst(%dma_wait3A : memref<6272xf32, #tpu.memory_space<hbm>>)
      tpu.yield
    }) : () -> ()
    return
  }
}

#map = affine_map<(d0, d1) -> (0, 0)>
#map1 = affine_map<(d0, d1) -> (0, 0, 0)>
module attributes {stable_mosaic.version = 14 : i64} {
  func.func @_sc_edge(%arg0: i32, %arg1: i32, %arg2: memref<200704x16xf32, #tpu.memory_space<hbm>>, %arg3: memref<2x12544x128xi32, #tpu.memory_space<hbm>>, %arg4: memref<12544x128xi32, #tpu.memory_space<hbm>>, %arg5: memref<200704x16xf32, #tpu.memory_space<hbm>>, %arg6: memref<24x128xi32, #tpu.memory_space<vmem>>, %arg7: memref<24x128xi32, #tpu.memory_space<vmem>>, %arg8: memref<8x128x16xf32, #tpu.memory_space<vmem>>, %arg9: memref<100352x16xf32, #tpu.memory_space<vmem_shared>>, %arg10: memref<!tpu.dma_semaphore, #tpu.memory_space<semaphore_mem>>, %arg11: memref<!tpu.dma_semaphore, #tpu.memory_space<semaphore_mem>>, %arg12: memref<!tpu.dma_semaphore, #tpu.memory_space<semaphore_mem>>) attributes {dimension_semantics = [#tpu.dimension_semantics<core_parallel>, #tpu.dimension_semantics<subcore_parallel>], iteration_bounds = array<i64: 2, 16>, scalar_prefetch = 0 : i64, scratch_operands = 7 : i64, tpu.core_type = #tpu.core_type<sc_vector_subcore>, window_params = [{transform_indices = #map}, {transform_indices = #map1}, {transform_indices = #map}, {transform_indices = #map}]} {
    %mul3A = arith.constant 100352 : i32
    %mul3A_0 = arith.muli %arg0, %mul3A : i32
    %mul3A_1 = arith.constant 6272 : i32
    %mul3A_2 = arith.muli %arg1, %mul3A_1 : i32
    %add3A = arith.addi %mul3A_0, %mul3A_2 : i32
    %mul3A_3 = arith.constant 6272 : i32
    %mul3A_4 = arith.muli %arg1, %mul3A_3 : i32
    "tpu.region"() ({
      %run_scoped3A = tpu.sem_alloc : memref<!tpu.dma_semaphore, #tpu.memory_space<semaphore_mem>>
      %dma_start3A = arith.constant 0 : i32
      %dma_start3A_44 = tpu.memref_slice %arg9[%mul3A_4, %dma_start3A] : memref<100352x16xf32, #tpu.memory_space<vmem_shared>> -> memref<6272x16xf32, #tpu.memory_space<vmem_shared>>
      %dma_start3A_45 = arith.constant 0 : i32
      %dma_start3A_46 = tpu.memref_slice %arg2[%add3A, %dma_start3A_45] : memref<200704x16xf32, #tpu.memory_space<hbm>> -> memref<6272x16xf32, #tpu.memory_space<hbm>>
      tpu.enqueue_dma source(%dma_start3A_46 : memref<6272x16xf32, #tpu.memory_space<hbm>>) target(%dma_start3A_44 : memref<6272x16xf32, #tpu.memory_space<vmem_shared>>) target_semaphore(%run_scoped3A : memref<!tpu.dma_semaphore, #tpu.memory_space<semaphore_mem>>)
      %dma_wait3A = arith.constant 0 : i32
      %dma_wait3A_47 = tpu.memref_slice %arg9[%mul3A_4, %dma_wait3A] : memref<100352x16xf32, #tpu.memory_space<vmem_shared>> -> memref<6272x16xf32, #tpu.memory_space<vmem_shared>>
      %dma_wait3A_48 = arith.constant 0 : i32
      %dma_wait3A_49 = tpu.memref_slice %arg2[%add3A, %dma_wait3A_48] : memref<200704x16xf32, #tpu.memory_space<hbm>> -> memref<6272x16xf32, #tpu.memory_space<hbm>>
      tpu.wait_dma2 semaphore(%run_scoped3A : memref<!tpu.dma_semaphore, #tpu.memory_space<semaphore_mem>>) src(%dma_wait3A_49 : memref<6272x16xf32, #tpu.memory_space<hbm>>) dst(%dma_wait3A_47 : memref<6272x16xf32, #tpu.memory_space<vmem_shared>>)
      tpu.yield
    }) : () -> ()
    %barrier3A = arith.constant 0 : index
    tpu.barrier barrier_id(%barrier3A)
    %mul3A_5 = arith.constant 784 : i32
    %mul3A_6 = arith.muli %arg1, %mul3A_5 : i32
    "tpu.region"() ({
      %run_scoped3A = tpu.sem_alloc : memref<!tpu.dma_semaphore, #tpu.memory_space<semaphore_mem>>
      %dma_start3A = arith.constant 0 : i32
      %dma_start3A_44 = arith.constant 0 : i32
      %dma_start3A_45 = tpu.memref_slice %arg6[%dma_start3A, %dma_start3A_44] : memref<24x128xi32, #tpu.memory_space<vmem>> -> memref<8x128xi32, #tpu.memory_space<vmem>>
      %dma_start3A_46 = arith.constant 0 : i32
      %dma_start3A_47 = tpu.memref_slice %arg3[%arg0, %mul3A_6, %dma_start3A_46] : memref<2x12544x128xi32, #tpu.memory_space<hbm>> -> memref<1x8x128xi32, #tpu.memory_space<hbm>>
      %dma_start3A_48 = tpu.memref_squeeze %dma_start3A_47 : memref<1x8x128xi32, #tpu.memory_space<hbm>> -> memref<8x128xi32, #tpu.memory_space<hbm>>
      %dma_start3A_49 = arith.constant 0 : i32
      %dma_start3A_50 = arith.constant 0 : i32
      %dma_start3A_51 = tpu.memref_slice %arg6[%dma_start3A_49, %dma_start3A_50] : memref<24x128xi32, #tpu.memory_space<vmem>> -> memref<8x128xi32, #tpu.memory_space<vmem>>
      %dma_start3A_52 = arith.constant 0 : i32
      %dma_start3A_53 = tpu.memref_slice %arg3[%arg0, %mul3A_6, %dma_start3A_52] : memref<2x12544x128xi32, #tpu.memory_space<hbm>> -> memref<1x8x128xi32, #tpu.memory_space<hbm>>
      %dma_start3A_54 = tpu.memref_squeeze %dma_start3A_53 : memref<1x8x128xi32, #tpu.memory_space<hbm>> -> memref<8x128xi32, #tpu.memory_space<hbm>>
      tpu.enqueue_dma source(%dma_start3A_54 : memref<8x128xi32, #tpu.memory_space<hbm>>) target(%dma_start3A_51 : memref<8x128xi32, #tpu.memory_space<vmem>>) target_semaphore(%run_scoped3A : memref<!tpu.dma_semaphore, #tpu.memory_space<semaphore_mem>>)
      %dma_wait3A = arith.constant 0 : i32
      %dma_wait3A_55 = arith.constant 0 : i32
      %dma_wait3A_56 = tpu.memref_slice %arg6[%dma_wait3A, %dma_wait3A_55] : memref<24x128xi32, #tpu.memory_space<vmem>> -> memref<8x128xi32, #tpu.memory_space<vmem>>
      %dma_wait3A_57 = arith.constant 0 : i32
      %dma_wait3A_58 = tpu.memref_slice %arg3[%arg0, %mul3A_6, %dma_wait3A_57] : memref<2x12544x128xi32, #tpu.memory_space<hbm>> -> memref<1x8x128xi32, #tpu.memory_space<hbm>>
      %dma_wait3A_59 = tpu.memref_squeeze %dma_wait3A_58 : memref<1x8x128xi32, #tpu.memory_space<hbm>> -> memref<8x128xi32, #tpu.memory_space<hbm>>
      %dma_wait3A_60 = arith.constant 0 : i32
      %dma_wait3A_61 = arith.constant 0 : i32
      %dma_wait3A_62 = tpu.memref_slice %arg6[%dma_wait3A_60, %dma_wait3A_61] : memref<24x128xi32, #tpu.memory_space<vmem>> -> memref<8x128xi32, #tpu.memory_space<vmem>>
      %dma_wait3A_63 = arith.constant 0 : i32
      %dma_wait3A_64 = tpu.memref_slice %arg3[%arg0, %mul3A_6, %dma_wait3A_63] : memref<2x12544x128xi32, #tpu.memory_space<hbm>> -> memref<1x8x128xi32, #tpu.memory_space<hbm>>
      %dma_wait3A_65 = tpu.memref_squeeze %dma_wait3A_64 : memref<1x8x128xi32, #tpu.memory_space<hbm>> -> memref<8x128xi32, #tpu.memory_space<hbm>>
      tpu.wait_dma2 semaphore(%run_scoped3A : memref<!tpu.dma_semaphore, #tpu.memory_space<semaphore_mem>>) src(%dma_wait3A_65 : memref<8x128xi32, #tpu.memory_space<hbm>>) dst(%dma_wait3A_62 : memref<8x128xi32, #tpu.memory_space<vmem>>)
      tpu.yield
    }) : () -> ()
    "tpu.region"() ({
      %run_scoped3A = tpu.sem_alloc : memref<!tpu.dma_semaphore, #tpu.memory_space<semaphore_mem>>
      %dma_start3A = arith.constant 0 : i32
      %dma_start3A_44 = arith.constant 0 : i32
      %dma_start3A_45 = tpu.memref_slice %arg7[%dma_start3A, %dma_start3A_44] : memref<24x128xi32, #tpu.memory_space<vmem>> -> memref<8x128xi32, #tpu.memory_space<vmem>>
      %dma_start3A_46 = arith.constant 0 : i32
      %dma_start3A_47 = tpu.memref_slice %arg4[%mul3A_6, %dma_start3A_46] : memref<12544x128xi32, #tpu.memory_space<hbm>> -> memref<8x128xi32, #tpu.memory_space<hbm>>
      %dma_start3A_48 = arith.constant 0 : i32
      %dma_start3A_49 = arith.constant 0 : i32
      %dma_start3A_50 = tpu.memref_slice %arg7[%dma_start3A_48, %dma_start3A_49] : memref<24x128xi32, #tpu.memory_space<vmem>> -> memref<8x128xi32, #tpu.memory_space<vmem>>
      %dma_start3A_51 = arith.constant 0 : i32
      %dma_start3A_52 = tpu.memref_slice %arg4[%mul3A_6, %dma_start3A_51] : memref<12544x128xi32, #tpu.memory_space<hbm>> -> memref<8x128xi32, #tpu.memory_space<hbm>>
      tpu.enqueue_dma source(%dma_start3A_52 : memref<8x128xi32, #tpu.memory_space<hbm>>) target(%dma_start3A_50 : memref<8x128xi32, #tpu.memory_space<vmem>>) target_semaphore(%run_scoped3A : memref<!tpu.dma_semaphore, #tpu.memory_space<semaphore_mem>>)
      %dma_wait3A = arith.constant 0 : i32
      %dma_wait3A_53 = arith.constant 0 : i32
      %dma_wait3A_54 = tpu.memref_slice %arg7[%dma_wait3A, %dma_wait3A_53] : memref<24x128xi32, #tpu.memory_space<vmem>> -> memref<8x128xi32, #tpu.memory_space<vmem>>
      %dma_wait3A_55 = arith.constant 0 : i32
      %dma_wait3A_56 = tpu.memref_slice %arg4[%mul3A_6, %dma_wait3A_55] : memref<12544x128xi32, #tpu.memory_space<hbm>> -> memref<8x128xi32, #tpu.memory_space<hbm>>
      %dma_wait3A_57 = arith.constant 0 : i32
      %dma_wait3A_58 = arith.constant 0 : i32
      %dma_wait3A_59 = tpu.memref_slice %arg7[%dma_wait3A_57, %dma_wait3A_58] : memref<24x128xi32, #tpu.memory_space<vmem>> -> memref<8x128xi32, #tpu.memory_space<vmem>>
      %dma_wait3A_60 = arith.constant 0 : i32
      %dma_wait3A_61 = tpu.memref_slice %arg4[%mul3A_6, %dma_wait3A_60] : memref<12544x128xi32, #tpu.memory_space<hbm>> -> memref<8x128xi32, #tpu.memory_space<hbm>>
      tpu.wait_dma2 semaphore(%run_scoped3A : memref<!tpu.dma_semaphore, #tpu.memory_space<semaphore_mem>>) src(%dma_wait3A_61 : memref<8x128xi32, #tpu.memory_space<hbm>>) dst(%dma_wait3A_59 : memref<8x128xi32, #tpu.memory_space<vmem>>)
      tpu.yield
    }) : () -> ()
    %scan3A = arith.constant 0 : i32
    %scan3A_7 = arith.constant 0 : i32
    %scan3A_8 = arith.constant 98 : i32
    %scan3A_9 = arith.addi %scan3A_7, %scan3A_8 : i32
    %scan3A_10 = arith.constant 1 : i32
    scf.for %scan3A_44 = %scan3A_7 to %scan3A_9 step %scan3A_10  : i32 {
      %rem3A = arith.constant 3 : i32
      %rem3A_45 = arith.remsi %scan3A_44, %rem3A : i32
      %add3A_46 = arith.constant 2 : i32
      %add3A_47 = arith.addi %scan3A_44, %add3A_46 : i32
      %rem3A_48 = arith.constant 3 : i32
      %rem3A_49 = arith.remsi %add3A_47, %rem3A_48 : i32
      %add3A_50 = arith.constant 1 : i32
      %add3A_51 = arith.addi %scan3A_44, %add3A_50 : i32
      %rem3A_52 = arith.constant 3 : i32
      %rem3A_53 = arith.remsi %add3A_51, %rem3A_52 : i32
      %gt3A = arith.constant 0 : i32
      %gt3A_54 = arith.cmpi sgt, %scan3A_44, %gt3A : i32
      %convert_element_type3A = arith.extui %gt3A_54 : i1 to i32
      %cond3A = arith.constant 0 : i32
      %cond3A_55 = arith.cmpi ne, %convert_element_type3A, %cond3A : i32
      scf.if %cond3A_55 {
        %scan3A_99 = arith.constant 0 : i32
        %scan3A_100 = arith.constant 0 : i32
        %scan3A_101 = arith.constant 4 : i32
        %scan3A_102 = arith.addi %scan3A_100, %scan3A_101 : i32
        %scan3A_103 = arith.constant 1 : i32
        scf.for %scan3A_105 = %scan3A_100 to %scan3A_102 step %scan3A_103  : i32 {
          %dma_wait3A = arith.constant 0 : i32
          %dma_wait3A_106 = arith.constant 0 : i32
          %dma_wait3A_107 = arith.constant 0 : i32
          %dma_wait3A_108 = tpu.memref_slice %arg8[%scan3A_105, %dma_wait3A_106, %dma_wait3A_107] : memref<8x128x16xf32, #tpu.memory_space<vmem>> -> memref<1x128x16xf32, #tpu.memory_space<vmem>>
          %dma_wait3A_109 = tpu.memref_squeeze %dma_wait3A_108 : memref<1x128x16xf32, #tpu.memory_space<vmem>> -> memref<128x16xf32, #tpu.memory_space<vmem>>
          %dma_wait3A_110 = arith.constant 0 : i32
          %dma_wait3A_111 = tpu.memref_slice %arg7[%dma_wait3A, %dma_wait3A_110] : memref<24x128xi32, #tpu.memory_space<vmem>> -> memref<1x128xi32, #tpu.memory_space<vmem>>
          %dma_wait3A_112 = tpu.memref_squeeze %dma_wait3A_111 : memref<1x128xi32, #tpu.memory_space<vmem>> -> memref<128xi32, #tpu.memory_space<vmem>>
          %dma_wait3A_113 = arith.constant 0 : i32
          %dma_wait3A_114 = arith.constant 0 : i32
          %dma_wait3A_115 = tpu.memref_slice %arg9[%dma_wait3A_113, %dma_wait3A_114] : memref<100352x16xf32, #tpu.memory_space<vmem_shared>> -> memref<100352x16xf32, #tpu.memory_space<vmem_shared>>
          tpu.wait_indirect_dma semaphore(%arg12 : memref<!tpu.dma_semaphore, #tpu.memory_space<semaphore_mem>>) src(%dma_wait3A_109 : memref<128x16xf32, #tpu.memory_space<vmem>>) dst(%dma_wait3A_115 : memref<100352x16xf32, #tpu.memory_space<vmem_shared>>)
        }
        %scan3A_104 = arith.constant 4 : i32
      } else {
      }
      %scan3A_56 = arith.constant 0 : i32
      %scan3A_57 = arith.constant 0 : i32
      %scan3A_58 = arith.constant 4 : i32
      %scan3A_59 = arith.addi %scan3A_57, %scan3A_58 : i32
      %scan3A_60 = arith.constant 1 : i32
      scf.for %scan3A_99 = %scan3A_57 to %scan3A_59 step %scan3A_60  : i32 {
        %mul3A_100 = arith.constant 8 : i32
        %mul3A_101 = arith.muli %rem3A_45, %mul3A_100 : i32
        %add3A_102 = arith.constant 0 : i32
        %add3A_103 = arith.addi %mul3A_101, %add3A_102 : i32
        %add3A_104 = arith.addi %add3A_103, %scan3A_99 : i32
        %add3A_105 = arith.constant 0 : i32
        %add3A_106 = arith.addi %add3A_105, %scan3A_99 : i32
        %dma_start3A = arith.constant 0 : i32
        %dma_start3A_107 = arith.constant 0 : i32
        %dma_start3A_108 = tpu.memref_slice %arg8[%add3A_106, %dma_start3A, %dma_start3A_107] : memref<8x128x16xf32, #tpu.memory_space<vmem>> -> memref<1x128x16xf32, #tpu.memory_space<vmem>>
        %dma_start3A_109 = tpu.memref_squeeze %dma_start3A_108 : memref<1x128x16xf32, #tpu.memory_space<vmem>> -> memref<128x16xf32, #tpu.memory_space<vmem>>
        %dma_start3A_110 = arith.constant 0 : i32
        %dma_start3A_111 = tpu.memref_slice %arg6[%add3A_104, %dma_start3A_110] : memref<24x128xi32, #tpu.memory_space<vmem>> -> memref<1x128xi32, #tpu.memory_space<vmem>>
        %dma_start3A_112 = tpu.memref_squeeze %dma_start3A_111 : memref<1x128xi32, #tpu.memory_space<vmem>> -> memref<128xi32, #tpu.memory_space<vmem>>
        %dma_start3A_113 = arith.constant 0 : i32
        %dma_start3A_114 = arith.constant 0 : i32
        %dma_start3A_115 = tpu.memref_slice %arg2[%dma_start3A_113, %dma_start3A_114] : memref<200704x16xf32, #tpu.memory_space<hbm>> -> memref<200704x16xf32, #tpu.memory_space<hbm>>
        tpu.enqueue_indirect_dma source(%dma_start3A_115 : memref<200704x16xf32, #tpu.memory_space<hbm>>) target(%dma_start3A_109 : memref<128x16xf32, #tpu.memory_space<vmem>>) offsets(%dma_start3A_112 : memref<128xi32, #tpu.memory_space<vmem>>) semaphore(%arg10 : memref<!tpu.dma_semaphore, #tpu.memory_space<semaphore_mem>>)
      }
      %scan3A_61 = arith.constant 4 : i32
      %gt3A_62 = arith.constant 0 : i32
      %gt3A_63 = arith.cmpi sgt, %scan3A_44, %gt3A_62 : i32
      %convert_element_type3A_64 = arith.extui %gt3A_63 : i1 to i32
      %cond3A_65 = arith.constant 0 : i32
      %cond3A_66 = arith.cmpi ne, %convert_element_type3A_64, %cond3A_65 : i32
      scf.if %cond3A_66 {
        %scan3A_99 = arith.constant 0 : i32
        %scan3A_100 = arith.constant 0 : i32
        %scan3A_101 = arith.constant 4 : i32
        %scan3A_102 = arith.addi %scan3A_100, %scan3A_101 : i32
        %scan3A_103 = arith.constant 1 : i32
        scf.for %scan3A_111 = %scan3A_100 to %scan3A_102 step %scan3A_103  : i32 {
          %dma_wait3A = arith.constant 0 : i32
          %dma_wait3A_112 = arith.constant 0 : i32
          %dma_wait3A_113 = tpu.memref_slice %arg8[%scan3A_111, %dma_wait3A, %dma_wait3A_112] : memref<8x128x16xf32, #tpu.memory_space<vmem>> -> memref<1x128x16xf32, #tpu.memory_space<vmem>>
          %dma_wait3A_114 = tpu.memref_squeeze %dma_wait3A_113 : memref<1x128x16xf32, #tpu.memory_space<vmem>> -> memref<128x16xf32, #tpu.memory_space<vmem>>
          %dma_wait3A_115 = arith.constant 0 : i32
          %dma_wait3A_116 = tpu.memref_slice %arg6[%scan3A_111, %dma_wait3A_115] : memref<24x128xi32, #tpu.memory_space<vmem>> -> memref<1x128xi32, #tpu.memory_space<vmem>>
          %dma_wait3A_117 = tpu.memref_squeeze %dma_wait3A_116 : memref<1x128xi32, #tpu.memory_space<vmem>> -> memref<128xi32, #tpu.memory_space<vmem>>
          %dma_wait3A_118 = arith.constant 0 : i32
          %dma_wait3A_119 = arith.constant 0 : i32
          %dma_wait3A_120 = tpu.memref_slice %arg2[%dma_wait3A_118, %dma_wait3A_119] : memref<200704x16xf32, #tpu.memory_space<hbm>> -> memref<200704x16xf32, #tpu.memory_space<hbm>>
          tpu.wait_indirect_dma semaphore(%arg10 : memref<!tpu.dma_semaphore, #tpu.memory_space<semaphore_mem>>) src(%dma_wait3A_120 : memref<200704x16xf32, #tpu.memory_space<hbm>>) dst(%dma_wait3A_114 : memref<128x16xf32, #tpu.memory_space<vmem>>)
        }
        %scan3A_104 = arith.constant 4 : i32
        %scan3A_105 = arith.constant 0 : i32
        %scan3A_106 = arith.constant 0 : i32
        %scan3A_107 = arith.constant 4 : i32
        %scan3A_108 = arith.addi %scan3A_106, %scan3A_107 : i32
        %scan3A_109 = arith.constant 1 : i32
        scf.for %scan3A_111 = %scan3A_106 to %scan3A_108 step %scan3A_109  : i32 {
          %mul3A_112 = arith.constant 8 : i32
          %mul3A_113 = arith.muli %rem3A_49, %mul3A_112 : i32
          %add3A_114 = arith.constant 4 : i32
          %add3A_115 = arith.addi %mul3A_113, %add3A_114 : i32
          %add3A_116 = arith.addi %add3A_115, %scan3A_111 : i32
          %add3A_117 = arith.constant 4 : i32
          %add3A_118 = arith.addi %add3A_117, %scan3A_111 : i32
          %dma_start3A = arith.constant 0 : i32
          %dma_start3A_119 = arith.constant 0 : i32
          %dma_start3A_120 = tpu.memref_slice %arg8[%add3A_118, %dma_start3A, %dma_start3A_119] : memref<8x128x16xf32, #tpu.memory_space<vmem>> -> memref<1x128x16xf32, #tpu.memory_space<vmem>>
          %dma_start3A_121 = tpu.memref_squeeze %dma_start3A_120 : memref<1x128x16xf32, #tpu.memory_space<vmem>> -> memref<128x16xf32, #tpu.memory_space<vmem>>
          %dma_start3A_122 = arith.constant 0 : i32
          %dma_start3A_123 = tpu.memref_slice %arg7[%add3A_116, %dma_start3A_122] : memref<24x128xi32, #tpu.memory_space<vmem>> -> memref<1x128xi32, #tpu.memory_space<vmem>>
          %dma_start3A_124 = tpu.memref_squeeze %dma_start3A_123 : memref<1x128xi32, #tpu.memory_space<vmem>> -> memref<128xi32, #tpu.memory_space<vmem>>
          %dma_start3A_125 = arith.constant 0 : i32
          %dma_start3A_126 = arith.constant 0 : i32
          %dma_start3A_127 = tpu.memref_slice %arg9[%dma_start3A_125, %dma_start3A_126] : memref<100352x16xf32, #tpu.memory_space<vmem_shared>> -> memref<100352x16xf32, #tpu.memory_space<vmem_shared>>
          tpu.enqueue_indirect_dma source(%dma_start3A_121 : memref<128x16xf32, #tpu.memory_space<vmem>>) target(%dma_start3A_127 : memref<100352x16xf32, #tpu.memory_space<vmem_shared>>) offsets(%dma_start3A_124 : memref<128xi32, #tpu.memory_space<vmem>>) semaphore(%arg12 : memref<!tpu.dma_semaphore, #tpu.memory_space<semaphore_mem>>) {add = true}
        }
        %scan3A_110 = arith.constant 4 : i32
      } else {
      }
      %lt3A = arith.constant 97 : i32
      %lt3A_67 = arith.cmpi slt, %scan3A_44, %lt3A : i32
      %convert_element_type3A_68 = arith.extui %lt3A_67 : i1 to i32
      %cond3A_69 = arith.constant 0 : i32
      %cond3A_70 = arith.cmpi ne, %convert_element_type3A_68, %cond3A_69 : i32
      scf.if %cond3A_70 {
        %add3A_99 = arith.constant 1 : i32
        %add3A_100 = arith.addi %scan3A_44, %add3A_99 : i32
        %mul3A_101 = arith.constant 8 : i32
        %mul3A_102 = arith.muli %add3A_100, %mul3A_101 : i32
        %add3A_103 = arith.addi %mul3A_6, %mul3A_102 : i32
        %mul3A_104 = arith.constant 8 : i32
        %mul3A_105 = arith.muli %rem3A_53, %mul3A_104 : i32
        %dma_start3A = arith.constant 0 : i32
        %dma_start3A_106 = tpu.memref_slice %arg6[%mul3A_105, %dma_start3A] : memref<24x128xi32, #tpu.memory_space<vmem>> -> memref<8x128xi32, #tpu.memory_space<vmem>>
        %dma_start3A_107 = arith.constant 0 : i32
        %dma_start3A_108 = tpu.memref_slice %arg3[%arg0, %add3A_103, %dma_start3A_107] : memref<2x12544x128xi32, #tpu.memory_space<hbm>> -> memref<1x8x128xi32, #tpu.memory_space<hbm>>
        %dma_start3A_109 = tpu.memref_squeeze %dma_start3A_108 : memref<1x8x128xi32, #tpu.memory_space<hbm>> -> memref<8x128xi32, #tpu.memory_space<hbm>>
        %dma_start3A_110 = arith.constant 0 : i32
        %dma_start3A_111 = tpu.memref_slice %arg6[%mul3A_105, %dma_start3A_110] : memref<24x128xi32, #tpu.memory_space<vmem>> -> memref<8x128xi32, #tpu.memory_space<vmem>>
        %dma_start3A_112 = arith.constant 0 : i32
        %dma_start3A_113 = tpu.memref_slice %arg3[%arg0, %add3A_103, %dma_start3A_112] : memref<2x12544x128xi32, #tpu.memory_space<hbm>> -> memref<1x8x128xi32, #tpu.memory_space<hbm>>
        %dma_start3A_114 = tpu.memref_squeeze %dma_start3A_113 : memref<1x8x128xi32, #tpu.memory_space<hbm>> -> memref<8x128xi32, #tpu.memory_space<hbm>>
        tpu.enqueue_dma source(%dma_start3A_114 : memref<8x128xi32, #tpu.memory_space<hbm>>) target(%dma_start3A_111 : memref<8x128xi32, #tpu.memory_space<vmem>>) target_semaphore(%arg11 : memref<!tpu.dma_semaphore, #tpu.memory_space<semaphore_mem>>)
        %mul3A_115 = arith.constant 8 : i32
        %mul3A_116 = arith.muli %rem3A_53, %mul3A_115 : i32
        %dma_start3A_117 = arith.constant 0 : i32
        %dma_start3A_118 = tpu.memref_slice %arg7[%mul3A_116, %dma_start3A_117] : memref<24x128xi32, #tpu.memory_space<vmem>> -> memref<8x128xi32, #tpu.memory_space<vmem>>
        %dma_start3A_119 = arith.constant 0 : i32
        %dma_start3A_120 = tpu.memref_slice %arg4[%add3A_103, %dma_start3A_119] : memref<12544x128xi32, #tpu.memory_space<hbm>> -> memref<8x128xi32, #tpu.memory_space<hbm>>
        %dma_start3A_121 = arith.constant 0 : i32
        %dma_start3A_122 = tpu.memref_slice %arg7[%mul3A_116, %dma_start3A_121] : memref<24x128xi32, #tpu.memory_space<vmem>> -> memref<8x128xi32, #tpu.memory_space<vmem>>
        %dma_start3A_123 = arith.constant 0 : i32
        %dma_start3A_124 = tpu.memref_slice %arg4[%add3A_103, %dma_start3A_123] : memref<12544x128xi32, #tpu.memory_space<hbm>> -> memref<8x128xi32, #tpu.memory_space<hbm>>
        tpu.enqueue_dma source(%dma_start3A_124 : memref<8x128xi32, #tpu.memory_space<hbm>>) target(%dma_start3A_122 : memref<8x128xi32, #tpu.memory_space<vmem>>) target_semaphore(%arg11 : memref<!tpu.dma_semaphore, #tpu.memory_space<semaphore_mem>>)
      } else {
      }
      %gt3A_71 = arith.constant 0 : i32
      %gt3A_72 = arith.cmpi sgt, %scan3A_44, %gt3A_71 : i32
      %convert_element_type3A_73 = arith.extui %gt3A_72 : i1 to i32
      %cond3A_74 = arith.constant 0 : i32
      %cond3A_75 = arith.cmpi ne, %convert_element_type3A_73, %cond3A_74 : i32
      scf.if %cond3A_75 {
        %scan3A_99 = arith.constant 0 : i32
        %scan3A_100 = arith.constant 0 : i32
        %scan3A_101 = arith.constant 4 : i32
        %scan3A_102 = arith.addi %scan3A_100, %scan3A_101 : i32
        %scan3A_103 = arith.constant 1 : i32
        scf.for %scan3A_105 = %scan3A_100 to %scan3A_102 step %scan3A_103  : i32 {
          %dma_wait3A = arith.constant 0 : i32
          %dma_wait3A_106 = arith.constant 0 : i32
          %dma_wait3A_107 = arith.constant 0 : i32
          %dma_wait3A_108 = tpu.memref_slice %arg8[%scan3A_105, %dma_wait3A_106, %dma_wait3A_107] : memref<8x128x16xf32, #tpu.memory_space<vmem>> -> memref<1x128x16xf32, #tpu.memory_space<vmem>>
          %dma_wait3A_109 = tpu.memref_squeeze %dma_wait3A_108 : memref<1x128x16xf32, #tpu.memory_space<vmem>> -> memref<128x16xf32, #tpu.memory_space<vmem>>
          %dma_wait3A_110 = arith.constant 0 : i32
          %dma_wait3A_111 = tpu.memref_slice %arg7[%dma_wait3A, %dma_wait3A_110] : memref<24x128xi32, #tpu.memory_space<vmem>> -> memref<1x128xi32, #tpu.memory_space<vmem>>
          %dma_wait3A_112 = tpu.memref_squeeze %dma_wait3A_111 : memref<1x128xi32, #tpu.memory_space<vmem>> -> memref<128xi32, #tpu.memory_space<vmem>>
          %dma_wait3A_113 = arith.constant 0 : i32
          %dma_wait3A_114 = arith.constant 0 : i32
          %dma_wait3A_115 = tpu.memref_slice %arg9[%dma_wait3A_113, %dma_wait3A_114] : memref<100352x16xf32, #tpu.memory_space<vmem_shared>> -> memref<100352x16xf32, #tpu.memory_space<vmem_shared>>
          tpu.wait_indirect_dma semaphore(%arg12 : memref<!tpu.dma_semaphore, #tpu.memory_space<semaphore_mem>>) src(%dma_wait3A_109 : memref<128x16xf32, #tpu.memory_space<vmem>>) dst(%dma_wait3A_115 : memref<100352x16xf32, #tpu.memory_space<vmem_shared>>)
        }
        %scan3A_104 = arith.constant 4 : i32
      } else {
      }
      %scan3A_76 = arith.constant 0 : i32
      %scan3A_77 = arith.constant 0 : i32
      %scan3A_78 = arith.constant 4 : i32
      %scan3A_79 = arith.addi %scan3A_77, %scan3A_78 : i32
      %scan3A_80 = arith.constant 1 : i32
      scf.for %scan3A_99 = %scan3A_77 to %scan3A_79 step %scan3A_80  : i32 {
        %mul3A_100 = arith.constant 8 : i32
        %mul3A_101 = arith.muli %rem3A_45, %mul3A_100 : i32
        %add3A_102 = arith.constant 4 : i32
        %add3A_103 = arith.addi %mul3A_101, %add3A_102 : i32
        %add3A_104 = arith.addi %add3A_103, %scan3A_99 : i32
        %add3A_105 = arith.constant 4 : i32
        %add3A_106 = arith.addi %add3A_105, %scan3A_99 : i32
        %dma_start3A = arith.constant 0 : i32
        %dma_start3A_107 = arith.constant 0 : i32
        %dma_start3A_108 = tpu.memref_slice %arg8[%add3A_106, %dma_start3A, %dma_start3A_107] : memref<8x128x16xf32, #tpu.memory_space<vmem>> -> memref<1x128x16xf32, #tpu.memory_space<vmem>>
        %dma_start3A_109 = tpu.memref_squeeze %dma_start3A_108 : memref<1x128x16xf32, #tpu.memory_space<vmem>> -> memref<128x16xf32, #tpu.memory_space<vmem>>
        %dma_start3A_110 = arith.constant 0 : i32
        %dma_start3A_111 = tpu.memref_slice %arg6[%add3A_104, %dma_start3A_110] : memref<24x128xi32, #tpu.memory_space<vmem>> -> memref<1x128xi32, #tpu.memory_space<vmem>>
        %dma_start3A_112 = tpu.memref_squeeze %dma_start3A_111 : memref<1x128xi32, #tpu.memory_space<vmem>> -> memref<128xi32, #tpu.memory_space<vmem>>
        %dma_start3A_113 = arith.constant 0 : i32
        %dma_start3A_114 = arith.constant 0 : i32
        %dma_start3A_115 = tpu.memref_slice %arg2[%dma_start3A_113, %dma_start3A_114] : memref<200704x16xf32, #tpu.memory_space<hbm>> -> memref<200704x16xf32, #tpu.memory_space<hbm>>
        tpu.enqueue_indirect_dma source(%dma_start3A_115 : memref<200704x16xf32, #tpu.memory_space<hbm>>) target(%dma_start3A_109 : memref<128x16xf32, #tpu.memory_space<vmem>>) offsets(%dma_start3A_112 : memref<128xi32, #tpu.memory_space<vmem>>) semaphore(%arg10 : memref<!tpu.dma_semaphore, #tpu.memory_space<semaphore_mem>>)
      }
      %scan3A_81 = arith.constant 4 : i32
      %scan3A_82 = arith.constant 0 : i32
      %scan3A_83 = arith.constant 0 : i32
      %scan3A_84 = arith.constant 4 : i32
      %scan3A_85 = arith.addi %scan3A_83, %scan3A_84 : i32
      %scan3A_86 = arith.constant 1 : i32
      scf.for %scan3A_99 = %scan3A_83 to %scan3A_85 step %scan3A_86  : i32 {
        %dma_wait3A = arith.constant 0 : i32
        %dma_wait3A_100 = arith.constant 0 : i32
        %dma_wait3A_101 = tpu.memref_slice %arg8[%scan3A_99, %dma_wait3A, %dma_wait3A_100] : memref<8x128x16xf32, #tpu.memory_space<vmem>> -> memref<1x128x16xf32, #tpu.memory_space<vmem>>
        %dma_wait3A_102 = tpu.memref_squeeze %dma_wait3A_101 : memref<1x128x16xf32, #tpu.memory_space<vmem>> -> memref<128x16xf32, #tpu.memory_space<vmem>>
        %dma_wait3A_103 = arith.constant 0 : i32
        %dma_wait3A_104 = tpu.memref_slice %arg6[%scan3A_99, %dma_wait3A_103] : memref<24x128xi32, #tpu.memory_space<vmem>> -> memref<1x128xi32, #tpu.memory_space<vmem>>
        %dma_wait3A_105 = tpu.memref_squeeze %dma_wait3A_104 : memref<1x128xi32, #tpu.memory_space<vmem>> -> memref<128xi32, #tpu.memory_space<vmem>>
        %dma_wait3A_106 = arith.constant 0 : i32
        %dma_wait3A_107 = arith.constant 0 : i32
        %dma_wait3A_108 = tpu.memref_slice %arg2[%dma_wait3A_106, %dma_wait3A_107] : memref<200704x16xf32, #tpu.memory_space<hbm>> -> memref<200704x16xf32, #tpu.memory_space<hbm>>
        tpu.wait_indirect_dma semaphore(%arg10 : memref<!tpu.dma_semaphore, #tpu.memory_space<semaphore_mem>>) src(%dma_wait3A_108 : memref<200704x16xf32, #tpu.memory_space<hbm>>) dst(%dma_wait3A_102 : memref<128x16xf32, #tpu.memory_space<vmem>>)
      }
      %scan3A_87 = arith.constant 4 : i32
      %scan3A_88 = arith.constant 0 : i32
      %scan3A_89 = arith.constant 0 : i32
      %scan3A_90 = arith.constant 4 : i32
      %scan3A_91 = arith.addi %scan3A_89, %scan3A_90 : i32
      %scan3A_92 = arith.constant 1 : i32
      scf.for %scan3A_99 = %scan3A_89 to %scan3A_91 step %scan3A_92  : i32 {
        %mul3A_100 = arith.constant 8 : i32
        %mul3A_101 = arith.muli %rem3A_45, %mul3A_100 : i32
        %add3A_102 = arith.constant 0 : i32
        %add3A_103 = arith.addi %mul3A_101, %add3A_102 : i32
        %add3A_104 = arith.addi %add3A_103, %scan3A_99 : i32
        %add3A_105 = arith.constant 0 : i32
        %add3A_106 = arith.addi %add3A_105, %scan3A_99 : i32
        %dma_start3A = arith.constant 0 : i32
        %dma_start3A_107 = arith.constant 0 : i32
        %dma_start3A_108 = tpu.memref_slice %arg8[%add3A_106, %dma_start3A, %dma_start3A_107] : memref<8x128x16xf32, #tpu.memory_space<vmem>> -> memref<1x128x16xf32, #tpu.memory_space<vmem>>
        %dma_start3A_109 = tpu.memref_squeeze %dma_start3A_108 : memref<1x128x16xf32, #tpu.memory_space<vmem>> -> memref<128x16xf32, #tpu.memory_space<vmem>>
        %dma_start3A_110 = arith.constant 0 : i32
        %dma_start3A_111 = tpu.memref_slice %arg7[%add3A_104, %dma_start3A_110] : memref<24x128xi32, #tpu.memory_space<vmem>> -> memref<1x128xi32, #tpu.memory_space<vmem>>
        %dma_start3A_112 = tpu.memref_squeeze %dma_start3A_111 : memref<1x128xi32, #tpu.memory_space<vmem>> -> memref<128xi32, #tpu.memory_space<vmem>>
        %dma_start3A_113 = arith.constant 0 : i32
        %dma_start3A_114 = arith.constant 0 : i32
        %dma_start3A_115 = tpu.memref_slice %arg9[%dma_start3A_113, %dma_start3A_114] : memref<100352x16xf32, #tpu.memory_space<vmem_shared>> -> memref<100352x16xf32, #tpu.memory_space<vmem_shared>>
        tpu.enqueue_indirect_dma source(%dma_start3A_109 : memref<128x16xf32, #tpu.memory_space<vmem>>) target(%dma_start3A_115 : memref<100352x16xf32, #tpu.memory_space<vmem_shared>>) offsets(%dma_start3A_112 : memref<128xi32, #tpu.memory_space<vmem>>) semaphore(%arg12 : memref<!tpu.dma_semaphore, #tpu.memory_space<semaphore_mem>>) {add = true}
      }
      %scan3A_93 = arith.constant 4 : i32
      %lt3A_94 = arith.constant 97 : i32
      %lt3A_95 = arith.cmpi slt, %scan3A_44, %lt3A_94 : i32
      %convert_element_type3A_96 = arith.extui %lt3A_95 : i1 to i32
      %cond3A_97 = arith.constant 0 : i32
      %cond3A_98 = arith.cmpi ne, %convert_element_type3A_96, %cond3A_97 : i32
      scf.if %cond3A_98 {
        %dma_wait3A = arith.constant 0 : i32
        %dma_wait3A_99 = arith.constant 0 : i32
        %dma_wait3A_100 = tpu.memref_slice %arg6[%dma_wait3A, %dma_wait3A_99] : memref<24x128xi32, #tpu.memory_space<vmem>> -> memref<8x128xi32, #tpu.memory_space<vmem>>
        %dma_wait3A_101 = arith.constant 0 : i32
        %dma_wait3A_102 = tpu.memref_slice %arg3[%arg0, %mul3A_6, %dma_wait3A_101] : memref<2x12544x128xi32, #tpu.memory_space<hbm>> -> memref<1x8x128xi32, #tpu.memory_space<hbm>>
        %dma_wait3A_103 = tpu.memref_squeeze %dma_wait3A_102 : memref<1x8x128xi32, #tpu.memory_space<hbm>> -> memref<8x128xi32, #tpu.memory_space<hbm>>
        %dma_wait3A_104 = arith.constant 0 : i32
        %dma_wait3A_105 = arith.constant 0 : i32
        %dma_wait3A_106 = tpu.memref_slice %arg6[%dma_wait3A_104, %dma_wait3A_105] : memref<24x128xi32, #tpu.memory_space<vmem>> -> memref<8x128xi32, #tpu.memory_space<vmem>>
        %dma_wait3A_107 = arith.constant 0 : i32
        %dma_wait3A_108 = tpu.memref_slice %arg3[%arg0, %mul3A_6, %dma_wait3A_107] : memref<2x12544x128xi32, #tpu.memory_space<hbm>> -> memref<1x8x128xi32, #tpu.memory_space<hbm>>
        %dma_wait3A_109 = tpu.memref_squeeze %dma_wait3A_108 : memref<1x8x128xi32, #tpu.memory_space<hbm>> -> memref<8x128xi32, #tpu.memory_space<hbm>>
        tpu.wait_dma2 semaphore(%arg11 : memref<!tpu.dma_semaphore, #tpu.memory_space<semaphore_mem>>) src(%dma_wait3A_109 : memref<8x128xi32, #tpu.memory_space<hbm>>) dst(%dma_wait3A_106 : memref<8x128xi32, #tpu.memory_space<vmem>>)
        %dma_wait3A_110 = arith.constant 0 : i32
        %dma_wait3A_111 = arith.constant 0 : i32
        %dma_wait3A_112 = tpu.memref_slice %arg7[%dma_wait3A_110, %dma_wait3A_111] : memref<24x128xi32, #tpu.memory_space<vmem>> -> memref<8x128xi32, #tpu.memory_space<vmem>>
        %dma_wait3A_113 = arith.constant 0 : i32
        %dma_wait3A_114 = tpu.memref_slice %arg4[%mul3A_6, %dma_wait3A_113] : memref<12544x128xi32, #tpu.memory_space<hbm>> -> memref<8x128xi32, #tpu.memory_space<hbm>>
        %dma_wait3A_115 = arith.constant 0 : i32
        %dma_wait3A_116 = arith.constant 0 : i32
        %dma_wait3A_117 = tpu.memref_slice %arg7[%dma_wait3A_115, %dma_wait3A_116] : memref<24x128xi32, #tpu.memory_space<vmem>> -> memref<8x128xi32, #tpu.memory_space<vmem>>
        %dma_wait3A_118 = arith.constant 0 : i32
        %dma_wait3A_119 = tpu.memref_slice %arg4[%mul3A_6, %dma_wait3A_118] : memref<12544x128xi32, #tpu.memory_space<hbm>> -> memref<8x128xi32, #tpu.memory_space<hbm>>
        tpu.wait_dma2 semaphore(%arg11 : memref<!tpu.dma_semaphore, #tpu.memory_space<semaphore_mem>>) src(%dma_wait3A_119 : memref<8x128xi32, #tpu.memory_space<hbm>>) dst(%dma_wait3A_117 : memref<8x128xi32, #tpu.memory_space<vmem>>)
      } else {
      }
    }
    %scan3A_11 = arith.constant 98 : i32
    %scan3A_12 = arith.constant 0 : i32
    %scan3A_13 = arith.constant 0 : i32
    %scan3A_14 = arith.constant 4 : i32
    %scan3A_15 = arith.addi %scan3A_13, %scan3A_14 : i32
    %scan3A_16 = arith.constant 1 : i32
    scf.for %scan3A_44 = %scan3A_13 to %scan3A_15 step %scan3A_16  : i32 {
      %dma_wait3A = arith.constant 0 : i32
      %dma_wait3A_45 = arith.constant 0 : i32
      %dma_wait3A_46 = tpu.memref_slice %arg8[%scan3A_44, %dma_wait3A, %dma_wait3A_45] : memref<8x128x16xf32, #tpu.memory_space<vmem>> -> memref<1x128x16xf32, #tpu.memory_space<vmem>>
      %dma_wait3A_47 = tpu.memref_squeeze %dma_wait3A_46 : memref<1x128x16xf32, #tpu.memory_space<vmem>> -> memref<128x16xf32, #tpu.memory_space<vmem>>
      %dma_wait3A_48 = arith.constant 0 : i32
      %dma_wait3A_49 = tpu.memref_slice %arg6[%scan3A_44, %dma_wait3A_48] : memref<24x128xi32, #tpu.memory_space<vmem>> -> memref<1x128xi32, #tpu.memory_space<vmem>>
      %dma_wait3A_50 = tpu.memref_squeeze %dma_wait3A_49 : memref<1x128xi32, #tpu.memory_space<vmem>> -> memref<128xi32, #tpu.memory_space<vmem>>
      %dma_wait3A_51 = arith.constant 0 : i32
      %dma_wait3A_52 = arith.constant 0 : i32
      %dma_wait3A_53 = tpu.memref_slice %arg2[%dma_wait3A_51, %dma_wait3A_52] : memref<200704x16xf32, #tpu.memory_space<hbm>> -> memref<200704x16xf32, #tpu.memory_space<hbm>>
      tpu.wait_indirect_dma semaphore(%arg10 : memref<!tpu.dma_semaphore, #tpu.memory_space<semaphore_mem>>) src(%dma_wait3A_53 : memref<200704x16xf32, #tpu.memory_space<hbm>>) dst(%dma_wait3A_47 : memref<128x16xf32, #tpu.memory_space<vmem>>)
    }
    %scan3A_17 = arith.constant 4 : i32
    %scan3A_18 = arith.constant 0 : i32
    %scan3A_19 = arith.constant 0 : i32
    %scan3A_20 = arith.constant 4 : i32
    %scan3A_21 = arith.addi %scan3A_19, %scan3A_20 : i32
    %scan3A_22 = arith.constant 1 : i32
    scf.for %scan3A_44 = %scan3A_19 to %scan3A_21 step %scan3A_22  : i32 {
      %add3A_45 = arith.constant 12 : i32
      %add3A_46 = arith.addi %add3A_45, %scan3A_44 : i32
      %add3A_47 = arith.constant 4 : i32
      %add3A_48 = arith.addi %add3A_47, %scan3A_44 : i32
      %dma_start3A = arith.constant 0 : i32
      %dma_start3A_49 = arith.constant 0 : i32
      %dma_start3A_50 = tpu.memref_slice %arg8[%add3A_48, %dma_start3A, %dma_start3A_49] : memref<8x128x16xf32, #tpu.memory_space<vmem>> -> memref<1x128x16xf32, #tpu.memory_space<vmem>>
      %dma_start3A_51 = tpu.memref_squeeze %dma_start3A_50 : memref<1x128x16xf32, #tpu.memory_space<vmem>> -> memref<128x16xf32, #tpu.memory_space<vmem>>
      %dma_start3A_52 = arith.constant 0 : i32
      %dma_start3A_53 = tpu.memref_slice %arg7[%add3A_46, %dma_start3A_52] : memref<24x128xi32, #tpu.memory_space<vmem>> -> memref<1x128xi32, #tpu.memory_space<vmem>>
      %dma_start3A_54 = tpu.memref_squeeze %dma_start3A_53 : memref<1x128xi32, #tpu.memory_space<vmem>> -> memref<128xi32, #tpu.memory_space<vmem>>
      %dma_start3A_55 = arith.constant 0 : i32
      %dma_start3A_56 = arith.constant 0 : i32
      %dma_start3A_57 = tpu.memref_slice %arg9[%dma_start3A_55, %dma_start3A_56] : memref<100352x16xf32, #tpu.memory_space<vmem_shared>> -> memref<100352x16xf32, #tpu.memory_space<vmem_shared>>
      tpu.enqueue_indirect_dma source(%dma_start3A_51 : memref<128x16xf32, #tpu.memory_space<vmem>>) target(%dma_start3A_57 : memref<100352x16xf32, #tpu.memory_space<vmem_shared>>) offsets(%dma_start3A_54 : memref<128xi32, #tpu.memory_space<vmem>>) semaphore(%arg12 : memref<!tpu.dma_semaphore, #tpu.memory_space<semaphore_mem>>) {add = true}
    }
    %scan3A_23 = arith.constant 4 : i32
    %scan3A_24 = arith.constant 0 : i32
    %scan3A_25 = arith.constant 0 : i32
    %scan3A_26 = arith.constant 4 : i32
    %scan3A_27 = arith.addi %scan3A_25, %scan3A_26 : i32
    %scan3A_28 = arith.constant 1 : i32
    scf.for %scan3A_44 = %scan3A_25 to %scan3A_27 step %scan3A_28  : i32 {
      %dma_wait3A = arith.constant 0 : i32
      %dma_wait3A_45 = arith.constant 0 : i32
      %dma_wait3A_46 = arith.constant 0 : i32
      %dma_wait3A_47 = tpu.memref_slice %arg8[%scan3A_44, %dma_wait3A_45, %dma_wait3A_46] : memref<8x128x16xf32, #tpu.memory_space<vmem>> -> memref<1x128x16xf32, #tpu.memory_space<vmem>>
      %dma_wait3A_48 = tpu.memref_squeeze %dma_wait3A_47 : memref<1x128x16xf32, #tpu.memory_space<vmem>> -> memref<128x16xf32, #tpu.memory_space<vmem>>
      %dma_wait3A_49 = arith.constant 0 : i32
      %dma_wait3A_50 = tpu.memref_slice %arg7[%dma_wait3A, %dma_wait3A_49] : memref<24x128xi32, #tpu.memory_space<vmem>> -> memref<1x128xi32, #tpu.memory_space<vmem>>
      %dma_wait3A_51 = tpu.memref_squeeze %dma_wait3A_50 : memref<1x128xi32, #tpu.memory_space<vmem>> -> memref<128xi32, #tpu.memory_space<vmem>>
      %dma_wait3A_52 = arith.constant 0 : i32
      %dma_wait3A_53 = arith.constant 0 : i32
      %dma_wait3A_54 = tpu.memref_slice %arg9[%dma_wait3A_52, %dma_wait3A_53] : memref<100352x16xf32, #tpu.memory_space<vmem_shared>> -> memref<100352x16xf32, #tpu.memory_space<vmem_shared>>
      tpu.wait_indirect_dma semaphore(%arg12 : memref<!tpu.dma_semaphore, #tpu.memory_space<semaphore_mem>>) src(%dma_wait3A_48 : memref<128x16xf32, #tpu.memory_space<vmem>>) dst(%dma_wait3A_54 : memref<100352x16xf32, #tpu.memory_space<vmem_shared>>)
    }
    %scan3A_29 = arith.constant 4 : i32
    %scan3A_30 = arith.constant 0 : i32
    %scan3A_31 = arith.constant 0 : i32
    %scan3A_32 = arith.constant 4 : i32
    %scan3A_33 = arith.addi %scan3A_31, %scan3A_32 : i32
    %scan3A_34 = arith.constant 1 : i32
    scf.for %scan3A_44 = %scan3A_31 to %scan3A_33 step %scan3A_34  : i32 {
      %dma_wait3A = arith.constant 0 : i32
      %dma_wait3A_45 = arith.constant 0 : i32
      %dma_wait3A_46 = arith.constant 0 : i32
      %dma_wait3A_47 = tpu.memref_slice %arg8[%scan3A_44, %dma_wait3A_45, %dma_wait3A_46] : memref<8x128x16xf32, #tpu.memory_space<vmem>> -> memref<1x128x16xf32, #tpu.memory_space<vmem>>
      %dma_wait3A_48 = tpu.memref_squeeze %dma_wait3A_47 : memref<1x128x16xf32, #tpu.memory_space<vmem>> -> memref<128x16xf32, #tpu.memory_space<vmem>>
      %dma_wait3A_49 = arith.constant 0 : i32
      %dma_wait3A_50 = tpu.memref_slice %arg7[%dma_wait3A, %dma_wait3A_49] : memref<24x128xi32, #tpu.memory_space<vmem>> -> memref<1x128xi32, #tpu.memory_space<vmem>>
      %dma_wait3A_51 = tpu.memref_squeeze %dma_wait3A_50 : memref<1x128xi32, #tpu.memory_space<vmem>> -> memref<128xi32, #tpu.memory_space<vmem>>
      %dma_wait3A_52 = arith.constant 0 : i32
      %dma_wait3A_53 = arith.constant 0 : i32
      %dma_wait3A_54 = tpu.memref_slice %arg9[%dma_wait3A_52, %dma_wait3A_53] : memref<100352x16xf32, #tpu.memory_space<vmem_shared>> -> memref<100352x16xf32, #tpu.memory_space<vmem_shared>>
      tpu.wait_indirect_dma semaphore(%arg12 : memref<!tpu.dma_semaphore, #tpu.memory_space<semaphore_mem>>) src(%dma_wait3A_48 : memref<128x16xf32, #tpu.memory_space<vmem>>) dst(%dma_wait3A_54 : memref<100352x16xf32, #tpu.memory_space<vmem_shared>>)
    }
    %scan3A_35 = arith.constant 4 : i32
    %barrier3A_36 = arith.constant 0 : index
    tpu.barrier barrier_id(%barrier3A_36)
    %mul3A_37 = arith.constant 6272 : i32
    %mul3A_38 = arith.muli %arg1, %mul3A_37 : i32
    %mul3A_39 = arith.constant 100352 : i32
    %mul3A_40 = arith.muli %arg0, %mul3A_39 : i32
    %mul3A_41 = arith.constant 6272 : i32
    %mul3A_42 = arith.muli %arg1, %mul3A_41 : i32
    %add3A_43 = arith.addi %mul3A_40, %mul3A_42 : i32
    "tpu.region"() ({
      %run_scoped3A = tpu.sem_alloc : memref<!tpu.dma_semaphore, #tpu.memory_space<semaphore_mem>>
      %dma_start3A = arith.constant 0 : i32
      %dma_start3A_44 = tpu.memref_slice %arg5[%add3A_43, %dma_start3A] : memref<200704x16xf32, #tpu.memory_space<hbm>> -> memref<6272x16xf32, #tpu.memory_space<hbm>>
      %dma_start3A_45 = arith.constant 0 : i32
      %dma_start3A_46 = tpu.memref_slice %arg9[%mul3A_38, %dma_start3A_45] : memref<100352x16xf32, #tpu.memory_space<vmem_shared>> -> memref<6272x16xf32, #tpu.memory_space<vmem_shared>>
      tpu.enqueue_dma source(%dma_start3A_46 : memref<6272x16xf32, #tpu.memory_space<vmem_shared>>) target(%dma_start3A_44 : memref<6272x16xf32, #tpu.memory_space<hbm>>) target_semaphore(%run_scoped3A : memref<!tpu.dma_semaphore, #tpu.memory_space<semaphore_mem>>)
      %dma_wait3A = arith.constant 0 : i32
      %dma_wait3A_47 = tpu.memref_slice %arg5[%add3A_43, %dma_wait3A] : memref<200704x16xf32, #tpu.memory_space<hbm>> -> memref<6272x16xf32, #tpu.memory_space<hbm>>
      %dma_wait3A_48 = arith.constant 0 : i32
      %dma_wait3A_49 = tpu.memref_slice %arg9[%mul3A_38, %dma_wait3A_48] : memref<100352x16xf32, #tpu.memory_space<vmem_shared>> -> memref<6272x16xf32, #tpu.memory_space<vmem_shared>>
      tpu.wait_dma2 semaphore(%run_scoped3A : memref<!tpu.dma_semaphore, #tpu.memory_space<semaphore_mem>>) src(%dma_wait3A_49 : memref<6272x16xf32, #tpu.memory_space<vmem_shared>>) dst(%dma_wait3A_47 : memref<6272x16xf32, #tpu.memory_space<hbm>>)
      tpu.yield
    }) : () -> ()
    return
  }
}

#map = affine_map<(d0, d1) -> (0, 0)>
#map1 = affine_map<(d0, d1) -> (0, 0, 0)>
module attributes {stable_mosaic.version = 14 : i64} {
  func.func @_sc_edge(%arg0: i32, %arg1: i32, %arg2: memref<200704x16xf32, #tpu.memory_space<hbm>>, %arg3: memref<2x12544x128xi32, #tpu.memory_space<hbm>>, %arg4: memref<12544x128xi32, #tpu.memory_space<hbm>>, %arg5: memref<200704x16xf32, #tpu.memory_space<hbm>>, %arg6: memref<24x128xi32, #tpu.memory_space<vmem>>, %arg7: memref<24x128xi32, #tpu.memory_space<vmem>>, %arg8: memref<8x128x16xf32, #tpu.memory_space<vmem>>, %arg9: memref<100352x16xf32, #tpu.memory_space<vmem_shared>>, %arg10: memref<!tpu.dma_semaphore, #tpu.memory_space<semaphore_mem>>, %arg11: memref<!tpu.dma_semaphore, #tpu.memory_space<semaphore_mem>>, %arg12: memref<!tpu.dma_semaphore, #tpu.memory_space<semaphore_mem>>) attributes {dimension_semantics = [#tpu.dimension_semantics<core_parallel>, #tpu.dimension_semantics<subcore_parallel>], iteration_bounds = array<i64: 2, 16>, scalar_prefetch = 0 : i64, scratch_operands = 7 : i64, tpu.core_type = #tpu.core_type<sc_vector_subcore>, window_params = [{transform_indices = #map}, {transform_indices = #map1}, {transform_indices = #map}, {transform_indices = #map}]} {
    %mul3A = arith.constant 100352 : i32
    %mul3A_0 = arith.muli %arg0, %mul3A : i32
    %mul3A_1 = arith.constant 6272 : i32
    %mul3A_2 = arith.muli %arg1, %mul3A_1 : i32
    %add3A = arith.addi %mul3A_0, %mul3A_2 : i32
    %mul3A_3 = arith.constant 6272 : i32
    %mul3A_4 = arith.muli %arg1, %mul3A_3 : i32
    "tpu.region"() ({
      %run_scoped3A = tpu.sem_alloc : memref<!tpu.dma_semaphore, #tpu.memory_space<semaphore_mem>>
      %dma_start3A = arith.constant 0 : i32
      %dma_start3A_44 = tpu.memref_slice %arg9[%mul3A_4, %dma_start3A] : memref<100352x16xf32, #tpu.memory_space<vmem_shared>> -> memref<6272x16xf32, #tpu.memory_space<vmem_shared>>
      %dma_start3A_45 = arith.constant 0 : i32
      %dma_start3A_46 = tpu.memref_slice %arg2[%add3A, %dma_start3A_45] : memref<200704x16xf32, #tpu.memory_space<hbm>> -> memref<6272x16xf32, #tpu.memory_space<hbm>>
      tpu.enqueue_dma source(%dma_start3A_46 : memref<6272x16xf32, #tpu.memory_space<hbm>>) target(%dma_start3A_44 : memref<6272x16xf32, #tpu.memory_space<vmem_shared>>) target_semaphore(%run_scoped3A : memref<!tpu.dma_semaphore, #tpu.memory_space<semaphore_mem>>)
      %dma_wait3A = arith.constant 0 : i32
      %dma_wait3A_47 = tpu.memref_slice %arg9[%mul3A_4, %dma_wait3A] : memref<100352x16xf32, #tpu.memory_space<vmem_shared>> -> memref<6272x16xf32, #tpu.memory_space<vmem_shared>>
      %dma_wait3A_48 = arith.constant 0 : i32
      %dma_wait3A_49 = tpu.memref_slice %arg2[%add3A, %dma_wait3A_48] : memref<200704x16xf32, #tpu.memory_space<hbm>> -> memref<6272x16xf32, #tpu.memory_space<hbm>>
      tpu.wait_dma2 semaphore(%run_scoped3A : memref<!tpu.dma_semaphore, #tpu.memory_space<semaphore_mem>>) src(%dma_wait3A_49 : memref<6272x16xf32, #tpu.memory_space<hbm>>) dst(%dma_wait3A_47 : memref<6272x16xf32, #tpu.memory_space<vmem_shared>>)
      tpu.yield
    }) : () -> ()
    %barrier3A = arith.constant 0 : index
    tpu.barrier barrier_id(%barrier3A)
    %mul3A_5 = arith.constant 784 : i32
    %mul3A_6 = arith.muli %arg1, %mul3A_5 : i32
    "tpu.region"() ({
      %run_scoped3A = tpu.sem_alloc : memref<!tpu.dma_semaphore, #tpu.memory_space<semaphore_mem>>
      %dma_start3A = arith.constant 0 : i32
      %dma_start3A_44 = arith.constant 0 : i32
      %dma_start3A_45 = tpu.memref_slice %arg6[%dma_start3A, %dma_start3A_44] : memref<24x128xi32, #tpu.memory_space<vmem>> -> memref<8x128xi32, #tpu.memory_space<vmem>>
      %dma_start3A_46 = arith.constant 0 : i32
      %dma_start3A_47 = tpu.memref_slice %arg3[%arg0, %mul3A_6, %dma_start3A_46] : memref<2x12544x128xi32, #tpu.memory_space<hbm>> -> memref<1x8x128xi32, #tpu.memory_space<hbm>>
      %dma_start3A_48 = tpu.memref_squeeze %dma_start3A_47 : memref<1x8x128xi32, #tpu.memory_space<hbm>> -> memref<8x128xi32, #tpu.memory_space<hbm>>
      %dma_start3A_49 = arith.constant 0 : i32
      %dma_start3A_50 = arith.constant 0 : i32
      %dma_start3A_51 = tpu.memref_slice %arg6[%dma_start3A_49, %dma_start3A_50] : memref<24x128xi32, #tpu.memory_space<vmem>> -> memref<8x128xi32, #tpu.memory_space<vmem>>
      %dma_start3A_52 = arith.constant 0 : i32
      %dma_start3A_53 = tpu.memref_slice %arg3[%arg0, %mul3A_6, %dma_start3A_52] : memref<2x12544x128xi32, #tpu.memory_space<hbm>> -> memref<1x8x128xi32, #tpu.memory_space<hbm>>
      %dma_start3A_54 = tpu.memref_squeeze %dma_start3A_53 : memref<1x8x128xi32, #tpu.memory_space<hbm>> -> memref<8x128xi32, #tpu.memory_space<hbm>>
      tpu.enqueue_dma source(%dma_start3A_54 : memref<8x128xi32, #tpu.memory_space<hbm>>) target(%dma_start3A_51 : memref<8x128xi32, #tpu.memory_space<vmem>>) target_semaphore(%run_scoped3A : memref<!tpu.dma_semaphore, #tpu.memory_space<semaphore_mem>>)
      %dma_wait3A = arith.constant 0 : i32
      %dma_wait3A_55 = arith.constant 0 : i32
      %dma_wait3A_56 = tpu.memref_slice %arg6[%dma_wait3A, %dma_wait3A_55] : memref<24x128xi32, #tpu.memory_space<vmem>> -> memref<8x128xi32, #tpu.memory_space<vmem>>
      %dma_wait3A_57 = arith.constant 0 : i32
      %dma_wait3A_58 = tpu.memref_slice %arg3[%arg0, %mul3A_6, %dma_wait3A_57] : memref<2x12544x128xi32, #tpu.memory_space<hbm>> -> memref<1x8x128xi32, #tpu.memory_space<hbm>>
      %dma_wait3A_59 = tpu.memref_squeeze %dma_wait3A_58 : memref<1x8x128xi32, #tpu.memory_space<hbm>> -> memref<8x128xi32, #tpu.memory_space<hbm>>
      %dma_wait3A_60 = arith.constant 0 : i32
      %dma_wait3A_61 = arith.constant 0 : i32
      %dma_wait3A_62 = tpu.memref_slice %arg6[%dma_wait3A_60, %dma_wait3A_61] : memref<24x128xi32, #tpu.memory_space<vmem>> -> memref<8x128xi32, #tpu.memory_space<vmem>>
      %dma_wait3A_63 = arith.constant 0 : i32
      %dma_wait3A_64 = tpu.memref_slice %arg3[%arg0, %mul3A_6, %dma_wait3A_63] : memref<2x12544x128xi32, #tpu.memory_space<hbm>> -> memref<1x8x128xi32, #tpu.memory_space<hbm>>
      %dma_wait3A_65 = tpu.memref_squeeze %dma_wait3A_64 : memref<1x8x128xi32, #tpu.memory_space<hbm>> -> memref<8x128xi32, #tpu.memory_space<hbm>>
      tpu.wait_dma2 semaphore(%run_scoped3A : memref<!tpu.dma_semaphore, #tpu.memory_space<semaphore_mem>>) src(%dma_wait3A_65 : memref<8x128xi32, #tpu.memory_space<hbm>>) dst(%dma_wait3A_62 : memref<8x128xi32, #tpu.memory_space<vmem>>)
      tpu.yield
    }) : () -> ()
    "tpu.region"() ({
      %run_scoped3A = tpu.sem_alloc : memref<!tpu.dma_semaphore, #tpu.memory_space<semaphore_mem>>
      %dma_start3A = arith.constant 0 : i32
      %dma_start3A_44 = arith.constant 0 : i32
      %dma_start3A_45 = tpu.memref_slice %arg7[%dma_start3A, %dma_start3A_44] : memref<24x128xi32, #tpu.memory_space<vmem>> -> memref<8x128xi32, #tpu.memory_space<vmem>>
      %dma_start3A_46 = arith.constant 0 : i32
      %dma_start3A_47 = tpu.memref_slice %arg4[%mul3A_6, %dma_start3A_46] : memref<12544x128xi32, #tpu.memory_space<hbm>> -> memref<8x128xi32, #tpu.memory_space<hbm>>
      %dma_start3A_48 = arith.constant 0 : i32
      %dma_start3A_49 = arith.constant 0 : i32
      %dma_start3A_50 = tpu.memref_slice %arg7[%dma_start3A_48, %dma_start3A_49] : memref<24x128xi32, #tpu.memory_space<vmem>> -> memref<8x128xi32, #tpu.memory_space<vmem>>
      %dma_start3A_51 = arith.constant 0 : i32
      %dma_start3A_52 = tpu.memref_slice %arg4[%mul3A_6, %dma_start3A_51] : memref<12544x128xi32, #tpu.memory_space<hbm>> -> memref<8x128xi32, #tpu.memory_space<hbm>>
      tpu.enqueue_dma source(%dma_start3A_52 : memref<8x128xi32, #tpu.memory_space<hbm>>) target(%dma_start3A_50 : memref<8x128xi32, #tpu.memory_space<vmem>>) target_semaphore(%run_scoped3A : memref<!tpu.dma_semaphore, #tpu.memory_space<semaphore_mem>>)
      %dma_wait3A = arith.constant 0 : i32
      %dma_wait3A_53 = arith.constant 0 : i32
      %dma_wait3A_54 = tpu.memref_slice %arg7[%dma_wait3A, %dma_wait3A_53] : memref<24x128xi32, #tpu.memory_space<vmem>> -> memref<8x128xi32, #tpu.memory_space<vmem>>
      %dma_wait3A_55 = arith.constant 0 : i32
      %dma_wait3A_56 = tpu.memref_slice %arg4[%mul3A_6, %dma_wait3A_55] : memref<12544x128xi32, #tpu.memory_space<hbm>> -> memref<8x128xi32, #tpu.memory_space<hbm>>
      %dma_wait3A_57 = arith.constant 0 : i32
      %dma_wait3A_58 = arith.constant 0 : i32
      %dma_wait3A_59 = tpu.memref_slice %arg7[%dma_wait3A_57, %dma_wait3A_58] : memref<24x128xi32, #tpu.memory_space<vmem>> -> memref<8x128xi32, #tpu.memory_space<vmem>>
      %dma_wait3A_60 = arith.constant 0 : i32
      %dma_wait3A_61 = tpu.memref_slice %arg4[%mul3A_6, %dma_wait3A_60] : memref<12544x128xi32, #tpu.memory_space<hbm>> -> memref<8x128xi32, #tpu.memory_space<hbm>>
      tpu.wait_dma2 semaphore(%run_scoped3A : memref<!tpu.dma_semaphore, #tpu.memory_space<semaphore_mem>>) src(%dma_wait3A_61 : memref<8x128xi32, #tpu.memory_space<hbm>>) dst(%dma_wait3A_59 : memref<8x128xi32, #tpu.memory_space<vmem>>)
      tpu.yield
    }) : () -> ()
    %scan3A = arith.constant 0 : i32
    %scan3A_7 = arith.constant 0 : i32
    %scan3A_8 = arith.constant 98 : i32
    %scan3A_9 = arith.addi %scan3A_7, %scan3A_8 : i32
    %scan3A_10 = arith.constant 1 : i32
    scf.for %scan3A_44 = %scan3A_7 to %scan3A_9 step %scan3A_10  : i32 {
      %rem3A = arith.constant 3 : i32
      %rem3A_45 = arith.remsi %scan3A_44, %rem3A : i32
      %add3A_46 = arith.constant 2 : i32
      %add3A_47 = arith.addi %scan3A_44, %add3A_46 : i32
      %rem3A_48 = arith.constant 3 : i32
      %rem3A_49 = arith.remsi %add3A_47, %rem3A_48 : i32
      %add3A_50 = arith.constant 1 : i32
      %add3A_51 = arith.addi %scan3A_44, %add3A_50 : i32
      %rem3A_52 = arith.constant 3 : i32
      %rem3A_53 = arith.remsi %add3A_51, %rem3A_52 : i32
      %gt3A = arith.constant 0 : i32
      %gt3A_54 = arith.cmpi sgt, %scan3A_44, %gt3A : i32
      %convert_element_type3A = arith.extui %gt3A_54 : i1 to i32
      %cond3A = arith.constant 0 : i32
      %cond3A_55 = arith.cmpi ne, %convert_element_type3A, %cond3A : i32
      scf.if %cond3A_55 {
        %scan3A_99 = arith.constant 0 : i32
        %scan3A_100 = arith.constant 0 : i32
        %scan3A_101 = arith.constant 4 : i32
        %scan3A_102 = arith.addi %scan3A_100, %scan3A_101 : i32
        %scan3A_103 = arith.constant 1 : i32
        scf.for %scan3A_105 = %scan3A_100 to %scan3A_102 step %scan3A_103  : i32 {
          %dma_wait3A = arith.constant 0 : i32
          %dma_wait3A_106 = arith.constant 0 : i32
          %dma_wait3A_107 = arith.constant 0 : i32
          %dma_wait3A_108 = tpu.memref_slice %arg8[%scan3A_105, %dma_wait3A_106, %dma_wait3A_107] : memref<8x128x16xf32, #tpu.memory_space<vmem>> -> memref<1x128x16xf32, #tpu.memory_space<vmem>>
          %dma_wait3A_109 = tpu.memref_squeeze %dma_wait3A_108 : memref<1x128x16xf32, #tpu.memory_space<vmem>> -> memref<128x16xf32, #tpu.memory_space<vmem>>
          %dma_wait3A_110 = arith.constant 0 : i32
          %dma_wait3A_111 = tpu.memref_slice %arg7[%dma_wait3A, %dma_wait3A_110] : memref<24x128xi32, #tpu.memory_space<vmem>> -> memref<1x128xi32, #tpu.memory_space<vmem>>
          %dma_wait3A_112 = tpu.memref_squeeze %dma_wait3A_111 : memref<1x128xi32, #tpu.memory_space<vmem>> -> memref<128xi32, #tpu.memory_space<vmem>>
          %dma_wait3A_113 = arith.constant 0 : i32
          %dma_wait3A_114 = arith.constant 0 : i32
          %dma_wait3A_115 = tpu.memref_slice %arg9[%dma_wait3A_113, %dma_wait3A_114] : memref<100352x16xf32, #tpu.memory_space<vmem_shared>> -> memref<100352x16xf32, #tpu.memory_space<vmem_shared>>
          tpu.wait_indirect_dma semaphore(%arg12 : memref<!tpu.dma_semaphore, #tpu.memory_space<semaphore_mem>>) src(%dma_wait3A_109 : memref<128x16xf32, #tpu.memory_space<vmem>>) dst(%dma_wait3A_115 : memref<100352x16xf32, #tpu.memory_space<vmem_shared>>)
        }
        %scan3A_104 = arith.constant 4 : i32
      } else {
      }
      %scan3A_56 = arith.constant 0 : i32
      %scan3A_57 = arith.constant 0 : i32
      %scan3A_58 = arith.constant 4 : i32
      %scan3A_59 = arith.addi %scan3A_57, %scan3A_58 : i32
      %scan3A_60 = arith.constant 1 : i32
      scf.for %scan3A_99 = %scan3A_57 to %scan3A_59 step %scan3A_60  : i32 {
        %mul3A_100 = arith.constant 8 : i32
        %mul3A_101 = arith.muli %rem3A_45, %mul3A_100 : i32
        %add3A_102 = arith.constant 0 : i32
        %add3A_103 = arith.addi %mul3A_101, %add3A_102 : i32
        %add3A_104 = arith.addi %add3A_103, %scan3A_99 : i32
        %add3A_105 = arith.constant 0 : i32
        %add3A_106 = arith.addi %add3A_105, %scan3A_99 : i32
        %dma_start3A = arith.constant 0 : i32
        %dma_start3A_107 = arith.constant 0 : i32
        %dma_start3A_108 = tpu.memref_slice %arg8[%add3A_106, %dma_start3A, %dma_start3A_107] : memref<8x128x16xf32, #tpu.memory_space<vmem>> -> memref<1x128x16xf32, #tpu.memory_space<vmem>>
        %dma_start3A_109 = tpu.memref_squeeze %dma_start3A_108 : memref<1x128x16xf32, #tpu.memory_space<vmem>> -> memref<128x16xf32, #tpu.memory_space<vmem>>
        %dma_start3A_110 = arith.constant 0 : i32
        %dma_start3A_111 = tpu.memref_slice %arg6[%add3A_104, %dma_start3A_110] : memref<24x128xi32, #tpu.memory_space<vmem>> -> memref<1x128xi32, #tpu.memory_space<vmem>>
        %dma_start3A_112 = tpu.memref_squeeze %dma_start3A_111 : memref<1x128xi32, #tpu.memory_space<vmem>> -> memref<128xi32, #tpu.memory_space<vmem>>
        %dma_start3A_113 = arith.constant 0 : i32
        %dma_start3A_114 = arith.constant 0 : i32
        %dma_start3A_115 = tpu.memref_slice %arg2[%dma_start3A_113, %dma_start3A_114] : memref<200704x16xf32, #tpu.memory_space<hbm>> -> memref<200704x16xf32, #tpu.memory_space<hbm>>
        tpu.enqueue_indirect_dma source(%dma_start3A_115 : memref<200704x16xf32, #tpu.memory_space<hbm>>) target(%dma_start3A_109 : memref<128x16xf32, #tpu.memory_space<vmem>>) offsets(%dma_start3A_112 : memref<128xi32, #tpu.memory_space<vmem>>) semaphore(%arg10 : memref<!tpu.dma_semaphore, #tpu.memory_space<semaphore_mem>>)
      }
      %scan3A_61 = arith.constant 4 : i32
      %gt3A_62 = arith.constant 0 : i32
      %gt3A_63 = arith.cmpi sgt, %scan3A_44, %gt3A_62 : i32
      %convert_element_type3A_64 = arith.extui %gt3A_63 : i1 to i32
      %cond3A_65 = arith.constant 0 : i32
      %cond3A_66 = arith.cmpi ne, %convert_element_type3A_64, %cond3A_65 : i32
      scf.if %cond3A_66 {
        %scan3A_99 = arith.constant 0 : i32
        %scan3A_100 = arith.constant 0 : i32
        %scan3A_101 = arith.constant 4 : i32
        %scan3A_102 = arith.addi %scan3A_100, %scan3A_101 : i32
        %scan3A_103 = arith.constant 1 : i32
        scf.for %scan3A_111 = %scan3A_100 to %scan3A_102 step %scan3A_103  : i32 {
          %dma_wait3A = arith.constant 0 : i32
          %dma_wait3A_112 = arith.constant 0 : i32
          %dma_wait3A_113 = tpu.memref_slice %arg8[%scan3A_111, %dma_wait3A, %dma_wait3A_112] : memref<8x128x16xf32, #tpu.memory_space<vmem>> -> memref<1x128x16xf32, #tpu.memory_space<vmem>>
          %dma_wait3A_114 = tpu.memref_squeeze %dma_wait3A_113 : memref<1x128x16xf32, #tpu.memory_space<vmem>> -> memref<128x16xf32, #tpu.memory_space<vmem>>
          %dma_wait3A_115 = arith.constant 0 : i32
          %dma_wait3A_116 = tpu.memref_slice %arg6[%scan3A_111, %dma_wait3A_115] : memref<24x128xi32, #tpu.memory_space<vmem>> -> memref<1x128xi32, #tpu.memory_space<vmem>>
          %dma_wait3A_117 = tpu.memref_squeeze %dma_wait3A_116 : memref<1x128xi32, #tpu.memory_space<vmem>> -> memref<128xi32, #tpu.memory_space<vmem>>
          %dma_wait3A_118 = arith.constant 0 : i32
          %dma_wait3A_119 = arith.constant 0 : i32
          %dma_wait3A_120 = tpu.memref_slice %arg2[%dma_wait3A_118, %dma_wait3A_119] : memref<200704x16xf32, #tpu.memory_space<hbm>> -> memref<200704x16xf32, #tpu.memory_space<hbm>>
          tpu.wait_indirect_dma semaphore(%arg10 : memref<!tpu.dma_semaphore, #tpu.memory_space<semaphore_mem>>) src(%dma_wait3A_120 : memref<200704x16xf32, #tpu.memory_space<hbm>>) dst(%dma_wait3A_114 : memref<128x16xf32, #tpu.memory_space<vmem>>)
        }
        %scan3A_104 = arith.constant 4 : i32
        %scan3A_105 = arith.constant 0 : i32
        %scan3A_106 = arith.constant 0 : i32
        %scan3A_107 = arith.constant 4 : i32
        %scan3A_108 = arith.addi %scan3A_106, %scan3A_107 : i32
        %scan3A_109 = arith.constant 1 : i32
        scf.for %scan3A_111 = %scan3A_106 to %scan3A_108 step %scan3A_109  : i32 {
          %mul3A_112 = arith.constant 8 : i32
          %mul3A_113 = arith.muli %rem3A_49, %mul3A_112 : i32
          %add3A_114 = arith.constant 4 : i32
          %add3A_115 = arith.addi %mul3A_113, %add3A_114 : i32
          %add3A_116 = arith.addi %add3A_115, %scan3A_111 : i32
          %add3A_117 = arith.constant 4 : i32
          %add3A_118 = arith.addi %add3A_117, %scan3A_111 : i32
          %dma_start3A = arith.constant 0 : i32
          %dma_start3A_119 = arith.constant 0 : i32
          %dma_start3A_120 = tpu.memref_slice %arg8[%add3A_118, %dma_start3A, %dma_start3A_119] : memref<8x128x16xf32, #tpu.memory_space<vmem>> -> memref<1x128x16xf32, #tpu.memory_space<vmem>>
          %dma_start3A_121 = tpu.memref_squeeze %dma_start3A_120 : memref<1x128x16xf32, #tpu.memory_space<vmem>> -> memref<128x16xf32, #tpu.memory_space<vmem>>
          %dma_start3A_122 = arith.constant 0 : i32
          %dma_start3A_123 = tpu.memref_slice %arg7[%add3A_116, %dma_start3A_122] : memref<24x128xi32, #tpu.memory_space<vmem>> -> memref<1x128xi32, #tpu.memory_space<vmem>>
          %dma_start3A_124 = tpu.memref_squeeze %dma_start3A_123 : memref<1x128xi32, #tpu.memory_space<vmem>> -> memref<128xi32, #tpu.memory_space<vmem>>
          %dma_start3A_125 = arith.constant 0 : i32
          %dma_start3A_126 = arith.constant 0 : i32
          %dma_start3A_127 = tpu.memref_slice %arg9[%dma_start3A_125, %dma_start3A_126] : memref<100352x16xf32, #tpu.memory_space<vmem_shared>> -> memref<100352x16xf32, #tpu.memory_space<vmem_shared>>
          tpu.enqueue_indirect_dma source(%dma_start3A_121 : memref<128x16xf32, #tpu.memory_space<vmem>>) target(%dma_start3A_127 : memref<100352x16xf32, #tpu.memory_space<vmem_shared>>) offsets(%dma_start3A_124 : memref<128xi32, #tpu.memory_space<vmem>>) semaphore(%arg12 : memref<!tpu.dma_semaphore, #tpu.memory_space<semaphore_mem>>) {add = true}
        }
        %scan3A_110 = arith.constant 4 : i32
      } else {
      }
      %lt3A = arith.constant 97 : i32
      %lt3A_67 = arith.cmpi slt, %scan3A_44, %lt3A : i32
      %convert_element_type3A_68 = arith.extui %lt3A_67 : i1 to i32
      %cond3A_69 = arith.constant 0 : i32
      %cond3A_70 = arith.cmpi ne, %convert_element_type3A_68, %cond3A_69 : i32
      scf.if %cond3A_70 {
        %add3A_99 = arith.constant 1 : i32
        %add3A_100 = arith.addi %scan3A_44, %add3A_99 : i32
        %mul3A_101 = arith.constant 8 : i32
        %mul3A_102 = arith.muli %add3A_100, %mul3A_101 : i32
        %add3A_103 = arith.addi %mul3A_6, %mul3A_102 : i32
        %mul3A_104 = arith.constant 8 : i32
        %mul3A_105 = arith.muli %rem3A_53, %mul3A_104 : i32
        %dma_start3A = arith.constant 0 : i32
        %dma_start3A_106 = tpu.memref_slice %arg6[%mul3A_105, %dma_start3A] : memref<24x128xi32, #tpu.memory_space<vmem>> -> memref<8x128xi32, #tpu.memory_space<vmem>>
        %dma_start3A_107 = arith.constant 0 : i32
        %dma_start3A_108 = tpu.memref_slice %arg3[%arg0, %add3A_103, %dma_start3A_107] : memref<2x12544x128xi32, #tpu.memory_space<hbm>> -> memref<1x8x128xi32, #tpu.memory_space<hbm>>
        %dma_start3A_109 = tpu.memref_squeeze %dma_start3A_108 : memref<1x8x128xi32, #tpu.memory_space<hbm>> -> memref<8x128xi32, #tpu.memory_space<hbm>>
        %dma_start3A_110 = arith.constant 0 : i32
        %dma_start3A_111 = tpu.memref_slice %arg6[%mul3A_105, %dma_start3A_110] : memref<24x128xi32, #tpu.memory_space<vmem>> -> memref<8x128xi32, #tpu.memory_space<vmem>>
        %dma_start3A_112 = arith.constant 0 : i32
        %dma_start3A_113 = tpu.memref_slice %arg3[%arg0, %add3A_103, %dma_start3A_112] : memref<2x12544x128xi32, #tpu.memory_space<hbm>> -> memref<1x8x128xi32, #tpu.memory_space<hbm>>
        %dma_start3A_114 = tpu.memref_squeeze %dma_start3A_113 : memref<1x8x128xi32, #tpu.memory_space<hbm>> -> memref<8x128xi32, #tpu.memory_space<hbm>>
        tpu.enqueue_dma source(%dma_start3A_114 : memref<8x128xi32, #tpu.memory_space<hbm>>) target(%dma_start3A_111 : memref<8x128xi32, #tpu.memory_space<vmem>>) target_semaphore(%arg11 : memref<!tpu.dma_semaphore, #tpu.memory_space<semaphore_mem>>)
        %mul3A_115 = arith.constant 8 : i32
        %mul3A_116 = arith.muli %rem3A_53, %mul3A_115 : i32
        %dma_start3A_117 = arith.constant 0 : i32
        %dma_start3A_118 = tpu.memref_slice %arg7[%mul3A_116, %dma_start3A_117] : memref<24x128xi32, #tpu.memory_space<vmem>> -> memref<8x128xi32, #tpu.memory_space<vmem>>
        %dma_start3A_119 = arith.constant 0 : i32
        %dma_start3A_120 = tpu.memref_slice %arg4[%add3A_103, %dma_start3A_119] : memref<12544x128xi32, #tpu.memory_space<hbm>> -> memref<8x128xi32, #tpu.memory_space<hbm>>
        %dma_start3A_121 = arith.constant 0 : i32
        %dma_start3A_122 = tpu.memref_slice %arg7[%mul3A_116, %dma_start3A_121] : memref<24x128xi32, #tpu.memory_space<vmem>> -> memref<8x128xi32, #tpu.memory_space<vmem>>
        %dma_start3A_123 = arith.constant 0 : i32
        %dma_start3A_124 = tpu.memref_slice %arg4[%add3A_103, %dma_start3A_123] : memref<12544x128xi32, #tpu.memory_space<hbm>> -> memref<8x128xi32, #tpu.memory_space<hbm>>
        tpu.enqueue_dma source(%dma_start3A_124 : memref<8x128xi32, #tpu.memory_space<hbm>>) target(%dma_start3A_122 : memref<8x128xi32, #tpu.memory_space<vmem>>) target_semaphore(%arg11 : memref<!tpu.dma_semaphore, #tpu.memory_space<semaphore_mem>>)
      } else {
      }
      %gt3A_71 = arith.constant 0 : i32
      %gt3A_72 = arith.cmpi sgt, %scan3A_44, %gt3A_71 : i32
      %convert_element_type3A_73 = arith.extui %gt3A_72 : i1 to i32
      %cond3A_74 = arith.constant 0 : i32
      %cond3A_75 = arith.cmpi ne, %convert_element_type3A_73, %cond3A_74 : i32
      scf.if %cond3A_75 {
        %scan3A_99 = arith.constant 0 : i32
        %scan3A_100 = arith.constant 0 : i32
        %scan3A_101 = arith.constant 4 : i32
        %scan3A_102 = arith.addi %scan3A_100, %scan3A_101 : i32
        %scan3A_103 = arith.constant 1 : i32
        scf.for %scan3A_105 = %scan3A_100 to %scan3A_102 step %scan3A_103  : i32 {
          %dma_wait3A = arith.constant 0 : i32
          %dma_wait3A_106 = arith.constant 0 : i32
          %dma_wait3A_107 = arith.constant 0 : i32
          %dma_wait3A_108 = tpu.memref_slice %arg8[%scan3A_105, %dma_wait3A_106, %dma_wait3A_107] : memref<8x128x16xf32, #tpu.memory_space<vmem>> -> memref<1x128x16xf32, #tpu.memory_space<vmem>>
          %dma_wait3A_109 = tpu.memref_squeeze %dma_wait3A_108 : memref<1x128x16xf32, #tpu.memory_space<vmem>> -> memref<128x16xf32, #tpu.memory_space<vmem>>
          %dma_wait3A_110 = arith.constant 0 : i32
          %dma_wait3A_111 = tpu.memref_slice %arg7[%dma_wait3A, %dma_wait3A_110] : memref<24x128xi32, #tpu.memory_space<vmem>> -> memref<1x128xi32, #tpu.memory_space<vmem>>
          %dma_wait3A_112 = tpu.memref_squeeze %dma_wait3A_111 : memref<1x128xi32, #tpu.memory_space<vmem>> -> memref<128xi32, #tpu.memory_space<vmem>>
          %dma_wait3A_113 = arith.constant 0 : i32
          %dma_wait3A_114 = arith.constant 0 : i32
          %dma_wait3A_115 = tpu.memref_slice %arg9[%dma_wait3A_113, %dma_wait3A_114] : memref<100352x16xf32, #tpu.memory_space<vmem_shared>> -> memref<100352x16xf32, #tpu.memory_space<vmem_shared>>
          tpu.wait_indirect_dma semaphore(%arg12 : memref<!tpu.dma_semaphore, #tpu.memory_space<semaphore_mem>>) src(%dma_wait3A_109 : memref<128x16xf32, #tpu.memory_space<vmem>>) dst(%dma_wait3A_115 : memref<100352x16xf32, #tpu.memory_space<vmem_shared>>)
        }
        %scan3A_104 = arith.constant 4 : i32
      } else {
      }
      %scan3A_76 = arith.constant 0 : i32
      %scan3A_77 = arith.constant 0 : i32
      %scan3A_78 = arith.constant 4 : i32
      %scan3A_79 = arith.addi %scan3A_77, %scan3A_78 : i32
      %scan3A_80 = arith.constant 1 : i32
      scf.for %scan3A_99 = %scan3A_77 to %scan3A_79 step %scan3A_80  : i32 {
        %mul3A_100 = arith.constant 8 : i32
        %mul3A_101 = arith.muli %rem3A_45, %mul3A_100 : i32
        %add3A_102 = arith.constant 4 : i32
        %add3A_103 = arith.addi %mul3A_101, %add3A_102 : i32
        %add3A_104 = arith.addi %add3A_103, %scan3A_99 : i32
        %add3A_105 = arith.constant 4 : i32
        %add3A_106 = arith.addi %add3A_105, %scan3A_99 : i32
        %dma_start3A = arith.constant 0 : i32
        %dma_start3A_107 = arith.constant 0 : i32
        %dma_start3A_108 = tpu.memref_slice %arg8[%add3A_106, %dma_start3A, %dma_start3A_107] : memref<8x128x16xf32, #tpu.memory_space<vmem>> -> memref<1x128x16xf32, #tpu.memory_space<vmem>>
        %dma_start3A_109 = tpu.memref_squeeze %dma_start3A_108 : memref<1x128x16xf32, #tpu.memory_space<vmem>> -> memref<128x16xf32, #tpu.memory_space<vmem>>
        %dma_start3A_110 = arith.constant 0 : i32
        %dma_start3A_111 = tpu.memref_slice %arg6[%add3A_104, %dma_start3A_110] : memref<24x128xi32, #tpu.memory_space<vmem>> -> memref<1x128xi32, #tpu.memory_space<vmem>>
        %dma_start3A_112 = tpu.memref_squeeze %dma_start3A_111 : memref<1x128xi32, #tpu.memory_space<vmem>> -> memref<128xi32, #tpu.memory_space<vmem>>
        %dma_start3A_113 = arith.constant 0 : i32
        %dma_start3A_114 = arith.constant 0 : i32
        %dma_start3A_115 = tpu.memref_slice %arg2[%dma_start3A_113, %dma_start3A_114] : memref<200704x16xf32, #tpu.memory_space<hbm>> -> memref<200704x16xf32, #tpu.memory_space<hbm>>
        tpu.enqueue_indirect_dma source(%dma_start3A_115 : memref<200704x16xf32, #tpu.memory_space<hbm>>) target(%dma_start3A_109 : memref<128x16xf32, #tpu.memory_space<vmem>>) offsets(%dma_start3A_112 : memref<128xi32, #tpu.memory_space<vmem>>) semaphore(%arg10 : memref<!tpu.dma_semaphore, #tpu.memory_space<semaphore_mem>>)
      }
      %scan3A_81 = arith.constant 4 : i32
      %scan3A_82 = arith.constant 0 : i32
      %scan3A_83 = arith.constant 0 : i32
      %scan3A_84 = arith.constant 4 : i32
      %scan3A_85 = arith.addi %scan3A_83, %scan3A_84 : i32
      %scan3A_86 = arith.constant 1 : i32
      scf.for %scan3A_99 = %scan3A_83 to %scan3A_85 step %scan3A_86  : i32 {
        %dma_wait3A = arith.constant 0 : i32
        %dma_wait3A_100 = arith.constant 0 : i32
        %dma_wait3A_101 = tpu.memref_slice %arg8[%scan3A_99, %dma_wait3A, %dma_wait3A_100] : memref<8x128x16xf32, #tpu.memory_space<vmem>> -> memref<1x128x16xf32, #tpu.memory_space<vmem>>
        %dma_wait3A_102 = tpu.memref_squeeze %dma_wait3A_101 : memref<1x128x16xf32, #tpu.memory_space<vmem>> -> memref<128x16xf32, #tpu.memory_space<vmem>>
        %dma_wait3A_103 = arith.constant 0 : i32
        %dma_wait3A_104 = tpu.memref_slice %arg6[%scan3A_99, %dma_wait3A_103] : memref<24x128xi32, #tpu.memory_space<vmem>> -> memref<1x128xi32, #tpu.memory_space<vmem>>
        %dma_wait3A_105 = tpu.memref_squeeze %dma_wait3A_104 : memref<1x128xi32, #tpu.memory_space<vmem>> -> memref<128xi32, #tpu.memory_space<vmem>>
        %dma_wait3A_106 = arith.constant 0 : i32
        %dma_wait3A_107 = arith.constant 0 : i32
        %dma_wait3A_108 = tpu.memref_slice %arg2[%dma_wait3A_106, %dma_wait3A_107] : memref<200704x16xf32, #tpu.memory_space<hbm>> -> memref<200704x16xf32, #tpu.memory_space<hbm>>
        tpu.wait_indirect_dma semaphore(%arg10 : memref<!tpu.dma_semaphore, #tpu.memory_space<semaphore_mem>>) src(%dma_wait3A_108 : memref<200704x16xf32, #tpu.memory_space<hbm>>) dst(%dma_wait3A_102 : memref<128x16xf32, #tpu.memory_space<vmem>>)
      }
      %scan3A_87 = arith.constant 4 : i32
      %scan3A_88 = arith.constant 0 : i32
      %scan3A_89 = arith.constant 0 : i32
      %scan3A_90 = arith.constant 4 : i32
      %scan3A_91 = arith.addi %scan3A_89, %scan3A_90 : i32
      %scan3A_92 = arith.constant 1 : i32
      scf.for %scan3A_99 = %scan3A_89 to %scan3A_91 step %scan3A_92  : i32 {
        %mul3A_100 = arith.constant 8 : i32
        %mul3A_101 = arith.muli %rem3A_45, %mul3A_100 : i32
        %add3A_102 = arith.constant 0 : i32
        %add3A_103 = arith.addi %mul3A_101, %add3A_102 : i32
        %add3A_104 = arith.addi %add3A_103, %scan3A_99 : i32
        %add3A_105 = arith.constant 0 : i32
        %add3A_106 = arith.addi %add3A_105, %scan3A_99 : i32
        %dma_start3A = arith.constant 0 : i32
        %dma_start3A_107 = arith.constant 0 : i32
        %dma_start3A_108 = tpu.memref_slice %arg8[%add3A_106, %dma_start3A, %dma_start3A_107] : memref<8x128x16xf32, #tpu.memory_space<vmem>> -> memref<1x128x16xf32, #tpu.memory_space<vmem>>
        %dma_start3A_109 = tpu.memref_squeeze %dma_start3A_108 : memref<1x128x16xf32, #tpu.memory_space<vmem>> -> memref<128x16xf32, #tpu.memory_space<vmem>>
        %dma_start3A_110 = arith.constant 0 : i32
        %dma_start3A_111 = tpu.memref_slice %arg7[%add3A_104, %dma_start3A_110] : memref<24x128xi32, #tpu.memory_space<vmem>> -> memref<1x128xi32, #tpu.memory_space<vmem>>
        %dma_start3A_112 = tpu.memref_squeeze %dma_start3A_111 : memref<1x128xi32, #tpu.memory_space<vmem>> -> memref<128xi32, #tpu.memory_space<vmem>>
        %dma_start3A_113 = arith.constant 0 : i32
        %dma_start3A_114 = arith.constant 0 : i32
        %dma_start3A_115 = tpu.memref_slice %arg9[%dma_start3A_113, %dma_start3A_114] : memref<100352x16xf32, #tpu.memory_space<vmem_shared>> -> memref<100352x16xf32, #tpu.memory_space<vmem_shared>>
        tpu.enqueue_indirect_dma source(%dma_start3A_109 : memref<128x16xf32, #tpu.memory_space<vmem>>) target(%dma_start3A_115 : memref<100352x16xf32, #tpu.memory_space<vmem_shared>>) offsets(%dma_start3A_112 : memref<128xi32, #tpu.memory_space<vmem>>) semaphore(%arg12 : memref<!tpu.dma_semaphore, #tpu.memory_space<semaphore_mem>>) {add = true}
      }
      %scan3A_93 = arith.constant 4 : i32
      %lt3A_94 = arith.constant 97 : i32
      %lt3A_95 = arith.cmpi slt, %scan3A_44, %lt3A_94 : i32
      %convert_element_type3A_96 = arith.extui %lt3A_95 : i1 to i32
      %cond3A_97 = arith.constant 0 : i32
      %cond3A_98 = arith.cmpi ne, %convert_element_type3A_96, %cond3A_97 : i32
      scf.if %cond3A_98 {
        %dma_wait3A = arith.constant 0 : i32
        %dma_wait3A_99 = arith.constant 0 : i32
        %dma_wait3A_100 = tpu.memref_slice %arg6[%dma_wait3A, %dma_wait3A_99] : memref<24x128xi32, #tpu.memory_space<vmem>> -> memref<8x128xi32, #tpu.memory_space<vmem>>
        %dma_wait3A_101 = arith.constant 0 : i32
        %dma_wait3A_102 = tpu.memref_slice %arg3[%arg0, %mul3A_6, %dma_wait3A_101] : memref<2x12544x128xi32, #tpu.memory_space<hbm>> -> memref<1x8x128xi32, #tpu.memory_space<hbm>>
        %dma_wait3A_103 = tpu.memref_squeeze %dma_wait3A_102 : memref<1x8x128xi32, #tpu.memory_space<hbm>> -> memref<8x128xi32, #tpu.memory_space<hbm>>
        %dma_wait3A_104 = arith.constant 0 : i32
        %dma_wait3A_105 = arith.constant 0 : i32
        %dma_wait3A_106 = tpu.memref_slice %arg6[%dma_wait3A_104, %dma_wait3A_105] : memref<24x128xi32, #tpu.memory_space<vmem>> -> memref<8x128xi32, #tpu.memory_space<vmem>>
        %dma_wait3A_107 = arith.constant 0 : i32
        %dma_wait3A_108 = tpu.memref_slice %arg3[%arg0, %mul3A_6, %dma_wait3A_107] : memref<2x12544x128xi32, #tpu.memory_space<hbm>> -> memref<1x8x128xi32, #tpu.memory_space<hbm>>
        %dma_wait3A_109 = tpu.memref_squeeze %dma_wait3A_108 : memref<1x8x128xi32, #tpu.memory_space<hbm>> -> memref<8x128xi32, #tpu.memory_space<hbm>>
        tpu.wait_dma2 semaphore(%arg11 : memref<!tpu.dma_semaphore, #tpu.memory_space<semaphore_mem>>) src(%dma_wait3A_109 : memref<8x128xi32, #tpu.memory_space<hbm>>) dst(%dma_wait3A_106 : memref<8x128xi32, #tpu.memory_space<vmem>>)
        %dma_wait3A_110 = arith.constant 0 : i32
        %dma_wait3A_111 = arith.constant 0 : i32
        %dma_wait3A_112 = tpu.memref_slice %arg7[%dma_wait3A_110, %dma_wait3A_111] : memref<24x128xi32, #tpu.memory_space<vmem>> -> memref<8x128xi32, #tpu.memory_space<vmem>>
        %dma_wait3A_113 = arith.constant 0 : i32
        %dma_wait3A_114 = tpu.memref_slice %arg4[%mul3A_6, %dma_wait3A_113] : memref<12544x128xi32, #tpu.memory_space<hbm>> -> memref<8x128xi32, #tpu.memory_space<hbm>>
        %dma_wait3A_115 = arith.constant 0 : i32
        %dma_wait3A_116 = arith.constant 0 : i32
        %dma_wait3A_117 = tpu.memref_slice %arg7[%dma_wait3A_115, %dma_wait3A_116] : memref<24x128xi32, #tpu.memory_space<vmem>> -> memref<8x128xi32, #tpu.memory_space<vmem>>
        %dma_wait3A_118 = arith.constant 0 : i32
        %dma_wait3A_119 = tpu.memref_slice %arg4[%mul3A_6, %dma_wait3A_118] : memref<12544x128xi32, #tpu.memory_space<hbm>> -> memref<8x128xi32, #tpu.memory_space<hbm>>
        tpu.wait_dma2 semaphore(%arg11 : memref<!tpu.dma_semaphore, #tpu.memory_space<semaphore_mem>>) src(%dma_wait3A_119 : memref<8x128xi32, #tpu.memory_space<hbm>>) dst(%dma_wait3A_117 : memref<8x128xi32, #tpu.memory_space<vmem>>)
      } else {
      }
    }
    %scan3A_11 = arith.constant 98 : i32
    %scan3A_12 = arith.constant 0 : i32
    %scan3A_13 = arith.constant 0 : i32
    %scan3A_14 = arith.constant 4 : i32
    %scan3A_15 = arith.addi %scan3A_13, %scan3A_14 : i32
    %scan3A_16 = arith.constant 1 : i32
    scf.for %scan3A_44 = %scan3A_13 to %scan3A_15 step %scan3A_16  : i32 {
      %dma_wait3A = arith.constant 0 : i32
      %dma_wait3A_45 = arith.constant 0 : i32
      %dma_wait3A_46 = tpu.memref_slice %arg8[%scan3A_44, %dma_wait3A, %dma_wait3A_45] : memref<8x128x16xf32, #tpu.memory_space<vmem>> -> memref<1x128x16xf32, #tpu.memory_space<vmem>>
      %dma_wait3A_47 = tpu.memref_squeeze %dma_wait3A_46 : memref<1x128x16xf32, #tpu.memory_space<vmem>> -> memref<128x16xf32, #tpu.memory_space<vmem>>
      %dma_wait3A_48 = arith.constant 0 : i32
      %dma_wait3A_49 = tpu.memref_slice %arg6[%scan3A_44, %dma_wait3A_48] : memref<24x128xi32, #tpu.memory_space<vmem>> -> memref<1x128xi32, #tpu.memory_space<vmem>>
      %dma_wait3A_50 = tpu.memref_squeeze %dma_wait3A_49 : memref<1x128xi32, #tpu.memory_space<vmem>> -> memref<128xi32, #tpu.memory_space<vmem>>
      %dma_wait3A_51 = arith.constant 0 : i32
      %dma_wait3A_52 = arith.constant 0 : i32
      %dma_wait3A_53 = tpu.memref_slice %arg2[%dma_wait3A_51, %dma_wait3A_52] : memref<200704x16xf32, #tpu.memory_space<hbm>> -> memref<200704x16xf32, #tpu.memory_space<hbm>>
      tpu.wait_indirect_dma semaphore(%arg10 : memref<!tpu.dma_semaphore, #tpu.memory_space<semaphore_mem>>) src(%dma_wait3A_53 : memref<200704x16xf32, #tpu.memory_space<hbm>>) dst(%dma_wait3A_47 : memref<128x16xf32, #tpu.memory_space<vmem>>)
    }
    %scan3A_17 = arith.constant 4 : i32
    %scan3A_18 = arith.constant 0 : i32
    %scan3A_19 = arith.constant 0 : i32
    %scan3A_20 = arith.constant 4 : i32
    %scan3A_21 = arith.addi %scan3A_19, %scan3A_20 : i32
    %scan3A_22 = arith.constant 1 : i32
    scf.for %scan3A_44 = %scan3A_19 to %scan3A_21 step %scan3A_22  : i32 {
      %add3A_45 = arith.constant 12 : i32
      %add3A_46 = arith.addi %add3A_45, %scan3A_44 : i32
      %add3A_47 = arith.constant 4 : i32
      %add3A_48 = arith.addi %add3A_47, %scan3A_44 : i32
      %dma_start3A = arith.constant 0 : i32
      %dma_start3A_49 = arith.constant 0 : i32
      %dma_start3A_50 = tpu.memref_slice %arg8[%add3A_48, %dma_start3A, %dma_start3A_49] : memref<8x128x16xf32, #tpu.memory_space<vmem>> -> memref<1x128x16xf32, #tpu.memory_space<vmem>>
      %dma_start3A_51 = tpu.memref_squeeze %dma_start3A_50 : memref<1x128x16xf32, #tpu.memory_space<vmem>> -> memref<128x16xf32, #tpu.memory_space<vmem>>
      %dma_start3A_52 = arith.constant 0 : i32
      %dma_start3A_53 = tpu.memref_slice %arg7[%add3A_46, %dma_start3A_52] : memref<24x128xi32, #tpu.memory_space<vmem>> -> memref<1x128xi32, #tpu.memory_space<vmem>>
      %dma_start3A_54 = tpu.memref_squeeze %dma_start3A_53 : memref<1x128xi32, #tpu.memory_space<vmem>> -> memref<128xi32, #tpu.memory_space<vmem>>
      %dma_start3A_55 = arith.constant 0 : i32
      %dma_start3A_56 = arith.constant 0 : i32
      %dma_start3A_57 = tpu.memref_slice %arg9[%dma_start3A_55, %dma_start3A_56] : memref<100352x16xf32, #tpu.memory_space<vmem_shared>> -> memref<100352x16xf32, #tpu.memory_space<vmem_shared>>
      tpu.enqueue_indirect_dma source(%dma_start3A_51 : memref<128x16xf32, #tpu.memory_space<vmem>>) target(%dma_start3A_57 : memref<100352x16xf32, #tpu.memory_space<vmem_shared>>) offsets(%dma_start3A_54 : memref<128xi32, #tpu.memory_space<vmem>>) semaphore(%arg12 : memref<!tpu.dma_semaphore, #tpu.memory_space<semaphore_mem>>) {add = true}
    }
    %scan3A_23 = arith.constant 4 : i32
    %scan3A_24 = arith.constant 0 : i32
    %scan3A_25 = arith.constant 0 : i32
    %scan3A_26 = arith.constant 4 : i32
    %scan3A_27 = arith.addi %scan3A_25, %scan3A_26 : i32
    %scan3A_28 = arith.constant 1 : i32
    scf.for %scan3A_44 = %scan3A_25 to %scan3A_27 step %scan3A_28  : i32 {
      %dma_wait3A = arith.constant 0 : i32
      %dma_wait3A_45 = arith.constant 0 : i32
      %dma_wait3A_46 = arith.constant 0 : i32
      %dma_wait3A_47 = tpu.memref_slice %arg8[%scan3A_44, %dma_wait3A_45, %dma_wait3A_46] : memref<8x128x16xf32, #tpu.memory_space<vmem>> -> memref<1x128x16xf32, #tpu.memory_space<vmem>>
      %dma_wait3A_48 = tpu.memref_squeeze %dma_wait3A_47 : memref<1x128x16xf32, #tpu.memory_space<vmem>> -> memref<128x16xf32, #tpu.memory_space<vmem>>
      %dma_wait3A_49 = arith.constant 0 : i32
      %dma_wait3A_50 = tpu.memref_slice %arg7[%dma_wait3A, %dma_wait3A_49] : memref<24x128xi32, #tpu.memory_space<vmem>> -> memref<1x128xi32, #tpu.memory_space<vmem>>
      %dma_wait3A_51 = tpu.memref_squeeze %dma_wait3A_50 : memref<1x128xi32, #tpu.memory_space<vmem>> -> memref<128xi32, #tpu.memory_space<vmem>>
      %dma_wait3A_52 = arith.constant 0 : i32
      %dma_wait3A_53 = arith.constant 0 : i32
      %dma_wait3A_54 = tpu.memref_slice %arg9[%dma_wait3A_52, %dma_wait3A_53] : memref<100352x16xf32, #tpu.memory_space<vmem_shared>> -> memref<100352x16xf32, #tpu.memory_space<vmem_shared>>
      tpu.wait_indirect_dma semaphore(%arg12 : memref<!tpu.dma_semaphore, #tpu.memory_space<semaphore_mem>>) src(%dma_wait3A_48 : memref<128x16xf32, #tpu.memory_space<vmem>>) dst(%dma_wait3A_54 : memref<100352x16xf32, #tpu.memory_space<vmem_shared>>)
    }
    %scan3A_29 = arith.constant 4 : i32
    %scan3A_30 = arith.constant 0 : i32
    %scan3A_31 = arith.constant 0 : i32
    %scan3A_32 = arith.constant 4 : i32
    %scan3A_33 = arith.addi %scan3A_31, %scan3A_32 : i32
    %scan3A_34 = arith.constant 1 : i32
    scf.for %scan3A_44 = %scan3A_31 to %scan3A_33 step %scan3A_34  : i32 {
      %dma_wait3A = arith.constant 0 : i32
      %dma_wait3A_45 = arith.constant 0 : i32
      %dma_wait3A_46 = arith.constant 0 : i32
      %dma_wait3A_47 = tpu.memref_slice %arg8[%scan3A_44, %dma_wait3A_45, %dma_wait3A_46] : memref<8x128x16xf32, #tpu.memory_space<vmem>> -> memref<1x128x16xf32, #tpu.memory_space<vmem>>
      %dma_wait3A_48 = tpu.memref_squeeze %dma_wait3A_47 : memref<1x128x16xf32, #tpu.memory_space<vmem>> -> memref<128x16xf32, #tpu.memory_space<vmem>>
      %dma_wait3A_49 = arith.constant 0 : i32
      %dma_wait3A_50 = tpu.memref_slice %arg7[%dma_wait3A, %dma_wait3A_49] : memref<24x128xi32, #tpu.memory_space<vmem>> -> memref<1x128xi32, #tpu.memory_space<vmem>>
      %dma_wait3A_51 = tpu.memref_squeeze %dma_wait3A_50 : memref<1x128xi32, #tpu.memory_space<vmem>> -> memref<128xi32, #tpu.memory_space<vmem>>
      %dma_wait3A_52 = arith.constant 0 : i32
      %dma_wait3A_53 = arith.constant 0 : i32
      %dma_wait3A_54 = tpu.memref_slice %arg9[%dma_wait3A_52, %dma_wait3A_53] : memref<100352x16xf32, #tpu.memory_space<vmem_shared>> -> memref<100352x16xf32, #tpu.memory_space<vmem_shared>>
      tpu.wait_indirect_dma semaphore(%arg12 : memref<!tpu.dma_semaphore, #tpu.memory_space<semaphore_mem>>) src(%dma_wait3A_48 : memref<128x16xf32, #tpu.memory_space<vmem>>) dst(%dma_wait3A_54 : memref<100352x16xf32, #tpu.memory_space<vmem_shared>>)
    }
    %scan3A_35 = arith.constant 4 : i32
    %barrier3A_36 = arith.constant 0 : index
    tpu.barrier barrier_id(%barrier3A_36)
    %mul3A_37 = arith.constant 6272 : i32
    %mul3A_38 = arith.muli %arg1, %mul3A_37 : i32
    %mul3A_39 = arith.constant 100352 : i32
    %mul3A_40 = arith.muli %arg0, %mul3A_39 : i32
    %mul3A_41 = arith.constant 6272 : i32
    %mul3A_42 = arith.muli %arg1, %mul3A_41 : i32
    %add3A_43 = arith.addi %mul3A_40, %mul3A_42 : i32
    "tpu.region"() ({
      %run_scoped3A = tpu.sem_alloc : memref<!tpu.dma_semaphore, #tpu.memory_space<semaphore_mem>>
      %dma_start3A = arith.constant 0 : i32
      %dma_start3A_44 = tpu.memref_slice %arg5[%add3A_43, %dma_start3A] : memref<200704x16xf32, #tpu.memory_space<hbm>> -> memref<6272x16xf32, #tpu.memory_space<hbm>>
      %dma_start3A_45 = arith.constant 0 : i32
      %dma_start3A_46 = tpu.memref_slice %arg9[%mul3A_38, %dma_start3A_45] : memref<100352x16xf32, #tpu.memory_space<vmem_shared>> -> memref<6272x16xf32, #tpu.memory_space<vmem_shared>>
      tpu.enqueue_dma source(%dma_start3A_46 : memref<6272x16xf32, #tpu.memory_space<vmem_shared>>) target(%dma_start3A_44 : memref<6272x16xf32, #tpu.memory_space<hbm>>) target_semaphore(%run_scoped3A : memref<!tpu.dma_semaphore, #tpu.memory_space<semaphore_mem>>)
      %dma_wait3A = arith.constant 0 : i32
      %dma_wait3A_47 = tpu.memref_slice %arg5[%add3A_43, %dma_wait3A] : memref<200704x16xf32, #tpu.memory_space<hbm>> -> memref<6272x16xf32, #tpu.memory_space<hbm>>
      %dma_wait3A_48 = arith.constant 0 : i32
      %dma_wait3A_49 = tpu.memref_slice %arg9[%mul3A_38, %dma_wait3A_48] : memref<100352x16xf32, #tpu.memory_space<vmem_shared>> -> memref<6272x16xf32, #tpu.memory_space<vmem_shared>>
      tpu.wait_dma2 semaphore(%run_scoped3A : memref<!tpu.dma_semaphore, #tpu.memory_space<semaphore_mem>>) src(%dma_wait3A_49 : memref<6272x16xf32, #tpu.memory_space<vmem_shared>>) dst(%dma_wait3A_47 : memref<6272x16xf32, #tpu.memory_space<hbm>>)
      tpu.yield
    }) : () -> ()
    return
  }
}

#map = affine_map<(d0, d1) -> (0, 0)>
#map1 = affine_map<(d0, d1) -> (0, 0, 0)>
module attributes {stable_mosaic.version = 14 : i64} {
  func.func @_sc_edge(%arg0: i32, %arg1: i32, %arg2: memref<200704x16xf32, #tpu.memory_space<hbm>>, %arg3: memref<2x12544x128xi32, #tpu.memory_space<hbm>>, %arg4: memref<12544x128xi32, #tpu.memory_space<hbm>>, %arg5: memref<200704x16xf32, #tpu.memory_space<hbm>>, %arg6: memref<24x128xi32, #tpu.memory_space<vmem>>, %arg7: memref<24x128xi32, #tpu.memory_space<vmem>>, %arg8: memref<8x128x16xf32, #tpu.memory_space<vmem>>, %arg9: memref<100352x16xf32, #tpu.memory_space<vmem_shared>>, %arg10: memref<!tpu.dma_semaphore, #tpu.memory_space<semaphore_mem>>, %arg11: memref<!tpu.dma_semaphore, #tpu.memory_space<semaphore_mem>>, %arg12: memref<!tpu.dma_semaphore, #tpu.memory_space<semaphore_mem>>) attributes {dimension_semantics = [#tpu.dimension_semantics<core_parallel>, #tpu.dimension_semantics<subcore_parallel>], iteration_bounds = array<i64: 2, 16>, scalar_prefetch = 0 : i64, scratch_operands = 7 : i64, tpu.core_type = #tpu.core_type<sc_vector_subcore>, window_params = [{transform_indices = #map}, {transform_indices = #map1}, {transform_indices = #map}, {transform_indices = #map}]} {
    %mul3A = arith.constant 100352 : i32
    %mul3A_0 = arith.muli %arg0, %mul3A : i32
    %mul3A_1 = arith.constant 6272 : i32
    %mul3A_2 = arith.muli %arg1, %mul3A_1 : i32
    %add3A = arith.addi %mul3A_0, %mul3A_2 : i32
    %mul3A_3 = arith.constant 6272 : i32
    %mul3A_4 = arith.muli %arg1, %mul3A_3 : i32
    "tpu.region"() ({
      %run_scoped3A = tpu.sem_alloc : memref<!tpu.dma_semaphore, #tpu.memory_space<semaphore_mem>>
      %dma_start3A = arith.constant 0 : i32
      %dma_start3A_44 = tpu.memref_slice %arg9[%mul3A_4, %dma_start3A] : memref<100352x16xf32, #tpu.memory_space<vmem_shared>> -> memref<6272x16xf32, #tpu.memory_space<vmem_shared>>
      %dma_start3A_45 = arith.constant 0 : i32
      %dma_start3A_46 = tpu.memref_slice %arg2[%add3A, %dma_start3A_45] : memref<200704x16xf32, #tpu.memory_space<hbm>> -> memref<6272x16xf32, #tpu.memory_space<hbm>>
      tpu.enqueue_dma source(%dma_start3A_46 : memref<6272x16xf32, #tpu.memory_space<hbm>>) target(%dma_start3A_44 : memref<6272x16xf32, #tpu.memory_space<vmem_shared>>) target_semaphore(%run_scoped3A : memref<!tpu.dma_semaphore, #tpu.memory_space<semaphore_mem>>)
      %dma_wait3A = arith.constant 0 : i32
      %dma_wait3A_47 = tpu.memref_slice %arg9[%mul3A_4, %dma_wait3A] : memref<100352x16xf32, #tpu.memory_space<vmem_shared>> -> memref<6272x16xf32, #tpu.memory_space<vmem_shared>>
      %dma_wait3A_48 = arith.constant 0 : i32
      %dma_wait3A_49 = tpu.memref_slice %arg2[%add3A, %dma_wait3A_48] : memref<200704x16xf32, #tpu.memory_space<hbm>> -> memref<6272x16xf32, #tpu.memory_space<hbm>>
      tpu.wait_dma2 semaphore(%run_scoped3A : memref<!tpu.dma_semaphore, #tpu.memory_space<semaphore_mem>>) src(%dma_wait3A_49 : memref<6272x16xf32, #tpu.memory_space<hbm>>) dst(%dma_wait3A_47 : memref<6272x16xf32, #tpu.memory_space<vmem_shared>>)
      tpu.yield
    }) : () -> ()
    %barrier3A = arith.constant 0 : index
    tpu.barrier barrier_id(%barrier3A)
    %mul3A_5 = arith.constant 784 : i32
    %mul3A_6 = arith.muli %arg1, %mul3A_5 : i32
    "tpu.region"() ({
      %run_scoped3A = tpu.sem_alloc : memref<!tpu.dma_semaphore, #tpu.memory_space<semaphore_mem>>
      %dma_start3A = arith.constant 0 : i32
      %dma_start3A_44 = arith.constant 0 : i32
      %dma_start3A_45 = tpu.memref_slice %arg6[%dma_start3A, %dma_start3A_44] : memref<24x128xi32, #tpu.memory_space<vmem>> -> memref<8x128xi32, #tpu.memory_space<vmem>>
      %dma_start3A_46 = arith.constant 0 : i32
      %dma_start3A_47 = tpu.memref_slice %arg3[%arg0, %mul3A_6, %dma_start3A_46] : memref<2x12544x128xi32, #tpu.memory_space<hbm>> -> memref<1x8x128xi32, #tpu.memory_space<hbm>>
      %dma_start3A_48 = tpu.memref_squeeze %dma_start3A_47 : memref<1x8x128xi32, #tpu.memory_space<hbm>> -> memref<8x128xi32, #tpu.memory_space<hbm>>
      %dma_start3A_49 = arith.constant 0 : i32
      %dma_start3A_50 = arith.constant 0 : i32
      %dma_start3A_51 = tpu.memref_slice %arg6[%dma_start3A_49, %dma_start3A_50] : memref<24x128xi32, #tpu.memory_space<vmem>> -> memref<8x128xi32, #tpu.memory_space<vmem>>
      %dma_start3A_52 = arith.constant 0 : i32
      %dma_start3A_53 = tpu.memref_slice %arg3[%arg0, %mul3A_6, %dma_start3A_52] : memref<2x12544x128xi32, #tpu.memory_space<hbm>> -> memref<1x8x128xi32, #tpu.memory_space<hbm>>
      %dma_start3A_54 = tpu.memref_squeeze %dma_start3A_53 : memref<1x8x128xi32, #tpu.memory_space<hbm>> -> memref<8x128xi32, #tpu.memory_space<hbm>>
      tpu.enqueue_dma source(%dma_start3A_54 : memref<8x128xi32, #tpu.memory_space<hbm>>) target(%dma_start3A_51 : memref<8x128xi32, #tpu.memory_space<vmem>>) target_semaphore(%run_scoped3A : memref<!tpu.dma_semaphore, #tpu.memory_space<semaphore_mem>>)
      %dma_wait3A = arith.constant 0 : i32
      %dma_wait3A_55 = arith.constant 0 : i32
      %dma_wait3A_56 = tpu.memref_slice %arg6[%dma_wait3A, %dma_wait3A_55] : memref<24x128xi32, #tpu.memory_space<vmem>> -> memref<8x128xi32, #tpu.memory_space<vmem>>
      %dma_wait3A_57 = arith.constant 0 : i32
      %dma_wait3A_58 = tpu.memref_slice %arg3[%arg0, %mul3A_6, %dma_wait3A_57] : memref<2x12544x128xi32, #tpu.memory_space<hbm>> -> memref<1x8x128xi32, #tpu.memory_space<hbm>>
      %dma_wait3A_59 = tpu.memref_squeeze %dma_wait3A_58 : memref<1x8x128xi32, #tpu.memory_space<hbm>> -> memref<8x128xi32, #tpu.memory_space<hbm>>
      %dma_wait3A_60 = arith.constant 0 : i32
      %dma_wait3A_61 = arith.constant 0 : i32
      %dma_wait3A_62 = tpu.memref_slice %arg6[%dma_wait3A_60, %dma_wait3A_61] : memref<24x128xi32, #tpu.memory_space<vmem>> -> memref<8x128xi32, #tpu.memory_space<vmem>>
      %dma_wait3A_63 = arith.constant 0 : i32
      %dma_wait3A_64 = tpu.memref_slice %arg3[%arg0, %mul3A_6, %dma_wait3A_63] : memref<2x12544x128xi32, #tpu.memory_space<hbm>> -> memref<1x8x128xi32, #tpu.memory_space<hbm>>
      %dma_wait3A_65 = tpu.memref_squeeze %dma_wait3A_64 : memref<1x8x128xi32, #tpu.memory_space<hbm>> -> memref<8x128xi32, #tpu.memory_space<hbm>>
      tpu.wait_dma2 semaphore(%run_scoped3A : memref<!tpu.dma_semaphore, #tpu.memory_space<semaphore_mem>>) src(%dma_wait3A_65 : memref<8x128xi32, #tpu.memory_space<hbm>>) dst(%dma_wait3A_62 : memref<8x128xi32, #tpu.memory_space<vmem>>)
      tpu.yield
    }) : () -> ()
    "tpu.region"() ({
      %run_scoped3A = tpu.sem_alloc : memref<!tpu.dma_semaphore, #tpu.memory_space<semaphore_mem>>
      %dma_start3A = arith.constant 0 : i32
      %dma_start3A_44 = arith.constant 0 : i32
      %dma_start3A_45 = tpu.memref_slice %arg7[%dma_start3A, %dma_start3A_44] : memref<24x128xi32, #tpu.memory_space<vmem>> -> memref<8x128xi32, #tpu.memory_space<vmem>>
      %dma_start3A_46 = arith.constant 0 : i32
      %dma_start3A_47 = tpu.memref_slice %arg4[%mul3A_6, %dma_start3A_46] : memref<12544x128xi32, #tpu.memory_space<hbm>> -> memref<8x128xi32, #tpu.memory_space<hbm>>
      %dma_start3A_48 = arith.constant 0 : i32
      %dma_start3A_49 = arith.constant 0 : i32
      %dma_start3A_50 = tpu.memref_slice %arg7[%dma_start3A_48, %dma_start3A_49] : memref<24x128xi32, #tpu.memory_space<vmem>> -> memref<8x128xi32, #tpu.memory_space<vmem>>
      %dma_start3A_51 = arith.constant 0 : i32
      %dma_start3A_52 = tpu.memref_slice %arg4[%mul3A_6, %dma_start3A_51] : memref<12544x128xi32, #tpu.memory_space<hbm>> -> memref<8x128xi32, #tpu.memory_space<hbm>>
      tpu.enqueue_dma source(%dma_start3A_52 : memref<8x128xi32, #tpu.memory_space<hbm>>) target(%dma_start3A_50 : memref<8x128xi32, #tpu.memory_space<vmem>>) target_semaphore(%run_scoped3A : memref<!tpu.dma_semaphore, #tpu.memory_space<semaphore_mem>>)
      %dma_wait3A = arith.constant 0 : i32
      %dma_wait3A_53 = arith.constant 0 : i32
      %dma_wait3A_54 = tpu.memref_slice %arg7[%dma_wait3A, %dma_wait3A_53] : memref<24x128xi32, #tpu.memory_space<vmem>> -> memref<8x128xi32, #tpu.memory_space<vmem>>
      %dma_wait3A_55 = arith.constant 0 : i32
      %dma_wait3A_56 = tpu.memref_slice %arg4[%mul3A_6, %dma_wait3A_55] : memref<12544x128xi32, #tpu.memory_space<hbm>> -> memref<8x128xi32, #tpu.memory_space<hbm>>
      %dma_wait3A_57 = arith.constant 0 : i32
      %dma_wait3A_58 = arith.constant 0 : i32
      %dma_wait3A_59 = tpu.memref_slice %arg7[%dma_wait3A_57, %dma_wait3A_58] : memref<24x128xi32, #tpu.memory_space<vmem>> -> memref<8x128xi32, #tpu.memory_space<vmem>>
      %dma_wait3A_60 = arith.constant 0 : i32
      %dma_wait3A_61 = tpu.memref_slice %arg4[%mul3A_6, %dma_wait3A_60] : memref<12544x128xi32, #tpu.memory_space<hbm>> -> memref<8x128xi32, #tpu.memory_space<hbm>>
      tpu.wait_dma2 semaphore(%run_scoped3A : memref<!tpu.dma_semaphore, #tpu.memory_space<semaphore_mem>>) src(%dma_wait3A_61 : memref<8x128xi32, #tpu.memory_space<hbm>>) dst(%dma_wait3A_59 : memref<8x128xi32, #tpu.memory_space<vmem>>)
      tpu.yield
    }) : () -> ()
    %scan3A = arith.constant 0 : i32
    %scan3A_7 = arith.constant 0 : i32
    %scan3A_8 = arith.constant 98 : i32
    %scan3A_9 = arith.addi %scan3A_7, %scan3A_8 : i32
    %scan3A_10 = arith.constant 1 : i32
    scf.for %scan3A_44 = %scan3A_7 to %scan3A_9 step %scan3A_10  : i32 {
      %rem3A = arith.constant 3 : i32
      %rem3A_45 = arith.remsi %scan3A_44, %rem3A : i32
      %add3A_46 = arith.constant 2 : i32
      %add3A_47 = arith.addi %scan3A_44, %add3A_46 : i32
      %rem3A_48 = arith.constant 3 : i32
      %rem3A_49 = arith.remsi %add3A_47, %rem3A_48 : i32
      %add3A_50 = arith.constant 1 : i32
      %add3A_51 = arith.addi %scan3A_44, %add3A_50 : i32
      %rem3A_52 = arith.constant 3 : i32
      %rem3A_53 = arith.remsi %add3A_51, %rem3A_52 : i32
      %gt3A = arith.constant 0 : i32
      %gt3A_54 = arith.cmpi sgt, %scan3A_44, %gt3A : i32
      %convert_element_type3A = arith.extui %gt3A_54 : i1 to i32
      %cond3A = arith.constant 0 : i32
      %cond3A_55 = arith.cmpi ne, %convert_element_type3A, %cond3A : i32
      scf.if %cond3A_55 {
        %scan3A_99 = arith.constant 0 : i32
        %scan3A_100 = arith.constant 0 : i32
        %scan3A_101 = arith.constant 4 : i32
        %scan3A_102 = arith.addi %scan3A_100, %scan3A_101 : i32
        %scan3A_103 = arith.constant 1 : i32
        scf.for %scan3A_105 = %scan3A_100 to %scan3A_102 step %scan3A_103  : i32 {
          %dma_wait3A = arith.constant 0 : i32
          %dma_wait3A_106 = arith.constant 0 : i32
          %dma_wait3A_107 = arith.constant 0 : i32
          %dma_wait3A_108 = tpu.memref_slice %arg8[%scan3A_105, %dma_wait3A_106, %dma_wait3A_107] : memref<8x128x16xf32, #tpu.memory_space<vmem>> -> memref<1x128x16xf32, #tpu.memory_space<vmem>>
          %dma_wait3A_109 = tpu.memref_squeeze %dma_wait3A_108 : memref<1x128x16xf32, #tpu.memory_space<vmem>> -> memref<128x16xf32, #tpu.memory_space<vmem>>
          %dma_wait3A_110 = arith.constant 0 : i32
          %dma_wait3A_111 = tpu.memref_slice %arg7[%dma_wait3A, %dma_wait3A_110] : memref<24x128xi32, #tpu.memory_space<vmem>> -> memref<1x128xi32, #tpu.memory_space<vmem>>
          %dma_wait3A_112 = tpu.memref_squeeze %dma_wait3A_111 : memref<1x128xi32, #tpu.memory_space<vmem>> -> memref<128xi32, #tpu.memory_space<vmem>>
          %dma_wait3A_113 = arith.constant 0 : i32
          %dma_wait3A_114 = arith.constant 0 : i32
          %dma_wait3A_115 = tpu.memref_slice %arg9[%dma_wait3A_113, %dma_wait3A_114] : memref<100352x16xf32, #tpu.memory_space<vmem_shared>> -> memref<100352x16xf32, #tpu.memory_space<vmem_shared>>
          tpu.wait_indirect_dma semaphore(%arg12 : memref<!tpu.dma_semaphore, #tpu.memory_space<semaphore_mem>>) src(%dma_wait3A_109 : memref<128x16xf32, #tpu.memory_space<vmem>>) dst(%dma_wait3A_115 : memref<100352x16xf32, #tpu.memory_space<vmem_shared>>)
        }
        %scan3A_104 = arith.constant 4 : i32
      } else {
      }
      %scan3A_56 = arith.constant 0 : i32
      %scan3A_57 = arith.constant 0 : i32
      %scan3A_58 = arith.constant 4 : i32
      %scan3A_59 = arith.addi %scan3A_57, %scan3A_58 : i32
      %scan3A_60 = arith.constant 1 : i32
      scf.for %scan3A_99 = %scan3A_57 to %scan3A_59 step %scan3A_60  : i32 {
        %mul3A_100 = arith.constant 8 : i32
        %mul3A_101 = arith.muli %rem3A_45, %mul3A_100 : i32
        %add3A_102 = arith.constant 0 : i32
        %add3A_103 = arith.addi %mul3A_101, %add3A_102 : i32
        %add3A_104 = arith.addi %add3A_103, %scan3A_99 : i32
        %add3A_105 = arith.constant 0 : i32
        %add3A_106 = arith.addi %add3A_105, %scan3A_99 : i32
        %dma_start3A = arith.constant 0 : i32
        %dma_start3A_107 = arith.constant 0 : i32
        %dma_start3A_108 = tpu.memref_slice %arg8[%add3A_106, %dma_start3A, %dma_start3A_107] : memref<8x128x16xf32, #tpu.memory_space<vmem>> -> memref<1x128x16xf32, #tpu.memory_space<vmem>>
        %dma_start3A_109 = tpu.memref_squeeze %dma_start3A_108 : memref<1x128x16xf32, #tpu.memory_space<vmem>> -> memref<128x16xf32, #tpu.memory_space<vmem>>
        %dma_start3A_110 = arith.constant 0 : i32
        %dma_start3A_111 = tpu.memref_slice %arg6[%add3A_104, %dma_start3A_110] : memref<24x128xi32, #tpu.memory_space<vmem>> -> memref<1x128xi32, #tpu.memory_space<vmem>>
        %dma_start3A_112 = tpu.memref_squeeze %dma_start3A_111 : memref<1x128xi32, #tpu.memory_space<vmem>> -> memref<128xi32, #tpu.memory_space<vmem>>
        %dma_start3A_113 = arith.constant 0 : i32
        %dma_start3A_114 = arith.constant 0 : i32
        %dma_start3A_115 = tpu.memref_slice %arg2[%dma_start3A_113, %dma_start3A_114] : memref<200704x16xf32, #tpu.memory_space<hbm>> -> memref<200704x16xf32, #tpu.memory_space<hbm>>
        tpu.enqueue_indirect_dma source(%dma_start3A_115 : memref<200704x16xf32, #tpu.memory_space<hbm>>) target(%dma_start3A_109 : memref<128x16xf32, #tpu.memory_space<vmem>>) offsets(%dma_start3A_112 : memref<128xi32, #tpu.memory_space<vmem>>) semaphore(%arg10 : memref<!tpu.dma_semaphore, #tpu.memory_space<semaphore_mem>>)
      }
      %scan3A_61 = arith.constant 4 : i32
      %gt3A_62 = arith.constant 0 : i32
      %gt3A_63 = arith.cmpi sgt, %scan3A_44, %gt3A_62 : i32
      %convert_element_type3A_64 = arith.extui %gt3A_63 : i1 to i32
      %cond3A_65 = arith.constant 0 : i32
      %cond3A_66 = arith.cmpi ne, %convert_element_type3A_64, %cond3A_65 : i32
      scf.if %cond3A_66 {
        %scan3A_99 = arith.constant 0 : i32
        %scan3A_100 = arith.constant 0 : i32
        %scan3A_101 = arith.constant 4 : i32
        %scan3A_102 = arith.addi %scan3A_100, %scan3A_101 : i32
        %scan3A_103 = arith.constant 1 : i32
        scf.for %scan3A_111 = %scan3A_100 to %scan3A_102 step %scan3A_103  : i32 {
          %dma_wait3A = arith.constant 0 : i32
          %dma_wait3A_112 = arith.constant 0 : i32
          %dma_wait3A_113 = tpu.memref_slice %arg8[%scan3A_111, %dma_wait3A, %dma_wait3A_112] : memref<8x128x16xf32, #tpu.memory_space<vmem>> -> memref<1x128x16xf32, #tpu.memory_space<vmem>>
          %dma_wait3A_114 = tpu.memref_squeeze %dma_wait3A_113 : memref<1x128x16xf32, #tpu.memory_space<vmem>> -> memref<128x16xf32, #tpu.memory_space<vmem>>
          %dma_wait3A_115 = arith.constant 0 : i32
          %dma_wait3A_116 = tpu.memref_slice %arg6[%scan3A_111, %dma_wait3A_115] : memref<24x128xi32, #tpu.memory_space<vmem>> -> memref<1x128xi32, #tpu.memory_space<vmem>>
          %dma_wait3A_117 = tpu.memref_squeeze %dma_wait3A_116 : memref<1x128xi32, #tpu.memory_space<vmem>> -> memref<128xi32, #tpu.memory_space<vmem>>
          %dma_wait3A_118 = arith.constant 0 : i32
          %dma_wait3A_119 = arith.constant 0 : i32
          %dma_wait3A_120 = tpu.memref_slice %arg2[%dma_wait3A_118, %dma_wait3A_119] : memref<200704x16xf32, #tpu.memory_space<hbm>> -> memref<200704x16xf32, #tpu.memory_space<hbm>>
          tpu.wait_indirect_dma semaphore(%arg10 : memref<!tpu.dma_semaphore, #tpu.memory_space<semaphore_mem>>) src(%dma_wait3A_120 : memref<200704x16xf32, #tpu.memory_space<hbm>>) dst(%dma_wait3A_114 : memref<128x16xf32, #tpu.memory_space<vmem>>)
        }
        %scan3A_104 = arith.constant 4 : i32
        %scan3A_105 = arith.constant 0 : i32
        %scan3A_106 = arith.constant 0 : i32
        %scan3A_107 = arith.constant 4 : i32
        %scan3A_108 = arith.addi %scan3A_106, %scan3A_107 : i32
        %scan3A_109 = arith.constant 1 : i32
        scf.for %scan3A_111 = %scan3A_106 to %scan3A_108 step %scan3A_109  : i32 {
          %mul3A_112 = arith.constant 8 : i32
          %mul3A_113 = arith.muli %rem3A_49, %mul3A_112 : i32
          %add3A_114 = arith.constant 4 : i32
          %add3A_115 = arith.addi %mul3A_113, %add3A_114 : i32
          %add3A_116 = arith.addi %add3A_115, %scan3A_111 : i32
          %add3A_117 = arith.constant 4 : i32
          %add3A_118 = arith.addi %add3A_117, %scan3A_111 : i32
          %dma_start3A = arith.constant 0 : i32
          %dma_start3A_119 = arith.constant 0 : i32
          %dma_start3A_120 = tpu.memref_slice %arg8[%add3A_118, %dma_start3A, %dma_start3A_119] : memref<8x128x16xf32, #tpu.memory_space<vmem>> -> memref<1x128x16xf32, #tpu.memory_space<vmem>>
          %dma_start3A_121 = tpu.memref_squeeze %dma_start3A_120 : memref<1x128x16xf32, #tpu.memory_space<vmem>> -> memref<128x16xf32, #tpu.memory_space<vmem>>
          %dma_start3A_122 = arith.constant 0 : i32
          %dma_start3A_123 = tpu.memref_slice %arg7[%add3A_116, %dma_start3A_122] : memref<24x128xi32, #tpu.memory_space<vmem>> -> memref<1x128xi32, #tpu.memory_space<vmem>>
          %dma_start3A_124 = tpu.memref_squeeze %dma_start3A_123 : memref<1x128xi32, #tpu.memory_space<vmem>> -> memref<128xi32, #tpu.memory_space<vmem>>
          %dma_start3A_125 = arith.constant 0 : i32
          %dma_start3A_126 = arith.constant 0 : i32
          %dma_start3A_127 = tpu.memref_slice %arg9[%dma_start3A_125, %dma_start3A_126] : memref<100352x16xf32, #tpu.memory_space<vmem_shared>> -> memref<100352x16xf32, #tpu.memory_space<vmem_shared>>
          tpu.enqueue_indirect_dma source(%dma_start3A_121 : memref<128x16xf32, #tpu.memory_space<vmem>>) target(%dma_start3A_127 : memref<100352x16xf32, #tpu.memory_space<vmem_shared>>) offsets(%dma_start3A_124 : memref<128xi32, #tpu.memory_space<vmem>>) semaphore(%arg12 : memref<!tpu.dma_semaphore, #tpu.memory_space<semaphore_mem>>) {add = true}
        }
        %scan3A_110 = arith.constant 4 : i32
      } else {
      }
      %lt3A = arith.constant 97 : i32
      %lt3A_67 = arith.cmpi slt, %scan3A_44, %lt3A : i32
      %convert_element_type3A_68 = arith.extui %lt3A_67 : i1 to i32
      %cond3A_69 = arith.constant 0 : i32
      %cond3A_70 = arith.cmpi ne, %convert_element_type3A_68, %cond3A_69 : i32
      scf.if %cond3A_70 {
        %add3A_99 = arith.constant 1 : i32
        %add3A_100 = arith.addi %scan3A_44, %add3A_99 : i32
        %mul3A_101 = arith.constant 8 : i32
        %mul3A_102 = arith.muli %add3A_100, %mul3A_101 : i32
        %add3A_103 = arith.addi %mul3A_6, %mul3A_102 : i32
        %mul3A_104 = arith.constant 8 : i32
        %mul3A_105 = arith.muli %rem3A_53, %mul3A_104 : i32
        %dma_start3A = arith.constant 0 : i32
        %dma_start3A_106 = tpu.memref_slice %arg6[%mul3A_105, %dma_start3A] : memref<24x128xi32, #tpu.memory_space<vmem>> -> memref<8x128xi32, #tpu.memory_space<vmem>>
        %dma_start3A_107 = arith.constant 0 : i32
        %dma_start3A_108 = tpu.memref_slice %arg3[%arg0, %add3A_103, %dma_start3A_107] : memref<2x12544x128xi32, #tpu.memory_space<hbm>> -> memref<1x8x128xi32, #tpu.memory_space<hbm>>
        %dma_start3A_109 = tpu.memref_squeeze %dma_start3A_108 : memref<1x8x128xi32, #tpu.memory_space<hbm>> -> memref<8x128xi32, #tpu.memory_space<hbm>>
        %dma_start3A_110 = arith.constant 0 : i32
        %dma_start3A_111 = tpu.memref_slice %arg6[%mul3A_105, %dma_start3A_110] : memref<24x128xi32, #tpu.memory_space<vmem>> -> memref<8x128xi32, #tpu.memory_space<vmem>>
        %dma_start3A_112 = arith.constant 0 : i32
        %dma_start3A_113 = tpu.memref_slice %arg3[%arg0, %add3A_103, %dma_start3A_112] : memref<2x12544x128xi32, #tpu.memory_space<hbm>> -> memref<1x8x128xi32, #tpu.memory_space<hbm>>
        %dma_start3A_114 = tpu.memref_squeeze %dma_start3A_113 : memref<1x8x128xi32, #tpu.memory_space<hbm>> -> memref<8x128xi32, #tpu.memory_space<hbm>>
        tpu.enqueue_dma source(%dma_start3A_114 : memref<8x128xi32, #tpu.memory_space<hbm>>) target(%dma_start3A_111 : memref<8x128xi32, #tpu.memory_space<vmem>>) target_semaphore(%arg11 : memref<!tpu.dma_semaphore, #tpu.memory_space<semaphore_mem>>)
        %mul3A_115 = arith.constant 8 : i32
        %mul3A_116 = arith.muli %rem3A_53, %mul3A_115 : i32
        %dma_start3A_117 = arith.constant 0 : i32
        %dma_start3A_118 = tpu.memref_slice %arg7[%mul3A_116, %dma_start3A_117] : memref<24x128xi32, #tpu.memory_space<vmem>> -> memref<8x128xi32, #tpu.memory_space<vmem>>
        %dma_start3A_119 = arith.constant 0 : i32
        %dma_start3A_120 = tpu.memref_slice %arg4[%add3A_103, %dma_start3A_119] : memref<12544x128xi32, #tpu.memory_space<hbm>> -> memref<8x128xi32, #tpu.memory_space<hbm>>
        %dma_start3A_121 = arith.constant 0 : i32
        %dma_start3A_122 = tpu.memref_slice %arg7[%mul3A_116, %dma_start3A_121] : memref<24x128xi32, #tpu.memory_space<vmem>> -> memref<8x128xi32, #tpu.memory_space<vmem>>
        %dma_start3A_123 = arith.constant 0 : i32
        %dma_start3A_124 = tpu.memref_slice %arg4[%add3A_103, %dma_start3A_123] : memref<12544x128xi32, #tpu.memory_space<hbm>> -> memref<8x128xi32, #tpu.memory_space<hbm>>
        tpu.enqueue_dma source(%dma_start3A_124 : memref<8x128xi32, #tpu.memory_space<hbm>>) target(%dma_start3A_122 : memref<8x128xi32, #tpu.memory_space<vmem>>) target_semaphore(%arg11 : memref<!tpu.dma_semaphore, #tpu.memory_space<semaphore_mem>>)
      } else {
      }
      %gt3A_71 = arith.constant 0 : i32
      %gt3A_72 = arith.cmpi sgt, %scan3A_44, %gt3A_71 : i32
      %convert_element_type3A_73 = arith.extui %gt3A_72 : i1 to i32
      %cond3A_74 = arith.constant 0 : i32
      %cond3A_75 = arith.cmpi ne, %convert_element_type3A_73, %cond3A_74 : i32
      scf.if %cond3A_75 {
        %scan3A_99 = arith.constant 0 : i32
        %scan3A_100 = arith.constant 0 : i32
        %scan3A_101 = arith.constant 4 : i32
        %scan3A_102 = arith.addi %scan3A_100, %scan3A_101 : i32
        %scan3A_103 = arith.constant 1 : i32
        scf.for %scan3A_105 = %scan3A_100 to %scan3A_102 step %scan3A_103  : i32 {
          %dma_wait3A = arith.constant 0 : i32
          %dma_wait3A_106 = arith.constant 0 : i32
          %dma_wait3A_107 = arith.constant 0 : i32
          %dma_wait3A_108 = tpu.memref_slice %arg8[%scan3A_105, %dma_wait3A_106, %dma_wait3A_107] : memref<8x128x16xf32, #tpu.memory_space<vmem>> -> memref<1x128x16xf32, #tpu.memory_space<vmem>>
          %dma_wait3A_109 = tpu.memref_squeeze %dma_wait3A_108 : memref<1x128x16xf32, #tpu.memory_space<vmem>> -> memref<128x16xf32, #tpu.memory_space<vmem>>
          %dma_wait3A_110 = arith.constant 0 : i32
          %dma_wait3A_111 = tpu.memref_slice %arg7[%dma_wait3A, %dma_wait3A_110] : memref<24x128xi32, #tpu.memory_space<vmem>> -> memref<1x128xi32, #tpu.memory_space<vmem>>
          %dma_wait3A_112 = tpu.memref_squeeze %dma_wait3A_111 : memref<1x128xi32, #tpu.memory_space<vmem>> -> memref<128xi32, #tpu.memory_space<vmem>>
          %dma_wait3A_113 = arith.constant 0 : i32
          %dma_wait3A_114 = arith.constant 0 : i32
          %dma_wait3A_115 = tpu.memref_slice %arg9[%dma_wait3A_113, %dma_wait3A_114] : memref<100352x16xf32, #tpu.memory_space<vmem_shared>> -> memref<100352x16xf32, #tpu.memory_space<vmem_shared>>
          tpu.wait_indirect_dma semaphore(%arg12 : memref<!tpu.dma_semaphore, #tpu.memory_space<semaphore_mem>>) src(%dma_wait3A_109 : memref<128x16xf32, #tpu.memory_space<vmem>>) dst(%dma_wait3A_115 : memref<100352x16xf32, #tpu.memory_space<vmem_shared>>)
        }
        %scan3A_104 = arith.constant 4 : i32
      } else {
      }
      %scan3A_76 = arith.constant 0 : i32
      %scan3A_77 = arith.constant 0 : i32
      %scan3A_78 = arith.constant 4 : i32
      %scan3A_79 = arith.addi %scan3A_77, %scan3A_78 : i32
      %scan3A_80 = arith.constant 1 : i32
      scf.for %scan3A_99 = %scan3A_77 to %scan3A_79 step %scan3A_80  : i32 {
        %mul3A_100 = arith.constant 8 : i32
        %mul3A_101 = arith.muli %rem3A_45, %mul3A_100 : i32
        %add3A_102 = arith.constant 4 : i32
        %add3A_103 = arith.addi %mul3A_101, %add3A_102 : i32
        %add3A_104 = arith.addi %add3A_103, %scan3A_99 : i32
        %add3A_105 = arith.constant 4 : i32
        %add3A_106 = arith.addi %add3A_105, %scan3A_99 : i32
        %dma_start3A = arith.constant 0 : i32
        %dma_start3A_107 = arith.constant 0 : i32
        %dma_start3A_108 = tpu.memref_slice %arg8[%add3A_106, %dma_start3A, %dma_start3A_107] : memref<8x128x16xf32, #tpu.memory_space<vmem>> -> memref<1x128x16xf32, #tpu.memory_space<vmem>>
        %dma_start3A_109 = tpu.memref_squeeze %dma_start3A_108 : memref<1x128x16xf32, #tpu.memory_space<vmem>> -> memref<128x16xf32, #tpu.memory_space<vmem>>
        %dma_start3A_110 = arith.constant 0 : i32
        %dma_start3A_111 = tpu.memref_slice %arg6[%add3A_104, %dma_start3A_110] : memref<24x128xi32, #tpu.memory_space<vmem>> -> memref<1x128xi32, #tpu.memory_space<vmem>>
        %dma_start3A_112 = tpu.memref_squeeze %dma_start3A_111 : memref<1x128xi32, #tpu.memory_space<vmem>> -> memref<128xi32, #tpu.memory_space<vmem>>
        %dma_start3A_113 = arith.constant 0 : i32
        %dma_start3A_114 = arith.constant 0 : i32
        %dma_start3A_115 = tpu.memref_slice %arg2[%dma_start3A_113, %dma_start3A_114] : memref<200704x16xf32, #tpu.memory_space<hbm>> -> memref<200704x16xf32, #tpu.memory_space<hbm>>
        tpu.enqueue_indirect_dma source(%dma_start3A_115 : memref<200704x16xf32, #tpu.memory_space<hbm>>) target(%dma_start3A_109 : memref<128x16xf32, #tpu.memory_space<vmem>>) offsets(%dma_start3A_112 : memref<128xi32, #tpu.memory_space<vmem>>) semaphore(%arg10 : memref<!tpu.dma_semaphore, #tpu.memory_space<semaphore_mem>>)
      }
      %scan3A_81 = arith.constant 4 : i32
      %scan3A_82 = arith.constant 0 : i32
      %scan3A_83 = arith.constant 0 : i32
      %scan3A_84 = arith.constant 4 : i32
      %scan3A_85 = arith.addi %scan3A_83, %scan3A_84 : i32
      %scan3A_86 = arith.constant 1 : i32
      scf.for %scan3A_99 = %scan3A_83 to %scan3A_85 step %scan3A_86  : i32 {
        %dma_wait3A = arith.constant 0 : i32
        %dma_wait3A_100 = arith.constant 0 : i32
        %dma_wait3A_101 = tpu.memref_slice %arg8[%scan3A_99, %dma_wait3A, %dma_wait3A_100] : memref<8x128x16xf32, #tpu.memory_space<vmem>> -> memref<1x128x16xf32, #tpu.memory_space<vmem>>
        %dma_wait3A_102 = tpu.memref_squeeze %dma_wait3A_101 : memref<1x128x16xf32, #tpu.memory_space<vmem>> -> memref<128x16xf32, #tpu.memory_space<vmem>>
        %dma_wait3A_103 = arith.constant 0 : i32
        %dma_wait3A_104 = tpu.memref_slice %arg6[%scan3A_99, %dma_wait3A_103] : memref<24x128xi32, #tpu.memory_space<vmem>> -> memref<1x128xi32, #tpu.memory_space<vmem>>
        %dma_wait3A_105 = tpu.memref_squeeze %dma_wait3A_104 : memref<1x128xi32, #tpu.memory_space<vmem>> -> memref<128xi32, #tpu.memory_space<vmem>>
        %dma_wait3A_106 = arith.constant 0 : i32
        %dma_wait3A_107 = arith.constant 0 : i32
        %dma_wait3A_108 = tpu.memref_slice %arg2[%dma_wait3A_106, %dma_wait3A_107] : memref<200704x16xf32, #tpu.memory_space<hbm>> -> memref<200704x16xf32, #tpu.memory_space<hbm>>
        tpu.wait_indirect_dma semaphore(%arg10 : memref<!tpu.dma_semaphore, #tpu.memory_space<semaphore_mem>>) src(%dma_wait3A_108 : memref<200704x16xf32, #tpu.memory_space<hbm>>) dst(%dma_wait3A_102 : memref<128x16xf32, #tpu.memory_space<vmem>>)
      }
      %scan3A_87 = arith.constant 4 : i32
      %scan3A_88 = arith.constant 0 : i32
      %scan3A_89 = arith.constant 0 : i32
      %scan3A_90 = arith.constant 4 : i32
      %scan3A_91 = arith.addi %scan3A_89, %scan3A_90 : i32
      %scan3A_92 = arith.constant 1 : i32
      scf.for %scan3A_99 = %scan3A_89 to %scan3A_91 step %scan3A_92  : i32 {
        %mul3A_100 = arith.constant 8 : i32
        %mul3A_101 = arith.muli %rem3A_45, %mul3A_100 : i32
        %add3A_102 = arith.constant 0 : i32
        %add3A_103 = arith.addi %mul3A_101, %add3A_102 : i32
        %add3A_104 = arith.addi %add3A_103, %scan3A_99 : i32
        %add3A_105 = arith.constant 0 : i32
        %add3A_106 = arith.addi %add3A_105, %scan3A_99 : i32
        %dma_start3A = arith.constant 0 : i32
        %dma_start3A_107 = arith.constant 0 : i32
        %dma_start3A_108 = tpu.memref_slice %arg8[%add3A_106, %dma_start3A, %dma_start3A_107] : memref<8x128x16xf32, #tpu.memory_space<vmem>> -> memref<1x128x16xf32, #tpu.memory_space<vmem>>
        %dma_start3A_109 = tpu.memref_squeeze %dma_start3A_108 : memref<1x128x16xf32, #tpu.memory_space<vmem>> -> memref<128x16xf32, #tpu.memory_space<vmem>>
        %dma_start3A_110 = arith.constant 0 : i32
        %dma_start3A_111 = tpu.memref_slice %arg7[%add3A_104, %dma_start3A_110] : memref<24x128xi32, #tpu.memory_space<vmem>> -> memref<1x128xi32, #tpu.memory_space<vmem>>
        %dma_start3A_112 = tpu.memref_squeeze %dma_start3A_111 : memref<1x128xi32, #tpu.memory_space<vmem>> -> memref<128xi32, #tpu.memory_space<vmem>>
        %dma_start3A_113 = arith.constant 0 : i32
        %dma_start3A_114 = arith.constant 0 : i32
        %dma_start3A_115 = tpu.memref_slice %arg9[%dma_start3A_113, %dma_start3A_114] : memref<100352x16xf32, #tpu.memory_space<vmem_shared>> -> memref<100352x16xf32, #tpu.memory_space<vmem_shared>>
        tpu.enqueue_indirect_dma source(%dma_start3A_109 : memref<128x16xf32, #tpu.memory_space<vmem>>) target(%dma_start3A_115 : memref<100352x16xf32, #tpu.memory_space<vmem_shared>>) offsets(%dma_start3A_112 : memref<128xi32, #tpu.memory_space<vmem>>) semaphore(%arg12 : memref<!tpu.dma_semaphore, #tpu.memory_space<semaphore_mem>>) {add = true}
      }
      %scan3A_93 = arith.constant 4 : i32
      %lt3A_94 = arith.constant 97 : i32
      %lt3A_95 = arith.cmpi slt, %scan3A_44, %lt3A_94 : i32
      %convert_element_type3A_96 = arith.extui %lt3A_95 : i1 to i32
      %cond3A_97 = arith.constant 0 : i32
      %cond3A_98 = arith.cmpi ne, %convert_element_type3A_96, %cond3A_97 : i32
      scf.if %cond3A_98 {
        %dma_wait3A = arith.constant 0 : i32
        %dma_wait3A_99 = arith.constant 0 : i32
        %dma_wait3A_100 = tpu.memref_slice %arg6[%dma_wait3A, %dma_wait3A_99] : memref<24x128xi32, #tpu.memory_space<vmem>> -> memref<8x128xi32, #tpu.memory_space<vmem>>
        %dma_wait3A_101 = arith.constant 0 : i32
        %dma_wait3A_102 = tpu.memref_slice %arg3[%arg0, %mul3A_6, %dma_wait3A_101] : memref<2x12544x128xi32, #tpu.memory_space<hbm>> -> memref<1x8x128xi32, #tpu.memory_space<hbm>>
        %dma_wait3A_103 = tpu.memref_squeeze %dma_wait3A_102 : memref<1x8x128xi32, #tpu.memory_space<hbm>> -> memref<8x128xi32, #tpu.memory_space<hbm>>
        %dma_wait3A_104 = arith.constant 0 : i32
        %dma_wait3A_105 = arith.constant 0 : i32
        %dma_wait3A_106 = tpu.memref_slice %arg6[%dma_wait3A_104, %dma_wait3A_105] : memref<24x128xi32, #tpu.memory_space<vmem>> -> memref<8x128xi32, #tpu.memory_space<vmem>>
        %dma_wait3A_107 = arith.constant 0 : i32
        %dma_wait3A_108 = tpu.memref_slice %arg3[%arg0, %mul3A_6, %dma_wait3A_107] : memref<2x12544x128xi32, #tpu.memory_space<hbm>> -> memref<1x8x128xi32, #tpu.memory_space<hbm>>
        %dma_wait3A_109 = tpu.memref_squeeze %dma_wait3A_108 : memref<1x8x128xi32, #tpu.memory_space<hbm>> -> memref<8x128xi32, #tpu.memory_space<hbm>>
        tpu.wait_dma2 semaphore(%arg11 : memref<!tpu.dma_semaphore, #tpu.memory_space<semaphore_mem>>) src(%dma_wait3A_109 : memref<8x128xi32, #tpu.memory_space<hbm>>) dst(%dma_wait3A_106 : memref<8x128xi32, #tpu.memory_space<vmem>>)
        %dma_wait3A_110 = arith.constant 0 : i32
        %dma_wait3A_111 = arith.constant 0 : i32
        %dma_wait3A_112 = tpu.memref_slice %arg7[%dma_wait3A_110, %dma_wait3A_111] : memref<24x128xi32, #tpu.memory_space<vmem>> -> memref<8x128xi32, #tpu.memory_space<vmem>>
        %dma_wait3A_113 = arith.constant 0 : i32
        %dma_wait3A_114 = tpu.memref_slice %arg4[%mul3A_6, %dma_wait3A_113] : memref<12544x128xi32, #tpu.memory_space<hbm>> -> memref<8x128xi32, #tpu.memory_space<hbm>>
        %dma_wait3A_115 = arith.constant 0 : i32
        %dma_wait3A_116 = arith.constant 0 : i32
        %dma_wait3A_117 = tpu.memref_slice %arg7[%dma_wait3A_115, %dma_wait3A_116] : memref<24x128xi32, #tpu.memory_space<vmem>> -> memref<8x128xi32, #tpu.memory_space<vmem>>
        %dma_wait3A_118 = arith.constant 0 : i32
        %dma_wait3A_119 = tpu.memref_slice %arg4[%mul3A_6, %dma_wait3A_118] : memref<12544x128xi32, #tpu.memory_space<hbm>> -> memref<8x128xi32, #tpu.memory_space<hbm>>
        tpu.wait_dma2 semaphore(%arg11 : memref<!tpu.dma_semaphore, #tpu.memory_space<semaphore_mem>>) src(%dma_wait3A_119 : memref<8x128xi32, #tpu.memory_space<hbm>>) dst(%dma_wait3A_117 : memref<8x128xi32, #tpu.memory_space<vmem>>)
      } else {
      }
    }
    %scan3A_11 = arith.constant 98 : i32
    %scan3A_12 = arith.constant 0 : i32
    %scan3A_13 = arith.constant 0 : i32
    %scan3A_14 = arith.constant 4 : i32
    %scan3A_15 = arith.addi %scan3A_13, %scan3A_14 : i32
    %scan3A_16 = arith.constant 1 : i32
    scf.for %scan3A_44 = %scan3A_13 to %scan3A_15 step %scan3A_16  : i32 {
      %dma_wait3A = arith.constant 0 : i32
      %dma_wait3A_45 = arith.constant 0 : i32
      %dma_wait3A_46 = tpu.memref_slice %arg8[%scan3A_44, %dma_wait3A, %dma_wait3A_45] : memref<8x128x16xf32, #tpu.memory_space<vmem>> -> memref<1x128x16xf32, #tpu.memory_space<vmem>>
      %dma_wait3A_47 = tpu.memref_squeeze %dma_wait3A_46 : memref<1x128x16xf32, #tpu.memory_space<vmem>> -> memref<128x16xf32, #tpu.memory_space<vmem>>
      %dma_wait3A_48 = arith.constant 0 : i32
      %dma_wait3A_49 = tpu.memref_slice %arg6[%scan3A_44, %dma_wait3A_48] : memref<24x128xi32, #tpu.memory_space<vmem>> -> memref<1x128xi32, #tpu.memory_space<vmem>>
      %dma_wait3A_50 = tpu.memref_squeeze %dma_wait3A_49 : memref<1x128xi32, #tpu.memory_space<vmem>> -> memref<128xi32, #tpu.memory_space<vmem>>
      %dma_wait3A_51 = arith.constant 0 : i32
      %dma_wait3A_52 = arith.constant 0 : i32
      %dma_wait3A_53 = tpu.memref_slice %arg2[%dma_wait3A_51, %dma_wait3A_52] : memref<200704x16xf32, #tpu.memory_space<hbm>> -> memref<200704x16xf32, #tpu.memory_space<hbm>>
      tpu.wait_indirect_dma semaphore(%arg10 : memref<!tpu.dma_semaphore, #tpu.memory_space<semaphore_mem>>) src(%dma_wait3A_53 : memref<200704x16xf32, #tpu.memory_space<hbm>>) dst(%dma_wait3A_47 : memref<128x16xf32, #tpu.memory_space<vmem>>)
    }
    %scan3A_17 = arith.constant 4 : i32
    %scan3A_18 = arith.constant 0 : i32
    %scan3A_19 = arith.constant 0 : i32
    %scan3A_20 = arith.constant 4 : i32
    %scan3A_21 = arith.addi %scan3A_19, %scan3A_20 : i32
    %scan3A_22 = arith.constant 1 : i32
    scf.for %scan3A_44 = %scan3A_19 to %scan3A_21 step %scan3A_22  : i32 {
      %add3A_45 = arith.constant 12 : i32
      %add3A_46 = arith.addi %add3A_45, %scan3A_44 : i32
      %add3A_47 = arith.constant 4 : i32
      %add3A_48 = arith.addi %add3A_47, %scan3A_44 : i32
      %dma_start3A = arith.constant 0 : i32
      %dma_start3A_49 = arith.constant 0 : i32
      %dma_start3A_50 = tpu.memref_slice %arg8[%add3A_48, %dma_start3A, %dma_start3A_49] : memref<8x128x16xf32, #tpu.memory_space<vmem>> -> memref<1x128x16xf32, #tpu.memory_space<vmem>>
      %dma_start3A_51 = tpu.memref_squeeze %dma_start3A_50 : memref<1x128x16xf32, #tpu.memory_space<vmem>> -> memref<128x16xf32, #tpu.memory_space<vmem>>
      %dma_start3A_52 = arith.constant 0 : i32
      %dma_start3A_53 = tpu.memref_slice %arg7[%add3A_46, %dma_start3A_52] : memref<24x128xi32, #tpu.memory_space<vmem>> -> memref<1x128xi32, #tpu.memory_space<vmem>>
      %dma_start3A_54 = tpu.memref_squeeze %dma_start3A_53 : memref<1x128xi32, #tpu.memory_space<vmem>> -> memref<128xi32, #tpu.memory_space<vmem>>
      %dma_start3A_55 = arith.constant 0 : i32
      %dma_start3A_56 = arith.constant 0 : i32
      %dma_start3A_57 = tpu.memref_slice %arg9[%dma_start3A_55, %dma_start3A_56] : memref<100352x16xf32, #tpu.memory_space<vmem_shared>> -> memref<100352x16xf32, #tpu.memory_space<vmem_shared>>
      tpu.enqueue_indirect_dma source(%dma_start3A_51 : memref<128x16xf32, #tpu.memory_space<vmem>>) target(%dma_start3A_57 : memref<100352x16xf32, #tpu.memory_space<vmem_shared>>) offsets(%dma_start3A_54 : memref<128xi32, #tpu.memory_space<vmem>>) semaphore(%arg12 : memref<!tpu.dma_semaphore, #tpu.memory_space<semaphore_mem>>) {add = true}
    }
    %scan3A_23 = arith.constant 4 : i32
    %scan3A_24 = arith.constant 0 : i32
    %scan3A_25 = arith.constant 0 : i32
    %scan3A_26 = arith.constant 4 : i32
    %scan3A_27 = arith.addi %scan3A_25, %scan3A_26 : i32
    %scan3A_28 = arith.constant 1 : i32
    scf.for %scan3A_44 = %scan3A_25 to %scan3A_27 step %scan3A_28  : i32 {
      %dma_wait3A = arith.constant 0 : i32
      %dma_wait3A_45 = arith.constant 0 : i32
      %dma_wait3A_46 = arith.constant 0 : i32
      %dma_wait3A_47 = tpu.memref_slice %arg8[%scan3A_44, %dma_wait3A_45, %dma_wait3A_46] : memref<8x128x16xf32, #tpu.memory_space<vmem>> -> memref<1x128x16xf32, #tpu.memory_space<vmem>>
      %dma_wait3A_48 = tpu.memref_squeeze %dma_wait3A_47 : memref<1x128x16xf32, #tpu.memory_space<vmem>> -> memref<128x16xf32, #tpu.memory_space<vmem>>
      %dma_wait3A_49 = arith.constant 0 : i32
      %dma_wait3A_50 = tpu.memref_slice %arg7[%dma_wait3A, %dma_wait3A_49] : memref<24x128xi32, #tpu.memory_space<vmem>> -> memref<1x128xi32, #tpu.memory_space<vmem>>
      %dma_wait3A_51 = tpu.memref_squeeze %dma_wait3A_50 : memref<1x128xi32, #tpu.memory_space<vmem>> -> memref<128xi32, #tpu.memory_space<vmem>>
      %dma_wait3A_52 = arith.constant 0 : i32
      %dma_wait3A_53 = arith.constant 0 : i32
      %dma_wait3A_54 = tpu.memref_slice %arg9[%dma_wait3A_52, %dma_wait3A_53] : memref<100352x16xf32, #tpu.memory_space<vmem_shared>> -> memref<100352x16xf32, #tpu.memory_space<vmem_shared>>
      tpu.wait_indirect_dma semaphore(%arg12 : memref<!tpu.dma_semaphore, #tpu.memory_space<semaphore_mem>>) src(%dma_wait3A_48 : memref<128x16xf32, #tpu.memory_space<vmem>>) dst(%dma_wait3A_54 : memref<100352x16xf32, #tpu.memory_space<vmem_shared>>)
    }
    %scan3A_29 = arith.constant 4 : i32
    %scan3A_30 = arith.constant 0 : i32
    %scan3A_31 = arith.constant 0 : i32
    %scan3A_32 = arith.constant 4 : i32
    %scan3A_33 = arith.addi %scan3A_31, %scan3A_32 : i32
    %scan3A_34 = arith.constant 1 : i32
    scf.for %scan3A_44 = %scan3A_31 to %scan3A_33 step %scan3A_34  : i32 {
      %dma_wait3A = arith.constant 0 : i32
      %dma_wait3A_45 = arith.constant 0 : i32
      %dma_wait3A_46 = arith.constant 0 : i32
      %dma_wait3A_47 = tpu.memref_slice %arg8[%scan3A_44, %dma_wait3A_45, %dma_wait3A_46] : memref<8x128x16xf32, #tpu.memory_space<vmem>> -> memref<1x128x16xf32, #tpu.memory_space<vmem>>
      %dma_wait3A_48 = tpu.memref_squeeze %dma_wait3A_47 : memref<1x128x16xf32, #tpu.memory_space<vmem>> -> memref<128x16xf32, #tpu.memory_space<vmem>>
      %dma_wait3A_49 = arith.constant 0 : i32
      %dma_wait3A_50 = tpu.memref_slice %arg7[%dma_wait3A, %dma_wait3A_49] : memref<24x128xi32, #tpu.memory_space<vmem>> -> memref<1x128xi32, #tpu.memory_space<vmem>>
      %dma_wait3A_51 = tpu.memref_squeeze %dma_wait3A_50 : memref<1x128xi32, #tpu.memory_space<vmem>> -> memref<128xi32, #tpu.memory_space<vmem>>
      %dma_wait3A_52 = arith.constant 0 : i32
      %dma_wait3A_53 = arith.constant 0 : i32
      %dma_wait3A_54 = tpu.memref_slice %arg9[%dma_wait3A_52, %dma_wait3A_53] : memref<100352x16xf32, #tpu.memory_space<vmem_shared>> -> memref<100352x16xf32, #tpu.memory_space<vmem_shared>>
      tpu.wait_indirect_dma semaphore(%arg12 : memref<!tpu.dma_semaphore, #tpu.memory_space<semaphore_mem>>) src(%dma_wait3A_48 : memref<128x16xf32, #tpu.memory_space<vmem>>) dst(%dma_wait3A_54 : memref<100352x16xf32, #tpu.memory_space<vmem_shared>>)
    }
    %scan3A_35 = arith.constant 4 : i32
    %barrier3A_36 = arith.constant 0 : index
    tpu.barrier barrier_id(%barrier3A_36)
    %mul3A_37 = arith.constant 6272 : i32
    %mul3A_38 = arith.muli %arg1, %mul3A_37 : i32
    %mul3A_39 = arith.constant 100352 : i32
    %mul3A_40 = arith.muli %arg0, %mul3A_39 : i32
    %mul3A_41 = arith.constant 6272 : i32
    %mul3A_42 = arith.muli %arg1, %mul3A_41 : i32
    %add3A_43 = arith.addi %mul3A_40, %mul3A_42 : i32
    "tpu.region"() ({
      %run_scoped3A = tpu.sem_alloc : memref<!tpu.dma_semaphore, #tpu.memory_space<semaphore_mem>>
      %dma_start3A = arith.constant 0 : i32
      %dma_start3A_44 = tpu.memref_slice %arg5[%add3A_43, %dma_start3A] : memref<200704x16xf32, #tpu.memory_space<hbm>> -> memref<6272x16xf32, #tpu.memory_space<hbm>>
      %dma_start3A_45 = arith.constant 0 : i32
      %dma_start3A_46 = tpu.memref_slice %arg9[%mul3A_38, %dma_start3A_45] : memref<100352x16xf32, #tpu.memory_space<vmem_shared>> -> memref<6272x16xf32, #tpu.memory_space<vmem_shared>>
      tpu.enqueue_dma source(%dma_start3A_46 : memref<6272x16xf32, #tpu.memory_space<vmem_shared>>) target(%dma_start3A_44 : memref<6272x16xf32, #tpu.memory_space<hbm>>) target_semaphore(%run_scoped3A : memref<!tpu.dma_semaphore, #tpu.memory_space<semaphore_mem>>)
      %dma_wait3A = arith.constant 0 : i32
      %dma_wait3A_47 = tpu.memref_slice %arg5[%add3A_43, %dma_wait3A] : memref<200704x16xf32, #tpu.memory_space<hbm>> -> memref<6272x16xf32, #tpu.memory_space<hbm>>
      %dma_wait3A_48 = arith.constant 0 : i32
      %dma_wait3A_49 = tpu.memref_slice %arg9[%mul3A_38, %dma_wait3A_48] : memref<100352x16xf32, #tpu.memory_space<vmem_shared>> -> memref<6272x16xf32, #tpu.memory_space<vmem_shared>>
      tpu.wait_dma2 semaphore(%run_scoped3A : memref<!tpu.dma_semaphore, #tpu.memory_space<semaphore_mem>>) src(%dma_wait3A_49 : memref<6272x16xf32, #tpu.memory_space<vmem_shared>>) dst(%dma_wait3A_47 : memref<6272x16xf32, #tpu.memory_space<hbm>>)
      tpu.yield
    }) : () -> ()
    return
  }
}

#map = affine_map<(d0, d1) -> (0, 0)>
#map1 = affine_map<(d0, d1) -> (0)>
module attributes {stable_mosaic.version = 14 : i64} {
  func.func @_sc_pool(%arg0: i32, %arg1: i32, %arg2: memref<200704x16xf32, #tpu.memory_space<hbm>>, %arg3: memref<784x128xi32, #tpu.memory_space<hbm>>, %arg4: memref<264x16xf32, #tpu.memory_space<hbm>>, %arg5: memref<264xf32, #tpu.memory_space<hbm>>, %arg6: memref<528x16xf32, #tpu.memory_space<hbm>>, %arg7: memref<528xf32, #tpu.memory_space<hbm>>, %arg8: memref<8x128xi32, #tpu.memory_space<vmem>>, %arg9: memref<1024x16xf32, #tpu.memory_space<vmem>>, %arg10: memref<128xf32, #tpu.memory_space<vmem>>, %arg11: memref<264x16xf32, #tpu.memory_space<vmem_shared>>, %arg12: memref<264xf32, #tpu.memory_space<vmem_shared>>) attributes {dimension_semantics = [#tpu.dimension_semantics<core_parallel>, #tpu.dimension_semantics<subcore_parallel>], iteration_bounds = array<i64: 2, 16>, scalar_prefetch = 0 : i64, scratch_operands = 5 : i64, tpu.core_type = #tpu.core_type<sc_vector_subcore>, window_params = [{transform_indices = #map}, {transform_indices = #map}, {transform_indices = #map}, {transform_indices = #map1}, {transform_indices = #map}, {transform_indices = #map1}]} {
    %scan3A = arith.constant 0 : i32
    %scan3A_0 = arith.constant 0 : i32
    %scan3A_1 = arith.constant 8 : i32
    %scan3A_2 = arith.addi %scan3A_0, %scan3A_1 : i32
    %scan3A_3 = arith.constant 1 : i32
    scf.for %scan3A_32 = %scan3A_0 to %scan3A_2 step %scan3A_3  : i32 {
      %broadcast_in_dim3A = arith.constant 1.000000e+00 : f32
      %broadcast_in_dim3A_33 = vector.broadcast %broadcast_in_dim3A : f32 to vector<16xf32>
      %mul3A_34 = arith.constant 16 : i32
      %mul3A_35 = arith.muli %scan3A_32, %mul3A_34 : i32
      %swap3A = arith.index_cast %mul3A_35 : i32 to index
      %swap3A_36 = tpu.vector_load %arg10[%swap3A] {strides = array<i32>} : memref<128xf32, #tpu.memory_space<vmem>>, vector<16xf32>,
      %swap3A_37 = vector.shape_cast %swap3A_36 : vector<16xf32> to vector<16xf32>
      %swap3A_38 = vector.shape_cast %broadcast_in_dim3A_33 : vector<16xf32> to vector<16xf32>
      tpu.vector_store %arg10[%swap3A], %swap3A_38 {strides = array<i32>} : memref<128xf32, #tpu.memory_space<vmem>>, vector<16xf32>,
    }
    %scan3A_4 = arith.constant 8 : i32
    %eq3A = arith.constant 0 : i32
    %eq3A_5 = arith.cmpi eq, %arg1, %eq3A : i32
    %convert_element_type3A = arith.extui %eq3A_5 : i1 to i32
    %cond3A = arith.constant 0 : i32
    %cond3A_6 = arith.cmpi ne, %convert_element_type3A, %cond3A : i32
    scf.if %cond3A_6 {
      "tpu.region"() ({
        %run_scoped3A = tpu.sem_alloc : memref<!tpu.dma_semaphore, #tpu.memory_space<semaphore_mem>>
        tpu.enqueue_dma source(%arg4 : memref<264x16xf32, #tpu.memory_space<hbm>>) target(%arg11 : memref<264x16xf32, #tpu.memory_space<vmem_shared>>) target_semaphore(%run_scoped3A : memref<!tpu.dma_semaphore, #tpu.memory_space<semaphore_mem>>)
        tpu.wait_dma2 semaphore(%run_scoped3A : memref<!tpu.dma_semaphore, #tpu.memory_space<semaphore_mem>>) src(%arg4 : memref<264x16xf32, #tpu.memory_space<hbm>>) dst(%arg11 : memref<264x16xf32, #tpu.memory_space<vmem_shared>>)
        tpu.yield
      }) : () -> ()
      "tpu.region"() ({
        %run_scoped3A = tpu.sem_alloc : memref<!tpu.dma_semaphore, #tpu.memory_space<semaphore_mem>>
        tpu.enqueue_dma source(%arg5 : memref<264xf32, #tpu.memory_space<hbm>>) target(%arg12 : memref<264xf32, #tpu.memory_space<vmem_shared>>) target_semaphore(%run_scoped3A : memref<!tpu.dma_semaphore, #tpu.memory_space<semaphore_mem>>)
        tpu.wait_dma2 semaphore(%run_scoped3A : memref<!tpu.dma_semaphore, #tpu.memory_space<semaphore_mem>>) src(%arg5 : memref<264xf32, #tpu.memory_space<hbm>>) dst(%arg12 : memref<264xf32, #tpu.memory_space<vmem_shared>>)
        tpu.yield
      }) : () -> ()
    } else {
    }
    %barrier3A = arith.constant 0 : index
    tpu.barrier barrier_id(%barrier3A)
    %lt3A = arith.constant 14 : i32
    %lt3A_7 = arith.cmpi slt, %arg1, %lt3A : i32
    %jit3A = arith.constant 6 : i32
    %jit3A_8 = arith.constant 7 : i32
    %select_n3A = arith.select %lt3A_7, %jit3A, %jit3A_8 : i32
    %lt3A_9 = arith.constant 14 : i32
    %lt3A_10 = arith.cmpi slt, %arg1, %lt3A_9 : i32
    %mul3A = arith.constant 6 : i32
    %mul3A_11 = arith.muli %mul3A, %arg1 : i32
    %sub3A = arith.constant 14 : i32
    %sub3A_12 = arith.subi %arg1, %sub3A : i32
    %mul3A_13 = arith.constant 7 : i32
    %mul3A_14 = arith.muli %mul3A_13, %sub3A_12 : i32
    %add3A = arith.constant 84 : i32
    %add3A_15 = arith.addi %add3A, %mul3A_14 : i32
    %select_n3A_16 = arith.select %lt3A_10, %mul3A_11, %add3A_15 : i32
    %while3A = arith.constant 0 : i32
    %while3A_17 = arith.constant 0 : i32
    %while3A_18 = arith.subi %select_n3A, %while3A_17 : i32
    %while3A_19 = arith.addi %while3A_17, %while3A_18 : i32
    %while3A_20 = arith.constant 1 : i32
    %while3A_21 = arith.divsi %while3A_18, %while3A_20 : i32
    %while3A_22 = arith.muli %while3A_21, %while3A_20 : i32
    %while3A_23 = arith.addi %while3A_17, %while3A_22 : i32
    %while3A_24 = arith.constant 1 : i32
    scf.for %while3A_32 = %while3A_17 to %while3A_23 step %while3A_24  : i32 {
      %add3A_33 = arith.addi %select_n3A_16, %while3A_32 : i32
      %mul3A_34 = arith.constant 8 : i32
      %mul3A_35 = arith.muli %add3A_33, %mul3A_34 : i32
      "tpu.region"() ({
        %run_scoped3A = tpu.sem_alloc : memref<!tpu.dma_semaphore, #tpu.memory_space<semaphore_mem>>
        %dma_start3A = arith.constant 0 : i32
        %dma_start3A_46 = tpu.memref_slice %arg3[%mul3A_35, %dma_start3A] : memref<784x128xi32, #tpu.memory_space<hbm>> -> memref<8x128xi32, #tpu.memory_space<hbm>>
        %dma_start3A_47 = arith.constant 0 : i32
        %dma_start3A_48 = tpu.memref_slice %arg3[%mul3A_35, %dma_start3A_47] : memref<784x128xi32, #tpu.memory_space<hbm>> -> memref<8x128xi32, #tpu.memory_space<hbm>>
        tpu.enqueue_dma source(%dma_start3A_48 : memref<8x128xi32, #tpu.memory_space<hbm>>) target(%arg8 : memref<8x128xi32, #tpu.memory_space<vmem>>) target_semaphore(%run_scoped3A : memref<!tpu.dma_semaphore, #tpu.memory_space<semaphore_mem>>)
        %dma_wait3A = arith.constant 0 : i32
        %dma_wait3A_49 = tpu.memref_slice %arg3[%mul3A_35, %dma_wait3A] : memref<784x128xi32, #tpu.memory_space<hbm>> -> memref<8x128xi32, #tpu.memory_space<hbm>>
        %dma_wait3A_50 = arith.constant 0 : i32
        %dma_wait3A_51 = tpu.memref_slice %arg3[%mul3A_35, %dma_wait3A_50] : memref<784x128xi32, #tpu.memory_space<hbm>> -> memref<8x128xi32, #tpu.memory_space<hbm>>
        tpu.wait_dma2 semaphore(%run_scoped3A : memref<!tpu.dma_semaphore, #tpu.memory_space<semaphore_mem>>) src(%dma_wait3A_51 : memref<8x128xi32, #tpu.memory_space<hbm>>) dst(%arg8 : memref<8x128xi32, #tpu.memory_space<vmem>>)
        tpu.yield
      }) : () -> ()
      %mul3A_36 = arith.constant 100352 : i32
      %mul3A_37 = arith.muli %arg0, %mul3A_36 : i32
      %mul3A_38 = arith.constant 1024 : i32
      %mul3A_39 = arith.muli %add3A_33, %mul3A_38 : i32
      %add3A_40 = arith.addi %mul3A_37, %mul3A_39 : i32
      "tpu.region"() ({
        %run_scoped3A = tpu.sem_alloc : memref<!tpu.dma_semaphore, #tpu.memory_space<semaphore_mem>>
        %dma_start3A = arith.constant 0 : i32
        %dma_start3A_46 = tpu.memref_slice %arg2[%add3A_40, %dma_start3A] : memref<200704x16xf32, #tpu.memory_space<hbm>> -> memref<1024x16xf32, #tpu.memory_space<hbm>>
        %dma_start3A_47 = arith.constant 0 : i32
        %dma_start3A_48 = tpu.memref_slice %arg2[%add3A_40, %dma_start3A_47] : memref<200704x16xf32, #tpu.memory_space<hbm>> -> memref<1024x16xf32, #tpu.memory_space<hbm>>
        tpu.enqueue_dma source(%dma_start3A_48 : memref<1024x16xf32, #tpu.memory_space<hbm>>) target(%arg9 : memref<1024x16xf32, #tpu.memory_space<vmem>>) target_semaphore(%run_scoped3A : memref<!tpu.dma_semaphore, #tpu.memory_space<semaphore_mem>>)
        %dma_wait3A = arith.constant 0 : i32
        %dma_wait3A_49 = tpu.memref_slice %arg2[%add3A_40, %dma_wait3A] : memref<200704x16xf32, #tpu.memory_space<hbm>> -> memref<1024x16xf32, #tpu.memory_space<hbm>>
        %dma_wait3A_50 = arith.constant 0 : i32
        %dma_wait3A_51 = tpu.memref_slice %arg2[%add3A_40, %dma_wait3A_50] : memref<200704x16xf32, #tpu.memory_space<hbm>> -> memref<1024x16xf32, #tpu.memory_space<hbm>>
        tpu.wait_dma2 semaphore(%run_scoped3A : memref<!tpu.dma_semaphore, #tpu.memory_space<semaphore_mem>>) src(%dma_wait3A_51 : memref<1024x16xf32, #tpu.memory_space<hbm>>) dst(%arg9 : memref<1024x16xf32, #tpu.memory_space<vmem>>)
        tpu.yield
      }) : () -> ()
      %scan3A_41 = arith.constant 0 : i32
      %scan3A_42 = arith.constant 8 : i32
      %scan3A_43 = arith.addi %scan3A_41, %scan3A_42 : i32
      %scan3A_44 = arith.constant 1 : i32
      scf.for %scan3A_46 = %scan3A_41 to %scan3A_43 step %scan3A_44  : i32 {
        %mul3A_47 = arith.constant 128 : i32
        %mul3A_48 = arith.muli %scan3A_46, %mul3A_47 : i32
        "tpu.region"() ({
          %run_scoped3A = tpu.sem_alloc : memref<!tpu.dma_semaphore, #tpu.memory_space<semaphore_mem>>
          %dma_start3A = arith.constant 0 : i32
          %dma_start3A_49 = tpu.memref_slice %arg9[%mul3A_48, %dma_start3A] : memref<1024x16xf32, #tpu.memory_space<vmem>> -> memref<128x16xf32, #tpu.memory_space<vmem>>
          %dma_start3A_50 = arith.constant 0 : i32
          %dma_start3A_51 = tpu.memref_slice %arg8[%scan3A_46, %dma_start3A_50] : memref<8x128xi32, #tpu.memory_space<vmem>> -> memref<1x128xi32, #tpu.memory_space<vmem>>
          %dma_start3A_52 = tpu.memref_squeeze %dma_start3A_51 : memref<1x128xi32, #tpu.memory_space<vmem>> -> memref<128xi32, #tpu.memory_space<vmem>>
          %dma_start3A_53 = arith.constant 0 : i32
          %dma_start3A_54 = arith.constant 0 : i32
          %dma_start3A_55 = tpu.memref_slice %arg11[%dma_start3A_53, %dma_start3A_54] : memref<264x16xf32, #tpu.memory_space<vmem_shared>> -> memref<264x16xf32, #tpu.memory_space<vmem_shared>>
          tpu.enqueue_indirect_dma source(%dma_start3A_49 : memref<128x16xf32, #tpu.memory_space<vmem>>) target(%dma_start3A_55 : memref<264x16xf32, #tpu.memory_space<vmem_shared>>) offsets(%dma_start3A_52 : memref<128xi32, #tpu.memory_space<vmem>>) semaphore(%run_scoped3A : memref<!tpu.dma_semaphore, #tpu.memory_space<semaphore_mem>>) {add = true}
          %dma_wait3A = arith.constant 0 : i32
          %dma_wait3A_56 = tpu.memref_slice %arg9[%mul3A_48, %dma_wait3A] : memref<1024x16xf32, #tpu.memory_space<vmem>> -> memref<128x16xf32, #tpu.memory_space<vmem>>
          %dma_wait3A_57 = arith.constant 0 : i32
          %dma_wait3A_58 = tpu.memref_slice %arg8[%scan3A_46, %dma_wait3A_57] : memref<8x128xi32, #tpu.memory_space<vmem>> -> memref<1x128xi32, #tpu.memory_space<vmem>>
          %dma_wait3A_59 = tpu.memref_squeeze %dma_wait3A_58 : memref<1x128xi32, #tpu.memory_space<vmem>> -> memref<128xi32, #tpu.memory_space<vmem>>
          %dma_wait3A_60 = arith.constant 0 : i32
          %dma_wait3A_61 = arith.constant 0 : i32
          %dma_wait3A_62 = tpu.memref_slice %arg11[%dma_wait3A_60, %dma_wait3A_61] : memref<264x16xf32, #tpu.memory_space<vmem_shared>> -> memref<264x16xf32, #tpu.memory_space<vmem_shared>>
          tpu.wait_indirect_dma semaphore(%run_scoped3A : memref<!tpu.dma_semaphore, #tpu.memory_space<semaphore_mem>>) src(%dma_wait3A_56 : memref<128x16xf32, #tpu.memory_space<vmem>>) dst(%dma_wait3A_62 : memref<264x16xf32, #tpu.memory_space<vmem_shared>>)
          tpu.yield
        }) : () -> ()
        "tpu.region"() ({
          %run_scoped3A = tpu.sem_alloc : memref<!tpu.dma_semaphore, #tpu.memory_space<semaphore_mem>>
          %dma_start3A = arith.constant 0 : i32
          %dma_start3A_49 = tpu.memref_slice %arg8[%scan3A_46, %dma_start3A] : memref<8x128xi32, #tpu.memory_space<vmem>> -> memref<1x128xi32, #tpu.memory_space<vmem>>
          %dma_start3A_50 = tpu.memref_squeeze %dma_start3A_49 : memref<1x128xi32, #tpu.memory_space<vmem>> -> memref<128xi32, #tpu.memory_space<vmem>>
          %dma_start3A_51 = arith.constant 0 : i32
          %dma_start3A_52 = tpu.memref_slice %arg12[%dma_start3A_51] : memref<264xf32, #tpu.memory_space<vmem_shared>> -> memref<264xf32, #tpu.memory_space<vmem_shared>>
          tpu.enqueue_indirect_dma source(%arg10 : memref<128xf32, #tpu.memory_space<vmem>>) target(%dma_start3A_52 : memref<264xf32, #tpu.memory_space<vmem_shared>>) offsets(%dma_start3A_50 : memref<128xi32, #tpu.memory_space<vmem>>) semaphore(%run_scoped3A : memref<!tpu.dma_semaphore, #tpu.memory_space<semaphore_mem>>) {add = true}
          %dma_wait3A = arith.constant 0 : i32
          %dma_wait3A_53 = tpu.memref_slice %arg8[%scan3A_46, %dma_wait3A] : memref<8x128xi32, #tpu.memory_space<vmem>> -> memref<1x128xi32, #tpu.memory_space<vmem>>
          %dma_wait3A_54 = tpu.memref_squeeze %dma_wait3A_53 : memref<1x128xi32, #tpu.memory_space<vmem>> -> memref<128xi32, #tpu.memory_space<vmem>>
          %dma_wait3A_55 = arith.constant 0 : i32
          %dma_wait3A_56 = tpu.memref_slice %arg12[%dma_wait3A_55] : memref<264xf32, #tpu.memory_space<vmem_shared>> -> memref<264xf32, #tpu.memory_space<vmem_shared>>
          tpu.wait_indirect_dma semaphore(%run_scoped3A : memref<!tpu.dma_semaphore, #tpu.memory_space<semaphore_mem>>) src(%arg10 : memref<128xf32, #tpu.memory_space<vmem>>) dst(%dma_wait3A_56 : memref<264xf32, #tpu.memory_space<vmem_shared>>)
          tpu.yield
        }) : () -> ()
      }
      %scan3A_45 = arith.constant 8 : i32
    }
    %while3A_25 = arith.constant 1 : i32
    scf.for %while3A_32 = %while3A_23 to %while3A_19 step %while3A_25  : i32 {
      %add3A_33 = arith.addi %select_n3A_16, %while3A_32 : i32
      %mul3A_34 = arith.constant 8 : i32
      %mul3A_35 = arith.muli %add3A_33, %mul3A_34 : i32
      "tpu.region"() ({
        %run_scoped3A = tpu.sem_alloc : memref<!tpu.dma_semaphore, #tpu.memory_space<semaphore_mem>>
        %dma_start3A = arith.constant 0 : i32
        %dma_start3A_46 = tpu.memref_slice %arg3[%mul3A_35, %dma_start3A] : memref<784x128xi32, #tpu.memory_space<hbm>> -> memref<8x128xi32, #tpu.memory_space<hbm>>
        %dma_start3A_47 = arith.constant 0 : i32
        %dma_start3A_48 = tpu.memref_slice %arg3[%mul3A_35, %dma_start3A_47] : memref<784x128xi32, #tpu.memory_space<hbm>> -> memref<8x128xi32, #tpu.memory_space<hbm>>
        tpu.enqueue_dma source(%dma_start3A_48 : memref<8x128xi32, #tpu.memory_space<hbm>>) target(%arg8 : memref<8x128xi32, #tpu.memory_space<vmem>>) target_semaphore(%run_scoped3A : memref<!tpu.dma_semaphore, #tpu.memory_space<semaphore_mem>>)
        %dma_wait3A = arith.constant 0 : i32
        %dma_wait3A_49 = tpu.memref_slice %arg3[%mul3A_35, %dma_wait3A] : memref<784x128xi32, #tpu.memory_space<hbm>> -> memref<8x128xi32, #tpu.memory_space<hbm>>
        %dma_wait3A_50 = arith.constant 0 : i32
        %dma_wait3A_51 = tpu.memref_slice %arg3[%mul3A_35, %dma_wait3A_50] : memref<784x128xi32, #tpu.memory_space<hbm>> -> memref<8x128xi32, #tpu.memory_space<hbm>>
        tpu.wait_dma2 semaphore(%run_scoped3A : memref<!tpu.dma_semaphore, #tpu.memory_space<semaphore_mem>>) src(%dma_wait3A_51 : memref<8x128xi32, #tpu.memory_space<hbm>>) dst(%arg8 : memref<8x128xi32, #tpu.memory_space<vmem>>)
        tpu.yield
      }) : () -> ()
      %mul3A_36 = arith.constant 100352 : i32
      %mul3A_37 = arith.muli %arg0, %mul3A_36 : i32
      %mul3A_38 = arith.constant 1024 : i32
      %mul3A_39 = arith.muli %add3A_33, %mul3A_38 : i32
      %add3A_40 = arith.addi %mul3A_37, %mul3A_39 : i32
      "tpu.region"() ({
        %run_scoped3A = tpu.sem_alloc : memref<!tpu.dma_semaphore, #tpu.memory_space<semaphore_mem>>
        %dma_start3A = arith.constant 0 : i32
        %dma_start3A_46 = tpu.memref_slice %arg2[%add3A_40, %dma_start3A] : memref<200704x16xf32, #tpu.memory_space<hbm>> -> memref<1024x16xf32, #tpu.memory_space<hbm>>
        %dma_start3A_47 = arith.constant 0 : i32
        %dma_start3A_48 = tpu.memref_slice %arg2[%add3A_40, %dma_start3A_47] : memref<200704x16xf32, #tpu.memory_space<hbm>> -> memref<1024x16xf32, #tpu.memory_space<hbm>>
        tpu.enqueue_dma source(%dma_start3A_48 : memref<1024x16xf32, #tpu.memory_space<hbm>>) target(%arg9 : memref<1024x16xf32, #tpu.memory_space<vmem>>) target_semaphore(%run_scoped3A : memref<!tpu.dma_semaphore, #tpu.memory_space<semaphore_mem>>)
        %dma_wait3A = arith.constant 0 : i32
        %dma_wait3A_49 = tpu.memref_slice %arg2[%add3A_40, %dma_wait3A] : memref<200704x16xf32, #tpu.memory_space<hbm>> -> memref<1024x16xf32, #tpu.memory_space<hbm>>
        %dma_wait3A_50 = arith.constant 0 : i32
        %dma_wait3A_51 = tpu.memref_slice %arg2[%add3A_40, %dma_wait3A_50] : memref<200704x16xf32, #tpu.memory_space<hbm>> -> memref<1024x16xf32, #tpu.memory_space<hbm>>
        tpu.wait_dma2 semaphore(%run_scoped3A : memref<!tpu.dma_semaphore, #tpu.memory_space<semaphore_mem>>) src(%dma_wait3A_51 : memref<1024x16xf32, #tpu.memory_space<hbm>>) dst(%arg9 : memref<1024x16xf32, #tpu.memory_space<vmem>>)
        tpu.yield
      }) : () -> ()
      %scan3A_41 = arith.constant 0 : i32
      %scan3A_42 = arith.constant 8 : i32
      %scan3A_43 = arith.addi %scan3A_41, %scan3A_42 : i32
      %scan3A_44 = arith.constant 1 : i32
      scf.for %scan3A_46 = %scan3A_41 to %scan3A_43 step %scan3A_44  : i32 {
        %mul3A_47 = arith.constant 128 : i32
        %mul3A_48 = arith.muli %scan3A_46, %mul3A_47 : i32
        "tpu.region"() ({
          %run_scoped3A = tpu.sem_alloc : memref<!tpu.dma_semaphore, #tpu.memory_space<semaphore_mem>>
          %dma_start3A = arith.constant 0 : i32
          %dma_start3A_49 = tpu.memref_slice %arg9[%mul3A_48, %dma_start3A] : memref<1024x16xf32, #tpu.memory_space<vmem>> -> memref<128x16xf32, #tpu.memory_space<vmem>>
          %dma_start3A_50 = arith.constant 0 : i32
          %dma_start3A_51 = tpu.memref_slice %arg8[%scan3A_46, %dma_start3A_50] : memref<8x128xi32, #tpu.memory_space<vmem>> -> memref<1x128xi32, #tpu.memory_space<vmem>>
          %dma_start3A_52 = tpu.memref_squeeze %dma_start3A_51 : memref<1x128xi32, #tpu.memory_space<vmem>> -> memref<128xi32, #tpu.memory_space<vmem>>
          %dma_start3A_53 = arith.constant 0 : i32
          %dma_start3A_54 = arith.constant 0 : i32
          %dma_start3A_55 = tpu.memref_slice %arg11[%dma_start3A_53, %dma_start3A_54] : memref<264x16xf32, #tpu.memory_space<vmem_shared>> -> memref<264x16xf32, #tpu.memory_space<vmem_shared>>
          tpu.enqueue_indirect_dma source(%dma_start3A_49 : memref<128x16xf32, #tpu.memory_space<vmem>>) target(%dma_start3A_55 : memref<264x16xf32, #tpu.memory_space<vmem_shared>>) offsets(%dma_start3A_52 : memref<128xi32, #tpu.memory_space<vmem>>) semaphore(%run_scoped3A : memref<!tpu.dma_semaphore, #tpu.memory_space<semaphore_mem>>) {add = true}
          %dma_wait3A = arith.constant 0 : i32
          %dma_wait3A_56 = tpu.memref_slice %arg9[%mul3A_48, %dma_wait3A] : memref<1024x16xf32, #tpu.memory_space<vmem>> -> memref<128x16xf32, #tpu.memory_space<vmem>>
          %dma_wait3A_57 = arith.constant 0 : i32
          %dma_wait3A_58 = tpu.memref_slice %arg8[%scan3A_46, %dma_wait3A_57] : memref<8x128xi32, #tpu.memory_space<vmem>> -> memref<1x128xi32, #tpu.memory_space<vmem>>
          %dma_wait3A_59 = tpu.memref_squeeze %dma_wait3A_58 : memref<1x128xi32, #tpu.memory_space<vmem>> -> memref<128xi32, #tpu.memory_space<vmem>>
          %dma_wait3A_60 = arith.constant 0 : i32
          %dma_wait3A_61 = arith.constant 0 : i32
          %dma_wait3A_62 = tpu.memref_slice %arg11[%dma_wait3A_60, %dma_wait3A_61] : memref<264x16xf32, #tpu.memory_space<vmem_shared>> -> memref<264x16xf32, #tpu.memory_space<vmem_shared>>
          tpu.wait_indirect_dma semaphore(%run_scoped3A : memref<!tpu.dma_semaphore, #tpu.memory_space<semaphore_mem>>) src(%dma_wait3A_56 : memref<128x16xf32, #tpu.memory_space<vmem>>) dst(%dma_wait3A_62 : memref<264x16xf32, #tpu.memory_space<vmem_shared>>)
          tpu.yield
        }) : () -> ()
        "tpu.region"() ({
          %run_scoped3A = tpu.sem_alloc : memref<!tpu.dma_semaphore, #tpu.memory_space<semaphore_mem>>
          %dma_start3A = arith.constant 0 : i32
          %dma_start3A_49 = tpu.memref_slice %arg8[%scan3A_46, %dma_start3A] : memref<8x128xi32, #tpu.memory_space<vmem>> -> memref<1x128xi32, #tpu.memory_space<vmem>>
          %dma_start3A_50 = tpu.memref_squeeze %dma_start3A_49 : memref<1x128xi32, #tpu.memory_space<vmem>> -> memref<128xi32, #tpu.memory_space<vmem>>
          %dma_start3A_51 = arith.constant 0 : i32
          %dma_start3A_52 = tpu.memref_slice %arg12[%dma_start3A_51] : memref<264xf32, #tpu.memory_space<vmem_shared>> -> memref<264xf32, #tpu.memory_space<vmem_shared>>
          tpu.enqueue_indirect_dma source(%arg10 : memref<128xf32, #tpu.memory_space<vmem>>) target(%dma_start3A_52 : memref<264xf32, #tpu.memory_space<vmem_shared>>) offsets(%dma_start3A_50 : memref<128xi32, #tpu.memory_space<vmem>>) semaphore(%run_scoped3A : memref<!tpu.dma_semaphore, #tpu.memory_space<semaphore_mem>>) {add = true}
          %dma_wait3A = arith.constant 0 : i32
          %dma_wait3A_53 = tpu.memref_slice %arg8[%scan3A_46, %dma_wait3A] : memref<8x128xi32, #tpu.memory_space<vmem>> -> memref<1x128xi32, #tpu.memory_space<vmem>>
          %dma_wait3A_54 = tpu.memref_squeeze %dma_wait3A_53 : memref<1x128xi32, #tpu.memory_space<vmem>> -> memref<128xi32, #tpu.memory_space<vmem>>
          %dma_wait3A_55 = arith.constant 0 : i32
          %dma_wait3A_56 = tpu.memref_slice %arg12[%dma_wait3A_55] : memref<264xf32, #tpu.memory_space<vmem_shared>> -> memref<264xf32, #tpu.memory_space<vmem_shared>>
          tpu.wait_indirect_dma semaphore(%run_scoped3A : memref<!tpu.dma_semaphore, #tpu.memory_space<semaphore_mem>>) src(%arg10 : memref<128xf32, #tpu.memory_space<vmem>>) dst(%dma_wait3A_56 : memref<264xf32, #tpu.memory_space<vmem_shared>>)
          tpu.yield
        }) : () -> ()
      }
      %scan3A_45 = arith.constant 8 : i32
    }
    %barrier3A_26 = arith.constant 0 : index
    tpu.barrier barrier_id(%barrier3A_26)
    %eq3A_27 = arith.constant 0 : i32
    %eq3A_28 = arith.cmpi eq, %arg1, %eq3A_27 : i32
    %convert_element_type3A_29 = arith.extui %eq3A_28 : i1 to i32
    %cond3A_30 = arith.constant 0 : i32
    %cond3A_31 = arith.cmpi ne, %convert_element_type3A_29, %cond3A_30 : i32
    scf.if %cond3A_31 {
      %mul3A_32 = arith.constant 264 : i32
      %mul3A_33 = arith.muli %arg0, %mul3A_32 : i32
      "tpu.region"() ({
        %run_scoped3A = tpu.sem_alloc : memref<!tpu.dma_semaphore, #tpu.memory_space<semaphore_mem>>
        %dma_start3A = arith.constant 0 : i32
        %dma_start3A_36 = tpu.memref_slice %arg6[%mul3A_33, %dma_start3A] : memref<528x16xf32, #tpu.memory_space<hbm>> -> memref<264x16xf32, #tpu.memory_space<hbm>>
        tpu.enqueue_dma source(%arg11 : memref<264x16xf32, #tpu.memory_space<vmem_shared>>) target(%dma_start3A_36 : memref<264x16xf32, #tpu.memory_space<hbm>>) target_semaphore(%run_scoped3A : memref<!tpu.dma_semaphore, #tpu.memory_space<semaphore_mem>>)
        %dma_wait3A = arith.constant 0 : i32
        %dma_wait3A_37 = tpu.memref_slice %arg6[%mul3A_33, %dma_wait3A] : memref<528x16xf32, #tpu.memory_space<hbm>> -> memref<264x16xf32, #tpu.memory_space<hbm>>
        tpu.wait_dma2 semaphore(%run_scoped3A : memref<!tpu.dma_semaphore, #tpu.memory_space<semaphore_mem>>) src(%arg11 : memref<264x16xf32, #tpu.memory_space<vmem_shared>>) dst(%dma_wait3A_37 : memref<264x16xf32, #tpu.memory_space<hbm>>)
        tpu.yield
      }) : () -> ()
      %mul3A_34 = arith.constant 264 : i32
      %mul3A_35 = arith.muli %arg0, %mul3A_34 : i32
      "tpu.region"() ({
        %run_scoped3A = tpu.sem_alloc : memref<!tpu.dma_semaphore, #tpu.memory_space<semaphore_mem>>
        %dma_start3A = tpu.memref_slice %arg7[%mul3A_35] : memref<528xf32, #tpu.memory_space<hbm>> -> memref<264xf32, #tpu.memory_space<hbm>>
        tpu.enqueue_dma source(%arg12 : memref<264xf32, #tpu.memory_space<vmem_shared>>) target(%dma_start3A : memref<264xf32, #tpu.memory_space<hbm>>) target_semaphore(%run_scoped3A : memref<!tpu.dma_semaphore, #tpu.memory_space<semaphore_mem>>)
        %dma_wait3A = tpu.memref_slice %arg7[%mul3A_35] : memref<528xf32, #tpu.memory_space<hbm>> -> memref<264xf32, #tpu.memory_space<hbm>>
        tpu.wait_dma2 semaphore(%run_scoped3A : memref<!tpu.dma_semaphore, #tpu.memory_space<semaphore_mem>>) src(%arg12 : memref<264xf32, #tpu.memory_space<vmem_shared>>) dst(%dma_wait3A : memref<264xf32, #tpu.memory_space<hbm>>)
        tpu.yield
      }) : () -> ()
    } else {
    }
    return
  }
}

module attributes {stable_mosaic.version = 14 : i64} {
  func.func @_first_body(%arg0: i32, %arg1: memref<784x128xf32, #tpu.memory_space<vmem>>, %arg2: memref<784x128xf32, #tpu.memory_space<vmem>>, %arg3: memref<2x128x128xf32, #tpu.memory_space<vmem>>, %arg4: memref<784x128xf32, #tpu.memory_space<vmem>>, %arg5: memref<2x784x128xf32, #tpu.memory_space<vmem>>) attributes {dimension_semantics = [#tpu.dimension_semantics<arbitrary>], iteration_bounds = array<i64: 16>, scalar_prefetch = 0 : i64, scratch_operands = 0 : i64, tpu.core_type = #tpu.core_type<tc>, window_params = [{transform_indices = @transform_0, window_bounds = array<i64: 784, 128>}, {transform_indices = @transform_1, window_bounds = array<i64: 784, 128>}, {pipeline_mode = #tpu.pipeline_mode<synchronous>, transform_indices = @transform_2, window_bounds = array<i64: 2, 128, 128>}, {transform_indices = @transform_3, window_bounds = array<i64: 784, 128>}, {transform_indices = @transform_4, window_bounds = array<i64: 2, 784, 128>}]} {
    %get3A = arith.constant 0 : index
    %get3A_0 = arith.constant 0 : index
    %get3A_1 = vector.load %arg2[%get3A, %get3A_0] : memref<784x128xf32, #tpu.memory_space<vmem>>, vector<784x128xf32>
    %add3A = arith.constant 1.000000e+00 : f32
    %add3A_2 = vector.broadcast %add3A : f32 to vector<784x128xf32>
    %add3A_3 = arith.addf %add3A_2, %get3A_1 : vector<784x128xf32>
    %rsqrt3A = math.rsqrt %add3A_3 : vector<784x128xf32>
    %swap3A = arith.constant 0 : index
    %swap3A_4 = arith.constant 0 : index
    %swap3A_5 = vector.load %arg4[%swap3A, %swap3A_4] : memref<784x128xf32, #tpu.memory_space<vmem>>, vector<784x128xf32>
    tpu.vector_store %arg4[%swap3A, %swap3A_4], %rsqrt3A {strides = array<i32>} : memref<784x128xf32, #tpu.memory_space<vmem>>, vector<784x128xf32>,
    %get3A_6 = arith.constant 0 : index
    %get3A_7 = arith.constant 0 : index
    %get3A_8 = vector.load %arg1[%get3A_6, %get3A_7] : memref<784x128xf32, #tpu.memory_space<vmem>>, vector<784x128xf32>
    %get3A_9 = arith.constant 0 : index
    %get3A_10 = arith.constant 0 : index
    %get3A_11 = arith.constant 0 : index
    %get3A_12 = vector.load %arg3[%get3A_9, %get3A_10, %get3A_11] : memref<2x128x128xf32, #tpu.memory_space<vmem>>, vector<1x128x128xf32>
    %get3A_13 = vector.shape_cast %get3A_12 : vector<1x128x128xf32> to vector<128x128xf32>
    %dot_general3A = arith.constant dense<0.000000e+00> : vector<784x128xf32>
    %dot_general3A_14 = tpu.matmul %get3A_8, %get3A_13, %dot_general3A {dimension_numbers = #tpu.dot_dimension_numbers<[1], [0], [0], [1], [0, 0, 1, 1], [], []>, transpose_lhs_hint = false} : vector<784x128xf32>, vector<128x128xf32>, vector<784x128xf32> -> vector<784x128xf32>
    %mul3A = arith.mulf %dot_general3A_14, %rsqrt3A : vector<784x128xf32>
    %swap3A_15 = arith.constant 0 : index
    %swap3A_16 = arith.constant 0 : index
    %swap3A_17 = arith.constant 0 : index
    %swap3A_18 = vector.load %arg5[%swap3A_15, %swap3A_16, %swap3A_17] : memref<2x784x128xf32, #tpu.memory_space<vmem>>, vector<1x784x128xf32>
    %swap3A_19 = vector.shape_cast %swap3A_18 : vector<1x784x128xf32> to vector<784x128xf32>
    %swap3A_20 = vector.shape_cast %mul3A : vector<784x128xf32> to vector<1x784x128xf32>
    tpu.vector_store %arg5[%swap3A_15, %swap3A_16, %swap3A_17], %swap3A_20 {strides = array<i32>} : memref<2x784x128xf32, #tpu.memory_space<vmem>>, vector<1x784x128xf32>,
    %get3A_21 = arith.constant 1 : index
    %get3A_22 = arith.constant 0 : index
    %get3A_23 = arith.constant 0 : index
    %get3A_24 = vector.load %arg3[%get3A_21, %get3A_22, %get3A_23] : memref<2x128x128xf32, #tpu.memory_space<vmem>>, vector<1x128x128xf32>
    %get3A_25 = vector.shape_cast %get3A_24 : vector<1x128x128xf32> to vector<128x128xf32>
    %dot_general3A_26 = arith.constant dense<0.000000e+00> : vector<784x128xf32>
    %dot_general3A_27 = tpu.matmul %get3A_8, %get3A_25, %dot_general3A_26 {dimension_numbers = #tpu.dot_dimension_numbers<[1], [0], [0], [1], [0, 0, 1, 1], [], []>, transpose_lhs_hint = false} : vector<784x128xf32>, vector<128x128xf32>, vector<784x128xf32> -> vector<784x128xf32>
    %mul3A_28 = arith.mulf %dot_general3A_27, %rsqrt3A : vector<784x128xf32>
    %swap3A_29 = arith.constant 1 : index
    %swap3A_30 = arith.constant 0 : index
    %swap3A_31 = arith.constant 0 : index
    %swap3A_32 = vector.load %arg5[%swap3A_29, %swap3A_30, %swap3A_31] : memref<2x784x128xf32, #tpu.memory_space<vmem>>, vector<1x784x128xf32>
    %swap3A_33 = vector.shape_cast %swap3A_32 : vector<1x784x128xf32> to vector<784x128xf32>
    %swap3A_34 = vector.shape_cast %mul3A_28 : vector<784x128xf32> to vector<1x784x128xf32>
    tpu.vector_store %arg5[%swap3A_29, %swap3A_30, %swap3A_31], %swap3A_34 {strides = array<i32>} : memref<2x784x128xf32, #tpu.memory_space<vmem>>, vector<1x784x128xf32>,
    return
  }
  func.func @transform_0(%arg0: i32) -> (i32, i32) {
    %c0_i32 = arith.constant 0 : i32
    %c0_i32_0 = arith.constant 0 : i32
    return %arg0, %c0_i32 : i32, i32
  }
  func.func @transform_1(%arg0: i32) -> (i32, i32) {
    %c0_i32 = arith.constant 0 : i32
    %c0_i32_0 = arith.constant 0 : i32
    return %arg0, %c0_i32 : i32, i32
  }
  func.func @transform_2(%arg0: i32) -> (i32, i32, i32) {
    %c0_i32 = arith.constant 0 : i32
    %c0_i32_0 = arith.constant 0 : i32
    %c0_i32_1 = arith.constant 0 : i32
    %c0_i32_2 = arith.constant 0 : i32
    return %c0_i32, %c0_i32_0, %c0_i32_1 : i32, i32, i32
  }
  func.func @transform_3(%arg0: i32) -> (i32, i32) {
    %c0_i32 = arith.constant 0 : i32
    %c0_i32_0 = arith.constant 0 : i32
    return %arg0, %c0_i32 : i32, i32
  }
  func.func @transform_4(%arg0: i32) -> (i32, i32, i32) {
    %c0_i32 = arith.constant 0 : i32
    %c0_i32_0 = arith.constant 0 : i32
    %c0_i32_1 = arith.constant 0 : i32
    return %c0_i32, %arg0, %c0_i32_0 : i32, i32, i32
  }
}

module attributes {stable_mosaic.version = 14 : i64} {
  func.func @_mid_body(%arg0: i32, %arg1: memref<2x784x128xf32, #tpu.memory_space<vmem>>, %arg2: memref<784x128xf32, #tpu.memory_space<vmem>>, %arg3: memref<2x2x128x128xf32, #tpu.memory_space<vmem>>, %arg4: memref<1x2x128xf32, #tpu.memory_space<vmem>>, %arg5: memref<2x784x128xf32, #tpu.memory_space<vmem>>) attributes {dimension_semantics = [#tpu.dimension_semantics<arbitrary>], iteration_bounds = array<i64: 16>, scalar_prefetch = 0 : i64, scratch_operands = 0 : i64, tpu.core_type = #tpu.core_type<tc>, window_params = [{transform_indices = @transform_0, window_bounds = array<i64: 2, 784, 128>}, {transform_indices = @transform_1, window_bounds = array<i64: 784, 128>}, {pipeline_mode = #tpu.pipeline_mode<synchronous>, transform_indices = @transform_2, window_bounds = array<i64: 2, 2, 128, 128>}, {pipeline_mode = #tpu.pipeline_mode<synchronous>, transform_indices = @transform_3, window_bounds = array<i64: 1, 2, 128>}, {transform_indices = @transform_4, window_bounds = array<i64: 2, 784, 128>}]} {
    %get3A = arith.constant 0 : index
    %get3A_0 = arith.constant 0 : index
    %get3A_1 = vector.load %arg2[%get3A, %get3A_0] : memref<784x128xf32, #tpu.memory_space<vmem>>, vector<784x128xf32>
    %get3A_2 = arith.constant 0 : index
    %get3A_3 = arith.constant 0 : index
    %get3A_4 = arith.constant 0 : index
    %get3A_5 = vector.load %arg1[%get3A_2, %get3A_3, %get3A_4] : memref<2x784x128xf32, #tpu.memory_space<vmem>>, vector<1x784x128xf32>
    %get3A_6 = vector.shape_cast %get3A_5 : vector<1x784x128xf32> to vector<784x128xf32>
    %mul3A = arith.mulf %get3A_6, %get3A_1 : vector<784x128xf32>
    %get3A_7 = arith.constant 0 : index
    %get3A_8 = arith.constant 0 : index
    %get3A_9 = arith.constant 0 : index
    %get3A_10 = vector.load %arg4[%get3A_7, %get3A_8, %get3A_9] : memref<1x2x128xf32, #tpu.memory_space<vmem>>, vector<1x1x128xf32>
    %get3A_11 = vector.shape_cast %get3A_10 : vector<1x1x128xf32> to vector<128xf32>
    %broadcast_in_dim3A = vector.shape_cast %get3A_11 : vector<128xf32> to vector<1x128xf32>
    %add3A = vector.broadcast %broadcast_in_dim3A : vector<1x128xf32> to vector<784x128xf32>
    %add3A_12 = arith.addf %mul3A, %add3A : vector<784x128xf32>
    %max3A = arith.constant 0.000000e+00 : f32
    %max3A_13 = vector.broadcast %max3A : f32 to vector<784x128xf32>
    %max3A_14 = arith.maximumf %add3A_12, %max3A_13 : vector<784x128xf32>
    %get3A_15 = arith.constant 1 : index
    %get3A_16 = arith.constant 0 : index
    %get3A_17 = arith.constant 0 : index
    %get3A_18 = vector.load %arg1[%get3A_15, %get3A_16, %get3A_17] : memref<2x784x128xf32, #tpu.memory_space<vmem>>, vector<1x784x128xf32>
    %get3A_19 = vector.shape_cast %get3A_18 : vector<1x784x128xf32> to vector<784x128xf32>
    %mul3A_20 = arith.mulf %get3A_19, %get3A_1 : vector<784x128xf32>
    %get3A_21 = arith.constant 0 : index
    %get3A_22 = arith.constant 1 : index
    %get3A_23 = arith.constant 0 : index
    %get3A_24 = vector.load %arg4[%get3A_21, %get3A_22, %get3A_23] : memref<1x2x128xf32, #tpu.memory_space<vmem>>, vector<1x1x128xf32>
    %get3A_25 = vector.shape_cast %get3A_24 : vector<1x1x128xf32> to vector<128xf32>
    %broadcast_in_dim3A_26 = vector.shape_cast %get3A_25 : vector<128xf32> to vector<1x128xf32>
    %add3A_27 = vector.broadcast %broadcast_in_dim3A_26 : vector<1x128xf32> to vector<784x128xf32>
    %add3A_28 = arith.addf %mul3A_20, %add3A_27 : vector<784x128xf32>
    %max3A_29 = arith.constant 0.000000e+00 : f32
    %max3A_30 = vector.broadcast %max3A_29 : f32 to vector<784x128xf32>
    %max3A_31 = arith.maximumf %add3A_28, %max3A_30 : vector<784x128xf32>
    %get3A_32 = arith.constant 0 : index
    %get3A_33 = arith.constant 0 : index
    %get3A_34 = arith.constant 0 : index
    %get3A_35 = arith.constant 0 : index
    %get3A_36 = vector.load %arg3[%get3A_32, %get3A_33, %get3A_34, %get3A_35] : memref<2x2x128x128xf32, #tpu.memory_space<vmem>>, vector<1x1x128x128xf32>
    %get3A_37 = vector.shape_cast %get3A_36 : vector<1x1x128x128xf32> to vector<128x128xf32>
    %dot_general3A = arith.constant dense<0.000000e+00> : vector<784x128xf32>
    %dot_general3A_38 = tpu.matmul %max3A_14, %get3A_37, %dot_general3A {dimension_numbers = #tpu.dot_dimension_numbers<[1], [0], [0], [1], [0, 0, 1, 1], [], []>, transpose_lhs_hint = false} : vector<784x128xf32>, vector<128x128xf32>, vector<784x128xf32> -> vector<784x128xf32>
    %get3A_39 = arith.constant 1 : index
    %get3A_40 = arith.constant 0 : index
    %get3A_41 = arith.constant 0 : index
    %get3A_42 = arith.constant 0 : index
    %get3A_43 = vector.load %arg3[%get3A_39, %get3A_40, %get3A_41, %get3A_42] : memref<2x2x128x128xf32, #tpu.memory_space<vmem>>, vector<1x1x128x128xf32>
    %get3A_44 = vector.shape_cast %get3A_43 : vector<1x1x128x128xf32> to vector<128x128xf32>
    %dot_general3A_45 = arith.constant dense<0.000000e+00> : vector<784x128xf32>
    %dot_general3A_46 = tpu.matmul %max3A_31, %get3A_44, %dot_general3A_45 {dimension_numbers = #tpu.dot_dimension_numbers<[1], [0], [0], [1], [0, 0, 1, 1], [], []>, transpose_lhs_hint = false} : vector<784x128xf32>, vector<128x128xf32>, vector<784x128xf32> -> vector<784x128xf32>
    %add3A_47 = arith.addf %dot_general3A_38, %dot_general3A_46 : vector<784x128xf32>
    %get3A_48 = arith.constant 0 : index
    %get3A_49 = arith.constant 1 : index
    %get3A_50 = arith.constant 0 : index
    %get3A_51 = arith.constant 0 : index
    %get3A_52 = vector.load %arg3[%get3A_48, %get3A_49, %get3A_50, %get3A_51] : memref<2x2x128x128xf32, #tpu.memory_space<vmem>>, vector<1x1x128x128xf32>
    %get3A_53 = vector.shape_cast %get3A_52 : vector<1x1x128x128xf32> to vector<128x128xf32>
    %dot_general3A_54 = arith.constant dense<0.000000e+00> : vector<784x128xf32>
    %dot_general3A_55 = tpu.matmul %max3A_14, %get3A_53, %dot_general3A_54 {dimension_numbers = #tpu.dot_dimension_numbers<[1], [0], [0], [1], [0, 0, 1, 1], [], []>, transpose_lhs_hint = false} : vector<784x128xf32>, vector<128x128xf32>, vector<784x128xf32> -> vector<784x128xf32>
    %get3A_56 = arith.constant 1 : index
    %get3A_57 = arith.constant 1 : index
    %get3A_58 = arith.constant 0 : index
    %get3A_59 = arith.constant 0 : index
    %get3A_60 = vector.load %arg3[%get3A_56, %get3A_57, %get3A_58, %get3A_59] : memref<2x2x128x128xf32, #tpu.memory_space<vmem>>, vector<1x1x128x128xf32>
    %get3A_61 = vector.shape_cast %get3A_60 : vector<1x1x128x128xf32> to vector<128x128xf32>
    %dot_general3A_62 = arith.constant dense<0.000000e+00> : vector<784x128xf32>
    %dot_general3A_63 = tpu.matmul %max3A_31, %get3A_61, %dot_general3A_62 {dimension_numbers = #tpu.dot_dimension_numbers<[1], [0], [0], [1], [0, 0, 1, 1], [], []>, transpose_lhs_hint = false} : vector<784x128xf32>, vector<128x128xf32>, vector<784x128xf32> -> vector<784x128xf32>
    %add3A_64 = arith.addf %dot_general3A_55, %dot_general3A_63 : vector<784x128xf32>
    %mul3A_65 = arith.mulf %add3A_47, %get3A_1 : vector<784x128xf32>
    %swap3A = arith.constant 0 : index
    %swap3A_66 = arith.constant 0 : index
    %swap3A_67 = arith.constant 0 : index
    %swap3A_68 = vector.load %arg5[%swap3A, %swap3A_66, %swap3A_67] : memref<2x784x128xf32, #tpu.memory_space<vmem>>, vector<1x784x128xf32>
    %swap3A_69 = vector.shape_cast %swap3A_68 : vector<1x784x128xf32> to vector<784x128xf32>
    %swap3A_70 = vector.shape_cast %mul3A_65 : vector<784x128xf32> to vector<1x784x128xf32>
    tpu.vector_store %arg5[%swap3A, %swap3A_66, %swap3A_67], %swap3A_70 {strides = array<i32>} : memref<2x784x128xf32, #tpu.memory_space<vmem>>, vector<1x784x128xf32>,
    %mul3A_71 = arith.mulf %add3A_64, %get3A_1 : vector<784x128xf32>
    %swap3A_72 = arith.constant 1 : index
    %swap3A_73 = arith.constant 0 : index
    %swap3A_74 = arith.constant 0 : index
    %swap3A_75 = vector.load %arg5[%swap3A_72, %swap3A_73, %swap3A_74] : memref<2x784x128xf32, #tpu.memory_space<vmem>>, vector<1x784x128xf32>
    %swap3A_76 = vector.shape_cast %swap3A_75 : vector<1x784x128xf32> to vector<784x128xf32>
    %swap3A_77 = vector.shape_cast %mul3A_71 : vector<784x128xf32> to vector<1x784x128xf32>
    tpu.vector_store %arg5[%swap3A_72, %swap3A_73, %swap3A_74], %swap3A_77 {strides = array<i32>} : memref<2x784x128xf32, #tpu.memory_space<vmem>>, vector<1x784x128xf32>,
    return
  }
  func.func @transform_0(%arg0: i32) -> (i32, i32, i32) {
    %c0_i32 = arith.constant 0 : i32
    %c0_i32_0 = arith.constant 0 : i32
    %c0_i32_1 = arith.constant 0 : i32
    return %c0_i32, %arg0, %c0_i32_0 : i32, i32, i32
  }
  func.func @transform_1(%arg0: i32) -> (i32, i32) {
    %c0_i32 = arith.constant 0 : i32
    %c0_i32_0 = arith.constant 0 : i32
    return %arg0, %c0_i32 : i32, i32
  }
  func.func @transform_2(%arg0: i32) -> (i32, i32, i32, i32) {
    %c0_i32 = arith.constant 0 : i32
    %c0_i32_0 = arith.constant 0 : i32
    %c0_i32_1 = arith.constant 0 : i32
    %c0_i32_2 = arith.constant 0 : i32
    %c0_i32_3 = arith.constant 0 : i32
    return %c0_i32, %c0_i32_0, %c0_i32_1, %c0_i32_2 : i32, i32, i32, i32
  }
  func.func @transform_3(%arg0: i32) -> (i32, i32, i32) {
    %c0_i32 = arith.constant 0 : i32
    %c0_i32_0 = arith.constant 0 : i32
    %c0_i32_1 = arith.constant 0 : i32
    %c0_i32_2 = arith.constant 0 : i32
    return %c0_i32, %c0_i32_0, %c0_i32_1 : i32, i32, i32
  }
  func.func @transform_4(%arg0: i32) -> (i32, i32, i32) {
    %c0_i32 = arith.constant 0 : i32
    %c0_i32_0 = arith.constant 0 : i32
    %c0_i32_1 = arith.constant 0 : i32
    return %c0_i32, %arg0, %c0_i32_0 : i32, i32, i32
  }
}

module attributes {stable_mosaic.version = 14 : i64} {
  func.func @_x3_body(%arg0: i32, %arg1: memref<2x784x128xf32, #tpu.memory_space<vmem>>, %arg2: memref<784x128xf32, #tpu.memory_space<vmem>>, %arg3: memref<1x2x128xf32, #tpu.memory_space<vmem>>, %arg4: memref<2x784x128xf32, #tpu.memory_space<vmem>>) attributes {dimension_semantics = [#tpu.dimension_semantics<arbitrary>], iteration_bounds = array<i64: 16>, scalar_prefetch = 0 : i64, scratch_operands = 0 : i64, tpu.core_type = #tpu.core_type<tc>, window_params = [{transform_indices = @transform_0, window_bounds = array<i64: 2, 784, 128>}, {transform_indices = @transform_1, window_bounds = array<i64: 784, 128>}, {pipeline_mode = #tpu.pipeline_mode<synchronous>, transform_indices = @transform_2, window_bounds = array<i64: 1, 2, 128>}, {transform_indices = @transform_3, window_bounds = array<i64: 2, 784, 128>}]} {
    %get3A = arith.constant 0 : index
    %get3A_0 = arith.constant 0 : index
    %get3A_1 = vector.load %arg2[%get3A, %get3A_0] : memref<784x128xf32, #tpu.memory_space<vmem>>, vector<784x128xf32>
    %get3A_2 = arith.constant 0 : index
    %get3A_3 = arith.constant 0 : index
    %get3A_4 = arith.constant 0 : index
    %get3A_5 = vector.load %arg1[%get3A_2, %get3A_3, %get3A_4] : memref<2x784x128xf32, #tpu.memory_space<vmem>>, vector<1x784x128xf32>
    %get3A_6 = vector.shape_cast %get3A_5 : vector<1x784x128xf32> to vector<784x128xf32>
    %mul3A = arith.mulf %get3A_6, %get3A_1 : vector<784x128xf32>
    %get3A_7 = arith.constant 0 : index
    %get3A_8 = arith.constant 0 : index
    %get3A_9 = arith.constant 0 : index
    %get3A_10 = vector.load %arg3[%get3A_7, %get3A_8, %get3A_9] : memref<1x2x128xf32, #tpu.memory_space<vmem>>, vector<1x1x128xf32>
    %get3A_11 = vector.shape_cast %get3A_10 : vector<1x1x128xf32> to vector<128xf32>
    %broadcast_in_dim3A = vector.shape_cast %get3A_11 : vector<128xf32> to vector<1x128xf32>
    %add3A = vector.broadcast %broadcast_in_dim3A : vector<1x128xf32> to vector<784x128xf32>
    %add3A_12 = arith.addf %mul3A, %add3A : vector<784x128xf32>
    %max3A = arith.constant 0.000000e+00 : f32
    %max3A_13 = vector.broadcast %max3A : f32 to vector<784x128xf32>
    %max3A_14 = arith.maximumf %add3A_12, %max3A_13 : vector<784x128xf32>
    %swap3A = arith.constant 0 : index
    %swap3A_15 = arith.constant 0 : index
    %swap3A_16 = arith.constant 0 : index
    %swap3A_17 = vector.load %arg4[%swap3A, %swap3A_15, %swap3A_16] : memref<2x784x128xf32, #tpu.memory_space<vmem>>, vector<1x784x128xf32>
    %swap3A_18 = vector.shape_cast %swap3A_17 : vector<1x784x128xf32> to vector<784x128xf32>
    %swap3A_19 = vector.shape_cast %max3A_14 : vector<784x128xf32> to vector<1x784x128xf32>
    tpu.vector_store %arg4[%swap3A, %swap3A_15, %swap3A_16], %swap3A_19 {strides = array<i32>} : memref<2x784x128xf32, #tpu.memory_space<vmem>>, vector<1x784x128xf32>,
    %get3A_20 = arith.constant 1 : index
    %get3A_21 = arith.constant 0 : index
    %get3A_22 = arith.constant 0 : index
    %get3A_23 = vector.load %arg1[%get3A_20, %get3A_21, %get3A_22] : memref<2x784x128xf32, #tpu.memory_space<vmem>>, vector<1x784x128xf32>
    %get3A_24 = vector.shape_cast %get3A_23 : vector<1x784x128xf32> to vector<784x128xf32>
    %mul3A_25 = arith.mulf %get3A_24, %get3A_1 : vector<784x128xf32>
    %get3A_26 = arith.constant 0 : index
    %get3A_27 = arith.constant 1 : index
    %get3A_28 = arith.constant 0 : index
    %get3A_29 = vector.load %arg3[%get3A_26, %get3A_27, %get3A_28] : memref<1x2x128xf32, #tpu.memory_space<vmem>>, vector<1x1x128xf32>
    %get3A_30 = vector.shape_cast %get3A_29 : vector<1x1x128xf32> to vector<128xf32>
    %broadcast_in_dim3A_31 = vector.shape_cast %get3A_30 : vector<128xf32> to vector<1x128xf32>
    %add3A_32 = vector.broadcast %broadcast_in_dim3A_31 : vector<1x128xf32> to vector<784x128xf32>
    %add3A_33 = arith.addf %mul3A_25, %add3A_32 : vector<784x128xf32>
    %max3A_34 = arith.constant 0.000000e+00 : f32
    %max3A_35 = vector.broadcast %max3A_34 : f32 to vector<784x128xf32>
    %max3A_36 = arith.maximumf %add3A_33, %max3A_35 : vector<784x128xf32>
    %swap3A_37 = arith.constant 1 : index
    %swap3A_38 = arith.constant 0 : index
    %swap3A_39 = arith.constant 0 : index
    %swap3A_40 = vector.load %arg4[%swap3A_37, %swap3A_38, %swap3A_39] : memref<2x784x128xf32, #tpu.memory_space<vmem>>, vector<1x784x128xf32>
    %swap3A_41 = vector.shape_cast %swap3A_40 : vector<1x784x128xf32> to vector<784x128xf32>
    %swap3A_42 = vector.shape_cast %max3A_36 : vector<784x128xf32> to vector<1x784x128xf32>
    tpu.vector_store %arg4[%swap3A_37, %swap3A_38, %swap3A_39], %swap3A_42 {strides = array<i32>} : memref<2x784x128xf32, #tpu.memory_space<vmem>>, vector<1x784x128xf32>,
    return
  }
  func.func @transform_0(%arg0: i32) -> (i32, i32, i32) {
    %c0_i32 = arith.constant 0 : i32
    %c0_i32_0 = arith.constant 0 : i32
    %c0_i32_1 = arith.constant 0 : i32
    return %c0_i32, %arg0, %c0_i32_0 : i32, i32, i32
  }
  func.func @transform_1(%arg0: i32) -> (i32, i32) {
    %c0_i32 = arith.constant 0 : i32
    %c0_i32_0 = arith.constant 0 : i32
    return %arg0, %c0_i32 : i32, i32
  }
  func.func @transform_2(%arg0: i32) -> (i32, i32, i32) {
    %c0_i32 = arith.constant 0 : i32
    %c0_i32_0 = arith.constant 0 : i32
    %c0_i32_1 = arith.constant 0 : i32
    %c0_i32_2 = arith.constant 0 : i32
    return %c0_i32, %c0_i32_0, %c0_i32_1 : i32, i32, i32
  }
  func.func @transform_3(%arg0: i32) -> (i32, i32, i32) {
    %c0_i32 = arith.constant 0 : i32
    %c0_i32_0 = arith.constant 0 : i32
    %c0_i32_1 = arith.constant 0 : i32
    return %c0_i32, %arg0, %c0_i32_0 : i32, i32, i32
  }
}

module attributes {stable_mosaic.version = 14 : i64} {
  func.func @_final_body(%arg0: memref<528x16xf32, #tpu.memory_space<vmem>>, %arg1: memref<1x528xf32, #tpu.memory_space<vmem>>, %arg2: memref<32x8xf32, #tpu.memory_space<vmem>>, %arg3: memref<1x8xf32, #tpu.memory_space<vmem>>, %arg4: memref<256x8xf32, #tpu.memory_space<vmem>>) attributes {dimension_semantics = [], scalar_prefetch = 0 : i64, scratch_operands = 0 : i64, tpu.core_type = #tpu.core_type<tc>} {
    %get3A = arith.constant 0 : index
    %get3A_0 = arith.constant 0 : index
    %get3A_1 = vector.load %arg0[%get3A, %get3A_0] : memref<528x16xf32, #tpu.memory_space<vmem>>, vector<256x16xf32>
    %get3A_2 = arith.constant 264 : index
    %get3A_3 = arith.constant 0 : index
    %get3A_4 = vector.load %arg0[%get3A_2, %get3A_3] : memref<528x16xf32, #tpu.memory_space<vmem>>, vector<256x16xf32>
    %concatenate3A = tpu.concatenate %get3A_1, %get3A_4 in 1 : vector<256x16xf32>, vector<256x16xf32> -> vector<256x32xf32>
    %get3A_5 = arith.constant 0 : index
    %get3A_6 = arith.constant 0 : index
    %get3A_7 = vector.load %arg1[%get3A_5, %get3A_6] : memref<1x528xf32, #tpu.memory_space<vmem>>, vector<1x256xf32>
    %get3A_8 = vector.shape_cast %get3A_7 : vector<1x256xf32> to vector<256xf32>
    %broadcast_in_dim3A = vector.shape_cast %get3A_8 : vector<256xf32> to vector<256x1xf32>
    %max3A = arith.constant 1.000000e+00 : f32
    %max3A_9 = vector.broadcast %max3A : f32 to vector<256x1xf32>
    %max3A_10 = arith.maximumf %broadcast_in_dim3A, %max3A_9 : vector<256x1xf32>
    %div3A = vector.broadcast %max3A_10 : vector<256x1xf32> to vector<256x32xf32>
    %div3A_11 = arith.divf %concatenate3A, %div3A : vector<256x32xf32>
    %get3A_12 = arith.constant 0 : index
    %get3A_13 = arith.constant 0 : index
    %get3A_14 = vector.load %arg2[%get3A_12, %get3A_13] : memref<32x8xf32, #tpu.memory_space<vmem>>, vector<32x8xf32>
    %dot_general3A = arith.constant dense<0.000000e+00> : vector<256x8xf32>
    %dot_general3A_15 = tpu.matmul %div3A_11, %get3A_14, %dot_general3A {dimension_numbers = #tpu.dot_dimension_numbers<[1], [0], [0], [1], [0, 0, 1, 1], [], []>, transpose_lhs_hint = false} : vector<256x32xf32>, vector<32x8xf32>, vector<256x8xf32> -> vector<256x8xf32>
    %get3A_16 = arith.constant 0 : index
    %get3A_17 = arith.constant 0 : index
    %get3A_18 = vector.load %arg3[%get3A_16, %get3A_17] : memref<1x8xf32, #tpu.memory_space<vmem>>, vector<1x8xf32>
    %get3A_19 = vector.shape_cast %get3A_18 : vector<1x8xf32> to vector<8xf32>
    %broadcast_in_dim3A_20 = vector.shape_cast %get3A_19 : vector<8xf32> to vector<1x8xf32>
    %add3A = vector.broadcast %broadcast_in_dim3A_20 : vector<1x8xf32> to vector<256x8xf32>
    %add3A_21 = arith.addf %dot_general3A_15, %add3A : vector<256x8xf32>
    %reduce_max3A = arith.constant dense<0xFF800000> : vector<256xf32>
    %reduce_max3A_22 = vector.multi_reduction <maximumf>, %add3A_21, %reduce_max3A [1] : vector<256x8xf32> to vector<256xf32>
    %broadcast_in_dim3A_23 = vector.shape_cast %reduce_max3A_22 : vector<256xf32> to vector<256x1xf32>
    %sub3A = vector.broadcast %broadcast_in_dim3A_23 : vector<256x1xf32> to vector<256x8xf32>
    %sub3A_24 = arith.subf %add3A_21, %sub3A : vector<256x8xf32>
    %exp3A = math.exp %sub3A_24 : vector<256x8xf32>
    %reduce_sum3A = arith.constant dense<0.000000e+00> : vector<256xf32>
    %reduce_sum3A_25 = vector.multi_reduction <add>, %exp3A, %reduce_sum3A [1] : vector<256x8xf32> to vector<256xf32>
    %broadcast_in_dim3A_26 = vector.shape_cast %reduce_sum3A_25 : vector<256xf32> to vector<256x1xf32>
    %div3A_27 = vector.broadcast %broadcast_in_dim3A_26 : vector<256x1xf32> to vector<256x8xf32>
    %div3A_28 = arith.divf %exp3A, %div3A_27 : vector<256x8xf32>
    %swap3A = arith.constant 0 : index
    %swap3A_29 = arith.constant 0 : index
    %swap3A_30 = vector.load %arg4[%swap3A, %swap3A_29] : memref<256x8xf32, #tpu.memory_space<vmem>>, vector<256x8xf32>
    tpu.vector_store %arg4[%swap3A, %swap3A_29], %div3A_28 {strides = array<i32>} : memref<256x8xf32, #tpu.memory_space<vmem>>, vector<256x8xf32>,
    return
  }
}

</mosaic_0001>

<sc_bundles>
// kernel: _run.12.cloned.1.call-start
scs
__scs_entry_jumppad:
0x0: {  	(pc) =	sbr.rel $0x88, $3  }
0x1: {  	(tag) =	ssettag $0x0;
	lr =	simm.s32 $0x1  }
0x2: {  	[smem:$0x3F95] =	sst lr;
	_ =	strace $0xD0000000  }
0x3: {  	_ = 	snop  }
0x4: {  	_ = 	snop  }
0x5: {  	_ = 	snop  }
0x6: {  	_ = 	snop  }
0x7: {  	_ = 	snop  }
__scs_overlays_trampoline_lowered:
0x8: {  	[smem:$0x3FA4] =	sst s0  }
0x9: {  	[smem:$0x3FA5] =	sst s1  }
0xa: {  	[smem:$0x3FA6] =	sst s2  }
0xb: {  	[smem:$0x3FA7] =	sst s3  }
0xc: {  	[smem:$0x3FA8] =	sst s4  }
0xd: {  	[smem:$0x3FA9] =	sst s5  }
0xe: {  	[smem:$0x3FAA] =	sst s6  }
0xf: {  	[smem:$0x3FAB] =	sst s7  }
0x10: {  	[smem:$0x3FAC] =	sst s8  }
0x11: {  	[smem:$0x3FAD] =	sst s9;
	s0 =	simm.s32 @!p0 $0x0  }
0x12: {  	s1 =	sld [smem:$0x3F93];
	s0 =	simm.s32 @p0 $0x1  }
0x13: {  	[smem:$0x3FAE] =	sst s0;
	s0 =	simm.s32 @!p1 $0x0  }
0x14: {  	s2 =	sld [smem:$0x3F92];
	s0 =	simm.s32 @p1 $0x1  }
0x15: {  	[smem:$0x3FAF] =	sst s0;
	s0 =	simm.s32 @!p2 $0x0  }
0x16: {  	s3 =	sld [smem:$0x3FDB];
	s0 =	simm.s32 @p2 $0x1  }
0x17: {  	s4 =	simm.s32 $0x1BF5;
	[smem:$0x3FB1] =	sst s0  }
0x18: {  	s0 =	sld [smem:$0x3F94];
	_ =	swait.ge [sflag:s4], $0x0  }
0x19: {  	s7 =	sld [smem:$0x3F95]  }
0x1a: {  	s8 =	sadd.s32 $0xFFFFE003, lr  }
0x1b: {  	s9 =	sadd.s32 $0xFFFFFEF7, lr;
	s5 =	simm.s32 $0xFFFFFFFF;
	p2 =	slt.u32 s8, $0xFFFFF086  }
0x1c: {  	p1 =	slt.u32 s9, $0xF7A;
	s5 =	simm.s32 @!p2 $0x0  }
0x1d: {  	s5 =	simm.s32 @p1 $0x1;
	p0 =	seq.s32 s7, s2  }
0x1e: {  	s7 =	smul.u32 @!p0 $0xF7A, s2;
	p2 =	seq.s32 @!p0 s5, $0x0  }
0x1f: {  	s9 =	smul.u32 $0xF7A, s1;
	s8 =	simm.s32 @!p0 $0x1BF5;
	p2 =	por !p2, p0  }
0x20: {  	[sflag:s8] =	ssyncset.s32 @!p0 $0xFFFFF086;
	s6 =	sadd.s32 @!p0 s3, s7;
	s7 =	simm.s32 @!p0 $0x108  }
0x21: {  	s3 =	sadd.s32 s3, s9;
	s6 =	sadd.s32 @!p0 $0x88, s6;
	s7 =	simm.s32 @p2 $0x1082  }
0x22: {  	[simem:s7], [sflag:s8] =	dma.local @!p0 [hbm:s6], $0xF7A  }
0x23: {  	s9 =	sor.u32 $0xD0000000, s2;
	s6 =	simm.s32 $0x108;
	_ =	swait.ge @!p0 [sflag:s8], $0x0  }
0x24: {  	s3 =	sadd.s32 $0x88, s3;
	s6 =	simm.s32 @!p1 $0x1082;
	[sflag:s4] =	ssyncset.s32 $0xFFFFF086  }
0x25: {  	[simem:s6], [sflag:s4] =	dma.local [hbm:s3], $0xF7A  }
0x26: {  	[smem:$0x3F95] =	sst s1;
	(tag) =	ssettag s2;
	_ =	strace s9  }
0x27: {  	s1 =	sld [smem:$0x3FA5]  }
0x28: {  	s2 =	sld [smem:$0x3FA6]  }
0x29: {  	s4 =	sld [smem:$0x3FA8]  }
0x2a: {  	p0 =	seq.s32 s5, $0x0;
	s5 =	sld [smem:$0x3FA9]  }
0x2b: {  	s6 =	sld [smem:$0x3FAA]  }
0x2c: {  	s7 =	sld [smem:$0x3FAB]  }
0x2d: {  	s3 =	simm.s32 $0x108;
	s8 =	sld [smem:$0x3FAC]  }
0x2e: {  	s3 =	simm.s32 @!p0 $0x1082;
	s9 =	sld [smem:$0x3FAD]  }
0x2f: {  	lr =	sadd.s32 s0, s3;
	s0 =	sld [smem:$0x3FA4]  }
0x30: {  	s3 =	sld [smem:$0x3FA7]  }
0x31: {  	[smem:$0x3FB0] =	sst s10  }
0x32: {  	s10 =	sld [smem:$0x3FAE];
	_ =	sdelay $0x3  }
0x33: {  	p0 =	seq.s32 s10, $0x1;
	s10 =	sld [smem:$0x3FB0];
	_ =	sdelay $0x3  }
0x34: {  	[smem:$0x3FB0] =	sst s10  }
0x35: {  	s10 =	sld [smem:$0x3FAF];
	_ =	sdelay $0x3  }
0x36: {  	p1 =	seq.s32 s10, $0x1;
	s10 =	sld [smem:$0x3FB0];
	_ =	sdelay $0x3  }
0x37: {  	[smem:$0x3FB0] =	sst s10  }
0x38: {  	s10 =	sld [smem:$0x3FB1]  }
0x39: {  	_ = 	snop;
	(pc) =	sbr.ind lr, $3  }
0x3a: {  	_ = 	snop  }
0x3b: {  	_ = 	snop  }
0x3c: {  	p2 =	seq.s32 s10, $0x1;
	s10 =	sld [smem:$0x3FB0]  }
0x3d: {  	_ =	shalt  }
0x3e: {  	_ =	shalt  }
0x3f: {  	_ =	shalt  }
0x40: {  	_ =	shalt  }
0x41: {  	_ =	shalt  }
0x42: {  	_ =	shalt  }
0x43: {  	_ =	shalt  }
0x44: {  	_ =	shalt  }
0x45: {  	_ =	shalt  }
0x46: {  	_ =	shalt  }
0x47: {  	_ =	shalt  }
0x48: {  	_ =	shalt  }
0x49: {  	_ =	shalt  }
0x4a: {  	_ =	shalt  }
0x4b: {  	_ =	shalt  }
0x4c: {  	_ =	shalt  }
0x4d: {  	_ =	shalt  }
0x4e: {  	_ =	shalt  }
0x4f: {  	_ =	shalt  }
0x50: {  	_ =	shalt  }
0x51: {  	_ =	shalt  }
0x52: {  	_ =	shalt  }
0x53: {  	_ =	shalt  }
0x54: {  	_ =	shalt  }
0x55: {  	_ =	shalt  }
0x56: {  	_ =	shalt  }
0x57: {  	_ =	shalt  }
0x58: {  	_ =	shalt  }
0x59: {  	_ =	shalt  }
0x5a: {  	_ =	shalt  }
0x5b: {  	_ =	shalt  }
0x5c: {  	_ =	shalt  }
0x5d: {  	_ =	shalt  }
0x5e: {  	_ =	shalt  }
0x5f: {  	_ =	shalt  }
0x60: {  	_ =	shalt  }
0x61: {  	_ =	shalt  }
0x62: {  	_ =	shalt  }
0x63: {  	_ =	shalt  }
0x64: {  	_ =	shalt  }
0x65: {  	_ =	shalt  }
0x66: {  	_ =	shalt  }
0x67: {  	_ =	shalt  }
0x68: {  	_ =	shalt  }
0x69: {  	_ =	shalt  }
0x6a: {  	_ =	shalt  }
0x6b: {  	_ =	shalt  }
0x6c: {  	_ =	shalt  }
0x6d: {  	_ =	shalt  }
0x6e: {  	_ =	shalt  }
0x6f: {  	_ =	shalt  }
0x70: {  	_ =	shalt  }
0x71: {  	_ =	shalt  }
0x72: {  	_ =	shalt  }
0x73: {  	_ =	shalt  }
0x74: {  	_ =	shalt  }
0x75: {  	_ =	shalt  }
0x76: {  	_ =	shalt  }
0x77: {  	_ =	shalt  }
0x78: {  	_ =	shalt  }
0x79: {  	_ =	shalt  }
0x7a: {  	_ =	shalt  }
0x7b: {  	_ =	shalt  }
0x7c: {  	_ =	shalt  }
0x7d: {  	_ =	shalt  }
0x7e: {  	_ =	shalt  }
0x7f: {  	_ =	shalt  }
0x80: {  	_ =	shalt  }
0x81: {  	_ =	shalt  }
0x82: {  	_ =	shalt  }
0x83: {  	_ =	shalt  }
0x84: {  	_ =	shalt  }
0x85: {  	_ =	shalt  }
0x86: {  	_ =	shalt  }
0x87: {  	_ =	shalt  }
.Lfunc_end0:
.L_simem_size_0:
called_computation_lowered:
.L_overlay_start_0:
0x88: {  	s2 =	sld [smem:$0x3FD9]  }
0x89: {  	s3 =	sld [smem:$0x3FFE];
	_ =	sdelay $0x1  }
0x8a: {  	s1 =	srdreg.scid  }
0x8b: {  	s0 =	sand.u32 $0x1, s1  }
0x8c: {  	s16 =	sshll.u32 s0, $0xA;
	s2 =	sadd.s32 s3, s2  }
0x8d: {  	s2 =	sadd.s32 s2, s16  }
0x8e: {  	[smem:$0x3FBC] =	sst s2  }
0x8f: {  	_ = 	snop  }
0x90: {  	(tm) =	ssettm $0x1  }
0x91: {  	s17 =	sld [smem:$0x3FFB];
	_ =	sdelay $0x3  }
0x92: {  	_ =	strace s17  }
0x93: {  	s2 =	sld [smem:$0x3FFC];
	_ =	sdelay $0x3  }
0x94: {  	_ =	strace s2  }
0x95: {  	s2 =	sld [smem:$0x3FFD];
	_ =	sdelay $0x3  }
0x96: {  	_ =	strace s2  }
0x97: {  	_ =	strace $0x8FFFFFFF  }
0x98: {  	s18 =	sld [smem:$0x3FDB];
	_ =	sdelay $0x1  }
0x99: {  	s19 =	simm.s32 $_scs_section_size  }
0x9a: {  	s4 =	simm.s32 $_size__tile_overlayer_lowered;
	s5 =	simm.s32 $_tile_overlayer_lowered  }
0x9b: {  	s22 =	simm.s32 $0x1BFF;
	s21 =	sshll.u32 s5, $0x1;
	s2 =	sadd.s32 s19, s18  }
0x9c: {  	s6 =	simm.s32 $0x0;
	s20 =	sshll.u32 s4, $0x1;
	s4 =	sadd.s32 s21, s2  }
0x9d: {  	[timem:s6], [sflag:s22] =	dma.local [hbm:s4], s20  }
0x9e: {  	_ =	swait.ge [sflag:s22], s20  }
0x9f: {  	s3 =	ssub.s32 $0x0, s20;
	[sflag:s22] =	ssyncset.done $0x0  }
0xa0: {  	[sflag:s22] =	ssyncadd.s32 s3;
	_ =	sdelay $0x1  }
0xa1: {  	s23 =	simm.s32 $0x1B8B  }
0xa2: {  	_ =	swait.ge [sflag:s23], $0x1  }
0xa3: {  	[sflag:s23] =	ssyncset.done $0x0  }
0xa4: {  	s25 =	simm.s32 $0x1B8E;
	s24 =	sld [smem:$0x3FFE];
	[sflag:s23] =	ssyncadd.s32 $0xFFFFFFFF  }
0xa5: {  	s26 =	simm.s32 $execute0_lowered;
	[smem:$0x3FD2] =	sst s25  }
0xa6: {  	s4 =	sshll.u32 s26, $0x1;
	_ =	strace $0x80000046;
	[dreg:$0x1] =	wrdreg $0xFFFFFFFF  }
0xa7: {  	s28 =	simm.s32 $_size_execute0_lowered;
	s2 =	sadd.s32 s2, s4;
	[dreg:$0x0] =	wrdreg $0x0  }
0xa8: {  	s4 =	sshll.u32 s28, $0x1;
	[dreg:$0x2] =	wrdreg s2  }
0xa9: {  	[dreg:$0x3] =	wrdreg s4  }
0xaa: {  	[dreg:$0x4] =	wrdreg $0xC0  }
0xab: {  	_ =	task [dreg:s6], $0x5FFFF  }
0xac: {  	[dreg:$0x1] =	wrdreg $0xFFFFFFFF  }
0xad: {  	[dreg:$0x0] =	wrdreg $0x60  }
0xae: {  	[dreg:$0x2] =	wrdreg s24  }
0xaf: {  	[dreg:$0x3] =	wrdreg $0x4800  }
0xb0: {  	[dreg:$0x4] =	wrdreg $0x9  }
0xb1: {  	_ =	task.clear_ibuf [dreg:s6], $0x5FFFF;
	_ =	strace $0x90000046  }
0xb2: {  	s29 =	simm.s32 $0x9;
	_ =	strace $0x80000048  }
0xb3: {  	_ =	swait.ge [sflag:s29], $0x1  }
0xb4: {  	[sflag:s29] =	ssyncadd.s32 $0xFFFFFFFF  }
0xb5: {  	_ =	strace $0x90000048  }
0xb6: {  	_ =	sfence  }
0xb7: {  	s30 =	sld [smem:$0x0];
	_ =	sdelay $0x2  }
0xb8: {  	s31 =	sshll.u32 s1, $0xD;
	s1 =	sshrl.u32 s1, $0x2  }
0xb9: {  	s3 =	sand.u32 $0x4000, s31;
	s1 =	sadd.s32 s1, s30  }
0xba: {  	s0 =	sor.u32 s3, s0;
	s1 =	sshll.u32 s1, $0x11  }
0xbb: {  	s0 =	sor.u32 s1, s0  }
0xbc: {  	s0 =	sadd.s32 $0x8F2B, s0  }
0xbd: {  	[sflag:s0] =	ssyncadd.remote.s32 $0x1  }
0xbe: {  	_ =	sfence.sel $0xFFFF  }
0xbf: {  	[dreg:$0x0] =	wrdreg $0xFFFFFFFF;
	(pc) =	sbr.abs _section_cstart, $3  }
0xc0: {  	[dreg:$0x1] =	wrdreg $0xFFFFFFFF  }
0xc1: {  	_ =	task.clear_ibuf [dreg:s6], $0x2FFFF;
	_ =	strace $0x9FFFFFFF  }
0xc2: {  	(tm) =	ssettm $0x7FFFFFFF  }
0xc3: {  	_ =	shalt  }
tec
execute0_lowered:
.L_overlay_start_1:
0x0: {  	(tag) =	ssettag $0x1  }
0x1: {  	s6 =	rddreg [dreg:$0x0]  }
0x2: {  	s2 =	rddreg [dreg:$0x1]  }
0x3: {  	s0 =	srdreg.scid;
	s1 =	rddreg [dreg:$0x2]  }
0x4: {  	s3 =	simm.s32 $0x0;
	s11 =	simm.s32 $0x80;
	s12 =	simm.s32 $0x400  }
0x5: {  	s13 =	simm.s32 $0x100;
	s14 =	simm.s32 $0x180;
	s4 =	sand.u32 $0x1, s0  }
0x6: {  	s15 =	simm.s32 $0x200;
	s0 =	stileid.u32;
	s5 =	smul.u32 $0xC4000, s4  }
0x7: {  	s16 =	simm.s32 $0x280;
	s17 =	simm.s32 $0x300;
	s7 =	smul.u32 $0xC400, s0  }
0x8: {  	s18 =	simm.s32 $0x380;
	[smem:$0x7FF] =	sst s3;
	s8 =	smul.u32 $0x1880, s0  }
0x9: {  	s19 =	simm.s32 $0x0;
	s9 =	smul.u32 $0x18800, s4;
	_ =	strace $0x80000047  }
0xa: {  	s29 =	ssub.s32 $0x2, s4;
	s4 =	sadd.s32 $0x35A00, s6;
	s31 =	sshll.u32 s0, $0x6  }
0xb: {  	s30 =	sshrl.u32 s29, $0x1;
	s5 =	sadd.s32 s7, s5;
	s25 =	sadd.s32 s8, s9  }
0xc: {  	s7 =	ssub.s32 s29, s30;
	s10 =	sadd.s32 s8, s2;
	s5 =	sshrl.u32 s5, $0x3  }
0xd: {  	s28 =	sshrl.u32 s25, $0x3;
	s7 =	smax.u32 s7, $0x1;
	s9 =	sshrl.u32 s10, $0x3  }
0xe: {  	s10 =	simm.s32 $0x1;
	s26 =	sadd.s32 s5, s6;
	s6 =	sadd.s32 s28, s6  }
0xf: {  	v0 =	vimm.f32 $1.000000000e+00;
	s5 =	sor.u32 $0x1C01, s31;
	s6 =	sadd.s32 $0x35E00, s6;
	s8 =	sadd.s32 $0x4A00, s26  }
.LBB2_1:
0x10: {  	[tilespmem:$0x400] =	vst v0  }
0x11: {  	[tilespmem:$0x410] =	vst v0  }
0x12: {  	[tilespmem:$0x420] =	vst v0  }
0x13: {  	[tilespmem:$0x430] =	vst v0  }
0x14: {  	[tilespmem:$0x440] =	vst v0  }
0x15: {  	[tilespmem:$0x450] =	vst v0  }
0x16: {  	[tilespmem:$0x460] =	vst v0  }
0x17: {  	[tilespmem:$0x470] =	vst v0  }
0x18: {  	[spmem:s9], [sflag:s5] =	dma.local [hbm:s4], $0x310  }
0x19: {  	_ =	swait.ge [sflag:s10], $0x310  }
0x1a: {  	[sflag:s10] =	ssyncset.done $0x0  }
0x1b: {  	[sflag:s10] =	ssyncadd.s32 $0xFFFFFCF0  }
0x1c: {  	s20 =	sadd.s32 $0x0, s8;
	[bflag:$0x0] =	sbarrier.arrive $0xFFFF  }
0x1d: {  	[tilespmem:s3], [sflag:$0x1] =	stream.linear.gather [hbm4b:s20+s3], $0x400, $0x38;
	[tilespmem:$0x1D00] =	vst v63  }
0x1e: {  	_ =	swait.ge [sflag:s10], $0x400  }
0x1f: {  	[sflag:s10] =	ssyncset.done $0x0  }
0x20: {  	[sflag:s10] =	ssyncadd.s32 $0xFFFFFC00  }
0x21: {  	[spmem:s2] =	stream.indirect.scatter.add.f32 [tilespmem:s12], [sflag:$0x1], $0x1, s3, s11, $0xb8;
	[tilespmem:$0x1D00] =	vst v63  }
0x22: {  	_ =	swait.ge [sflag:s10], $0x80  }
0x23: {  	[sflag:s10] =	ssyncset.done $0x0  }
0x24: {  	[sflag:s10] =	ssyncadd.s32 $0xFFFFFF80  }
0x25: {  	[spmem:s2] =	stream.indirect.scatter.add.f32 [tilespmem:s12], [sflag:$0x1], $0x1, s11, s11, $0xb8;
	[tilespmem:$0x1D00] =	vst v63  }
0x26: {  	_ =	swait.ge [sflag:s10], $0x80  }
0x27: {  	[sflag:s10] =	ssyncset.done $0x0  }
0x28: {  	[sflag:s10] =	ssyncadd.s32 $0xFFFFFF80  }
0x29: {  	[spmem:s2] =	stream.indirect.scatter.add.f32 [tilespmem:s12], [sflag:$0x1], $0x1, s13, s11, $0xb8;
	[tilespmem:$0x1D00] =	vst v63  }
0x2a: {  	_ =	swait.ge [sflag:s10], $0x80  }
0x2b: {  	[sflag:s10] =	ssyncset.done $0x0  }
0x2c: {  	[sflag:s10] =	ssyncadd.s32 $0xFFFFFF80  }
0x2d: {  	[spmem:s2] =	stream.indirect.scatter.add.f32 [tilespmem:s12], [sflag:$0x1], $0x1, s14, s11, $0xb8;
	[tilespmem:$0x1D00] =	vst v63  }
0x2e: {  	_ =	swait.ge [sflag:s10], $0x80  }
0x2f: {  	[sflag:s10] =	ssyncset.done $0x0  }
0x30: {  	[sflag:s10] =	ssyncadd.s32 $0xFFFFFF80  }
0x31: {  	[spmem:s2] =	stream.indirect.scatter.add.f32 [tilespmem:s12], [sflag:$0x1], $0x1, s15, s11, $0xb8;
	[tilespmem:$0x1D00] =	vst v63  }
0x32: {  	_ =	swait.ge [sflag:s10], $0x80  }
0x33: {  	[sflag:s10] =	ssyncset.done $0x0  }
0x34: {  	[sflag:s10] =	ssyncadd.s32 $0xFFFFFF80  }
0x35: {  	[spmem:s2] =	stream.indirect.scatter.add.f32 [tilespmem:s12], [sflag:$0x1], $0x1, s16, s11, $0xb8;
	[tilespmem:$0x1D00] =	vst v63  }
0x36: {  	_ =	swait.ge [sflag:s10], $0x80  }
0x37: {  	[sflag:s10] =	ssyncset.done $0x0  }
0x38: {  	[sflag:s10] =	ssyncadd.s32 $0xFFFFFF80  }
0x39: {  	[spmem:s2] =	stream.indirect.scatter.add.f32 [tilespmem:s12], [sflag:$0x1], $0x1, s17, s11, $0xb8;
	[tilespmem:$0x1D00] =	vst v63  }
0x3a: {  	_ =	swait.ge [sflag:s10], $0x80  }
0x3b: {  	[sflag:s10] =	ssyncset.done $0x0  }
0x3c: {  	[sflag:s10] =	ssyncadd.s32 $0xFFFFFF80  }
0x3d: {  	[spmem:s2] =	stream.indirect.scatter.add.f32 [tilespmem:s12], [sflag:$0x1], $0x1, s18, s11, $0xb8;
	[tilespmem:$0x1D00] =	vst v63  }
0x3e: {  	_ =	swait.ge [sflag:s10], $0x80  }
0x3f: {  	s22 =	simm.s32 $0x100;
	s20 =	simm.s32 $0x80;
	[sflag:s10] =	ssyncset.done $0x0  }
.LBB2_2:
0x40: {  	s23 =	sadd.s32 s20, s8  }
0x41: {  	[sflag:s10] =	ssyncadd.s32 $0xFFFFFF80;
	s20 =	smov.u32 s22;
	s21 =	sadd.s32 $0x80, s22  }
0x42: {  	[tilespmem:s3], [sflag:$0x1] =	stream.linear.gather [hbm4b:s23+s3], $0x400, $0x38;
	[tilespmem:$0x1D00] =	vst v63  }
0x43: {  	p0 =	sne.s32 s22, $0x1800;
	_ =	swait.ge [sflag:s10], $0x400  }
0x44: {  	[sflag:s10] =	ssyncset.done $0x0  }
0x45: {  	[sflag:s10] =	ssyncadd.s32 $0xFFFFFC00  }
0x46: {  	[spmem:s2] =	stream.indirect.scatter.add.f32 [tilespmem:s12], [sflag:$0x1], $0x1, s3, s11, $0xb8;
	[tilespmem:$0x1D00] =	vst v63  }
0x47: {  	_ =	swait.ge [sflag:s10], $0x80  }
0x48: {  	[sflag:s10] =	ssyncset.done $0x0  }
0x49: {  	[sflag:s10] =	ssyncadd.s32 $0xFFFFFF80  }
0x4a: {  	[spmem:s2] =	stream.indirect.scatter.add.f32 [tilespmem:s12], [sflag:$0x1], $0x1, s11, s11, $0xb8;
	[tilespmem:$0x1D00] =	vst v63  }
0x4b: {  	_ =	swait.ge [sflag:s10], $0x80  }
0x4c: {  	[sflag:s10] =	ssyncset.done $0x0  }
0x4d: {  	[sflag:s10] =	ssyncadd.s32 $0xFFFFFF80  }
0x4e: {  	[spmem:s2] =	stream.indirect.scatter.add.f32 [tilespmem:s12], [sflag:$0x1], $0x1, s13, s11, $0xb8;
	[tilespmem:$0x1D00] =	vst v63  }
0x4f: {  	_ =	swait.ge [sflag:s10], $0x80  }
0x50: {  	[sflag:s10] =	ssyncset.done $0x0  }
0x51: {  	[sflag:s10] =	ssyncadd.s32 $0xFFFFFF80  }
0x52: {  	[spmem:s2] =	stream.indirect.scatter.add.f32 [tilespmem:s12], [sflag:$0x1], $0x1, s14, s11, $0xb8;
	[tilespmem:$0x1D00] =	vst v63  }
0x53: {  	_ =	swait.ge [sflag:s10], $0x80  }
0x54: {  	[sflag:s10] =	ssyncset.done $0x0  }
0x55: {  	[sflag:s10] =	ssyncadd.s32 $0xFFFFFF80  }
0x56: {  	[spmem:s2] =	stream.indirect.scatter.add.f32 [tilespmem:s12], [sflag:$0x1], $0x1, s15, s11, $0xb8;
	[tilespmem:$0x1D00] =	vst v63  }
0x57: {  	_ =	swait.ge [sflag:s10], $0x80  }
0x58: {  	[sflag:s10] =	ssyncset.done $0x0  }
0x59: {  	[sflag:s10] =	ssyncadd.s32 $0xFFFFFF80  }
0x5a: {  	[spmem:s2] =	stream.indirect.scatter.add.f32 [tilespmem:s12], [sflag:$0x1], $0x1, s16, s11, $0xb8;
	[tilespmem:$0x1D00] =	vst v63  }
0x5b: {  	_ =	swait.ge [sflag:s10], $0x80  }
0x5c: {  	[sflag:s10] =	ssyncset.done $0x0  }
0x5d: {  	[sflag:s10] =	ssyncadd.s32 $0xFFFFFF80  }
0x5e: {  	[spmem:s2] =	stream.indirect.scatter.add.f32 [tilespmem:s12], [sflag:$0x1], $0x1, s17, s11, $0xb8;
	[tilespmem:$0x1D00] =	vst v63  }
0x5f: {  	_ =	swait.ge [sflag:s10], $0x80  }
.Ltmp0:
0x60: {  	[sflag:s10] =	ssyncset.done $0x0;
	(pc) =	sbr.rel @p0 .LBB2_2-.Ltmp0, $4  }
0x61: {  	[sflag:s10] =	ssyncadd.s32 $0xFFFFFF80  }
0x62: {  	[spmem:s2] =	stream.indirect.scatter.add.f32 [tilespmem:s12], [sflag:$0x1], $0x1, s18, s11, $0xb8;
	[tilespmem:$0x1D00] =	vst v63  }
0x63: {  	_ =	swait.ge [sflag:s10], $0x80  }
0x64: {  	s22 =	smov.u32 s21;
	[sflag:s10] =	ssyncset.done $0x0  }
0x65: {  	s20 =	sadd.s32 s20, s8;
	[sflag:s10] =	ssyncadd.s32 $0xFFFFFF80  }
0x66: {  	[tilespmem:s3], [sflag:$0x1] =	stream.linear.gather [hbm4b:s20+s3], $0x400, $0x38;
	[tilespmem:$0x1D00] =	vst v63  }
0x67: {  	_ =	swait.ge [sflag:s10], $0x400  }
0x68: {  	[sflag:s10] =	ssyncset.done $0x0  }
0x69: {  	[sflag:s10] =	ssyncadd.s32 $0xFFFFFC00  }
0x6a: {  	[spmem:s2] =	stream.indirect.scatter.add.f32 [tilespmem:s12], [sflag:$0x1], $0x1, s3, s11, $0xb8;
	[tilespmem:$0x1D00] =	vst v63  }
0x6b: {  	_ =	swait.ge [sflag:s10], $0x80  }
0x6c: {  	[sflag:s10] =	ssyncset.done $0x0  }
0x6d: {  	[sflag:s10] =	ssyncadd.s32 $0xFFFFFF80  }
0x6e: {  	[spmem:s2] =	stream.indirect.scatter.add.f32 [tilespmem:s12], [sflag:$0x1], $0x1, s11, s11, $0xb8;
	[tilespmem:$0x1D00] =	vst v63  }
0x6f: {  	_ =	swait.ge [sflag:s10], $0x80  }
0x70: {  	[sflag:s10] =	ssyncset.done $0x0  }
0x71: {  	[sflag:s10] =	ssyncadd.s32 $0xFFFFFF80  }
0x72: {  	[spmem:s2] =	stream.indirect.scatter.add.f32 [tilespmem:s12], [sflag:$0x1], $0x1, s13, s11, $0xb8;
	[tilespmem:$0x1D00] =	vst v63  }
0x73: {  	_ =	swait.ge [sflag:s10], $0x80  }
0x74: {  	[sflag:s10] =	ssyncset.done $0x0  }
0x75: {  	[sflag:s10] =	ssyncadd.s32 $0xFFFFFF80  }
0x76: {  	[spmem:s2] =	stream.indirect.scatter.add.f32 [tilespmem:s12], [sflag:$0x1], $0x1, s14, s11, $0xb8;
	[tilespmem:$0x1D00] =	vst v63  }
0x77: {  	_ =	swait.ge [sflag:s10], $0x80  }
0x78: {  	[sflag:s10] =	ssyncset.done $0x0  }
0x79: {  	[sflag:s10] =	ssyncadd.s32 $0xFFFFFF80  }
0x7a: {  	[spmem:s2] =	stream.indirect.scatter.add.f32 [tilespmem:s12], [sflag:$0x1], $0x1, s15, s11, $0xb8;
	[tilespmem:$0x1D00] =	vst v63  }
0x7b: {  	_ =	swait.ge [sflag:s10], $0x80  }
0x7c: {  	[sflag:s10] =	ssyncset.done $0x0  }
0x7d: {  	[sflag:s10] =	ssyncadd.s32 $0xFFFFFF80  }
0x7e: {  	[spmem:s2] =	stream.indirect.scatter.add.f32 [tilespmem:s12], [sflag:$0x1], $0x1, s16, s11, $0xb8;
	[tilespmem:$0x1D00] =	vst v63  }
0x7f: {  	_ =	swait.ge [sflag:s10], $0x80  }
0x80: {  	[sflag:s10] =	ssyncset.done $0x0  }
0x81: {  	[sflag:s10] =	ssyncadd.s32 $0xFFFFFF80  }
0x82: {  	[spmem:s2] =	stream.indirect.scatter.add.f32 [tilespmem:s12], [sflag:$0x1], $0x1, s17, s11, $0xb8;
	[tilespmem:$0x1D00] =	vst v63  }
0x83: {  	_ =	swait.ge [sflag:s10], $0x80  }
0x84: {  	[sflag:s10] =	ssyncset.done $0x0  }
0x85: {  	[sflag:s10] =	ssyncadd.s32 $0xFFFFFF80  }
0x86: {  	[spmem:s2] =	stream.indirect.scatter.add.f32 [tilespmem:s12], [sflag:$0x1], $0x1, s18, s11, $0xb8;
	[tilespmem:$0x1D00] =	vst v63  }
0x87: {  	_ =	swait.ge [sflag:s10], $0x80  }
0x88: {  	s19 =	sadd.s32 $0x1, s19;
	[sflag:s10] =	ssyncset.done $0x0  }
0x89: {  	p0 =	sne.s32 s19, s7;
	[sflag:s10] =	ssyncadd.s32 $0xFFFFFF80  }
.Ltmp1:
0x8a: {  	[bflag:$0x0] =	sbarrier.arrive $0xFFFF;
	(pc) =	sbr.rel @p0 .LBB2_1-.Ltmp1, $4  }
0x8b: {  	[hbm:s6], [sflag:s5] =	dma.local [spmem:s9], $0x310  }
0x8c: {  	_ =	swait.ge [sflag:s10], $0x310  }
0x8d: {  	[sflag:s10] =	ssyncset.done $0x0  }
0x8e: {  	[sflag:s10] =	ssyncadd.s32 $0xFFFFFCF0  }
0x8f: {  	_ =	sfence.sel $0x180000  }
0x90: {  	[bflag:$0x0] =	sbarrier.arrive $0xFFFF  }
0x91: {  	p0 =	sne.s32 s0, $0x0;
	_ =	strace $0x90000047  }
0x92: {  	s0 =	sadd.s32 @!p0 $0x100000, s1;
	[bflag:$0x2] =	sbarrier.arrive $0xFFFF  }
0x93: {  	[sflag:s0] =	ssyncadd.tile.s32 @!p0 $0x1;
	_ =	shalt  }
.Lfunc_end2:
_tile_overlayer_lowered:
.L_overlay_start_2:
0x94: {  	(tag) =	ssettag $0x2  }
0x95: {  	s0 =	rddreg [dreg:$0x0];
	s2 =	stileid.u32  }
0x96: {  	s1 =	rddreg [dreg:$0x1];
	p0 =	sne.s32 s2, $0x0  }
0x97: {  	s3 =	rddreg [dreg:$0x2];
	[bflag:$0x3] =	sbarrier.arrive $0xFFFF;
	s2 =	simm.s32 @!p0 $0x1C01  }
0x98: {  	[timem:s3], [sflag:s2] =	dma.local @!p0 [hbm:s0], s1  }
0x99: {  	s0 =	simm.s32 @!p0 $0x1  }
0x9a: {  	_ =	swait.ge @!p0 [sflag:s0], s1  }
0x9b: {  	s1 =	ssub.s32 @!p0 $0x0, s1;
	[sflag:s0] =	ssyncset.done @!p0 $0x0  }
0x9c: {  	[sflag:s0] =	ssyncadd.s32 @!p0 s1  }
0x9d: {  	[bflag:$0x3] =	sbarrier.arrive $0xFFFF  }
0x9e: {  	_ =	shalt  }

// kernel: _run.15.cloned.1.call-start
scs
__scs_entry_jumppad:
0x0: {  	(pc) =	sbr.rel $0x88, $3  }
0x1: {  	(tag) =	ssettag $0x0;
	lr =	simm.s32 $0x1  }
0x2: {  	[smem:$0x3F95] =	sst lr;
	_ =	strace $0xD0000000  }
0x3: {  	_ = 	snop  }
0x4: {  	_ = 	snop  }
0x5: {  	_ = 	snop  }
0x6: {  	_ = 	snop  }
0x7: {  	_ = 	snop  }
__scs_overlays_trampoline_lowered:
0x8: {  	[smem:$0x3FA4] =	sst s0  }
0x9: {  	[smem:$0x3FA5] =	sst s1  }
0xa: {  	[smem:$0x3FA6] =	sst s2  }
0xb: {  	[smem:$0x3FA7] =	sst s3  }
0xc: {  	[smem:$0x3FA8] =	sst s4  }
0xd: {  	[smem:$0x3FA9] =	sst s5  }
0xe: {  	[smem:$0x3FAA] =	sst s6  }
0xf: {  	[smem:$0x3FAB] =	sst s7  }
0x10: {  	[smem:$0x3FAC] =	sst s8  }
0x11: {  	[smem:$0x3FAD] =	sst s9;
	s0 =	simm.s32 @!p0 $0x0  }
0x12: {  	s1 =	sld [smem:$0x3F93];
	s0 =	simm.s32 @p0 $0x1  }
0x13: {  	[smem:$0x3FAE] =	sst s0;
	s0 =	simm.s32 @!p1 $0x0  }
0x14: {  	s2 =	sld [smem:$0x3F92];
	s0 =	simm.s32 @p1 $0x1  }
0x15: {  	[smem:$0x3FAF] =	sst s0;
	s0 =	simm.s32 @!p2 $0x0  }
0x16: {  	s3 =	sld [smem:$0x3FDB];
	s0 =	simm.s32 @p2 $0x1  }
0x17: {  	s4 =	simm.s32 $0x1BF5;
	[smem:$0x3FB1] =	sst s0  }
0x18: {  	s0 =	sld [smem:$0x3F94];
	_ =	swait.ge [sflag:s4], $0x0  }
0x19: {  	s7 =	sld [smem:$0x3F95]  }
0x1a: {  	s8 =	sadd.s32 $0xFFFFE003, lr  }
0x1b: {  	s9 =	sadd.s32 $0xFFFFFEF7, lr;
	s5 =	simm.s32 $0xFFFFFFFF;
	p2 =	slt.u32 s8, $0xFFFFF086  }
0x1c: {  	p1 =	slt.u32 s9, $0xF7A;
	s5 =	simm.s32 @!p2 $0x0  }
0x1d: {  	s5 =	simm.s32 @p1 $0x1;
	p0 =	seq.s32 s7, s2  }
0x1e: {  	s7 =	smul.u32 @!p0 $0xF7A, s2;
	p2 =	seq.s32 @!p0 s5, $0x0  }
0x1f: {  	s9 =	smul.u32 $0xF7A, s1;
	s8 =	simm.s32 @!p0 $0x1BF5;
	p2 =	por !p2, p0  }
0x20: {  	[sflag:s8] =	ssyncset.s32 @!p0 $0xFFFFF086;
	s6 =	sadd.s32 @!p0 s3, s7;
	s7 =	simm.s32 @!p0 $0x108  }
0x21: {  	s3 =	sadd.s32 s3, s9;
	s6 =	sadd.s32 @!p0 $0x88, s6;
	s7 =	simm.s32 @p2 $0x1082  }
0x22: {  	[simem:s7], [sflag:s8] =	dma.local @!p0 [hbm:s6], $0xF7A  }
0x23: {  	s9 =	sor.u32 $0xD0000000, s2;
	s6 =	simm.s32 $0x108;
	_ =	swait.ge @!p0 [sflag:s8], $0x0  }
0x24: {  	s3 =	sadd.s32 $0x88, s3;
	s6 =	simm.s32 @!p1 $0x1082;
	[sflag:s4] =	ssyncset.s32 $0xFFFFF086  }
0x25: {  	[simem:s6], [sflag:s4] =	dma.local [hbm:s3], $0xF7A  }
0x26: {  	[smem:$0x3F95] =	sst s1;
	(tag) =	ssettag s2;
	_ =	strace s9  }
0x27: {  	s1 =	sld [smem:$0x3FA5]  }
0x28: {  	s2 =	sld [smem:$0x3FA6]  }
0x29: {  	s4 =	sld [smem:$0x3FA8]  }
0x2a: {  	p0 =	seq.s32 s5, $0x0;
	s5 =	sld [smem:$0x3FA9]  }
0x2b: {  	s6 =	sld [smem:$0x3FAA]  }
0x2c: {  	s7 =	sld [smem:$0x3FAB]  }
0x2d: {  	s3 =	simm.s32 $0x108;
	s8 =	sld [smem:$0x3FAC]  }
0x2e: {  	s3 =	simm.s32 @!p0 $0x1082;
	s9 =	sld [smem:$0x3FAD]  }
0x2f: {  	lr =	sadd.s32 s0, s3;
	s0 =	sld [smem:$0x3FA4]  }
0x30: {  	s3 =	sld [smem:$0x3FA7]  }
0x31: {  	[smem:$0x3FB0] =	sst s10  }
0x32: {  	s10 =	sld [smem:$0x3FAE];
	_ =	sdelay $0x3  }
0x33: {  	p0 =	seq.s32 s10, $0x1;
	s10 =	sld [smem:$0x3FB0];
	_ =	sdelay $0x3  }
0x34: {  	[smem:$0x3FB0] =	sst s10  }
0x35: {  	s10 =	sld [smem:$0x3FAF];
	_ =	sdelay $0x3  }
0x36: {  	p1 =	seq.s32 s10, $0x1;
	s10 =	sld [smem:$0x3FB0];
	_ =	sdelay $0x3  }
0x37: {  	[smem:$0x3FB0] =	sst s10  }
0x38: {  	s10 =	sld [smem:$0x3FB1]  }
0x39: {  	_ = 	snop;
	(pc) =	sbr.ind lr, $3  }
0x3a: {  	_ = 	snop  }
0x3b: {  	_ = 	snop  }
0x3c: {  	p2 =	seq.s32 s10, $0x1;
	s10 =	sld [smem:$0x3FB0]  }
0x3d: {  	_ =	shalt  }
0x3e: {  	_ =	shalt  }
0x3f: {  	_ =	shalt  }
0x40: {  	_ =	shalt  }
0x41: {  	_ =	shalt  }
0x42: {  	_ =	shalt  }
0x43: {  	_ =	shalt  }
0x44: {  	_ =	shalt  }
0x45: {  	_ =	shalt  }
0x46: {  	_ =	shalt  }
0x47: {  	_ =	shalt  }
0x48: {  	_ =	shalt  }
0x49: {  	_ =	shalt  }
0x4a: {  	_ =	shalt  }
0x4b: {  	_ =	shalt  }
0x4c: {  	_ =	shalt  }
0x4d: {  	_ =	shalt  }
0x4e: {  	_ =	shalt  }
0x4f: {  	_ =	shalt  }
0x50: {  	_ =	shalt  }
0x51: {  	_ =	shalt  }
0x52: {  	_ =	shalt  }
0x53: {  	_ =	shalt  }
0x54: {  	_ =	shalt  }
0x55: {  	_ =	shalt  }
0x56: {  	_ =	shalt  }
0x57: {  	_ =	shalt  }
0x58: {  	_ =	shalt  }
0x59: {  	_ =	shalt  }
0x5a: {  	_ =	shalt  }
0x5b: {  	_ =	shalt  }
0x5c: {  	_ =	shalt  }
0x5d: {  	_ =	shalt  }
0x5e: {  	_ =	shalt  }
0x5f: {  	_ =	shalt  }
0x60: {  	_ =	shalt  }
0x61: {  	_ =	shalt  }
0x62: {  	_ =	shalt  }
0x63: {  	_ =	shalt  }
0x64: {  	_ =	shalt  }
0x65: {  	_ =	shalt  }
0x66: {  	_ =	shalt  }
0x67: {  	_ =	shalt  }
0x68: {  	_ =	shalt  }
0x69: {  	_ =	shalt  }
0x6a: {  	_ =	shalt  }
0x6b: {  	_ =	shalt  }
0x6c: {  	_ =	shalt  }
0x6d: {  	_ =	shalt  }
0x6e: {  	_ =	shalt  }
0x6f: {  	_ =	shalt  }
0x70: {  	_ =	shalt  }
0x71: {  	_ =	shalt  }
0x72: {  	_ =	shalt  }
0x73: {  	_ =	shalt  }
0x74: {  	_ =	shalt  }
0x75: {  	_ =	shalt  }
0x76: {  	_ =	shalt  }
0x77: {  	_ =	shalt  }
0x78: {  	_ =	shalt  }
0x79: {  	_ =	shalt  }
0x7a: {  	_ =	shalt  }
0x7b: {  	_ =	shalt  }
0x7c: {  	_ =	shalt  }
0x7d: {  	_ =	shalt  }
0x7e: {  	_ =	shalt  }
0x7f: {  	_ =	shalt  }
0x80: {  	_ =	shalt  }
0x81: {  	_ =	shalt  }
0x82: {  	_ =	shalt  }
0x83: {  	_ =	shalt  }
0x84: {  	_ =	shalt  }
0x85: {  	_ =	shalt  }
0x86: {  	_ =	shalt  }
0x87: {  	_ =	shalt  }
.Lfunc_end0:
.L_simem_size_0:
called_computation.1_lowered:
.L_overlay_start_0:
0x88: {  	s2 =	sld [smem:$0x3FD9]  }
0x89: {  	s3 =	sld [smem:$0x3FFE];
	_ =	sdelay $0x1  }
0x8a: {  	s1 =	srdreg.scid  }
0x8b: {  	s0 =	sand.u32 $0x1, s1  }
0x8c: {  	s16 =	sshll.u32 s0, $0xA;
	s2 =	sadd.s32 s3, s2  }
0x8d: {  	s2 =	sadd.s32 s2, s16  }
0x8e: {  	[smem:$0x3FBC] =	sst s2  }
0x8f: {  	_ = 	snop  }
0x90: {  	(tm) =	ssettm $0x1  }
0x91: {  	s17 =	sld [smem:$0x3FFB];
	_ =	sdelay $0x3  }
0x92: {  	_ =	strace s17  }
0x93: {  	s2 =	sld [smem:$0x3FFC];
	_ =	sdelay $0x3  }
0x94: {  	_ =	strace s2  }
0x95: {  	s2 =	sld [smem:$0x3FFD];
	_ =	sdelay $0x3  }
0x96: {  	_ =	strace s2  }
0x97: {  	_ =	strace $0x8FFFFFFF  }
0x98: {  	s18 =	sld [smem:$0x3FDB];
	_ =	sdelay $0x1  }
0x99: {  	s19 =	simm.s32 $_scs_section_size  }
0x9a: {  	s4 =	simm.s32 $_size__tile_overlayer_lowered;
	s5 =	simm.s32 $_tile_overlayer_lowered  }
0x9b: {  	s22 =	simm.s32 $0x1BFF;
	s21 =	sshll.u32 s5, $0x1;
	s2 =	sadd.s32 s19, s18  }
0x9c: {  	s6 =	simm.s32 $0x0;
	s20 =	sshll.u32 s4, $0x1;
	s4 =	sadd.s32 s21, s2  }
0x9d: {  	[timem:s6], [sflag:s22] =	dma.local [hbm:s4], s20  }
0x9e: {  	_ =	swait.ge [sflag:s22], s20  }
0x9f: {  	s3 =	ssub.s32 $0x0, s20;
	[sflag:s22] =	ssyncset.done $0x0  }
0xa0: {  	[sflag:s22] =	ssyncadd.s32 s3;
	_ =	sdelay $0x1  }
0xa1: {  	s23 =	simm.s32 $0x1B8B  }
0xa2: {  	_ =	swait.ge [sflag:s23], $0x1  }
0xa3: {  	[sflag:s23] =	ssyncset.done $0x0  }
0xa4: {  	s25 =	simm.s32 $0x1B8E;
	s24 =	sld [smem:$0x3FFE];
	[sflag:s23] =	ssyncadd.s32 $0xFFFFFFFF  }
0xa5: {  	s26 =	simm.s32 $execute0_lowered;
	[smem:$0x3FD2] =	sst s25  }
0xa6: {  	s4 =	sshll.u32 s26, $0x1;
	_ =	strace $0x80000049;
	[dreg:$0x1] =	wrdreg $0xFFFFFFFF  }
0xa7: {  	s28 =	simm.s32 $_size_execute0_lowered;
	s2 =	sadd.s32 s2, s4;
	[dreg:$0x0] =	wrdreg $0x0  }
0xa8: {  	s4 =	sshll.u32 s28, $0x1;
	[dreg:$0x2] =	wrdreg s2  }
0xa9: {  	[dreg:$0x3] =	wrdreg s4  }
0xaa: {  	[dreg:$0x4] =	wrdreg $0xC0  }
0xab: {  	_ =	task [dreg:s6], $0x5FFFF  }
0xac: {  	[dreg:$0x1] =	wrdreg $0xFFFFFFFF  }
0xad: {  	[dreg:$0x0] =	wrdreg $0x60  }
0xae: {  	[dreg:$0x2] =	wrdreg s24  }
0xaf: {  	[dreg:$0x3] =	wrdreg $0x58000  }
0xb0: {  	[dreg:$0x4] =	wrdreg $0x9  }
0xb1: {  	_ =	task.clear_ibuf [dreg:s6], $0x5FFFF;
	_ =	strace $0x90000049  }
0xb2: {  	s29 =	simm.s32 $0x9;
	_ =	strace $0x8000004B  }
0xb3: {  	_ =	swait.ge [sflag:s29], $0x1  }
0xb4: {  	[sflag:s29] =	ssyncadd.s32 $0xFFFFFFFF  }
0xb5: {  	_ =	strace $0x9000004B  }
0xb6: {  	_ =	sfence  }
0xb7: {  	s30 =	sld [smem:$0x0];
	_ =	sdelay $0x2  }
0xb8: {  	s31 =	sshll.u32 s1, $0xD;
	s1 =	sshrl.u32 s1, $0x2  }
0xb9: {  	s3 =	sand.u32 $0x4000, s31;
	s1 =	sadd.s32 s1, s30  }
0xba: {  	s0 =	sor.u32 s3, s0;
	s1 =	sshll.u32 s1, $0x11  }
0xbb: {  	s0 =	sor.u32 s1, s0  }
0xbc: {  	s0 =	sadd.s32 $0x8F2B, s0  }
0xbd: {  	[sflag:s0] =	ssyncadd.remote.s32 $0x1  }
0xbe: {  	_ =	sfence.sel $0xFFFF  }
0xbf: {  	[dreg:$0x0] =	wrdreg $0xFFFFFFFF;
	(pc) =	sbr.abs _section_cstart, $3  }
0xc0: {  	[dreg:$0x1] =	wrdreg $0xFFFFFFFF  }
0xc1: {  	_ =	task.clear_ibuf [dreg:s6], $0x2FFFF;
	_ =	strace $0x9FFFFFFF  }
0xc2: {  	(tm) =	ssettm $0x7FFFFFFF  }
0xc3: {  	_ =	shalt  }
tec
execute0_lowered:
.L_overlay_start_1:
0x0: {  	(tag) =	ssettag $0x1  }
0x1: {  	s0 =	rddreg [dreg:$0x0]  }
0x2: {  	s1 =	rddreg [dreg:$0x1];
	s3 =	simm.s32 $0x0;
	s2 =	srdreg.scid  }
0x3: {  	s20 =	stileid.u32;
	s16 =	simm.s32 $0x80;
	s17 =	simm.s32 $0x1800  }
0x4: {  	s18 =	simm.s32 $0x2000;
	s19 =	simm.s32 $0x2800;
	s6 =	smul.u32 $0x1880, s20  }
0x5: {  	s31 =	simm.s32 $0x3;
	[smem:$0x7FF] =	sst s3;
	s7 =	smul.u32 $0x62000, s20  }
0x6: {  	s2 =	sand.u32 $0x1, s2;
	s4 =	sadd.s32 $0xB6000, s0;
	s9 =	smul.u32 $0x18800, s20  }
0x7: {  	s11 =	sadd.s32 $0x54000, s0;
	s12 =	sadd.s32 $0x4A00, s0;
	s14 =	smul.u32 $0x3100, s20  }
0x8: {  	s23 =	sshll.u32 s20, $0x6;
	s20 =	simm.s32 $0x3000;
	s5 =	smul.u32 $0x18800, s2  }
0x9: {  	_ =	strace $0x8000004A;
	s21 =	ssub.s32 $0x2, s2;
	s2 =	smul.u32 $0x188000, s2  }
0xa: {  	s8 =	sshrl.u32 s21, $0x1;
	s22 =	sshrl.u32 s7, $0x2;
	s26 =	sshrl.u32 s9, $0x3  }
0xb: {  	s30 =	sadd.s32 s14, s12;
	s14 =	simm.s32 $0x4;
	s5 =	sadd.s32 s6, s5  }
0xc: {  	s10 =	ssub.s32 s21, s8;
	s13 =	sadd.s32 s22, s1;
	s2 =	sadd.s32 s9, s2  }
0xd: {  	s6 =	sor.u32 $0x1C04, s23;
	s28 =	sadd.s32 s12, s26;
	s15 =	sadd.s32 $0x80, s30  }
0xe: {  	s21 =	simm.s32 $0x3800;
	s22 =	simm.s32 $0x4000;
	s23 =	simm.s32 $0x4800  }
0xf: {  	s5 =	sshll.u32 s5, $0x1;
	s24 =	sshrl.u32 s2, $0x3;
	[dreg:$0x5] =	wrdreg s28  }
.Ltmp0:
0x10: {  	s29 =	sor.u32 $0x400, s2;
	s10 =	smax.u32 s10, $0x1;
	(pc) =	sbr.rel .LBB2_1-.Ltmp0, $4  }
0x11: {  	s13 =	sshrl.u32 s13, $0x3;
	s0 =	sadd.s32 s5, s0;
	s5 =	sadd.s32 s4, s5  }
0x12: {  	s25 =	sadd.s32 s11, s24;
	s24 =	simm.s32 $0x5000;
	[dreg:$0x3] =	wrdreg s5  }
0x13: {  	[dreg:$0x4] =	wrdreg s25;
	s9 =	sadd.s32 $0x118000, s0;
	s0 =	sshrl.u32 s29, $0x3  }
0x14: {  	s25 =	simm.s32 $0x1;
	s2 =	sadd.s32 s0, s11;
	s0 =	simm.s32 $0x0  }
.LBB2_5:
0x15: {  	_ =	swait.ge [sflag:s25], $0x800  }
0x16: {  	[sflag:s25] =	ssyncset.done $0x0  }
0x17: {  	[sflag:s25] =	ssyncadd.s32 $0xFFFFF800  }
0x18: {  	_ =	swait.ge [sflag:s25], $0x800  }
0x19: {  	[sflag:s25] =	ssyncset.done $0x0  }
0x1a: {  	[sflag:s25] =	ssyncadd.s32 $0xFFFFF800  }
0x1b: {  	_ =	swait.ge [sflag:s25], $0x800  }
0x1c: {  	[sflag:s25] =	ssyncset.done $0x0  }
0x1d: {  	[sflag:s25] =	ssyncadd.s32 $0xFFFFF800  }
0x1e: {  	_ =	swait.ge [sflag:s25], $0x800  }
0x1f: {  	[sflag:s25] =	ssyncset.done $0x0  }
0x20: {  	s3 =	simm.s32 $0x1200;
	[sflag:s25] =	ssyncadd.s32 $0xFFFFF800  }
0x21: {  	[spmem:s1] =	stream.indirect.scatter.add.f32 [tilespmem:s21], [sflag:$0x3], $0x10, s3, s16, $0xb8;
	[tilespmem:$0x1E000] =	vst v63  }
0x22: {  	s28 =	simm.s32 $0x1280  }
0x23: {  	[spmem:s1] =	stream.indirect.scatter.add.f32 [tilespmem:s22], [sflag:$0x3], $0x10, s28, s16, $0xb8;
	[tilespmem:$0x1E000] =	vst v63  }
0x24: {  	s29 =	simm.s32 $0x1300  }
0x25: {  	[spmem:s1] =	stream.indirect.scatter.add.f32 [tilespmem:s23], [sflag:$0x3], $0x10, s29, s16, $0xb8;
	[tilespmem:$0x1E000] =	vst v63  }
0x26: {  	s30 =	simm.s32 $0x1380  }
0x27: {  	[spmem:s1] =	stream.indirect.scatter.add.f32 [tilespmem:s24], [sflag:$0x3], $0x10, s30, s16, $0xb8;
	[tilespmem:$0x1E000] =	vst v63  }
0x28: {  	_ =	swait.ge [sflag:s31], $0x800  }
0x29: {  	[sflag:s31] =	ssyncset.done $0x0  }
0x2a: {  	[sflag:s31] =	ssyncadd.s32 $0xFFFFF800  }
0x2b: {  	_ =	swait.ge [sflag:s31], $0x800  }
0x2c: {  	[sflag:s31] =	ssyncset.done $0x0  }
0x2d: {  	[sflag:s31] =	ssyncadd.s32 $0xFFFFF800  }
0x2e: {  	_ =	swait.ge [sflag:s31], $0x800  }
0x2f: {  	[sflag:s31] =	ssyncset.done $0x0  }
0x30: {  	[sflag:s31] =	ssyncadd.s32 $0xFFFFF800  }
0x31: {  	_ =	swait.ge [sflag:s31], $0x800  }
0x32: {  	[sflag:s31] =	ssyncset.done $0x0  }
0x33: {  	[sflag:s31] =	ssyncadd.s32 $0xFFFFF800  }
0x34: {  	_ =	swait.ge [sflag:s31], $0x800  }
0x35: {  	[sflag:s31] =	ssyncset.done $0x0  }
0x36: {  	[sflag:s31] =	ssyncadd.s32 $0xFFFFF800  }
0x37: {  	_ =	swait.ge [sflag:s31], $0x800  }
0x38: {  	[sflag:s31] =	ssyncset.done $0x0  }
0x39: {  	[sflag:s31] =	ssyncadd.s32 $0xFFFFF800  }
0x3a: {  	_ =	swait.ge [sflag:s31], $0x800  }
0x3b: {  	[sflag:s31] =	ssyncset.done $0x0  }
0x3c: {  	[sflag:s31] =	ssyncadd.s32 $0xFFFFF800  }
0x3d: {  	_ =	swait.ge [sflag:s31], $0x800  }
0x3e: {  	s0 =	sadd.s32 $0x1, s0;
	[sflag:s31] =	ssyncset.done $0x0  }
0x3f: {  	p0 =	sne.s32 s0, s10;
	[sflag:s31] =	ssyncadd.s32 $0xFFFFF800  }
.Ltmp1:
0x40: {  	[bflag:$0x0] =	sbarrier.arrive $0xFFFF;
	(pc) =	sbr.rel @!p0 .LBB2_6-.Ltmp1, $4  }
0x41: {  	[hbm:s9], [sflag:s6] =	dma.local [spmem:s13], $0x3100  }
0x42: {  	_ =	swait.ge [sflag:s14], $0x3100  }
0x43: {  	[sflag:s14] =	ssyncset.done $0x0  }
0x44: {  	[sflag:s14] =	ssyncadd.s32 $0xFFFFCF00  }
.LBB2_1:
0x45: {  	s3 =	rddreg [dreg:$0x3]  }
0x46: {  	[spmem:s13], [sflag:s6] =	dma.local [hbm:s3], $0x3100  }
0x47: {  	_ =	swait.ge [sflag:s14], $0x3100  }
0x48: {  	[sflag:s14] =	ssyncset.done $0x0  }
0x49: {  	[sflag:s14] =	ssyncadd.s32 $0xFFFFCF00  }
0x4a: {  	[bflag:$0x0] =	sbarrier.arrive $0xFFFF  }
0x4b: {  	s28 =	simm.s32 $0x0;
	s5 =	rddreg [dreg:$0x4]  }
0x4c: {  	[tilespmem:s28], [sflag:$0x4] =	stream.linear.gather [hbm4b:s5+s28], $0x400, $0x38;
	[tilespmem:$0x1E000] =	vst v63  }
0x4d: {  	_ =	swait.ge [sflag:s14], $0x400  }
0x4e: {  	s7 =	simm.s32 $0xC00;
	[sflag:s14] =	ssyncset.done $0x0  }
.Ltmp2:
0x4f: {  	s30 =	rddreg [dreg:$0x5];
	[sflag:s14] =	ssyncadd.s32 $0xFFFFFC00;
	(pc) =	sbr.rel .LBB2_2-.Ltmp2, $4  }
0x50: {  	[tilespmem:s7], [sflag:$0x4] =	stream.linear.gather [hbm4b:s30+s28], $0x400, $0x38;
	[tilespmem:$0x1E000] =	vst v63  }
0x51: {  	_ =	swait.ge [sflag:s14], $0x400  }
0x52: {  	s12 =	smov.u32 s2;
	[sflag:s14] =	ssyncset.done $0x0  }
0x53: {  	s11 =	smov.u32 s15;
	s29 =	simm.s32 $0x0;
	[sflag:s14] =	ssyncadd.s32 $0xFFFFFC00  }
.LBB2_4:
0x54: {  	s3 =	sadd.s32 $0x200, s26  }
0x55: {  	[tilespmem:s21], [sflag:$0x1] =	stream.indirect.gather [hbm4b:s4+s16], $0x10, s3, s16, $0xb8;
	[tilespmem:$0x1E000] =	vst v63  }
0x56: {  	s28 =	sadd.s32 $0x280, s26  }
0x57: {  	[tilespmem:s22], [sflag:$0x1] =	stream.indirect.gather [hbm4b:s4+s16], $0x10, s28, s16, $0xb8;
	[tilespmem:$0x1E000] =	vst v63  }
0x58: {  	s30 =	sadd.s32 $0x300, s26  }
0x59: {  	[tilespmem:s23], [sflag:$0x1] =	stream.indirect.gather [hbm4b:s4+s16], $0x10, s30, s16, $0xb8;
	[tilespmem:$0x1E000] =	vst v63  }
0x5a: {  	s5 =	sadd.s32 $0x380, s26  }
0x5b: {  	[tilespmem:s24], [sflag:$0x1] =	stream.indirect.gather [hbm4b:s4+s16], $0x10, s5, s16, $0xb8;
	[tilespmem:$0x1E000] =	vst v63  }
0x5c: {  	_ =	swait.ge [sflag:s25], $0x800  }
0x5d: {  	[sflag:s25] =	ssyncset.done $0x0  }
0x5e: {  	[sflag:s25] =	ssyncadd.s32 $0xFFFFF800  }
0x5f: {  	_ =	swait.ge [sflag:s25], $0x800  }
0x60: {  	[sflag:s25] =	ssyncset.done $0x0  }
0x61: {  	[sflag:s25] =	ssyncadd.s32 $0xFFFFF800  }
0x62: {  	_ =	swait.ge [sflag:s25], $0x800  }
0x63: {  	[sflag:s25] =	ssyncset.done $0x0  }
0x64: {  	[sflag:s25] =	ssyncadd.s32 $0xFFFFF800  }
0x65: {  	_ =	swait.ge [sflag:s25], $0x800  }
0x66: {  	[sflag:s25] =	ssyncset.done $0x0  }
0x67: {  	s7 =	sadd.s32 $0xC00, s26;
	[sflag:s25] =	ssyncadd.s32 $0xFFFFF800  }
0x68: {  	[spmem:s1] =	stream.indirect.scatter.add.f32 [tilespmem:s17], [sflag:$0x3], $0x10, s7, s16, $0xb8;
	[tilespmem:$0x1E000] =	vst v63  }
0x69: {  	s8 =	sadd.s32 $0xC80, s26  }
0x6a: {  	[spmem:s1] =	stream.indirect.scatter.add.f32 [tilespmem:s18], [sflag:$0x3], $0x10, s8, s16, $0xb8;
	[tilespmem:$0x1E000] =	vst v63  }
0x6b: {  	s28 =	sadd.s32 $0xD00, s26  }
0x6c: {  	[spmem:s1] =	stream.indirect.scatter.add.f32 [tilespmem:s19], [sflag:$0x3], $0x10, s28, s16, $0xb8;
	[tilespmem:$0x1E000] =	vst v63  }
0x6d: {  	s3 =	simm.s32 @!p1 $0x2;
	s30 =	sadd.s32 $0xD80, s26  }
0x6e: {  	[spmem:s1] =	stream.indirect.scatter.add.f32 [tilespmem:s20], [sflag:$0x3], $0x10, s30, s16, $0xb8;
	[tilespmem:$0x1E000] =	vst v63  }
0x6f: {  	p0 =	sne.s32 s29, $0x62;
	_ =	swait.ge @!p1 [sflag:s3], $0x400  }
.Ltmp3:
0x70: {  	[sflag:s3] =	ssyncset.done @!p1 $0x0;
	(pc) =	sbr.rel @!p0 .LBB2_5-.Ltmp3, $4  }
0x71: {  	[sflag:s3] =	ssyncadd.s32 @!p1 $0xFFFFFC00  }
0x72: {  	_ =	swait.ge @!p1 [sflag:s3], $0x400  }
0x73: {  	[sflag:s3] =	ssyncset.done @!p1 $0x0  }
0x74: {  	s11 =	sadd.s32 $0x80, s11;
	s12 =	sadd.s32 $0x80, s12;
	[sflag:s3] =	ssyncadd.s32 @!p1 $0xFFFFFC00  }
.LBB2_2:
0x75: {  	p0 =	seq.s32 s29, $0x0  }
0x76: {  	s26 =	simm.s32 @!p0 $0x3  }
0x77: {  	_ =	swait.ge @!p0 [sflag:s26], $0x800  }
0x78: {  	[sflag:s26] =	ssyncset.done @!p0 $0x0  }
0x79: {  	s30 =	smul.u32 $0xAB, s29;
	[sflag:s26] =	ssyncadd.s32 @!p0 $0xFFFFF800  }
0x7a: {  	_ =	swait.ge @!p0 [sflag:s26], $0x800  }
0x7b: {  	s28 =	smov.u32 s29;
	s29 =	sshrl.u32 s30, $0x9;
	[sflag:s26] =	ssyncset.done @!p0 $0x0  }
0x7c: {  	s29 =	sand.u32 $0x7F, s29;
	[sflag:s26] =	ssyncadd.s32 @!p0 $0xFFFFF800  }
0x7d: {  	s29 =	smul.u32 $0x3, s29;
	_ =	swait.ge @!p0 [sflag:s26], $0x800  }
0x7e: {  	[sflag:s26] =	ssyncset.done @!p0 $0x0  }
0x7f: {  	s29 =	ssub.s32 s28, s29;
	[sflag:s26] =	ssyncadd.s32 @!p0 $0xFFFFF800  }
0x80: {  	s29 =	sand.u32 $0xFF, s29;
	_ =	swait.ge @!p0 [sflag:s26], $0x800  }
0x81: {  	s29 =	sshll.u32 s29, $0xC;
	[sflag:s26] =	ssyncset.done @!p0 $0x0  }
0x82: {  	[sflag:s26] =	ssyncadd.s32 @!p0 $0xFFFFF800;
	s26 =	sshrl.u32 s29, $0x2  }
0x83: {  	[tilespmem:s17], [sflag:$0x1] =	stream.indirect.gather [hbm4b:s4+s16], $0x10, s26, s16, $0xb8;
	[tilespmem:$0x1E000] =	vst v63  }
0x84: {  	s29 =	sor.u32 $0x80, s26  }
0x85: {  	[tilespmem:s18], [sflag:$0x1] =	stream.indirect.gather [hbm4b:s4+s16], $0x10, s29, s16, $0xb8;
	[tilespmem:$0x1E000] =	vst v63  }
0x86: {  	s29 =	sor.u32 $0x100, s26  }
0x87: {  	[tilespmem:s19], [sflag:$0x1] =	stream.indirect.gather [hbm4b:s4+s16], $0x10, s29, s16, $0xb8;
	[tilespmem:$0x1E000] =	vst v63  }
0x88: {  	s3 =	simm.s32 @!p0 $0x1;
	s29 =	sor.u32 $0x180, s26  }
0x89: {  	[tilespmem:s20], [sflag:$0x1] =	stream.indirect.gather [hbm4b:s4+s16], $0x10, s29, s16, $0xb8;
	[tilespmem:$0x1E000] =	vst v63  }
0x8a: {  	_ =	swait.ge @!p0 [sflag:s3], $0x800  }
0x8b: {  	[sflag:s3] =	ssyncset.done @!p0 $0x0  }
0x8c: {  	s29 =	sadd.s32 $0x2, s28;
	[sflag:s3] =	ssyncadd.s32 @!p0 $0xFFFFF800  }
0x8d: {  	s5 =	sand.u32 $0xFF, s29;
	_ =	swait.ge @!p0 [sflag:s3], $0x800  }
0x8e: {  	s5 =	smul.u32 $0xAB, s5;
	[sflag:s3] =	ssyncset.done @!p0 $0x0  }
0x8f: {  	[sflag:s3] =	ssyncadd.s32 @!p0 $0xFFFFF800  }
0x90: {  	s5 =	sshrl.u32 s5, $0x9;
	_ =	swait.ge @!p0 [sflag:s3], $0x800  }
0x91: {  	s5 =	smul.u32 $0x3, s5;
	[sflag:s3] =	ssyncset.done @!p0 $0x0  }
0x92: {  	s7 =	simm.s32 @!p0 $0x80;
	[sflag:s3] =	ssyncadd.s32 @!p0 $0xFFFFF800  }
0x93: {  	s8 =	simm.s32 @!p0 $0x3800;
	s5 =	ssub.s32 s29, s5;
	_ =	swait.ge @!p0 [sflag:s3], $0x800  }
0x94: {  	p1 =	seq.s32 @!p0 s28, $0x61;
	s5 =	sand.u32 $0xFF, s5;
	[sflag:s3] =	ssyncset.done @!p0 $0x0  }
0x95: {  	p2 =	por p0, !p1;
	[sflag:s3] =	ssyncadd.s32 @!p0 $0xFFFFF800;
	s3 =	sshll.u32 @!p0 s5, $0xA  }
0x96: {  	s30 =	sadd.s32 $0xAB, s30;
	p1 =	seq.s32 @p2 s28, $0x0;
	s5 =	sadd.s32 @!p0 $0xE00, s3  }
0x97: {  	[spmem:s1] =	stream.indirect.scatter.add.f32 @!p0 [tilespmem:s8], [sflag:$0x3], $0x10, s5, s7, $0xb8;
	[tilespmem:$0x1E000] =	vst v63  }
0x98: {  	p3 =	por !p2, !p1;
	s29 =	sadd.s32 $0x1, s28;
	s5 =	sshrl.u32 s30, $0x9  }
0x99: {  	s8 =	sadd.s32 @!p0 $0xE80, s3;
	s30 =	simm.s32 @!p0 $0x4000;
	s5 =	sand.u32 $0x7F, s5  }
0x9a: {  	[spmem:s1] =	stream.indirect.scatter.add.f32 @!p0 [tilespmem:s30], [sflag:$0x3], $0x10, s8, s7, $0xb8;
	[tilespmem:$0x1E000] =	vst v63  }
0x9b: {  	s8 =	sadd.s32 @!p0 $0xF00, s3;
	s30 =	simm.s32 @!p0 $0x4800;
	s5 =	smul.u32 $0x3, s5  }
0x9c: {  	[spmem:s1] =	stream.indirect.scatter.add.f32 @!p0 [tilespmem:s30], [sflag:$0x3], $0x10, s8, s7, $0xb8;
	[tilespmem:$0x1E000] =	vst v63  }
0x9d: {  	s3 =	sadd.s32 @!p0 $0xF80, s3;
	s8 =	simm.s32 @!p0 $0x5000;
	s30 =	ssub.s32 s29, s5  }
0x9e: {  	[spmem:s1] =	stream.indirect.scatter.add.f32 @!p0 [tilespmem:s8], [sflag:$0x3], $0x10, s3, s7, $0xb8;
	[tilespmem:$0x1E000] =	vst v63  }
.Ltmp4:
0x9f: {  	s3 =	sand.u32 $0xFF, s30;
	(pc) =	sbr.rel @!p3 .LBB2_4-.Ltmp4, $4  }
0xa0: {  	s5 =	simm.s32 @p2 $0x0;
	s3 =	sshll.u32 @p2 s3, $0xA  }
0xa1: {  	[tilespmem:s3], [sflag:$0x2] =	stream.linear.gather @p2 [hbm4b:s12+s5], $0x400, $0x38;
	[tilespmem:$0x1E000] =	vst v63  }
0xa2: {  	p1 =	por @p2 $0x0, $0x0;
	s3 =	sadd.s32 @p2 $0xC00, s3  }
0xa3: {  	[tilespmem:s3], [sflag:$0x2] =	stream.linear.gather @p2 [hbm4b:s11+s5], $0x400, $0x38;
	[tilespmem:$0x1E000] =	vst v63  }
0xa4: {  	_ =	swait.ge [sflag:s31], $0x800  }
0xa5: {  	[sflag:s31] =	ssyncset.done $0x0  }
0xa6: {  	[sflag:s31] =	ssyncadd.s32 $0xFFFFF800  }
0xa7: {  	_ =	swait.ge [sflag:s31], $0x800  }
0xa8: {  	[sflag:s31] =	ssyncset.done $0x0  }
0xa9: {  	[sflag:s31] =	ssyncadd.s32 $0xFFFFF800  }
0xaa: {  	_ =	swait.ge [sflag:s31], $0x800  }
.Ltmp5:
0xab: {  	[sflag:s31] =	ssyncset.done $0x0;
	(pc) =	sbr.rel .LBB2_4-.Ltmp5, $4  }
0xac: {  	[sflag:s31] =	ssyncadd.s32 $0xFFFFF800  }
0xad: {  	_ =	swait.ge [sflag:s31], $0x800  }
0xae: {  	p0 =	por @!p0 $0x1, $0x1;
	[sflag:s31] =	ssyncset.done $0x0  }
0xaf: {  	p1 =	por @!p2 p0, p0;
	[sflag:s31] =	ssyncadd.s32 $0xFFFFF800  }
.LBB2_6:
0xb0: {  	_ =	sfence.sel $0x180000  }
0xb1: {  	[bflag:$0x0] =	sbarrier.arrive $0xFFFF  }
0xb2: {  	_ =	strace $0x9000004A  }
0xb3: {  	s0 =	stileid.u32;
	[bflag:$0x2] =	sbarrier.arrive $0xFFFF  }
0xb4: {  	p0 =	sne.s32 s0, $0x0;
	s0 =	rddreg [dreg:$0x2]  }
0xb5: {  	s0 =	sadd.s32 @!p0 $0x100000, s0  }
0xb6: {  	[sflag:s0] =	ssyncadd.tile.s32 @!p0 $0x1;
	_ =	shalt  }
.Lfunc_end2:
_tile_overlayer_lowered:
.L_overlay_start_2:
0xb7: {  	(tag) =	ssettag $0x2  }
0xb8: {  	s0 =	rddreg [dreg:$0x0];
	s2 =	stileid.u32  }
0xb9: {  	s1 =	rddreg [dreg:$0x1];
	p0 =	sne.s32 s2, $0x0  }
0xba: {  	s3 =	rddreg [dreg:$0x2];
	[bflag:$0x3] =	sbarrier.arrive $0xFFFF;
	s2 =	simm.s32 @!p0 $0x1C04  }
0xbb: {  	[timem:s3], [sflag:s2] =	dma.local @!p0 [hbm:s0], s1  }
0xbc: {  	s0 =	simm.s32 @!p0 $0x4  }
0xbd: {  	_ =	swait.ge @!p0 [sflag:s0], s1  }
0xbe: {  	s1 =	ssub.s32 @!p0 $0x0, s1;
	[sflag:s0] =	ssyncset.done @!p0 $0x0  }
0xbf: {  	[sflag:s0] =	ssyncadd.s32 @!p0 s1  }
0xc0: {  	[bflag:$0x3] =	sbarrier.arrive $0xFFFF  }
0xc1: {  	_ =	shalt  }

// kernel: _run.18.cloned.1.call-start
scs
__scs_entry_jumppad:
0x0: {  	(pc) =	sbr.rel $0x88, $3  }
0x1: {  	(tag) =	ssettag $0x0;
	lr =	simm.s32 $0x1  }
0x2: {  	[smem:$0x3F95] =	sst lr;
	_ =	strace $0xD0000000  }
0x3: {  	_ = 	snop  }
0x4: {  	_ = 	snop  }
0x5: {  	_ = 	snop  }
0x6: {  	_ = 	snop  }
0x7: {  	_ = 	snop  }
__scs_overlays_trampoline_lowered:
0x8: {  	[smem:$0x3FA4] =	sst s0  }
0x9: {  	[smem:$0x3FA5] =	sst s1  }
0xa: {  	[smem:$0x3FA6] =	sst s2  }
0xb: {  	[smem:$0x3FA7] =	sst s3  }
0xc: {  	[smem:$0x3FA8] =	sst s4  }
0xd: {  	[smem:$0x3FA9] =	sst s5  }
0xe: {  	[smem:$0x3FAA] =	sst s6  }
0xf: {  	[smem:$0x3FAB] =	sst s7  }
0x10: {  	[smem:$0x3FAC] =	sst s8  }
0x11: {  	[smem:$0x3FAD] =	sst s9;
	s0 =	simm.s32 @!p0 $0x0  }
0x12: {  	s1 =	sld [smem:$0x3F93];
	s0 =	simm.s32 @p0 $0x1  }
0x13: {  	[smem:$0x3FAE] =	sst s0;
	s0 =	simm.s32 @!p1 $0x0  }
0x14: {  	s2 =	sld [smem:$0x3F92];
	s0 =	simm.s32 @p1 $0x1  }
0x15: {  	[smem:$0x3FAF] =	sst s0;
	s0 =	simm.s32 @!p2 $0x0  }
0x16: {  	s3 =	sld [smem:$0x3FDB];
	s0 =	simm.s32 @p2 $0x1  }
0x17: {  	s4 =	simm.s32 $0x1BF5;
	[smem:$0x3FB1] =	sst s0  }
0x18: {  	s0 =	sld [smem:$0x3F94];
	_ =	swait.ge [sflag:s4], $0x0  }
0x19: {  	s7 =	sld [smem:$0x3F95]  }
0x1a: {  	s8 =	sadd.s32 $0xFFFFE003, lr  }
0x1b: {  	s9 =	sadd.s32 $0xFFFFFEF7, lr;
	s5 =	simm.s32 $0xFFFFFFFF;
	p2 =	slt.u32 s8, $0xFFFFF086  }
0x1c: {  	p1 =	slt.u32 s9, $0xF7A;
	s5 =	simm.s32 @!p2 $0x0  }
0x1d: {  	s5 =	simm.s32 @p1 $0x1;
	p0 =	seq.s32 s7, s2  }
0x1e: {  	s7 =	smul.u32 @!p0 $0xF7A, s2;
	p2 =	seq.s32 @!p0 s5, $0x0  }
0x1f: {  	s9 =	smul.u32 $0xF7A, s1;
	s8 =	simm.s32 @!p0 $0x1BF5;
	p2 =	por !p2, p0  }
0x20: {  	[sflag:s8] =	ssyncset.s32 @!p0 $0xFFFFF086;
	s6 =	sadd.s32 @!p0 s3, s7;
	s7 =	simm.s32 @!p0 $0x108  }
0x21: {  	s3 =	sadd.s32 s3, s9;
	s6 =	sadd.s32 @!p0 $0x88, s6;
	s7 =	simm.s32 @p2 $0x1082  }
0x22: {  	[simem:s7], [sflag:s8] =	dma.local @!p0 [hbm:s6], $0xF7A  }
0x23: {  	s9 =	sor.u32 $0xD0000000, s2;
	s6 =	simm.s32 $0x108;
	_ =	swait.ge @!p0 [sflag:s8], $0x0  }
0x24: {  	s3 =	sadd.s32 $0x88, s3;
	s6 =	simm.s32 @!p1 $0x1082;
	[sflag:s4] =	ssyncset.s32 $0xFFFFF086  }
0x25: {  	[simem:s6], [sflag:s4] =	dma.local [hbm:s3], $0xF7A  }
0x26: {  	[smem:$0x3F95] =	sst s1;
	(tag) =	ssettag s2;
	_ =	strace s9  }
0x27: {  	s1 =	sld [smem:$0x3FA5]  }
0x28: {  	s2 =	sld [smem:$0x3FA6]  }
0x29: {  	s4 =	sld [smem:$0x3FA8]  }
0x2a: {  	p0 =	seq.s32 s5, $0x0;
	s5 =	sld [smem:$0x3FA9]  }
0x2b: {  	s6 =	sld [smem:$0x3FAA]  }
0x2c: {  	s7 =	sld [smem:$0x3FAB]  }
0x2d: {  	s3 =	simm.s32 $0x108;
	s8 =	sld [smem:$0x3FAC]  }
0x2e: {  	s3 =	simm.s32 @!p0 $0x1082;
	s9 =	sld [smem:$0x3FAD]  }
0x2f: {  	lr =	sadd.s32 s0, s3;
	s0 =	sld [smem:$0x3FA4]  }
0x30: {  	s3 =	sld [smem:$0x3FA7]  }
0x31: {  	[smem:$0x3FB0] =	sst s10  }
0x32: {  	s10 =	sld [smem:$0x3FAE];
	_ =	sdelay $0x3  }
0x33: {  	p0 =	seq.s32 s10, $0x1;
	s10 =	sld [smem:$0x3FB0];
	_ =	sdelay $0x3  }
0x34: {  	[smem:$0x3FB0] =	sst s10  }
0x35: {  	s10 =	sld [smem:$0x3FAF];
	_ =	sdelay $0x3  }
0x36: {  	p1 =	seq.s32 s10, $0x1;
	s10 =	sld [smem:$0x3FB0];
	_ =	sdelay $0x3  }
0x37: {  	[smem:$0x3FB0] =	sst s10  }
0x38: {  	s10 =	sld [smem:$0x3FB1]  }
0x39: {  	_ = 	snop;
	(pc) =	sbr.ind lr, $3  }
0x3a: {  	_ = 	snop  }
0x3b: {  	_ = 	snop  }
0x3c: {  	p2 =	seq.s32 s10, $0x1;
	s10 =	sld [smem:$0x3FB0]  }
0x3d: {  	_ =	shalt  }
0x3e: {  	_ =	shalt  }
0x3f: {  	_ =	shalt  }
0x40: {  	_ =	shalt  }
0x41: {  	_ =	shalt  }
0x42: {  	_ =	shalt  }
0x43: {  	_ =	shalt  }
0x44: {  	_ =	shalt  }
0x45: {  	_ =	shalt  }
0x46: {  	_ =	shalt  }
0x47: {  	_ =	shalt  }
0x48: {  	_ =	shalt  }
0x49: {  	_ =	shalt  }
0x4a: {  	_ =	shalt  }
0x4b: {  	_ =	shalt  }
0x4c: {  	_ =	shalt  }
0x4d: {  	_ =	shalt  }
0x4e: {  	_ =	shalt  }
0x4f: {  	_ =	shalt  }
0x50: {  	_ =	shalt  }
0x51: {  	_ =	shalt  }
0x52: {  	_ =	shalt  }
0x53: {  	_ =	shalt  }
0x54: {  	_ =	shalt  }
0x55: {  	_ =	shalt  }
0x56: {  	_ =	shalt  }
0x57: {  	_ =	shalt  }
0x58: {  	_ =	shalt  }
0x59: {  	_ =	shalt  }
0x5a: {  	_ =	shalt  }
0x5b: {  	_ =	shalt  }
0x5c: {  	_ =	shalt  }
0x5d: {  	_ =	shalt  }
0x5e: {  	_ =	shalt  }
0x5f: {  	_ =	shalt  }
0x60: {  	_ =	shalt  }
0x61: {  	_ =	shalt  }
0x62: {  	_ =	shalt  }
0x63: {  	_ =	shalt  }
0x64: {  	_ =	shalt  }
0x65: {  	_ =	shalt  }
0x66: {  	_ =	shalt  }
0x67: {  	_ =	shalt  }
0x68: {  	_ =	shalt  }
0x69: {  	_ =	shalt  }
0x6a: {  	_ =	shalt  }
0x6b: {  	_ =	shalt  }
0x6c: {  	_ =	shalt  }
0x6d: {  	_ =	shalt  }
0x6e: {  	_ =	shalt  }
0x6f: {  	_ =	shalt  }
0x70: {  	_ =	shalt  }
0x71: {  	_ =	shalt  }
0x72: {  	_ =	shalt  }
0x73: {  	_ =	shalt  }
0x74: {  	_ =	shalt  }
0x75: {  	_ =	shalt  }
0x76: {  	_ =	shalt  }
0x77: {  	_ =	shalt  }
0x78: {  	_ =	shalt  }
0x79: {  	_ =	shalt  }
0x7a: {  	_ =	shalt  }
0x7b: {  	_ =	shalt  }
0x7c: {  	_ =	shalt  }
0x7d: {  	_ =	shalt  }
0x7e: {  	_ =	shalt  }
0x7f: {  	_ =	shalt  }
0x80: {  	_ =	shalt  }
0x81: {  	_ =	shalt  }
0x82: {  	_ =	shalt  }
0x83: {  	_ =	shalt  }
0x84: {  	_ =	shalt  }
0x85: {  	_ =	shalt  }
0x86: {  	_ =	shalt  }
0x87: {  	_ =	shalt  }
.Lfunc_end0:
.L_simem_size_0:
called_computation.2_lowered:
.L_overlay_start_0:
0x88: {  	s2 =	sld [smem:$0x3FD9]  }
0x89: {  	s3 =	sld [smem:$0x3FFE];
	_ =	sdelay $0x1  }
0x8a: {  	s1 =	srdreg.scid  }
0x8b: {  	s0 =	sand.u32 $0x1, s1  }
0x8c: {  	s16 =	sshll.u32 s0, $0xA;
	s2 =	sadd.s32 s3, s2  }
0x8d: {  	s2 =	sadd.s32 s2, s16  }
0x8e: {  	[smem:$0x3FBC] =	sst s2  }
0x8f: {  	_ = 	snop  }
0x90: {  	(tm) =	ssettm $0x1  }
0x91: {  	s17 =	sld [smem:$0x3FFB];
	_ =	sdelay $0x3  }
0x92: {  	_ =	strace s17  }
0x93: {  	s2 =	sld [smem:$0x3FFC];
	_ =	sdelay $0x3  }
0x94: {  	_ =	strace s2  }
0x95: {  	s2 =	sld [smem:$0x3FFD];
	_ =	sdelay $0x3  }
0x96: {  	_ =	strace s2  }
0x97: {  	_ =	strace $0x8FFFFFFF  }
0x98: {  	s18 =	sld [smem:$0x3FDB];
	_ =	sdelay $0x1  }
0x99: {  	s19 =	simm.s32 $_scs_section_size  }
0x9a: {  	s4 =	simm.s32 $_size__tile_overlayer_lowered;
	s5 =	simm.s32 $_tile_overlayer_lowered  }
0x9b: {  	s22 =	simm.s32 $0x1BFF;
	s21 =	sshll.u32 s5, $0x1;
	s2 =	sadd.s32 s19, s18  }
0x9c: {  	s6 =	simm.s32 $0x0;
	s20 =	sshll.u32 s4, $0x1;
	s4 =	sadd.s32 s21, s2  }
0x9d: {  	[timem:s6], [sflag:s22] =	dma.local [hbm:s4], s20  }
0x9e: {  	_ =	swait.ge [sflag:s22], s20  }
0x9f: {  	s3 =	ssub.s32 $0x0, s20;
	[sflag:s22] =	ssyncset.done $0x0  }
0xa0: {  	[sflag:s22] =	ssyncadd.s32 s3;
	_ =	sdelay $0x1  }
0xa1: {  	s23 =	simm.s32 $0x1B8B  }
0xa2: {  	_ =	swait.ge [sflag:s23], $0x1  }
0xa3: {  	[sflag:s23] =	ssyncset.done $0x0  }
0xa4: {  	s25 =	simm.s32 $0x1B8E;
	s24 =	sld [smem:$0x3FFE];
	[sflag:s23] =	ssyncadd.s32 $0xFFFFFFFF  }
0xa5: {  	s26 =	simm.s32 $execute0_lowered;
	[smem:$0x3FD2] =	sst s25  }
0xa6: {  	s4 =	sshll.u32 s26, $0x1;
	_ =	strace $0x8000004C;
	[dreg:$0x1] =	wrdreg $0xFFFFFFFF  }
0xa7: {  	s28 =	simm.s32 $_size_execute0_lowered;
	s2 =	sadd.s32 s2, s4;
	[dreg:$0x0] =	wrdreg $0x0  }
0xa8: {  	s4 =	sshll.u32 s28, $0x1;
	[dreg:$0x2] =	wrdreg s2  }
0xa9: {  	[dreg:$0x3] =	wrdreg s4  }
0xaa: {  	[dreg:$0x4] =	wrdreg $0xC0  }
0xab: {  	_ =	task [dreg:s6], $0x5FFFF  }
0xac: {  	[dreg:$0x1] =	wrdreg $0xFFFFFFFF  }
0xad: {  	[dreg:$0x0] =	wrdreg $0x60  }
0xae: {  	[dreg:$0x2] =	wrdreg s24  }
0xaf: {  	[dreg:$0x3] =	wrdreg $0x58000  }
0xb0: {  	[dreg:$0x4] =	wrdreg $0x9  }
0xb1: {  	_ =	task.clear_ibuf [dreg:s6], $0x5FFFF;
	_ =	strace $0x9000004C  }
0xb2: {  	s29 =	simm.s32 $0x9;
	_ =	strace $0x8000004E  }
0xb3: {  	_ =	swait.ge [sflag:s29], $0x1  }
0xb4: {  	[sflag:s29] =	ssyncadd.s32 $0xFFFFFFFF  }
0xb5: {  	_ =	strace $0x9000004E  }
0xb6: {  	_ =	sfence  }
0xb7: {  	s30 =	sld [smem:$0x0];
	_ =	sdelay $0x2  }
0xb8: {  	s31 =	sshll.u32 s1, $0xD;
	s1 =	sshrl.u32 s1, $0x2  }
0xb9: {  	s3 =	sand.u32 $0x4000, s31;
	s1 =	sadd.s32 s1, s30  }
0xba: {  	s0 =	sor.u32 s3, s0;
	s1 =	sshll.u32 s1, $0x11  }
0xbb: {  	s0 =	sor.u32 s1, s0  }
0xbc: {  	s0 =	sadd.s32 $0x8F2B, s0  }
0xbd: {  	[sflag:s0] =	ssyncadd.remote.s32 $0x1  }
0xbe: {  	_ =	sfence.sel $0xFFFF  }
0xbf: {  	[dreg:$0x0] =	wrdreg $0xFFFFFFFF;
	(pc) =	sbr.abs _section_cstart, $3  }
0xc0: {  	[dreg:$0x1] =	wrdreg $0xFFFFFFFF  }
0xc1: {  	_ =	task.clear_ibuf [dreg:s6], $0x2FFFF;
	_ =	strace $0x9FFFFFFF  }
0xc2: {  	(tm) =	ssettm $0x7FFFFFFF  }
0xc3: {  	_ =	shalt  }
tec
execute0_lowered:
.L_overlay_start_1:
0x0: {  	(tag) =	ssettag $0x1  }
0x1: {  	s0 =	rddreg [dreg:$0x0]  }
0x2: {  	s1 =	rddreg [dreg:$0x1];
	s3 =	simm.s32 $0x0;
	s2 =	srdreg.scid  }
0x3: {  	s20 =	stileid.u32;
	s16 =	simm.s32 $0x80;
	s17 =	simm.s32 $0x1800  }
0x4: {  	s18 =	simm.s32 $0x2000;
	s19 =	simm.s32 $0x2800;
	s6 =	smul.u32 $0x1880, s20  }
0x5: {  	s31 =	simm.s32 $0x3;
	[smem:$0x7FF] =	sst s3;
	s7 =	smul.u32 $0x62000, s20  }
0x6: {  	s2 =	sand.u32 $0x1, s2;
	s4 =	sadd.s32 $0xB6000, s0;
	s9 =	smul.u32 $0x18800, s20  }
0x7: {  	s11 =	sadd.s32 $0x54000, s0;
	s12 =	sadd.s32 $0x4A00, s0;
	s14 =	smul.u32 $0x3100, s20  }
0x8: {  	s23 =	sshll.u32 s20, $0x6;
	s20 =	simm.s32 $0x3000;
	s5 =	smul.u32 $0x18800, s2  }
0x9: {  	_ =	strace $0x8000004D;
	s21 =	ssub.s32 $0x2, s2;
	s2 =	smul.u32 $0x188000, s2  }
0xa: {  	s8 =	sshrl.u32 s21, $0x1;
	s22 =	sshrl.u32 s7, $0x2;
	s26 =	sshrl.u32 s9, $0x3  }
0xb: {  	s30 =	sadd.s32 s14, s12;
	s14 =	simm.s32 $0x4;
	s5 =	sadd.s32 s6, s5  }
0xc: {  	s10 =	ssub.s32 s21, s8;
	s13 =	sadd.s32 s22, s1;
	s2 =	sadd.s32 s9, s2  }
0xd: {  	s6 =	sor.u32 $0x1C04, s23;
	s28 =	sadd.s32 s12, s26;
	s15 =	sadd.s32 $0x80, s30  }
0xe: {  	s21 =	simm.s32 $0x3800;
	s22 =	simm.s32 $0x4000;
	s23 =	simm.s32 $0x4800  }
0xf: {  	s5 =	sshll.u32 s5, $0x1;
	s24 =	sshrl.u32 s2, $0x3;
	[dreg:$0x5] =	wrdreg s28  }
.Ltmp0:
0x10: {  	s29 =	sor.u32 $0x400, s2;
	s10 =	smax.u32 s10, $0x1;
	(pc) =	sbr.rel .LBB2_1-.Ltmp0, $4  }
0x11: {  	s13 =	sshrl.u32 s13, $0x3;
	s0 =	sadd.s32 s5, s0;
	s5 =	sadd.s32 s4, s5  }
0x12: {  	s25 =	sadd.s32 s11, s24;
	s24 =	simm.s32 $0x5000;
	[dreg:$0x3] =	wrdreg s5  }
0x13: {  	[dreg:$0x4] =	wrdreg s25;
	s9 =	sadd.s32 $0x118000, s0;
	s0 =	sshrl.u32 s29, $0x3  }
0x14: {  	s25 =	simm.s32 $0x1;
	s2 =	sadd.s32 s0, s11;
	s0 =	simm.s32 $0x0  }
.LBB2_5:
0x15: {  	_ =	swait.ge [sflag:s25], $0x800  }
0x16: {  	[sflag:s25] =	ssyncset.done $0x0  }
0x17: {  	[sflag:s25] =	ssyncadd.s32 $0xFFFFF800  }
0x18: {  	_ =	swait.ge [sflag:s25], $0x800  }
0x19: {  	[sflag:s25] =	ssyncset.done $0x0  }
0x1a: {  	[sflag:s25] =	ssyncadd.s32 $0xFFFFF800  }
0x1b: {  	_ =	swait.ge [sflag:s25], $0x800  }
0x1c: {  	[sflag:s25] =	ssyncset.done $0x0  }
0x1d: {  	[sflag:s25] =	ssyncadd.s32 $0xFFFFF800  }
0x1e: {  	_ =	swait.ge [sflag:s25], $0x800  }
0x1f: {  	[sflag:s25] =	ssyncset.done $0x0  }
0x20: {  	s3 =	simm.s32 $0x1200;
	[sflag:s25] =	ssyncadd.s32 $0xFFFFF800  }
0x21: {  	[spmem:s1] =	stream.indirect.scatter.add.f32 [tilespmem:s21], [sflag:$0x3], $0x10, s3, s16, $0xb8;
	[tilespmem:$0x1E000] =	vst v63  }
0x22: {  	s28 =	simm.s32 $0x1280  }
0x23: {  	[spmem:s1] =	stream.indirect.scatter.add.f32 [tilespmem:s22], [sflag:$0x3], $0x10, s28, s16, $0xb8;
	[tilespmem:$0x1E000] =	vst v63  }
0x24: {  	s29 =	simm.s32 $0x1300  }
0x25: {  	[spmem:s1] =	stream.indirect.scatter.add.f32 [tilespmem:s23], [sflag:$0x3], $0x10, s29, s16, $0xb8;
	[tilespmem:$0x1E000] =	vst v63  }
0x26: {  	s30 =	simm.s32 $0x1380  }
0x27: {  	[spmem:s1] =	stream.indirect.scatter.add.f32 [tilespmem:s24], [sflag:$0x3], $0x10, s30, s16, $0xb8;
	[tilespmem:$0x1E000] =	vst v63  }
0x28: {  	_ =	swait.ge [sflag:s31], $0x800  }
0x29: {  	[sflag:s31] =	ssyncset.done $0x0  }
0x2a: {  	[sflag:s31] =	ssyncadd.s32 $0xFFFFF800  }
0x2b: {  	_ =	swait.ge [sflag:s31], $0x800  }
0x2c: {  	[sflag:s31] =	ssyncset.done $0x0  }
0x2d: {  	[sflag:s31] =	ssyncadd.s32 $0xFFFFF800  }
0x2e: {  	_ =	swait.ge [sflag:s31], $0x800  }
0x2f: {  	[sflag:s31] =	ssyncset.done $0x0  }
0x30: {  	[sflag:s31] =	ssyncadd.s32 $0xFFFFF800  }
0x31: {  	_ =	swait.ge [sflag:s31], $0x800  }
0x32: {  	[sflag:s31] =	ssyncset.done $0x0  }
0x33: {  	[sflag:s31] =	ssyncadd.s32 $0xFFFFF800  }
0x34: {  	_ =	swait.ge [sflag:s31], $0x800  }
0x35: {  	[sflag:s31] =	ssyncset.done $0x0  }
0x36: {  	[sflag:s31] =	ssyncadd.s32 $0xFFFFF800  }
0x37: {  	_ =	swait.ge [sflag:s31], $0x800  }
0x38: {  	[sflag:s31] =	ssyncset.done $0x0  }
0x39: {  	[sflag:s31] =	ssyncadd.s32 $0xFFFFF800  }
0x3a: {  	_ =	swait.ge [sflag:s31], $0x800  }
0x3b: {  	[sflag:s31] =	ssyncset.done $0x0  }
0x3c: {  	[sflag:s31] =	ssyncadd.s32 $0xFFFFF800  }
0x3d: {  	_ =	swait.ge [sflag:s31], $0x800  }
0x3e: {  	s0 =	sadd.s32 $0x1, s0;
	[sflag:s31] =	ssyncset.done $0x0  }
0x3f: {  	p0 =	sne.s32 s0, s10;
	[sflag:s31] =	ssyncadd.s32 $0xFFFFF800  }
.Ltmp1:
0x40: {  	[bflag:$0x0] =	sbarrier.arrive $0xFFFF;
	(pc) =	sbr.rel @!p0 .LBB2_6-.Ltmp1, $4  }
0x41: {  	[hbm:s9], [sflag:s6] =	dma.local [spmem:s13], $0x3100  }
0x42: {  	_ =	swait.ge [sflag:s14], $0x3100  }
0x43: {  	[sflag:s14] =	ssyncset.done $0x0  }
0x44: {  	[sflag:s14] =	ssyncadd.s32 $0xFFFFCF00  }
.LBB2_1:
0x45: {  	s3 =	rddreg [dreg:$0x3]  }
0x46: {  	[spmem:s13], [sflag:s6] =	dma.local [hbm:s3], $0x3100  }
0x47: {  	_ =	swait.ge [sflag:s14], $0x3100  }
0x48: {  	[sflag:s14] =	ssyncset.done $0x0  }
0x49: {  	[sflag:s14] =	ssyncadd.s32 $0xFFFFCF00  }
0x4a: {  	[bflag:$0x0] =	sbarrier.arrive $0xFFFF  }
0x4b: {  	s28 =	simm.s32 $0x0;
	s5 =	rddreg [dreg:$0x4]  }
0x4c: {  	[tilespmem:s28], [sflag:$0x4] =	stream.linear.gather [hbm4b:s5+s28], $0x400, $0x38;
	[tilespmem:$0x1E000] =	vst v63  }
0x4d: {  	_ =	swait.ge [sflag:s14], $0x400  }
0x4e: {  	s7 =	simm.s32 $0xC00;
	[sflag:s14] =	ssyncset.done $0x0  }
.Ltmp2:
0x4f: {  	s30 =	rddreg [dreg:$0x5];
	[sflag:s14] =	ssyncadd.s32 $0xFFFFFC00;
	(pc) =	sbr.rel .LBB2_2-.Ltmp2, $4  }
0x50: {  	[tilespmem:s7], [sflag:$0x4] =	stream.linear.gather [hbm4b:s30+s28], $0x400, $0x38;
	[tilespmem:$0x1E000] =	vst v63  }
0x51: {  	_ =	swait.ge [sflag:s14], $0x400  }
0x52: {  	s12 =	smov.u32 s2;
	[sflag:s14] =	ssyncset.done $0x0  }
0x53: {  	s11 =	smov.u32 s15;
	s29 =	simm.s32 $0x0;
	[sflag:s14] =	ssyncadd.s32 $0xFFFFFC00  }
.LBB2_4:
0x54: {  	s3 =	sadd.s32 $0x200, s26  }
0x55: {  	[tilespmem:s21], [sflag:$0x1] =	stream.indirect.gather [hbm4b:s4+s16], $0x10, s3, s16, $0xb8;
	[tilespmem:$0x1E000] =	vst v63  }
0x56: {  	s28 =	sadd.s32 $0x280, s26  }
0x57: {  	[tilespmem:s22], [sflag:$0x1] =	stream.indirect.gather [hbm4b:s4+s16], $0x10, s28, s16, $0xb8;
	[tilespmem:$0x1E000] =	vst v63  }
0x58: {  	s30 =	sadd.s32 $0x300, s26  }
0x59: {  	[tilespmem:s23], [sflag:$0x1] =	stream.indirect.gather [hbm4b:s4+s16], $0x10, s30, s16, $0xb8;
	[tilespmem:$0x1E000] =	vst v63  }
0x5a: {  	s5 =	sadd.s32 $0x380, s26  }
0x5b: {  	[tilespmem:s24], [sflag:$0x1] =	stream.indirect.gather [hbm4b:s4+s16], $0x10, s5, s16, $0xb8;
	[tilespmem:$0x1E000] =	vst v63  }
0x5c: {  	_ =	swait.ge [sflag:s25], $0x800  }
0x5d: {  	[sflag:s25] =	ssyncset.done $0x0  }
0x5e: {  	[sflag:s25] =	ssyncadd.s32 $0xFFFFF800  }
0x5f: {  	_ =	swait.ge [sflag:s25], $0x800  }
0x60: {  	[sflag:s25] =	ssyncset.done $0x0  }
0x61: {  	[sflag:s25] =	ssyncadd.s32 $0xFFFFF800  }
0x62: {  	_ =	swait.ge [sflag:s25], $0x800  }
0x63: {  	[sflag:s25] =	ssyncset.done $0x0  }
0x64: {  	[sflag:s25] =	ssyncadd.s32 $0xFFFFF800  }
0x65: {  	_ =	swait.ge [sflag:s25], $0x800  }
0x66: {  	[sflag:s25] =	ssyncset.done $0x0  }
0x67: {  	s7 =	sadd.s32 $0xC00, s26;
	[sflag:s25] =	ssyncadd.s32 $0xFFFFF800  }
0x68: {  	[spmem:s1] =	stream.indirect.scatter.add.f32 [tilespmem:s17], [sflag:$0x3], $0x10, s7, s16, $0xb8;
	[tilespmem:$0x1E000] =	vst v63  }
0x69: {  	s8 =	sadd.s32 $0xC80, s26  }
0x6a: {  	[spmem:s1] =	stream.indirect.scatter.add.f32 [tilespmem:s18], [sflag:$0x3], $0x10, s8, s16, $0xb8;
	[tilespmem:$0x1E000] =	vst v63  }
0x6b: {  	s28 =	sadd.s32 $0xD00, s26  }
0x6c: {  	[spmem:s1] =	stream.indirect.scatter.add.f32 [tilespmem:s19], [sflag:$0x3], $0x10, s28, s16, $0xb8;
	[tilespmem:$0x1E000] =	vst v63  }
0x6d: {  	s3 =	simm.s32 @!p1 $0x2;
	s30 =	sadd.s32 $0xD80, s26  }
0x6e: {  	[spmem:s1] =	stream.indirect.scatter.add.f32 [tilespmem:s20], [sflag:$0x3], $0x10, s30, s16, $0xb8;
	[tilespmem:$0x1E000] =	vst v63  }
0x6f: {  	p0 =	sne.s32 s29, $0x62;
	_ =	swait.ge @!p1 [sflag:s3], $0x400  }
.Ltmp3:
0x70: {  	[sflag:s3] =	ssyncset.done @!p1 $0x0;
	(pc) =	sbr.rel @!p0 .LBB2_5-.Ltmp3, $4  }
0x71: {  	[sflag:s3] =	ssyncadd.s32 @!p1 $0xFFFFFC00  }
0x72: {  	_ =	swait.ge @!p1 [sflag:s3], $0x400  }
0x73: {  	[sflag:s3] =	ssyncset.done @!p1 $0x0  }
0x74: {  	s11 =	sadd.s32 $0x80, s11;
	s12 =	sadd.s32 $0x80, s12;
	[sflag:s3] =	ssyncadd.s32 @!p1 $0xFFFFFC00  }
.LBB2_2:
0x75: {  	p0 =	seq.s32 s29, $0x0  }
0x76: {  	s26 =	simm.s32 @!p0 $0x3  }
0x77: {  	_ =	swait.ge @!p0 [sflag:s26], $0x800  }
0x78: {  	[sflag:s26] =	ssyncset.done @!p0 $0x0  }
0x79: {  	s30 =	smul.u32 $0xAB, s29;
	[sflag:s26] =	ssyncadd.s32 @!p0 $0xFFFFF800  }
0x7a: {  	_ =	swait.ge @!p0 [sflag:s26], $0x800  }
0x7b: {  	s28 =	smov.u32 s29;
	s29 =	sshrl.u32 s30, $0x9;
	[sflag:s26] =	ssyncset.done @!p0 $0x0  }
0x7c: {  	s29 =	sand.u32 $0x7F, s29;
	[sflag:s26] =	ssyncadd.s32 @!p0 $0xFFFFF800  }
0x7d: {  	s29 =	smul.u32 $0x3, s29;
	_ =	swait.ge @!p0 [sflag:s26], $0x800  }
0x7e: {  	[sflag:s26] =	ssyncset.done @!p0 $0x0  }
0x7f: {  	s29 =	ssub.s32 s28, s29;
	[sflag:s26] =	ssyncadd.s32 @!p0 $0xFFFFF800  }
0x80: {  	s29 =	sand.u32 $0xFF, s29;
	_ =	swait.ge @!p0 [sflag:s26], $0x800  }
0x81: {  	s29 =	sshll.u32 s29, $0xC;
	[sflag:s26] =	ssyncset.done @!p0 $0x0  }
0x82: {  	[sflag:s26] =	ssyncadd.s32 @!p0 $0xFFFFF800;
	s26 =	sshrl.u32 s29, $0x2  }
0x83: {  	[tilespmem:s17], [sflag:$0x1] =	stream.indirect.gather [hbm4b:s4+s16], $0x10, s26, s16, $0xb8;
	[tilespmem:$0x1E000] =	vst v63  }
0x84: {  	s29 =	sor.u32 $0x80, s26  }
0x85: {  	[tilespmem:s18], [sflag:$0x1] =	stream.indirect.gather [hbm4b:s4+s16], $0x10, s29, s16, $0xb8;
	[tilespmem:$0x1E000] =	vst v63  }
0x86: {  	s29 =	sor.u32 $0x100, s26  }
0x87: {  	[tilespmem:s19], [sflag:$0x1] =	stream.indirect.gather [hbm4b:s4+s16], $0x10, s29, s16, $0xb8;
	[tilespmem:$0x1E000] =	vst v63  }
0x88: {  	s3 =	simm.s32 @!p0 $0x1;
	s29 =	sor.u32 $0x180, s26  }
0x89: {  	[tilespmem:s20], [sflag:$0x1] =	stream.indirect.gather [hbm4b:s4+s16], $0x10, s29, s16, $0xb8;
	[tilespmem:$0x1E000] =	vst v63  }
0x8a: {  	_ =	swait.ge @!p0 [sflag:s3], $0x800  }
0x8b: {  	[sflag:s3] =	ssyncset.done @!p0 $0x0  }
0x8c: {  	s29 =	sadd.s32 $0x2, s28;
	[sflag:s3] =	ssyncadd.s32 @!p0 $0xFFFFF800  }
0x8d: {  	s5 =	sand.u32 $0xFF, s29;
	_ =	swait.ge @!p0 [sflag:s3], $0x800  }
0x8e: {  	s5 =	smul.u32 $0xAB, s5;
	[sflag:s3] =	ssyncset.done @!p0 $0x0  }
0x8f: {  	[sflag:s3] =	ssyncadd.s32 @!p0 $0xFFFFF800  }
0x90: {  	s5 =	sshrl.u32 s5, $0x9;
	_ =	swait.ge @!p0 [sflag:s3], $0x800  }
0x91: {  	s5 =	smul.u32 $0x3, s5;
	[sflag:s3] =	ssyncset.done @!p0 $0x0  }
0x92: {  	s7 =	simm.s32 @!p0 $0x80;
	[sflag:s3] =	ssyncadd.s32 @!p0 $0xFFFFF800  }
0x93: {  	s8 =	simm.s32 @!p0 $0x3800;
	s5 =	ssub.s32 s29, s5;
	_ =	swait.ge @!p0 [sflag:s3], $0x800  }
0x94: {  	p1 =	seq.s32 @!p0 s28, $0x61;
	s5 =	sand.u32 $0xFF, s5;
	[sflag:s3] =	ssyncset.done @!p0 $0x0  }
0x95: {  	p2 =	por p0, !p1;
	[sflag:s3] =	ssyncadd.s32 @!p0 $0xFFFFF800;
	s3 =	sshll.u32 @!p0 s5, $0xA  }
0x96: {  	s30 =	sadd.s32 $0xAB, s30;
	p1 =	seq.s32 @p2 s28, $0x0;
	s5 =	sadd.s32 @!p0 $0xE00, s3  }
0x97: {  	[spmem:s1] =	stream.indirect.scatter.add.f32 @!p0 [tilespmem:s8], [sflag:$0x3], $0x10, s5, s7, $0xb8;
	[tilespmem:$0x1E000] =	vst v63  }
0x98: {  	p3 =	por !p2, !p1;
	s29 =	sadd.s32 $0x1, s28;
	s5 =	sshrl.u32 s30, $0x9  }
0x99: {  	s8 =	sadd.s32 @!p0 $0xE80, s3;
	s30 =	simm.s32 @!p0 $0x4000;
	s5 =	sand.u32 $0x7F, s5  }
0x9a: {  	[spmem:s1] =	stream.indirect.scatter.add.f32 @!p0 [tilespmem:s30], [sflag:$0x3], $0x10, s8, s7, $0xb8;
	[tilespmem:$0x1E000] =	vst v63  }
0x9b: {  	s8 =	sadd.s32 @!p0 $0xF00, s3;
	s30 =	simm.s32 @!p0 $0x4800;
	s5 =	smul.u32 $0x3, s5  }
0x9c: {  	[spmem:s1] =	stream.indirect.scatter.add.f32 @!p0 [tilespmem:s30], [sflag:$0x3], $0x10, s8, s7, $0xb8;
	[tilespmem:$0x1E000] =	vst v63  }
0x9d: {  	s3 =	sadd.s32 @!p0 $0xF80, s3;
	s8 =	simm.s32 @!p0 $0x5000;
	s30 =	ssub.s32 s29, s5  }
0x9e: {  	[spmem:s1] =	stream.indirect.scatter.add.f32 @!p0 [tilespmem:s8], [sflag:$0x3], $0x10, s3, s7, $0xb8;
	[tilespmem:$0x1E000] =	vst v63  }
.Ltmp4:
0x9f: {  	s3 =	sand.u32 $0xFF, s30;
	(pc) =	sbr.rel @!p3 .LBB2_4-.Ltmp4, $4  }
0xa0: {  	s5 =	simm.s32 @p2 $0x0;
	s3 =	sshll.u32 @p2 s3, $0xA  }
0xa1: {  	[tilespmem:s3], [sflag:$0x2] =	stream.linear.gather @p2 [hbm4b:s12+s5], $0x400, $0x38;
	[tilespmem:$0x1E000] =	vst v63  }
0xa2: {  	p1 =	por @p2 $0x0, $0x0;
	s3 =	sadd.s32 @p2 $0xC00, s3  }
0xa3: {  	[tilespmem:s3], [sflag:$0x2] =	stream.linear.gather @p2 [hbm4b:s11+s5], $0x400, $0x38;
	[tilespmem:$0x1E000] =	vst v63  }
0xa4: {  	_ =	swait.ge [sflag:s31], $0x800  }
0xa5: {  	[sflag:s31] =	ssyncset.done $0x0  }
0xa6: {  	[sflag:s31] =	ssyncadd.s32 $0xFFFFF800  }
0xa7: {  	_ =	swait.ge [sflag:s31], $0x800  }
0xa8: {  	[sflag:s31] =	ssyncset.done $0x0  }
0xa9: {  	[sflag:s31] =	ssyncadd.s32 $0xFFFFF800  }
0xaa: {  	_ =	swait.ge [sflag:s31], $0x800  }
.Ltmp5:
0xab: {  	[sflag:s31] =	ssyncset.done $0x0;
	(pc) =	sbr.rel .LBB2_4-.Ltmp5, $4  }
0xac: {  	[sflag:s31] =	ssyncadd.s32 $0xFFFFF800  }
0xad: {  	_ =	swait.ge [sflag:s31], $0x800  }
0xae: {  	p0 =	por @!p0 $0x1, $0x1;
	[sflag:s31] =	ssyncset.done $0x0  }
0xaf: {  	p1 =	por @!p2 p0, p0;
	[sflag:s31] =	ssyncadd.s32 $0xFFFFF800  }
.LBB2_6:
0xb0: {  	_ =	sfence.sel $0x180000  }
0xb1: {  	[bflag:$0x0] =	sbarrier.arrive $0xFFFF  }
0xb2: {  	_ =	strace $0x9000004D  }
0xb3: {  	s0 =	stileid.u32;
	[bflag:$0x2] =	sbarrier.arrive $0xFFFF  }
0xb4: {  	p0 =	sne.s32 s0, $0x0;
	s0 =	rddreg [dreg:$0x2]  }
0xb5: {  	s0 =	sadd.s32 @!p0 $0x100000, s0  }
0xb6: {  	[sflag:s0] =	ssyncadd.tile.s32 @!p0 $0x1;
	_ =	shalt  }
.Lfunc_end2:
_tile_overlayer_lowered:
.L_overlay_start_2:
0xb7: {  	(tag) =	ssettag $0x2  }
0xb8: {  	s0 =	rddreg [dreg:$0x0];
	s2 =	stileid.u32  }
0xb9: {  	s1 =	rddreg [dreg:$0x1];
	p0 =	sne.s32 s2, $0x0  }
0xba: {  	s3 =	rddreg [dreg:$0x2];
	[bflag:$0x3] =	sbarrier.arrive $0xFFFF;
	s2 =	simm.s32 @!p0 $0x1C04  }
0xbb: {  	[timem:s3], [sflag:s2] =	dma.local @!p0 [hbm:s0], s1  }
0xbc: {  	s0 =	simm.s32 @!p0 $0x4  }
0xbd: {  	_ =	swait.ge @!p0 [sflag:s0], s1  }
0xbe: {  	s1 =	ssub.s32 @!p0 $0x0, s1;
	[sflag:s0] =	ssyncset.done @!p0 $0x0  }
0xbf: {  	[sflag:s0] =	ssyncadd.s32 @!p0 s1  }
0xc0: {  	[bflag:$0x3] =	sbarrier.arrive $0xFFFF  }
0xc1: {  	_ =	shalt  }

// kernel: _run.21.cloned.1.call-start
scs
__scs_entry_jumppad:
0x0: {  	(pc) =	sbr.rel $0x88, $3  }
0x1: {  	(tag) =	ssettag $0x0;
	lr =	simm.s32 $0x1  }
0x2: {  	[smem:$0x3F95] =	sst lr;
	_ =	strace $0xD0000000  }
0x3: {  	_ = 	snop  }
0x4: {  	_ = 	snop  }
0x5: {  	_ = 	snop  }
0x6: {  	_ = 	snop  }
0x7: {  	_ = 	snop  }
__scs_overlays_trampoline_lowered:
0x8: {  	[smem:$0x3FA4] =	sst s0  }
0x9: {  	[smem:$0x3FA5] =	sst s1  }
0xa: {  	[smem:$0x3FA6] =	sst s2  }
0xb: {  	[smem:$0x3FA7] =	sst s3  }
0xc: {  	[smem:$0x3FA8] =	sst s4  }
0xd: {  	[smem:$0x3FA9] =	sst s5  }
0xe: {  	[smem:$0x3FAA] =	sst s6  }
0xf: {  	[smem:$0x3FAB] =	sst s7  }
0x10: {  	[smem:$0x3FAC] =	sst s8  }
0x11: {  	[smem:$0x3FAD] =	sst s9;
	s0 =	simm.s32 @!p0 $0x0  }
0x12: {  	s1 =	sld [smem:$0x3F93];
	s0 =	simm.s32 @p0 $0x1  }
0x13: {  	[smem:$0x3FAE] =	sst s0;
	s0 =	simm.s32 @!p1 $0x0  }
0x14: {  	s2 =	sld [smem:$0x3F92];
	s0 =	simm.s32 @p1 $0x1  }
0x15: {  	[smem:$0x3FAF] =	sst s0;
	s0 =	simm.s32 @!p2 $0x0  }
0x16: {  	s3 =	sld [smem:$0x3FDB];
	s0 =	simm.s32 @p2 $0x1  }
0x17: {  	s4 =	simm.s32 $0x1BF5;
	[smem:$0x3FB1] =	sst s0  }
0x18: {  	s0 =	sld [smem:$0x3F94];
	_ =	swait.ge [sflag:s4], $0x0  }
0x19: {  	s7 =	sld [smem:$0x3F95]  }
0x1a: {  	s8 =	sadd.s32 $0xFFFFE003, lr  }
0x1b: {  	s9 =	sadd.s32 $0xFFFFFEF7, lr;
	s5 =	simm.s32 $0xFFFFFFFF;
	p2 =	slt.u32 s8, $0xFFFFF086  }
0x1c: {  	p1 =	slt.u32 s9, $0xF7A;
	s5 =	simm.s32 @!p2 $0x0  }
0x1d: {  	s5 =	simm.s32 @p1 $0x1;
	p0 =	seq.s32 s7, s2  }
0x1e: {  	s7 =	smul.u32 @!p0 $0xF7A, s2;
	p2 =	seq.s32 @!p0 s5, $0x0  }
0x1f: {  	s9 =	smul.u32 $0xF7A, s1;
	s8 =	simm.s32 @!p0 $0x1BF5;
	p2 =	por !p2, p0  }
0x20: {  	[sflag:s8] =	ssyncset.s32 @!p0 $0xFFFFF086;
	s6 =	sadd.s32 @!p0 s3, s7;
	s7 =	simm.s32 @!p0 $0x108  }
0x21: {  	s3 =	sadd.s32 s3, s9;
	s6 =	sadd.s32 @!p0 $0x88, s6;
	s7 =	simm.s32 @p2 $0x1082  }
0x22: {  	[simem:s7], [sflag:s8] =	dma.local @!p0 [hbm:s6], $0xF7A  }
0x23: {  	s9 =	sor.u32 $0xD0000000, s2;
	s6 =	simm.s32 $0x108;
	_ =	swait.ge @!p0 [sflag:s8], $0x0  }
0x24: {  	s3 =	sadd.s32 $0x88, s3;
	s6 =	simm.s32 @!p1 $0x1082;
	[sflag:s4] =	ssyncset.s32 $0xFFFFF086  }
0x25: {  	[simem:s6], [sflag:s4] =	dma.local [hbm:s3], $0xF7A  }
0x26: {  	[smem:$0x3F95] =	sst s1;
	(tag) =	ssettag s2;
	_ =	strace s9  }
0x27: {  	s1 =	sld [smem:$0x3FA5]  }
0x28: {  	s2 =	sld [smem:$0x3FA6]  }
0x29: {  	s4 =	sld [smem:$0x3FA8]  }
0x2a: {  	p0 =	seq.s32 s5, $0x0;
	s5 =	sld [smem:$0x3FA9]  }
0x2b: {  	s6 =	sld [smem:$0x3FAA]  }
0x2c: {  	s7 =	sld [smem:$0x3FAB]  }
0x2d: {  	s3 =	simm.s32 $0x108;
	s8 =	sld [smem:$0x3FAC]  }
0x2e: {  	s3 =	simm.s32 @!p0 $0x1082;
	s9 =	sld [smem:$0x3FAD]  }
0x2f: {  	lr =	sadd.s32 s0, s3;
	s0 =	sld [smem:$0x3FA4]  }
0x30: {  	s3 =	sld [smem:$0x3FA7]  }
0x31: {  	[smem:$0x3FB0] =	sst s10  }
0x32: {  	s10 =	sld [smem:$0x3FAE];
	_ =	sdelay $0x3  }
0x33: {  	p0 =	seq.s32 s10, $0x1;
	s10 =	sld [smem:$0x3FB0];
	_ =	sdelay $0x3  }
0x34: {  	[smem:$0x3FB0] =	sst s10  }
0x35: {  	s10 =	sld [smem:$0x3FAF];
	_ =	sdelay $0x3  }
0x36: {  	p1 =	seq.s32 s10, $0x1;
	s10 =	sld [smem:$0x3FB0];
	_ =	sdelay $0x3  }
0x37: {  	[smem:$0x3FB0] =	sst s10  }
0x38: {  	s10 =	sld [smem:$0x3FB1]  }
0x39: {  	_ = 	snop;
	(pc) =	sbr.ind lr, $3  }
0x3a: {  	_ = 	snop  }
0x3b: {  	_ = 	snop  }
0x3c: {  	p2 =	seq.s32 s10, $0x1;
	s10 =	sld [smem:$0x3FB0]  }
0x3d: {  	_ =	shalt  }
0x3e: {  	_ =	shalt  }
0x3f: {  	_ =	shalt  }
0x40: {  	_ =	shalt  }
0x41: {  	_ =	shalt  }
0x42: {  	_ =	shalt  }
0x43: {  	_ =	shalt  }
0x44: {  	_ =	shalt  }
0x45: {  	_ =	shalt  }
0x46: {  	_ =	shalt  }
0x47: {  	_ =	shalt  }
0x48: {  	_ =	shalt  }
0x49: {  	_ =	shalt  }
0x4a: {  	_ =	shalt  }
0x4b: {  	_ =	shalt  }
0x4c: {  	_ =	shalt  }
0x4d: {  	_ =	shalt  }
0x4e: {  	_ =	shalt  }
0x4f: {  	_ =	shalt  }
0x50: {  	_ =	shalt  }
0x51: {  	_ =	shalt  }
0x52: {  	_ =	shalt  }
0x53: {  	_ =	shalt  }
0x54: {  	_ =	shalt  }
0x55: {  	_ =	shalt  }
0x56: {  	_ =	shalt  }
0x57: {  	_ =	shalt  }
0x58: {  	_ =	shalt  }
0x59: {  	_ =	shalt  }
0x5a: {  	_ =	shalt  }
0x5b: {  	_ =	shalt  }
0x5c: {  	_ =	shalt  }
0x5d: {  	_ =	shalt  }
0x5e: {  	_ =	shalt  }
0x5f: {  	_ =	shalt  }
0x60: {  	_ =	shalt  }
0x61: {  	_ =	shalt  }
0x62: {  	_ =	shalt  }
0x63: {  	_ =	shalt  }
0x64: {  	_ =	shalt  }
0x65: {  	_ =	shalt  }
0x66: {  	_ =	shalt  }
0x67: {  	_ =	shalt  }
0x68: {  	_ =	shalt  }
0x69: {  	_ =	shalt  }
0x6a: {  	_ =	shalt  }
0x6b: {  	_ =	shalt  }
0x6c: {  	_ =	shalt  }
0x6d: {  	_ =	shalt  }
0x6e: {  	_ =	shalt  }
0x6f: {  	_ =	shalt  }
0x70: {  	_ =	shalt  }
0x71: {  	_ =	shalt  }
0x72: {  	_ =	shalt  }
0x73: {  	_ =	shalt  }
0x74: {  	_ =	shalt  }
0x75: {  	_ =	shalt  }
0x76: {  	_ =	shalt  }
0x77: {  	_ =	shalt  }
0x78: {  	_ =	shalt  }
0x79: {  	_ =	shalt  }
0x7a: {  	_ =	shalt  }
0x7b: {  	_ =	shalt  }
0x7c: {  	_ =	shalt  }
0x7d: {  	_ =	shalt  }
0x7e: {  	_ =	shalt  }
0x7f: {  	_ =	shalt  }
0x80: {  	_ =	shalt  }
0x81: {  	_ =	shalt  }
0x82: {  	_ =	shalt  }
0x83: {  	_ =	shalt  }
0x84: {  	_ =	shalt  }
0x85: {  	_ =	shalt  }
0x86: {  	_ =	shalt  }
0x87: {  	_ =	shalt  }
.Lfunc_end0:
.L_simem_size_0:
called_computation.3_lowered:
.L_overlay_start_0:
0x88: {  	s2 =	sld [smem:$0x3FD9]  }
0x89: {  	s3 =	sld [smem:$0x3FFE];
	_ =	sdelay $0x1  }
0x8a: {  	s1 =	srdreg.scid  }
0x8b: {  	s0 =	sand.u32 $0x1, s1  }
0x8c: {  	s16 =	sshll.u32 s0, $0xA;
	s2 =	sadd.s32 s3, s2  }
0x8d: {  	s2 =	sadd.s32 s2, s16  }
0x8e: {  	[smem:$0x3FBC] =	sst s2  }
0x8f: {  	_ = 	snop  }
0x90: {  	(tm) =	ssettm $0x1  }
0x91: {  	s17 =	sld [smem:$0x3FFB];
	_ =	sdelay $0x3  }
0x92: {  	_ =	strace s17  }
0x93: {  	s2 =	sld [smem:$0x3FFC];
	_ =	sdelay $0x3  }
0x94: {  	_ =	strace s2  }
0x95: {  	s2 =	sld [smem:$0x3FFD];
	_ =	sdelay $0x3  }
0x96: {  	_ =	strace s2  }
0x97: {  	_ =	strace $0x8FFFFFFF  }
0x98: {  	s18 =	sld [smem:$0x3FDB];
	_ =	sdelay $0x1  }
0x99: {  	s19 =	simm.s32 $_scs_section_size  }
0x9a: {  	s4 =	simm.s32 $_size__tile_overlayer_lowered;
	s5 =	simm.s32 $_tile_overlayer_lowered  }
0x9b: {  	s22 =	simm.s32 $0x1BFF;
	s21 =	sshll.u32 s5, $0x1;
	s2 =	sadd.s32 s19, s18  }
0x9c: {  	s6 =	simm.s32 $0x0;
	s20 =	sshll.u32 s4, $0x1;
	s4 =	sadd.s32 s21, s2  }
0x9d: {  	[timem:s6], [sflag:s22] =	dma.local [hbm:s4], s20  }
0x9e: {  	_ =	swait.ge [sflag:s22], s20  }
0x9f: {  	s3 =	ssub.s32 $0x0, s20;
	[sflag:s22] =	ssyncset.done $0x0  }
0xa0: {  	[sflag:s22] =	ssyncadd.s32 s3;
	_ =	sdelay $0x1  }
0xa1: {  	s23 =	simm.s32 $0x1B8B  }
0xa2: {  	_ =	swait.ge [sflag:s23], $0x1  }
0xa3: {  	[sflag:s23] =	ssyncset.done $0x0  }
0xa4: {  	s25 =	simm.s32 $0x1B8E;
	s24 =	sld [smem:$0x3FFE];
	[sflag:s23] =	ssyncadd.s32 $0xFFFFFFFF  }
0xa5: {  	s26 =	simm.s32 $execute0_lowered;
	[smem:$0x3FD2] =	sst s25  }
0xa6: {  	s4 =	sshll.u32 s26, $0x1;
	_ =	strace $0x8000004F;
	[dreg:$0x1] =	wrdreg $0xFFFFFFFF  }
0xa7: {  	s28 =	simm.s32 $_size_execute0_lowered;
	s2 =	sadd.s32 s2, s4;
	[dreg:$0x0] =	wrdreg $0x0  }
0xa8: {  	s4 =	sshll.u32 s28, $0x1;
	[dreg:$0x2] =	wrdreg s2  }
0xa9: {  	[dreg:$0x3] =	wrdreg s4  }
0xaa: {  	[dreg:$0x4] =	wrdreg $0xC0  }
0xab: {  	_ =	task [dreg:s6], $0x5FFFF  }
0xac: {  	[dreg:$0x1] =	wrdreg $0xFFFFFFFF  }
0xad: {  	[dreg:$0x0] =	wrdreg $0x60  }
0xae: {  	[dreg:$0x2] =	wrdreg s24  }
0xaf: {  	[dreg:$0x3] =	wrdreg $0x58000  }
0xb0: {  	[dreg:$0x4] =	wrdreg $0x9  }
0xb1: {  	_ =	task.clear_ibuf [dreg:s6], $0x5FFFF;
	_ =	strace $0x9000004F  }
0xb2: {  	s29 =	simm.s32 $0x9;
	_ =	strace $0x80000051  }
0xb3: {  	_ =	swait.ge [sflag:s29], $0x1  }
0xb4: {  	[sflag:s29] =	ssyncadd.s32 $0xFFFFFFFF  }
0xb5: {  	_ =	strace $0x90000051  }
0xb6: {  	_ =	sfence  }
0xb7: {  	s30 =	sld [smem:$0x0];
	_ =	sdelay $0x2  }
0xb8: {  	s31 =	sshll.u32 s1, $0xD;
	s1 =	sshrl.u32 s1, $0x2  }
0xb9: {  	s3 =	sand.u32 $0x4000, s31;
	s1 =	sadd.s32 s1, s30  }
0xba: {  	s0 =	sor.u32 s3, s0;
	s1 =	sshll.u32 s1, $0x11  }
0xbb: {  	s0 =	sor.u32 s1, s0  }
0xbc: {  	s0 =	sadd.s32 $0x8F2B, s0  }
0xbd: {  	[sflag:s0] =	ssyncadd.remote.s32 $0x1  }
0xbe: {  	_ =	sfence.sel $0xFFFF  }
0xbf: {  	[dreg:$0x0] =	wrdreg $0xFFFFFFFF;
	(pc) =	sbr.abs _section_cstart, $3  }
0xc0: {  	[dreg:$0x1] =	wrdreg $0xFFFFFFFF  }
0xc1: {  	_ =	task.clear_ibuf [dreg:s6], $0x2FFFF;
	_ =	strace $0x9FFFFFFF  }
0xc2: {  	(tm) =	ssettm $0x7FFFFFFF  }
0xc3: {  	_ =	shalt  }
tec
execute0_lowered:
.L_overlay_start_1:
0x0: {  	(tag) =	ssettag $0x1  }
0x1: {  	s0 =	rddreg [dreg:$0x0]  }
0x2: {  	s1 =	rddreg [dreg:$0x1];
	s3 =	simm.s32 $0x0;
	s2 =	srdreg.scid  }
0x3: {  	s20 =	stileid.u32;
	s16 =	simm.s32 $0x80;
	s17 =	simm.s32 $0x1800  }
0x4: {  	s18 =	simm.s32 $0x2000;
	s19 =	simm.s32 $0x2800;
	s6 =	smul.u32 $0x1880, s20  }
0x5: {  	s31 =	simm.s32 $0x3;
	[smem:$0x7FF] =	sst s3;
	s7 =	smul.u32 $0x62000, s20  }
0x6: {  	s2 =	sand.u32 $0x1, s2;
	s4 =	sadd.s32 $0xB6000, s0;
	s9 =	smul.u32 $0x18800, s20  }
0x7: {  	s11 =	sadd.s32 $0x54000, s0;
	s12 =	sadd.s32 $0x4A00, s0;
	s14 =	smul.u32 $0x3100, s20  }
0x8: {  	s23 =	sshll.u32 s20, $0x6;
	s20 =	simm.s32 $0x3000;
	s5 =	smul.u32 $0x18800, s2  }
0x9: {  	_ =	strace $0x80000050;
	s21 =	ssub.s32 $0x2, s2;
	s2 =	smul.u32 $0x188000, s2  }
0xa: {  	s8 =	sshrl.u32 s21, $0x1;
	s22 =	sshrl.u32 s7, $0x2;
	s26 =	sshrl.u32 s9, $0x3  }
0xb: {  	s30 =	sadd.s32 s14, s12;
	s14 =	simm.s32 $0x4;
	s5 =	sadd.s32 s6, s5  }
0xc: {  	s10 =	ssub.s32 s21, s8;
	s13 =	sadd.s32 s22, s1;
	s2 =	sadd.s32 s9, s2  }
0xd: {  	s6 =	sor.u32 $0x1C04, s23;
	s28 =	sadd.s32 s12, s26;
	s15 =	sadd.s32 $0x80, s30  }
0xe: {  	s21 =	simm.s32 $0x3800;
	s22 =	simm.s32 $0x4000;
	s23 =	simm.s32 $0x4800  }
0xf: {  	s5 =	sshll.u32 s5, $0x1;
	s24 =	sshrl.u32 s2, $0x3;
	[dreg:$0x5] =	wrdreg s28  }
.Ltmp0:
0x10: {  	s29 =	sor.u32 $0x400, s2;
	s10 =	smax.u32 s10, $0x1;
	(pc) =	sbr.rel .LBB2_1-.Ltmp0, $4  }
0x11: {  	s13 =	sshrl.u32 s13, $0x3;
	s0 =	sadd.s32 s5, s0;
	s5 =	sadd.s32 s4, s5  }
0x12: {  	s25 =	sadd.s32 s11, s24;
	s24 =	simm.s32 $0x5000;
	[dreg:$0x3] =	wrdreg s5  }
0x13: {  	[dreg:$0x4] =	wrdreg s25;
	s9 =	sadd.s32 $0x118000, s0;
	s0 =	sshrl.u32 s29, $0x3  }
0x14: {  	s25 =	simm.s32 $0x1;
	s2 =	sadd.s32 s0, s11;
	s0 =	simm.s32 $0x0  }
.LBB2_5:
0x15: {  	_ =	swait.ge [sflag:s25], $0x800  }
0x16: {  	[sflag:s25] =	ssyncset.done $0x0  }
0x17: {  	[sflag:s25] =	ssyncadd.s32 $0xFFFFF800  }
0x18: {  	_ =	swait.ge [sflag:s25], $0x800  }
0x19: {  	[sflag:s25] =	ssyncset.done $0x0  }
0x1a: {  	[sflag:s25] =	ssyncadd.s32 $0xFFFFF800  }
0x1b: {  	_ =	swait.ge [sflag:s25], $0x800  }
0x1c: {  	[sflag:s25] =	ssyncset.done $0x0  }
0x1d: {  	[sflag:s25] =	ssyncadd.s32 $0xFFFFF800  }
0x1e: {  	_ =	swait.ge [sflag:s25], $0x800  }
0x1f: {  	[sflag:s25] =	ssyncset.done $0x0  }
0x20: {  	s3 =	simm.s32 $0x1200;
	[sflag:s25] =	ssyncadd.s32 $0xFFFFF800  }
0x21: {  	[spmem:s1] =	stream.indirect.scatter.add.f32 [tilespmem:s21], [sflag:$0x3], $0x10, s3, s16, $0xb8;
	[tilespmem:$0x1E000] =	vst v63  }
0x22: {  	s28 =	simm.s32 $0x1280  }
0x23: {  	[spmem:s1] =	stream.indirect.scatter.add.f32 [tilespmem:s22], [sflag:$0x3], $0x10, s28, s16, $0xb8;
	[tilespmem:$0x1E000] =	vst v63  }
0x24: {  	s29 =	simm.s32 $0x1300  }
0x25: {  	[spmem:s1] =	stream.indirect.scatter.add.f32 [tilespmem:s23], [sflag:$0x3], $0x10, s29, s16, $0xb8;
	[tilespmem:$0x1E000] =	vst v63  }
0x26: {  	s30 =	simm.s32 $0x1380  }
0x27: {  	[spmem:s1] =	stream.indirect.scatter.add.f32 [tilespmem:s24], [sflag:$0x3], $0x10, s30, s16, $0xb8;
	[tilespmem:$0x1E000] =	vst v63  }
0x28: {  	_ =	swait.ge [sflag:s31], $0x800  }
0x29: {  	[sflag:s31] =	ssyncset.done $0x0  }
0x2a: {  	[sflag:s31] =	ssyncadd.s32 $0xFFFFF800  }
0x2b: {  	_ =	swait.ge [sflag:s31], $0x800  }
0x2c: {  	[sflag:s31] =	ssyncset.done $0x0  }
0x2d: {  	[sflag:s31] =	ssyncadd.s32 $0xFFFFF800  }
0x2e: {  	_ =	swait.ge [sflag:s31], $0x800  }
0x2f: {  	[sflag:s31] =	ssyncset.done $0x0  }
0x30: {  	[sflag:s31] =	ssyncadd.s32 $0xFFFFF800  }
0x31: {  	_ =	swait.ge [sflag:s31], $0x800  }
0x32: {  	[sflag:s31] =	ssyncset.done $0x0  }
0x33: {  	[sflag:s31] =	ssyncadd.s32 $0xFFFFF800  }
0x34: {  	_ =	swait.ge [sflag:s31], $0x800  }
0x35: {  	[sflag:s31] =	ssyncset.done $0x0  }
0x36: {  	[sflag:s31] =	ssyncadd.s32 $0xFFFFF800  }
0x37: {  	_ =	swait.ge [sflag:s31], $0x800  }
0x38: {  	[sflag:s31] =	ssyncset.done $0x0  }
0x39: {  	[sflag:s31] =	ssyncadd.s32 $0xFFFFF800  }
0x3a: {  	_ =	swait.ge [sflag:s31], $0x800  }
0x3b: {  	[sflag:s31] =	ssyncset.done $0x0  }
0x3c: {  	[sflag:s31] =	ssyncadd.s32 $0xFFFFF800  }
0x3d: {  	_ =	swait.ge [sflag:s31], $0x800  }
0x3e: {  	s0 =	sadd.s32 $0x1, s0;
	[sflag:s31] =	ssyncset.done $0x0  }
0x3f: {  	p0 =	sne.s32 s0, s10;
	[sflag:s31] =	ssyncadd.s32 $0xFFFFF800  }
.Ltmp1:
0x40: {  	[bflag:$0x0] =	sbarrier.arrive $0xFFFF;
	(pc) =	sbr.rel @!p0 .LBB2_6-.Ltmp1, $4  }
0x41: {  	[hbm:s9], [sflag:s6] =	dma.local [spmem:s13], $0x3100  }
0x42: {  	_ =	swait.ge [sflag:s14], $0x3100  }
0x43: {  	[sflag:s14] =	ssyncset.done $0x0  }
0x44: {  	[sflag:s14] =	ssyncadd.s32 $0xFFFFCF00  }
.LBB2_1:
0x45: {  	s3 =	rddreg [dreg:$0x3]  }
0x46: {  	[spmem:s13], [sflag:s6] =	dma.local [hbm:s3], $0x3100  }
0x47: {  	_ =	swait.ge [sflag:s14], $0x3100  }
0x48: {  	[sflag:s14] =	ssyncset.done $0x0  }
0x49: {  	[sflag:s14] =	ssyncadd.s32 $0xFFFFCF00  }
0x4a: {  	[bflag:$0x0] =	sbarrier.arrive $0xFFFF  }
0x4b: {  	s28 =	simm.s32 $0x0;
	s5 =	rddreg [dreg:$0x4]  }
0x4c: {  	[tilespmem:s28], [sflag:$0x4] =	stream.linear.gather [hbm4b:s5+s28], $0x400, $0x38;
	[tilespmem:$0x1E000] =	vst v63  }
0x4d: {  	_ =	swait.ge [sflag:s14], $0x400  }
0x4e: {  	s7 =	simm.s32 $0xC00;
	[sflag:s14] =	ssyncset.done $0x0  }
.Ltmp2:
0x4f: {  	s30 =	rddreg [dreg:$0x5];
	[sflag:s14] =	ssyncadd.s32 $0xFFFFFC00;
	(pc) =	sbr.rel .LBB2_2-.Ltmp2, $4  }
0x50: {  	[tilespmem:s7], [sflag:$0x4] =	stream.linear.gather [hbm4b:s30+s28], $0x400, $0x38;
	[tilespmem:$0x1E000] =	vst v63  }
0x51: {  	_ =	swait.ge [sflag:s14], $0x400  }
0x52: {  	s12 =	smov.u32 s2;
	[sflag:s14] =	ssyncset.done $0x0  }
0x53: {  	s11 =	smov.u32 s15;
	s29 =	simm.s32 $0x0;
	[sflag:s14] =	ssyncadd.s32 $0xFFFFFC00  }
.LBB2_4:
0x54: {  	s3 =	sadd.s32 $0x200, s26  }
0x55: {  	[tilespmem:s21], [sflag:$0x1] =	stream.indirect.gather [hbm4b:s4+s16], $0x10, s3, s16, $0xb8;
	[tilespmem:$0x1E000] =	vst v63  }
0x56: {  	s28 =	sadd.s32 $0x280, s26  }
0x57: {  	[tilespmem:s22], [sflag:$0x1] =	stream.indirect.gather [hbm4b:s4+s16], $0x10, s28, s16, $0xb8;
	[tilespmem:$0x1E000] =	vst v63  }
0x58: {  	s30 =	sadd.s32 $0x300, s26  }
0x59: {  	[tilespmem:s23], [sflag:$0x1] =	stream.indirect.gather [hbm4b:s4+s16], $0x10, s30, s16, $0xb8;
	[tilespmem:$0x1E000] =	vst v63  }
0x5a: {  	s5 =	sadd.s32 $0x380, s26  }
0x5b: {  	[tilespmem:s24], [sflag:$0x1] =	stream.indirect.gather [hbm4b:s4+s16], $0x10, s5, s16, $0xb8;
	[tilespmem:$0x1E000] =	vst v63  }
0x5c: {  	_ =	swait.ge [sflag:s25], $0x800  }
0x5d: {  	[sflag:s25] =	ssyncset.done $0x0  }
0x5e: {  	[sflag:s25] =	ssyncadd.s32 $0xFFFFF800  }
0x5f: {  	_ =	swait.ge [sflag:s25], $0x800  }
0x60: {  	[sflag:s25] =	ssyncset.done $0x0  }
0x61: {  	[sflag:s25] =	ssyncadd.s32 $0xFFFFF800  }
0x62: {  	_ =	swait.ge [sflag:s25], $0x800  }
0x63: {  	[sflag:s25] =	ssyncset.done $0x0  }
0x64: {  	[sflag:s25] =	ssyncadd.s32 $0xFFFFF800  }
0x65: {  	_ =	swait.ge [sflag:s25], $0x800  }
0x66: {  	[sflag:s25] =	ssyncset.done $0x0  }
0x67: {  	s7 =	sadd.s32 $0xC00, s26;
	[sflag:s25] =	ssyncadd.s32 $0xFFFFF800  }
0x68: {  	[spmem:s1] =	stream.indirect.scatter.add.f32 [tilespmem:s17], [sflag:$0x3], $0x10, s7, s16, $0xb8;
	[tilespmem:$0x1E000] =	vst v63  }
0x69: {  	s8 =	sadd.s32 $0xC80, s26  }
0x6a: {  	[spmem:s1] =	stream.indirect.scatter.add.f32 [tilespmem:s18], [sflag:$0x3], $0x10, s8, s16, $0xb8;
	[tilespmem:$0x1E000] =	vst v63  }
0x6b: {  	s28 =	sadd.s32 $0xD00, s26  }
0x6c: {  	[spmem:s1] =	stream.indirect.scatter.add.f32 [tilespmem:s19], [sflag:$0x3], $0x10, s28, s16, $0xb8;
	[tilespmem:$0x1E000] =	vst v63  }
0x6d: {  	s3 =	simm.s32 @!p1 $0x2;
	s30 =	sadd.s32 $0xD80, s26  }
0x6e: {  	[spmem:s1] =	stream.indirect.scatter.add.f32 [tilespmem:s20], [sflag:$0x3], $0x10, s30, s16, $0xb8;
	[tilespmem:$0x1E000] =	vst v63  }
0x6f: {  	p0 =	sne.s32 s29, $0x62;
	_ =	swait.ge @!p1 [sflag:s3], $0x400  }
.Ltmp3:
0x70: {  	[sflag:s3] =	ssyncset.done @!p1 $0x0;
	(pc) =	sbr.rel @!p0 .LBB2_5-.Ltmp3, $4  }
0x71: {  	[sflag:s3] =	ssyncadd.s32 @!p1 $0xFFFFFC00  }
0x72: {  	_ =	swait.ge @!p1 [sflag:s3], $0x400  }
0x73: {  	[sflag:s3] =	ssyncset.done @!p1 $0x0  }
0x74: {  	s11 =	sadd.s32 $0x80, s11;
	s12 =	sadd.s32 $0x80, s12;
	[sflag:s3] =	ssyncadd.s32 @!p1 $0xFFFFFC00  }
.LBB2_2:
0x75: {  	p0 =	seq.s32 s29, $0x0  }
0x76: {  	s26 =	simm.s32 @!p0 $0x3  }
0x77: {  	_ =	swait.ge @!p0 [sflag:s26], $0x800  }
0x78: {  	[sflag:s26] =	ssyncset.done @!p0 $0x0  }
0x79: {  	s30 =	smul.u32 $0xAB, s29;
	[sflag:s26] =	ssyncadd.s32 @!p0 $0xFFFFF800  }
0x7a: {  	_ =	swait.ge @!p0 [sflag:s26], $0x800  }
0x7b: {  	s28 =	smov.u32 s29;
	s29 =	sshrl.u32 s30, $0x9;
	[sflag:s26] =	ssyncset.done @!p0 $0x0  }
0x7c: {  	s29 =	sand.u32 $0x7F, s29;
	[sflag:s26] =	ssyncadd.s32 @!p0 $0xFFFFF800  }
0x7d: {  	s29 =	smul.u32 $0x3, s29;
	_ =	swait.ge @!p0 [sflag:s26], $0x800  }
0x7e: {  	[sflag:s26] =	ssyncset.done @!p0 $0x0  }
0x7f: {  	s29 =	ssub.s32 s28, s29;
	[sflag:s26] =	ssyncadd.s32 @!p0 $0xFFFFF800  }
0x80: {  	s29 =	sand.u32 $0xFF, s29;
	_ =	swait.ge @!p0 [sflag:s26], $0x800  }
0x81: {  	s29 =	sshll.u32 s29, $0xC;
	[sflag:s26] =	ssyncset.done @!p0 $0x0  }
0x82: {  	[sflag:s26] =	ssyncadd.s32 @!p0 $0xFFFFF800;
	s26 =	sshrl.u32 s29, $0x2  }
0x83: {  	[tilespmem:s17], [sflag:$0x1] =	stream.indirect.gather [hbm4b:s4+s16], $0x10, s26, s16, $0xb8;
	[tilespmem:$0x1E000] =	vst v63  }
0x84: {  	s29 =	sor.u32 $0x80, s26  }
0x85: {  	[tilespmem:s18], [sflag:$0x1] =	stream.indirect.gather [hbm4b:s4+s16], $0x10, s29, s16, $0xb8;
	[tilespmem:$0x1E000] =	vst v63  }
0x86: {  	s29 =	sor.u32 $0x100, s26  }
0x87: {  	[tilespmem:s19], [sflag:$0x1] =	stream.indirect.gather [hbm4b:s4+s16], $0x10, s29, s16, $0xb8;
	[tilespmem:$0x1E000] =	vst v63  }
0x88: {  	s3 =	simm.s32 @!p0 $0x1;
	s29 =	sor.u32 $0x180, s26  }
0x89: {  	[tilespmem:s20], [sflag:$0x1] =	stream.indirect.gather [hbm4b:s4+s16], $0x10, s29, s16, $0xb8;
	[tilespmem:$0x1E000] =	vst v63  }
0x8a: {  	_ =	swait.ge @!p0 [sflag:s3], $0x800  }
0x8b: {  	[sflag:s3] =	ssyncset.done @!p0 $0x0  }
0x8c: {  	s29 =	sadd.s32 $0x2, s28;
	[sflag:s3] =	ssyncadd.s32 @!p0 $0xFFFFF800  }
0x8d: {  	s5 =	sand.u32 $0xFF, s29;
	_ =	swait.ge @!p0 [sflag:s3], $0x800  }
0x8e: {  	s5 =	smul.u32 $0xAB, s5;
	[sflag:s3] =	ssyncset.done @!p0 $0x0  }
0x8f: {  	[sflag:s3] =	ssyncadd.s32 @!p0 $0xFFFFF800  }
0x90: {  	s5 =	sshrl.u32 s5, $0x9;
	_ =	swait.ge @!p0 [sflag:s3], $0x800  }
0x91: {  	s5 =	smul.u32 $0x3, s5;
	[sflag:s3] =	ssyncset.done @!p0 $0x0  }
0x92: {  	s7 =	simm.s32 @!p0 $0x80;
	[sflag:s3] =	ssyncadd.s32 @!p0 $0xFFFFF800  }
0x93: {  	s8 =	simm.s32 @!p0 $0x3800;
	s5 =	ssub.s32 s29, s5;
	_ =	swait.ge @!p0 [sflag:s3], $0x800  }
0x94: {  	p1 =	seq.s32 @!p0 s28, $0x61;
	s5 =	sand.u32 $0xFF, s5;
	[sflag:s3] =	ssyncset.done @!p0 $0x0  }
0x95: {  	p2 =	por p0, !p1;
	[sflag:s3] =	ssyncadd.s32 @!p0 $0xFFFFF800;
	s3 =	sshll.u32 @!p0 s5, $0xA  }
0x96: {  	s30 =	sadd.s32 $0xAB, s30;
	p1 =	seq.s32 @p2 s28, $0x0;
	s5 =	sadd.s32 @!p0 $0xE00, s3  }
0x97: {  	[spmem:s1] =	stream.indirect.scatter.add.f32 @!p0 [tilespmem:s8], [sflag:$0x3], $0x10, s5, s7, $0xb8;
	[tilespmem:$0x1E000] =	vst v63  }
0x98: {  	p3 =	por !p2, !p1;
	s29 =	sadd.s32 $0x1, s28;
	s5 =	sshrl.u32 s30, $0x9  }
0x99: {  	s8 =	sadd.s32 @!p0 $0xE80, s3;
	s30 =	simm.s32 @!p0 $0x4000;
	s5 =	sand.u32 $0x7F, s5  }
0x9a: {  	[spmem:s1] =	stream.indirect.scatter.add.f32 @!p0 [tilespmem:s30], [sflag:$0x3], $0x10, s8, s7, $0xb8;
	[tilespmem:$0x1E000] =	vst v63  }
0x9b: {  	s8 =	sadd.s32 @!p0 $0xF00, s3;
	s30 =	simm.s32 @!p0 $0x4800;
	s5 =	smul.u32 $0x3, s5  }
0x9c: {  	[spmem:s1] =	stream.indirect.scatter.add.f32 @!p0 [tilespmem:s30], [sflag:$0x3], $0x10, s8, s7, $0xb8;
	[tilespmem:$0x1E000] =	vst v63  }
0x9d: {  	s3 =	sadd.s32 @!p0 $0xF80, s3;
	s8 =	simm.s32 @!p0 $0x5000;
	s30 =	ssub.s32 s29, s5  }
0x9e: {  	[spmem:s1] =	stream.indirect.scatter.add.f32 @!p0 [tilespmem:s8], [sflag:$0x3], $0x10, s3, s7, $0xb8;
	[tilespmem:$0x1E000] =	vst v63  }
.Ltmp4:
0x9f: {  	s3 =	sand.u32 $0xFF, s30;
	(pc) =	sbr.rel @!p3 .LBB2_4-.Ltmp4, $4  }
0xa0: {  	s5 =	simm.s32 @p2 $0x0;
	s3 =	sshll.u32 @p2 s3, $0xA  }
0xa1: {  	[tilespmem:s3], [sflag:$0x2] =	stream.linear.gather @p2 [hbm4b:s12+s5], $0x400, $0x38;
	[tilespmem:$0x1E000] =	vst v63  }
0xa2: {  	p1 =	por @p2 $0x0, $0x0;
	s3 =	sadd.s32 @p2 $0xC00, s3  }
0xa3: {  	[tilespmem:s3], [sflag:$0x2] =	stream.linear.gather @p2 [hbm4b:s11+s5], $0x400, $0x38;
	[tilespmem:$0x1E000] =	vst v63  }
0xa4: {  	_ =	swait.ge [sflag:s31], $0x800  }
0xa5: {  	[sflag:s31] =	ssyncset.done $0x0  }
0xa6: {  	[sflag:s31] =	ssyncadd.s32 $0xFFFFF800  }
0xa7: {  	_ =	swait.ge [sflag:s31], $0x800  }
0xa8: {  	[sflag:s31] =	ssyncset.done $0x0  }
0xa9: {  	[sflag:s31] =	ssyncadd.s32 $0xFFFFF800  }
0xaa: {  	_ =	swait.ge [sflag:s31], $0x800  }
.Ltmp5:
0xab: {  	[sflag:s31] =	ssyncset.done $0x0;
	(pc) =	sbr.rel .LBB2_4-.Ltmp5, $4  }
0xac: {  	[sflag:s31] =	ssyncadd.s32 $0xFFFFF800  }
0xad: {  	_ =	swait.ge [sflag:s31], $0x800  }
0xae: {  	p0 =	por @!p0 $0x1, $0x1;
	[sflag:s31] =	ssyncset.done $0x0  }
0xaf: {  	p1 =	por @!p2 p0, p0;
	[sflag:s31] =	ssyncadd.s32 $0xFFFFF800  }
.LBB2_6:
0xb0: {  	_ =	sfence.sel $0x180000  }
0xb1: {  	[bflag:$0x0] =	sbarrier.arrive $0xFFFF  }
0xb2: {  	_ =	strace $0x90000050  }
0xb3: {  	s0 =	stileid.u32;
	[bflag:$0x2] =	sbarrier.arrive $0xFFFF  }
0xb4: {  	p0 =	sne.s32 s0, $0x0;
	s0 =	rddreg [dreg:$0x2]  }
0xb5: {  	s0 =	sadd.s32 @!p0 $0x100000, s0  }
0xb6: {  	[sflag:s0] =	ssyncadd.tile.s32 @!p0 $0x1;
	_ =	shalt  }
.Lfunc_end2:
_tile_overlayer_lowered:
.L_overlay_start_2:
0xb7: {  	(tag) =	ssettag $0x2  }
0xb8: {  	s0 =	rddreg [dreg:$0x0];
	s2 =	stileid.u32  }
0xb9: {  	s1 =	rddreg [dreg:$0x1];
	p0 =	sne.s32 s2, $0x0  }
0xba: {  	s3 =	rddreg [dreg:$0x2];
	[bflag:$0x3] =	sbarrier.arrive $0xFFFF;
	s2 =	simm.s32 @!p0 $0x1C04  }
0xbb: {  	[timem:s3], [sflag:s2] =	dma.local @!p0 [hbm:s0], s1  }
0xbc: {  	s0 =	simm.s32 @!p0 $0x4  }
0xbd: {  	_ =	swait.ge @!p0 [sflag:s0], s1  }
0xbe: {  	s1 =	ssub.s32 @!p0 $0x0, s1;
	[sflag:s0] =	ssyncset.done @!p0 $0x0  }
0xbf: {  	[sflag:s0] =	ssyncadd.s32 @!p0 s1  }
0xc0: {  	[bflag:$0x3] =	sbarrier.arrive $0xFFFF  }
0xc1: {  	_ =	shalt  }

// kernel: _run.24.cloned.1.call-start
scs
__scs_entry_jumppad:
0x0: {  	(pc) =	sbr.rel $0x88, $3  }
0x1: {  	(tag) =	ssettag $0x0;
	lr =	simm.s32 $0x1  }
0x2: {  	[smem:$0x3F95] =	sst lr;
	_ =	strace $0xD0000000  }
0x3: {  	_ = 	snop  }
0x4: {  	_ = 	snop  }
0x5: {  	_ = 	snop  }
0x6: {  	_ = 	snop  }
0x7: {  	_ = 	snop  }
__scs_overlays_trampoline_lowered:
0x8: {  	[smem:$0x3FA4] =	sst s0  }
0x9: {  	[smem:$0x3FA5] =	sst s1  }
0xa: {  	[smem:$0x3FA6] =	sst s2  }
0xb: {  	[smem:$0x3FA7] =	sst s3  }
0xc: {  	[smem:$0x3FA8] =	sst s4  }
0xd: {  	[smem:$0x3FA9] =	sst s5  }
0xe: {  	[smem:$0x3FAA] =	sst s6  }
0xf: {  	[smem:$0x3FAB] =	sst s7  }
0x10: {  	[smem:$0x3FAC] =	sst s8  }
0x11: {  	[smem:$0x3FAD] =	sst s9;
	s0 =	simm.s32 @!p0 $0x0  }
0x12: {  	s1 =	sld [smem:$0x3F93];
	s0 =	simm.s32 @p0 $0x1  }
0x13: {  	[smem:$0x3FAE] =	sst s0;
	s0 =	simm.s32 @!p1 $0x0  }
0x14: {  	s2 =	sld [smem:$0x3F92];
	s0 =	simm.s32 @p1 $0x1  }
0x15: {  	[smem:$0x3FAF] =	sst s0;
	s0 =	simm.s32 @!p2 $0x0  }
0x16: {  	s3 =	sld [smem:$0x3FDB];
	s0 =	simm.s32 @p2 $0x1  }
0x17: {  	s4 =	simm.s32 $0x1BF5;
	[smem:$0x3FB1] =	sst s0  }
0x18: {  	s0 =	sld [smem:$0x3F94];
	_ =	swait.ge [sflag:s4], $0x0  }
0x19: {  	s7 =	sld [smem:$0x3F95]  }
0x1a: {  	s8 =	sadd.s32 $0xFFFFE003, lr  }
0x1b: {  	s9 =	sadd.s32 $0xFFFFFEF7, lr;
	s5 =	simm.s32 $0xFFFFFFFF;
	p2 =	slt.u32 s8, $0xFFFFF086  }
0x1c: {  	p1 =	slt.u32 s9, $0xF7A;
	s5 =	simm.s32 @!p2 $0x0  }
0x1d: {  	s5 =	simm.s32 @p1 $0x1;
	p0 =	seq.s32 s7, s2  }
0x1e: {  	s7 =	smul.u32 @!p0 $0xF7A, s2;
	p2 =	seq.s32 @!p0 s5, $0x0  }
0x1f: {  	s9 =	smul.u32 $0xF7A, s1;
	s8 =	simm.s32 @!p0 $0x1BF5;
	p2 =	por !p2, p0  }
0x20: {  	[sflag:s8] =	ssyncset.s32 @!p0 $0xFFFFF086;
	s6 =	sadd.s32 @!p0 s3, s7;
	s7 =	simm.s32 @!p0 $0x108  }
0x21: {  	s3 =	sadd.s32 s3, s9;
	s6 =	sadd.s32 @!p0 $0x88, s6;
	s7 =	simm.s32 @p2 $0x1082  }
0x22: {  	[simem:s7], [sflag:s8] =	dma.local @!p0 [hbm:s6], $0xF7A  }
0x23: {  	s9 =	sor.u32 $0xD0000000, s2;
	s6 =	simm.s32 $0x108;
	_ =	swait.ge @!p0 [sflag:s8], $0x0  }
0x24: {  	s3 =	sadd.s32 $0x88, s3;
	s6 =	simm.s32 @!p1 $0x1082;
	[sflag:s4] =	ssyncset.s32 $0xFFFFF086  }
0x25: {  	[simem:s6], [sflag:s4] =	dma.local [hbm:s3], $0xF7A  }
0x26: {  	[smem:$0x3F95] =	sst s1;
	(tag) =	ssettag s2;
	_ =	strace s9  }
0x27: {  	s1 =	sld [smem:$0x3FA5]  }
0x28: {  	s2 =	sld [smem:$0x3FA6]  }
0x29: {  	s4 =	sld [smem:$0x3FA8]  }
0x2a: {  	p0 =	seq.s32 s5, $0x0;
	s5 =	sld [smem:$0x3FA9]  }
0x2b: {  	s6 =	sld [smem:$0x3FAA]  }
0x2c: {  	s7 =	sld [smem:$0x3FAB]  }
0x2d: {  	s3 =	simm.s32 $0x108;
	s8 =	sld [smem:$0x3FAC]  }
0x2e: {  	s3 =	simm.s32 @!p0 $0x1082;
	s9 =	sld [smem:$0x3FAD]  }
0x2f: {  	lr =	sadd.s32 s0, s3;
	s0 =	sld [smem:$0x3FA4]  }
0x30: {  	s3 =	sld [smem:$0x3FA7]  }
0x31: {  	[smem:$0x3FB0] =	sst s10  }
0x32: {  	s10 =	sld [smem:$0x3FAE];
	_ =	sdelay $0x3  }
0x33: {  	p0 =	seq.s32 s10, $0x1;
	s10 =	sld [smem:$0x3FB0];
	_ =	sdelay $0x3  }
0x34: {  	[smem:$0x3FB0] =	sst s10  }
0x35: {  	s10 =	sld [smem:$0x3FAF];
	_ =	sdelay $0x3  }
0x36: {  	p1 =	seq.s32 s10, $0x1;
	s10 =	sld [smem:$0x3FB0];
	_ =	sdelay $0x3  }
0x37: {  	[smem:$0x3FB0] =	sst s10  }
0x38: {  	s10 =	sld [smem:$0x3FB1]  }
0x39: {  	_ = 	snop;
	(pc) =	sbr.ind lr, $3  }
0x3a: {  	_ = 	snop  }
0x3b: {  	_ = 	snop  }
0x3c: {  	p2 =	seq.s32 s10, $0x1;
	s10 =	sld [smem:$0x3FB0]  }
0x3d: {  	_ =	shalt  }
0x3e: {  	_ =	shalt  }
0x3f: {  	_ =	shalt  }
0x40: {  	_ =	shalt  }
0x41: {  	_ =	shalt  }
0x42: {  	_ =	shalt  }
0x43: {  	_ =	shalt  }
0x44: {  	_ =	shalt  }
0x45: {  	_ =	shalt  }
0x46: {  	_ =	shalt  }
0x47: {  	_ =	shalt  }
0x48: {  	_ =	shalt  }
0x49: {  	_ =	shalt  }
0x4a: {  	_ =	shalt  }
0x4b: {  	_ =	shalt  }
0x4c: {  	_ =	shalt  }
0x4d: {  	_ =	shalt  }
0x4e: {  	_ =	shalt  }
0x4f: {  	_ =	shalt  }
0x50: {  	_ =	shalt  }
0x51: {  	_ =	shalt  }
0x52: {  	_ =	shalt  }
0x53: {  	_ =	shalt  }
0x54: {  	_ =	shalt  }
0x55: {  	_ =	shalt  }
0x56: {  	_ =	shalt  }
0x57: {  	_ =	shalt  }
0x58: {  	_ =	shalt  }
0x59: {  	_ =	shalt  }
0x5a: {  	_ =	shalt  }
0x5b: {  	_ =	shalt  }
0x5c: {  	_ =	shalt  }
0x5d: {  	_ =	shalt  }
0x5e: {  	_ =	shalt  }
0x5f: {  	_ =	shalt  }
0x60: {  	_ =	shalt  }
0x61: {  	_ =	shalt  }
0x62: {  	_ =	shalt  }
0x63: {  	_ =	shalt  }
0x64: {  	_ =	shalt  }
0x65: {  	_ =	shalt  }
0x66: {  	_ =	shalt  }
0x67: {  	_ =	shalt  }
0x68: {  	_ =	shalt  }
0x69: {  	_ =	shalt  }
0x6a: {  	_ =	shalt  }
0x6b: {  	_ =	shalt  }
0x6c: {  	_ =	shalt  }
0x6d: {  	_ =	shalt  }
0x6e: {  	_ =	shalt  }
0x6f: {  	_ =	shalt  }
0x70: {  	_ =	shalt  }
0x71: {  	_ =	shalt  }
0x72: {  	_ =	shalt  }
0x73: {  	_ =	shalt  }
0x74: {  	_ =	shalt  }
0x75: {  	_ =	shalt  }
0x76: {  	_ =	shalt  }
0x77: {  	_ =	shalt  }
0x78: {  	_ =	shalt  }
0x79: {  	_ =	shalt  }
0x7a: {  	_ =	shalt  }
0x7b: {  	_ =	shalt  }
0x7c: {  	_ =	shalt  }
0x7d: {  	_ =	shalt  }
0x7e: {  	_ =	shalt  }
0x7f: {  	_ =	shalt  }
0x80: {  	_ =	shalt  }
0x81: {  	_ =	shalt  }
0x82: {  	_ =	shalt  }
0x83: {  	_ =	shalt  }
0x84: {  	_ =	shalt  }
0x85: {  	_ =	shalt  }
0x86: {  	_ =	shalt  }
0x87: {  	_ =	shalt  }
.Lfunc_end0:
.L_simem_size_0:
called_computation.4_lowered:
.L_overlay_start_0:
0x88: {  	s2 =	sld [smem:$0x3FD9]  }
0x89: {  	s3 =	sld [smem:$0x3FFE];
	_ =	sdelay $0x1  }
0x8a: {  	s1 =	srdreg.scid  }
0x8b: {  	s0 =	sand.u32 $0x1, s1  }
0x8c: {  	s17 =	sshll.u32 s0, $0xA;
	s2 =	sadd.s32 s3, s2  }
0x8d: {  	s2 =	sadd.s32 s2, s17  }
0x8e: {  	[smem:$0x3FBC] =	sst s2  }
0x8f: {  	_ = 	snop  }
0x90: {  	s2 =	sld [smem:$0x3FD0];
	(tm) =	ssettm $0x1  }
0x91: {  	s18 =	sld [smem:$0x3FFB];
	_ =	sdelay $0x3  }
0x92: {  	_ =	strace s18  }
0x93: {  	s3 =	sld [smem:$0x3FFC];
	_ =	sdelay $0x3  }
0x94: {  	_ =	strace s3  }
0x95: {  	s3 =	sld [smem:$0x3FFD];
	_ =	sdelay $0x3  }
0x96: {  	_ =	strace s3  }
0x97: {  	_ =	strace $0x8FFFFFFF  }
0x98: {  	s19 =	sld [smem:$0x3FDB];
	_ =	sdelay $0x1  }
0x99: {  	s4 =	simm.s32 $_scs_section_size  }
0x9a: {  	s5 =	simm.s32 $_size__tile_overlayer_lowered;
	s6 =	simm.s32 $_tile_overlayer_lowered  }
0x9b: {  	s22 =	simm.s32 $0x1BFF;
	s21 =	sshll.u32 s6, $0x1;
	s3 =	sadd.s32 s4, s19  }
0x9c: {  	s7 =	simm.s32 $0x0;
	s20 =	sshll.u32 s5, $0x1;
	s5 =	sadd.s32 s21, s3  }
0x9d: {  	[timem:s7], [sflag:s22] =	dma.local [hbm:s5], s20  }
0x9e: {  	_ =	swait.ge [sflag:s22], s20  }
0x9f: {  	s4 =	ssub.s32 $0x0, s20;
	[sflag:s22] =	ssyncset.done $0x0  }
0xa0: {  	[sflag:s22] =	ssyncadd.s32 s4;
	_ =	sdelay $0x1  }
0xa1: {  	s23 =	simm.s32 $0x1B8B  }
0xa2: {  	_ =	swait.ge [sflag:s23], $0x1  }
0xa3: {  	[sflag:s23] =	ssyncset.done $0x0  }
0xa4: {  	s25 =	simm.s32 $0x1B8E;
	s24 =	sld [smem:$0x3FFE];
	[sflag:s23] =	ssyncadd.s32 $0xFFFFFFFF  }
0xa5: {  	s26 =	simm.s32 $execute0_lowered;
	[smem:$0x3FD2] =	sst s25  }
0xa6: {  	s5 =	sshll.u32 s26, $0x1;
	_ =	strace $0x80000052;
	[dreg:$0x1] =	wrdreg $0xFFFFFFFF  }
0xa7: {  	s28 =	simm.s32 $_size_execute0_lowered;
	s3 =	sadd.s32 s3, s5;
	[dreg:$0x0] =	wrdreg $0x0  }
0xa8: {  	s5 =	sshll.u32 s28, $0x1;
	[dreg:$0x2] =	wrdreg s3  }
0xa9: {  	[dreg:$0x3] =	wrdreg s5  }
0xaa: {  	[dreg:$0x4] =	wrdreg $0xC0  }
0xab: {  	_ =	task [dreg:s7], $0x5FFFF  }
0xac: {  	[dreg:$0x1] =	wrdreg $0xFFFFFFFF  }
0xad: {  	[dreg:$0x0] =	wrdreg $0x60  }
0xae: {  	[dreg:$0x2] =	wrdreg s24  }
0xaf: {  	[dreg:$0x3] =	wrdreg s2  }
0xb0: {  	[dreg:$0x4] =	wrdreg $0x44800  }
0xb1: {  	[dreg:$0x5] =	wrdreg $0x45880  }
0xb2: {  	[dreg:$0x6] =	wrdreg $0x9  }
0xb3: {  	_ =	task.clear_ibuf [dreg:s7], $0x7FFFF;
	_ =	strace $0x90000052  }
0xb4: {  	s29 =	simm.s32 $0x9;
	_ =	strace $0x80000054  }
0xb5: {  	_ =	swait.ge [sflag:s29], $0x1  }
0xb6: {  	[sflag:s29] =	ssyncadd.s32 $0xFFFFFFFF  }
0xb7: {  	_ =	strace $0x90000054  }
0xb8: {  	_ =	sfence  }
0xb9: {  	s30 =	sld [smem:$0x0];
	_ =	sdelay $0x2  }
0xba: {  	s31 =	sshll.u32 s1, $0xD;
	s1 =	sshrl.u32 s1, $0x2  }
0xbb: {  	s3 =	sand.u32 $0x4000, s31;
	s1 =	sadd.s32 s1, s30  }
0xbc: {  	s0 =	sor.u32 s3, s0;
	s1 =	sshll.u32 s1, $0x11  }
0xbd: {  	s0 =	sor.u32 s1, s0  }
0xbe: {  	s0 =	sadd.s32 $0x8F2B, s0  }
0xbf: {  	[sflag:s0] =	ssyncadd.remote.s32 $0x1  }
0xc0: {  	_ =	sfence.sel $0xFFFF  }
0xc1: {  	[dreg:$0x0] =	wrdreg $0xFFFFFFFF;
	(pc) =	sbr.abs _section_cstart, $3  }
0xc2: {  	[dreg:$0x1] =	wrdreg $0xFFFFFFFF  }
0xc3: {  	_ =	task.clear_ibuf [dreg:s7], $0x2FFFF;
	_ =	strace $0x9FFFFFFF  }
0xc4: {  	(tm) =	ssettm $0x7FFFFFFF  }
0xc5: {  	_ =	shalt  }
tec
execute0_lowered:
.L_overlay_start_1:
0x0: {  	(tag) =	ssettag $0x1  }
0x1: {  	s0 =	rddreg [dreg:$0x0];
	s1 =	srdreg.scid  }
0x2: {  	s4 =	rddreg [dreg:$0x1];
	s7 =	stileid.u32  }
0x3: {  	s2 =	rddreg [dreg:$0x3];
	s14 =	simm.s32 $0x1;
	s15 =	simm.s32 $0x400  }
0x4: {  	s16 =	simm.s32 $0x80;
	s17 =	simm.s32 $0x4400;
	s28 =	simm.s32 $0x300  }
0x5: {  	s29 =	simm.s32 $0x3400;
	s30 =	simm.s32 $0x380;
	s31 =	simm.s32 $0x3C00  }
0x6: {  	s5 =	sand.u32 $0x1, s1;
	s1 =	rddreg [dreg:$0x2];
	s6 =	smul.u32 $0x18000, s7  }
0x7: {  	s8 =	smul.u32 $0x6, s7;
	s9 =	smax.u32 s7, $0xE;
	s21 =	sadd.s32 $0x4A00, s0  }
0x8: {  	s22 =	sadd.s32 $0x4E00, s0;
	p0 =	slt.u32 s7, $0xE;
	s3 =	smul.u32 $0x188000, s5  }
0x9: {  	s10 =	sshll.u32 s9, $0xE;
	s20 =	smul.u32 $0x210, s5;
	s23 =	ssub.s32 $0x2, s5  }
0xa: {  	s5 =	smul.u32 $0x21, s5;
	s8 =	sadd.s32 s9, s8;
	s24 =	sshrl.u32 s23, $0x1  }
0xb: {  	s6 =	sadd.s32 s6, s3;
	s3 =	simm.s32 $0x0;
	s8 =	sshll.u32 s8, $0x7  }
0xc: {  	s25 =	sadd.s32 s4, s5;
	s6 =	sadd.s32 s10, s6;
	[smem:$0x7FF] =	sst s3  }
0xd: {  	s8 =	sadd.s32 $0x3FF900, s8;
	_ =	strace $0x80000053;
	[dreg:$0x5] =	wrdreg s21  }
0xe: {  	s6 =	sadd.s32 $0xFFFC8000, s6;
	s8 =	sand.u32 $0x3FFF80, s8;
	[dreg:$0x6] =	wrdreg s22  }
0xf: {  	[dreg:$0x8] =	wrdreg s25;
	s21 =	simm.s32 $0x180;
	s22 =	simm.s32 $0x1C00  }
0x10: {  	s25 =	simm.s32 $0x280;
	s6 =	sshrl.u32 s6, $0x3;
	s19 =	sadd.s32 s8, s0  }
0x11: {  	s8 =	ssub.s32 s23, s24;
	s23 =	simm.s32 $0x200;
	s24 =	simm.s32 $0x2400  }
0x12: {  	s18 =	sadd.s32 s6, s0;
	s0 =	sadd.s32 s20, s0;
	s6 =	simm.s32 $0x6  }
0x13: {  	s26 =	smax.u32 s8, $0x1;
	s9 =	sadd.s32 $0x35A00, s19;
	s19 =	simm.s32 $0x100  }
0x14: {  	s20 =	simm.s32 $0x1400;
	s6 =	simm.s32 @!p0 $0x7;
	s0 =	sadd.s32 $0x5000, s0  }
0x15: {  	[dreg:$0x9] =	wrdreg s26;
	s8 =	sadd.s32 $0x38C00, s18;
	p0 =	sne.s32 s7, $0x0  }
0x16: {  	s18 =	simm.s32 $0xC00;
	s26 =	simm.s32 $0x2C00;
	[dreg:$0x7] =	wrdreg s0  }
0x17: {  	v0 =	vimm.f32 $1.000000000e+00;
	s12 =	sshrl.u32 @!p0 s1, $0x3;
	s13 =	sshrl.u32 @!p0 s2, $0x3;
	s0 =	simm.s32 $0x0  }
.LBB2_1:
0x18: {  	[tilespmem:$0x4400] =	vst v0  }
0x19: {  	[tilespmem:$0x4410] =	vst v0  }
0x1a: {  	[tilespmem:$0x4420] =	vst v0  }
0x1b: {  	[tilespmem:$0x4430] =	vst v0  }
0x1c: {  	[tilespmem:$0x4440] =	vst v0  }
0x1d: {  	[tilespmem:$0x4450] =	vst v0  }
0x1e: {  	[tilespmem:$0x4460] =	vst v0  }
0x1f: {  	[tilespmem:$0x4470] =	vst v0;
	s5 =	simm.s32 @!p0 $0x1C01;
	s4 =	rddreg [dreg:$0x5]  }
0x20: {  	[spmem:s12], [sflag:s5] =	dma.local @!p0 [hbm:s4], $0x210  }
0x21: {  	s4 =	simm.s32 @!p0 $0x1  }
0x22: {  	_ =	swait.ge @!p0 [sflag:s4], $0x210  }
0x23: {  	[sflag:s4] =	ssyncset.done @!p0 $0x0  }
0x24: {  	s7 =	rddreg [dreg:$0x6];
	[sflag:s4] =	ssyncadd.s32 @!p0 $0xFFFFFDF0  }
0x25: {  	[spmem:s13], [sflag:s5] =	dma.local @!p0 [hbm:s7], $0x21  }
0x26: {  	_ =	swait.ge @!p0 [sflag:s4], $0x21  }
0x27: {  	[sflag:s4] =	ssyncset.done @!p0 $0x0  }
0x28: {  	[sflag:s4] =	ssyncadd.s32 @!p0 $0xFFFFFFDF  }
0x29: {  	[bflag:$0x0] =	sbarrier.arrive $0xFFFF  }
0x2a: {  	[tilespmem:s3], [sflag:$0x1] =	stream.linear.gather [hbm4b:s9+s3], $0x400, $0x38;
	[tilespmem:$0x45A0] =	vst v63  }
0x2b: {  	_ =	swait.ge [sflag:s14], $0x400  }
0x2c: {  	[sflag:s14] =	ssyncset.done $0x0  }
0x2d: {  	[sflag:s14] =	ssyncadd.s32 $0xFFFFFC00  }
0x2e: {  	[tilespmem:s15], [sflag:$0x1] =	stream.linear.gather [hbm4b:s8+s3], $0x4000, $0x38;
	[tilespmem:$0x45A0] =	vst v63  }
0x2f: {  	_ =	swait.ge [sflag:s14], $0x4000  }
0x30: {  	[sflag:s14] =	ssyncset.done $0x0  }
0x31: {  	[sflag:s14] =	ssyncadd.s32 $0xFFFFC000  }
0x32: {  	[spmem:s1] =	stream.indirect.scatter.add.f32 [tilespmem:s15], [sflag:$0x1], $0x10, s3, s16, $0xb8;
	[tilespmem:$0x45A0] =	vst v63  }
0x33: {  	_ =	swait.ge [sflag:s14], $0x800  }
0x34: {  	[sflag:s14] =	ssyncset.done $0x0  }
0x35: {  	[sflag:s14] =	ssyncadd.s32 $0xFFFFF800  }
0x36: {  	[spmem:s2] =	stream.indirect.scatter.add.f32 [tilespmem:s17], [sflag:$0x1], $0x1, s3, s16, $0xb8;
	[tilespmem:$0x45A0] =	vst v63  }
0x37: {  	_ =	swait.ge [sflag:s14], $0x80  }
0x38: {  	[sflag:s14] =	ssyncset.done $0x0  }
0x39: {  	[sflag:s14] =	ssyncadd.s32 $0xFFFFFF80  }
0x3a: {  	[spmem:s1] =	stream.indirect.scatter.add.f32 [tilespmem:s18], [sflag:$0x1], $0x10, s16, s16, $0xb8;
	[tilespmem:$0x45A0] =	vst v63  }
0x3b: {  	_ =	swait.ge [sflag:s14], $0x800  }
0x3c: {  	[sflag:s14] =	ssyncset.done $0x0  }
0x3d: {  	[sflag:s14] =	ssyncadd.s32 $0xFFFFF800  }
0x3e: {  	[spmem:s2] =	stream.indirect.scatter.add.f32 [tilespmem:s17], [sflag:$0x1], $0x1, s16, s16, $0xb8;
	[tilespmem:$0x45A0] =	vst v63  }
0x3f: {  	_ =	swait.ge [sflag:s14], $0x80  }
0x40: {  	[sflag:s14] =	ssyncset.done $0x0  }
0x41: {  	[sflag:s14] =	ssyncadd.s32 $0xFFFFFF80  }
0x42: {  	[spmem:s1] =	stream.indirect.scatter.add.f32 [tilespmem:s20], [sflag:$0x1], $0x10, s19, s16, $0xb8;
	[tilespmem:$0x45A0] =	vst v63  }
0x43: {  	_ =	swait.ge [sflag:s14], $0x800  }
0x44: {  	[sflag:s14] =	ssyncset.done $0x0  }
0x45: {  	[sflag:s14] =	ssyncadd.s32 $0xFFFFF800  }
0x46: {  	[spmem:s2] =	stream.indirect.scatter.add.f32 [tilespmem:s17], [sflag:$0x1], $0x1, s19, s16, $0xb8;
	[tilespmem:$0x45A0] =	vst v63  }
0x47: {  	_ =	swait.ge [sflag:s14], $0x80  }
0x48: {  	[sflag:s14] =	ssyncset.done $0x0  }
0x49: {  	[sflag:s14] =	ssyncadd.s32 $0xFFFFFF80  }
0x4a: {  	[spmem:s1] =	stream.indirect.scatter.add.f32 [tilespmem:s22], [sflag:$0x1], $0x10, s21, s16, $0xb8;
	[tilespmem:$0x45A0] =	vst v63  }
0x4b: {  	_ =	swait.ge [sflag:s14], $0x800  }
0x4c: {  	[sflag:s14] =	ssyncset.done $0x0  }
0x4d: {  	[sflag:s14] =	ssyncadd.s32 $0xFFFFF800  }
0x4e: {  	[spmem:s2] =	stream.indirect.scatter.add.f32 [tilespmem:s17], [sflag:$0x1], $0x1, s21, s16, $0xb8;
	[tilespmem:$0x45A0] =	vst v63  }
0x4f: {  	_ =	swait.ge [sflag:s14], $0x80  }
0x50: {  	[sflag:s14] =	ssyncset.done $0x0  }
0x51: {  	[sflag:s14] =	ssyncadd.s32 $0xFFFFFF80  }
0x52: {  	[spmem:s1] =	stream.indirect.scatter.add.f32 [tilespmem:s24], [sflag:$0x1], $0x10, s23, s16, $0xb8;
	[tilespmem:$0x45A0] =	vst v63  }
0x53: {  	_ =	swait.ge [sflag:s14], $0x800  }
0x54: {  	[sflag:s14] =	ssyncset.done $0x0  }
0x55: {  	[sflag:s14] =	ssyncadd.s32 $0xFFFFF800  }
0x56: {  	[spmem:s2] =	stream.indirect.scatter.add.f32 [tilespmem:s17], [sflag:$0x1], $0x1, s23, s16, $0xb8;
	[tilespmem:$0x45A0] =	vst v63  }
0x57: {  	_ =	swait.ge [sflag:s14], $0x80  }
0x58: {  	[sflag:s14] =	ssyncset.done $0x0  }
0x59: {  	[sflag:s14] =	ssyncadd.s32 $0xFFFFFF80  }
0x5a: {  	[spmem:s1] =	stream.indirect.scatter.add.f32 [tilespmem:s26], [sflag:$0x1], $0x10, s25, s16, $0xb8;
	[tilespmem:$0x45A0] =	vst v63  }
0x5b: {  	_ =	swait.ge [sflag:s14], $0x800  }
0x5c: {  	[sflag:s14] =	ssyncset.done $0x0  }
0x5d: {  	[sflag:s14] =	ssyncadd.s32 $0xFFFFF800  }
0x5e: {  	[spmem:s2] =	stream.indirect.scatter.add.f32 [tilespmem:s17], [sflag:$0x1], $0x1, s25, s16, $0xb8;
	[tilespmem:$0x45A0] =	vst v63  }
0x5f: {  	_ =	swait.ge [sflag:s14], $0x80  }
0x60: {  	[sflag:s14] =	ssyncset.done $0x0  }
0x61: {  	[sflag:s14] =	ssyncadd.s32 $0xFFFFFF80  }
0x62: {  	[spmem:s1] =	stream.indirect.scatter.add.f32 [tilespmem:s29], [sflag:$0x1], $0x10, s28, s16, $0xb8;
	[tilespmem:$0x45A0] =	vst v63  }
0x63: {  	_ =	swait.ge [sflag:s14], $0x800  }
0x64: {  	[sflag:s14] =	ssyncset.done $0x0  }
0x65: {  	[sflag:s14] =	ssyncadd.s32 $0xFFFFF800  }
0x66: {  	[spmem:s2] =	stream.indirect.scatter.add.f32 [tilespmem:s17], [sflag:$0x1], $0x1, s28, s16, $0xb8;
	[tilespmem:$0x45A0] =	vst v63  }
0x67: {  	_ =	swait.ge [sflag:s14], $0x80  }
0x68: {  	[sflag:s14] =	ssyncset.done $0x0  }
0x69: {  	[sflag:s14] =	ssyncadd.s32 $0xFFFFFF80  }
0x6a: {  	[spmem:s1] =	stream.indirect.scatter.add.f32 [tilespmem:s31], [sflag:$0x1], $0x10, s30, s16, $0xb8;
	[tilespmem:$0x45A0] =	vst v63  }
0x6b: {  	p1 =	sne.s32 s6, $0x1;
	_ =	swait.ge [sflag:s14], $0x800  }
.Ltmp0:
0x6c: {  	[sflag:s14] =	ssyncset.done $0x0;
	(pc) =	sbr.rel @!p1 .LBB2_3-.Ltmp0, $4  }
0x6d: {  	[sflag:s14] =	ssyncadd.s32 $0xFFFFF800  }
0x6e: {  	[spmem:s2] =	stream.indirect.scatter.add.f32 [tilespmem:s17], [sflag:$0x1], $0x1, s30, s16, $0xb8;
	[tilespmem:$0x45A0] =	vst v63  }
0x6f: {  	s10 =	smov.u32 s8;
	_ =	swait.ge [sflag:s14], $0x80  }
0x70: {  	s11 =	smov.u32 s9;
	s7 =	sadd.s32 $0xFFFFFFFF, s6;
	[sflag:s14] =	ssyncset.done $0x0  }
.LBB2_2:
0x71: {  	[sflag:s14] =	ssyncadd.s32 $0xFFFFFF80;
	s10 =	sadd.s32 $0x800, s10;
	s11 =	sadd.s32 $0x80, s11  }
0x72: {  	[tilespmem:s3], [sflag:$0x1] =	stream.linear.gather [hbm4b:s11+s3], $0x400, $0x38;
	[tilespmem:$0x45A0] =	vst v63  }
0x73: {  	p1 =	sne.s32 s7, $0x1;
	s7 =	sadd.s32 $0xFFFFFFFF, s7;
	_ =	swait.ge [sflag:s14], $0x400  }
0x74: {  	[sflag:s14] =	ssyncset.done $0x0  }
0x75: {  	[sflag:s14] =	ssyncadd.s32 $0xFFFFFC00  }
0x76: {  	[tilespmem:s15], [sflag:$0x1] =	stream.linear.gather [hbm4b:s10+s3], $0x4000, $0x38;
	[tilespmem:$0x45A0] =	vst v63  }
0x77: {  	_ =	swait.ge [sflag:s14], $0x4000  }
0x78: {  	[sflag:s14] =	ssyncset.done $0x0  }
0x79: {  	[sflag:s14] =	ssyncadd.s32 $0xFFFFC000  }
0x7a: {  	[spmem:s1] =	stream.indirect.scatter.add.f32 [tilespmem:s15], [sflag:$0x1], $0x10, s3, s16, $0xb8;
	[tilespmem:$0x45A0] =	vst v63  }
0x7b: {  	_ =	swait.ge [sflag:s14], $0x800  }
0x7c: {  	[sflag:s14] =	ssyncset.done $0x0  }
0x7d: {  	[sflag:s14] =	ssyncadd.s32 $0xFFFFF800  }
0x7e: {  	[spmem:s2] =	stream.indirect.scatter.add.f32 [tilespmem:s17], [sflag:$0x1], $0x1, s3, s16, $0xb8;
	[tilespmem:$0x45A0] =	vst v63  }
0x7f: {  	_ =	swait.ge [sflag:s14], $0x80  }
0x80: {  	[sflag:s14] =	ssyncset.done $0x0  }
0x81: {  	[sflag:s14] =	ssyncadd.s32 $0xFFFFFF80  }
0x82: {  	[spmem:s1] =	stream.indirect.scatter.add.f32 [tilespmem:s18], [sflag:$0x1], $0x10, s16, s16, $0xb8;
	[tilespmem:$0x45A0] =	vst v63  }
0x83: {  	_ =	swait.ge [sflag:s14], $0x800  }
0x84: {  	[sflag:s14] =	ssyncset.done $0x0  }
0x85: {  	[sflag:s14] =	ssyncadd.s32 $0xFFFFF800  }
0x86: {  	[spmem:s2] =	stream.indirect.scatter.add.f32 [tilespmem:s17], [sflag:$0x1], $0x1, s16, s16, $0xb8;
	[tilespmem:$0x45A0] =	vst v63  }
0x87: {  	_ =	swait.ge [sflag:s14], $0x80  }
0x88: {  	[sflag:s14] =	ssyncset.done $0x0  }
0x89: {  	[sflag:s14] =	ssyncadd.s32 $0xFFFFFF80  }
0x8a: {  	[spmem:s1] =	stream.indirect.scatter.add.f32 [tilespmem:s20], [sflag:$0x1], $0x10, s19, s16, $0xb8;
	[tilespmem:$0x45A0] =	vst v63  }
0x8b: {  	_ =	swait.ge [sflag:s14], $0x800  }
0x8c: {  	[sflag:s14] =	ssyncset.done $0x0  }
0x8d: {  	[sflag:s14] =	ssyncadd.s32 $0xFFFFF800  }
0x8e: {  	[spmem:s2] =	stream.indirect.scatter.add.f32 [tilespmem:s17], [sflag:$0x1], $0x1, s19, s16, $0xb8;
	[tilespmem:$0x45A0] =	vst v63  }
0x8f: {  	_ =	swait.ge [sflag:s14], $0x80  }
0x90: {  	[sflag:s14] =	ssyncset.done $0x0  }
0x91: {  	[sflag:s14] =	ssyncadd.s32 $0xFFFFFF80  }
0x92: {  	[spmem:s1] =	stream.indirect.scatter.add.f32 [tilespmem:s22], [sflag:$0x1], $0x10, s21, s16, $0xb8;
	[tilespmem:$0x45A0] =	vst v63  }
0x93: {  	_ =	swait.ge [sflag:s14], $0x800  }
0x94: {  	[sflag:s14] =	ssyncset.done $0x0  }
0x95: {  	[sflag:s14] =	ssyncadd.s32 $0xFFFFF800  }
0x96: {  	[spmem:s2] =	stream.indirect.scatter.add.f32 [tilespmem:s17], [sflag:$0x1], $0x1, s21, s16, $0xb8;
	[tilespmem:$0x45A0] =	vst v63  }
0x97: {  	_ =	swait.ge [sflag:s14], $0x80  }
0x98: {  	[sflag:s14] =	ssyncset.done $0x0  }
0x99: {  	[sflag:s14] =	ssyncadd.s32 $0xFFFFFF80  }
0x9a: {  	[spmem:s1] =	stream.indirect.scatter.add.f32 [tilespmem:s24], [sflag:$0x1], $0x10, s23, s16, $0xb8;
	[tilespmem:$0x45A0] =	vst v63  }
0x9b: {  	_ =	swait.ge [sflag:s14], $0x800  }
0x9c: {  	[sflag:s14] =	ssyncset.done $0x0  }
0x9d: {  	[sflag:s14] =	ssyncadd.s32 $0xFFFFF800  }
0x9e: {  	[spmem:s2] =	stream.indirect.scatter.add.f32 [tilespmem:s17], [sflag:$0x1], $0x1, s23, s16, $0xb8;
	[tilespmem:$0x45A0] =	vst v63  }
0x9f: {  	_ =	swait.ge [sflag:s14], $0x80  }
0xa0: {  	[sflag:s14] =	ssyncset.done $0x0  }
0xa1: {  	[sflag:s14] =	ssyncadd.s32 $0xFFFFFF80  }
0xa2: {  	[spmem:s1] =	stream.indirect.scatter.add.f32 [tilespmem:s26], [sflag:$0x1], $0x10, s25, s16, $0xb8;
	[tilespmem:$0x45A0] =	vst v63  }
0xa3: {  	_ =	swait.ge [sflag:s14], $0x800  }
0xa4: {  	[sflag:s14] =	ssyncset.done $0x0  }
0xa5: {  	[sflag:s14] =	ssyncadd.s32 $0xFFFFF800  }
0xa6: {  	[spmem:s2] =	stream.indirect.scatter.add.f32 [tilespmem:s17], [sflag:$0x1], $0x1, s25, s16, $0xb8;
	[tilespmem:$0x45A0] =	vst v63  }
0xa7: {  	_ =	swait.ge [sflag:s14], $0x80  }
0xa8: {  	[sflag:s14] =	ssyncset.done $0x0  }
0xa9: {  	[sflag:s14] =	ssyncadd.s32 $0xFFFFFF80  }
0xaa: {  	[spmem:s1] =	stream.indirect.scatter.add.f32 [tilespmem:s29], [sflag:$0x1], $0x10, s28, s16, $0xb8;
	[tilespmem:$0x45A0] =	vst v63  }
0xab: {  	_ =	swait.ge [sflag:s14], $0x800  }
0xac: {  	[sflag:s14] =	ssyncset.done $0x0  }
0xad: {  	[sflag:s14] =	ssyncadd.s32 $0xFFFFF800  }
0xae: {  	[spmem:s2] =	stream.indirect.scatter.add.f32 [tilespmem:s17], [sflag:$0x1], $0x1, s28, s16, $0xb8;
	[tilespmem:$0x45A0] =	vst v63  }
0xaf: {  	_ =	swait.ge [sflag:s14], $0x80  }
0xb0: {  	[sflag:s14] =	ssyncset.done $0x0  }
0xb1: {  	[sflag:s14] =	ssyncadd.s32 $0xFFFFFF80  }
0xb2: {  	[spmem:s1] =	stream.indirect.scatter.add.f32 [tilespmem:s31], [sflag:$0x1], $0x10, s30, s16, $0xb8;
	[tilespmem:$0x45A0] =	vst v63  }
0xb3: {  	_ =	swait.ge [sflag:s14], $0x800  }
.Ltmp1:
0xb4: {  	[sflag:s14] =	ssyncset.done $0x0;
	(pc) =	sbr.rel @p1 .LBB2_2-.Ltmp1, $4  }
0xb5: {  	[sflag:s14] =	ssyncadd.s32 $0xFFFFF800  }
0xb6: {  	[spmem:s2] =	stream.indirect.scatter.add.f32 [tilespmem:s17], [sflag:$0x1], $0x1, s30, s16, $0xb8;
	[tilespmem:$0x45A0] =	vst v63  }
0xb7: {  	_ =	swait.ge [sflag:s14], $0x80  }
0xb8: {  	[sflag:s14] =	ssyncset.done $0x0  }
.LBB2_3:
0xb9: {  	[sflag:s14] =	ssyncadd.s32 $0xFFFFFF80  }
0xba: {  	[bflag:$0x0] =	sbarrier.arrive $0xFFFF  }
0xbb: {  	s7 =	rddreg [dreg:$0x7]  }
0xbc: {  	[hbm:s7], [sflag:s5] =	dma.local @!p0 [spmem:s12], $0x210  }
0xbd: {  	_ =	swait.ge @!p0 [sflag:s4], $0x210  }
0xbe: {  	[sflag:s4] =	ssyncset.done @!p0 $0x0  }
0xbf: {  	s7 =	rddreg [dreg:$0x8];
	[sflag:s4] =	ssyncadd.s32 @!p0 $0xFFFFFDF0  }
0xc0: {  	[hbm:s7], [sflag:s5] =	dma.local @!p0 [spmem:s13], $0x21  }
0xc1: {  	_ =	swait.ge @!p0 [sflag:s4], $0x21  }
0xc2: {  	s0 =	sadd.s32 $0x1, s0;
	s11 =	rddreg [dreg:$0x9]  }
0xc3: {  	p1 =	sne.s32 s0, s11  }
.Ltmp2:
0xc4: {  	_ = 	snop;
	(pc) =	sbr.rel @p1 .LBB2_1-.Ltmp2, $3  }
0xc5: {  	_ =	sdelay $0x1  }
0xc6: {  	[sflag:s4] =	ssyncset.done @!p0 $0x0  }
0xc7: {  	[sflag:s4] =	ssyncadd.s32 @!p0 $0xFFFFFFDF  }
0xc8: {  	_ =	sfence.sel $0x180000  }
0xc9: {  	[bflag:$0x0] =	sbarrier.arrive $0xFFFF  }
0xca: {  	_ =	strace $0x90000053  }
0xcb: {  	[bflag:$0x2] =	sbarrier.arrive $0xFFFF  }
0xcc: {  	s0 =	rddreg [dreg:$0x4]  }
0xcd: {  	s0 =	sadd.s32 @!p0 $0x100000, s0  }
0xce: {  	[sflag:s0] =	ssyncadd.tile.s32 @!p0 $0x1;
	_ =	shalt  }
.Lfunc_end2:
_tile_overlayer_lowered:
.L_overlay_start_2:
0xcf: {  	(tag) =	ssettag $0x2  }
0xd0: {  	s0 =	rddreg [dreg:$0x0];
	s2 =	stileid.u32  }
0xd1: {  	s1 =	rddreg [dreg:$0x1];
	p0 =	sne.s32 s2, $0x0  }
0xd2: {  	s3 =	rddreg [dreg:$0x2];
	[bflag:$0x3] =	sbarrier.arrive $0xFFFF;
	s2 =	simm.s32 @!p0 $0x1C01  }
0xd3: {  	[timem:s3], [sflag:s2] =	dma.local @!p0 [hbm:s0], s1  }
0xd4: {  	s0 =	simm.s32 @!p0 $0x1  }
0xd5: {  	_ =	swait.ge @!p0 [sflag:s0], s1  }
0xd6: {  	s1 =	ssub.s32 @!p0 $0x0, s1;
	[sflag:s0] =	ssyncset.done @!p0 $0x0  }
0xd7: {  	[sflag:s0] =	ssyncadd.s32 @!p0 s1  }
0xd8: {  	[bflag:$0x3] =	sbarrier.arrive $0xFFFF  }
0xd9: {  	_ =	shalt  }

</sc_bundles>
